<compile_context>
chip_gen: v7x
topology: tpu7x:2x2x1
jax: 0.10.2.dev20260603
libtpu: 0.0.44.dev20260713+nightly
codegen_flags: <defaults>
</compile_context>

<pallas_src>
import functools

import jax
import jax.numpy as jnp
from jax.experimental import pallas as pl
from jax.experimental.pallas import tpu as pltpu

NUM_BRANCH = 4
NUM_D = 64
NUM_M = 1024


def _encode_body(x_ref, cbT_ref, cn_ref, enc_ref):
    x = x_ref[...]
    encs = []
    for i in range(NUM_BRANCH):
        xb = x[:, NUM_D * i:NUM_D * (i + 1)]
        cn = cn_ref[i, :][None, :]
        d = cn - 2.0 * jax.lax.dot_general(
            xb, cbT_ref[i], (((1,), (0,)), ((), ())),
            preferred_element_type=jnp.float32)
        m = jnp.min(d, axis=1, keepdims=True)
        iota = jax.lax.broadcasted_iota(jnp.int32, d.shape, 1)
        idx = jnp.min(jnp.where(d == m, iota, NUM_M), axis=1)
        encs.append(idx)
    lane8 = jax.lax.broadcasted_iota(jnp.int32, (x.shape[0], 8), 1)
    o = jnp.zeros((x.shape[0], 8), jnp.int32)
    for i in range(NUM_BRANCH):
        o = o + jnp.where(lane8 == i, encs[i][:, None], 0)
    enc_ref[...] = o


def _encode(x, codebook):
    Bn = x.shape[0]
    BR = 400
    cbT = codebook[:, :, :NUM_D].transpose(0, 2, 1)
    cn = jnp.sum(codebook[:, :, :NUM_D] ** 2, axis=2)
    return pl.pallas_call(
        _encode_body,
        grid=(Bn // BR,),
        in_specs=[
            pl.BlockSpec((BR, x.shape[1]), lambda r: (r, 0)),
            pl.BlockSpec(cbT.shape, lambda r: (0, 0, 0)),
            pl.BlockSpec(cn.shape, lambda r: (0, 0)),
        ],
        out_specs=pl.BlockSpec((BR, 8), lambda r: (r, 0)),
        out_shape=jax.ShapeDtypeStruct((Bn, 8), jnp.int32),
    )(x, cbT, cn)


def _matmul_body(x_ref, w_ref, b_ref, o_ref):
    o_ref[...] = jax.lax.dot_general(
        x_ref[...], w_ref[...], (((1,), (0,)), ((), ())),
        preferred_element_type=jnp.float32) + b_ref[...]


def _matmul_bias(x, w, b):
    n, k = x.shape
    m = w.shape[1]
    BR = 1000
    return pl.pallas_call(
        _matmul_body,
        grid=(n // BR,),
        in_specs=[
            pl.BlockSpec((BR, k), lambda r: (r, 0)),
            pl.BlockSpec((k, m), lambda r: (0, 0)),
            pl.BlockSpec((1, m), lambda r: (0, 0)),
        ],
        out_specs=pl.BlockSpec((BR, m), lambda r: (r, 0)),
        out_shape=jax.ShapeDtypeStruct((n, m), jnp.float32),
    )(x, w, b.reshape(1, m))


def _dotsum_body(a_ref, b_ref, o_ref):
    @pl.when(pl.program_id(0) == 0)
    def _init():
        o_ref[0, 0] = 0.0

    o_ref[0, 0] += jnp.sum(a_ref[...] * b_ref[...])


def _dotsum(a, b):
    n, c = a.shape
    BR = 1000
    out = pl.pallas_call(
        _dotsum_body,
        grid=(n // BR,),
        in_specs=[
            pl.BlockSpec((BR, c), lambda r: (r, 0)),
            pl.BlockSpec((BR, c), lambda r: (r, 0)),
        ],
        out_specs=pl.BlockSpec((1, 1), lambda r: (0, 0), memory_space=pltpu.SMEM),
        out_shape=jax.ShapeDtypeStruct((1, 1), jnp.float32),
    )(a, b)
    return out[0, 0]


import jax.lax as lax
from jax.experimental.pallas import tpu_sc as plsc

NC, NS, L = 2, 16, 16
NW = NC * NS
_N = 50000
_B = 10000
_F = 40000
_E = 300000

_MESH = plsc.VectorSubcoreMesh(core_axis_name="c", subcore_axis_name="s")
def _lane():
    return jax.lax.broadcasted_iota(jnp.int32, (L,), 0)


def _u32(v):
    return plsc.bitcast(v, jnp.uint32)


def _i32(v):
    return plsc.bitcast(v, jnp.int32)


def _kidx_body(bidx_hbm, fo_hbm, enc_hbm, cinit_hbm, asrc_hbm, adst_hbm,
               gidx_hbm, packed_hbm,
               bidx_v, pos_loc, es_v, ed_v, pk_v, stage_v,
               fo_v, p_v, eidx_v, cidx_v, eg_v, cg_v, gout_v,
               pos_sh, cin_sh, enc_sh):
    core = lax.axis_index("c")
    sub = lax.axis_index("s")
    wid = sub * NC + core

    eoff = jnp.minimum(wid * 9376, _E - 9376)
    pltpu.sync_copy(asrc_hbm.at[pl.ds(eoff, 9376)], es_v)
    pltpu.sync_copy(adst_hbm.at[pl.ds(eoff, 9376)], ed_v)

    def _pack(t, _):
        s_ = es_v[pl.ds(t * L, L)]
        d_ = ed_v[pl.ds(t * L, L)]
        pk_v[pl.ds(t * L, L)] = _i32((_u32(d_) << 16) | _u32(s_))
        return _
    lax.fori_loop(0, 9376 // L, _pack, 0)
    pltpu.sync_copy(pk_v, packed_hbm.at[pl.ds(eoff, 9376)])

    coff = jnp.minimum(sub * 12504, 200000 - 12504)
    pltpu.sync_copy(cinit_hbm.at[pl.ds(coff, 12504)], stage_v)
    pltpu.sync_copy(stage_v, cin_sh.at[pl.ds(coff, 12504)])
    eoff2 = jnp.minimum(sub * 5008, 80000 - 5008)
    pltpu.sync_copy(enc_hbm.at[pl.ds(eoff2, 5008)], stage_v.at[pl.ds(0, 5008)])
    pltpu.sync_copy(stage_v.at[pl.ds(0, 5008)], enc_sh.at[pl.ds(eoff2, 5008)])

    lo = sub * 3128
    pltpu.sync_copy(bidx_hbm, bidx_v)

    def _init(t, _):
        pos_loc[pl.ds(t * L, L)] = jnp.full((L,), -1, jnp.int32)
        return _
    lax.fori_loop(0, 3136 // L, _init, 0)

    def _scan(k, carry):
        v = bidx_v[pl.ds(k * L, L)]
        kvec = k * L + _lane()
        _cnt, lastocc = plsc.scan_count(v)
        owned = (v >= lo) & (v < lo + 3128)
        plsc.store_scatter(pos_loc, [v - lo], kvec, mask=lastocc & owned)
        return carry
    lax.fori_loop(0, _B // L, _scan, 0)
    pltpu.sync_copy(pos_loc.at[pl.ds(0, 3128)], pos_sh.at[pl.ds(lo, 3128)])

    plsc.subcore_barrier()

    j0 = jnp.minimum(wid * 1280, _F - 1280)
    pltpu.sync_copy(fo_hbm.at[pl.ds(j0, 1280)], fo_v)
    pltpu.sync_copy(pos_sh.at[fo_v], p_v)
    for i in range(NUM_BRANCH):
        def _mkidx(t, _):
            pv = p_v[pl.ds(t * L, L)]
            fv = fo_v[pl.ds(t * L, L)]
            eidx_v[pl.ds(t * L, L)] = jnp.maximum(pv, 0) * 8 + i
            cidx_v[pl.ds(t * L, L)] = fv + i * _N
            return _
        lax.fori_loop(0, 1280 // L, _mkidx, 0)
        pltpu.sync_copy(enc_sh.at[eidx_v], eg_v)
        pltpu.sync_copy(cin_sh.at[cidx_v], cg_v)

        def _comb(t, _):
            pv = p_v[pl.ds(t * L, L)]
            g = jnp.where(pv >= 0, eg_v[pl.ds(t * L, L)], cg_v[pl.ds(t * L, L)])
            gout_v[pl.ds(t * L, L)] = g + i * NUM_M
            return _
        lax.fori_loop(0, 1280 // L, _comb, 0)
        pltpu.sync_copy(gout_v, gidx_hbm.at[pl.ds(i * _F + j0, 1280)])


def _kidx(batch_idx, fo, enc_flat, cinit_flat, asrc, adst):
    f = pl.kernel(
        _kidx_body,
        out_type=[
            jax.ShapeDtypeStruct((NUM_BRANCH * _F,), jnp.int32),
            jax.ShapeDtypeStruct((_E + 32,), jnp.int32),
        ],
        mesh=_MESH,
        compiler_params=pltpu.CompilerParams(needs_layout_passes=False),
        scratch_types=[
            pltpu.VMEM((_B,), jnp.int32),
            pltpu.VMEM((3136,), jnp.int32),
            pltpu.VMEM((9376,), jnp.int32),
            pltpu.VMEM((9376,), jnp.int32),
            pltpu.VMEM((9376,), jnp.int32),
            pltpu.VMEM((12504,), jnp.int32),
            pltpu.VMEM((1280,), jnp.int32),
            pltpu.VMEM((1280,), jnp.int32),
            pltpu.VMEM((1280,), jnp.int32),
            pltpu.VMEM((1280,), jnp.int32),
            pltpu.VMEM((1280,), jnp.int32),
            pltpu.VMEM((1280,), jnp.int32),
            pltpu.VMEM((1280,), jnp.int32),
            pltpu.VMEM_SHARED((_N + 48,), jnp.int32),
            pltpu.VMEM_SHARED((200000,), jnp.int32),
            pltpu.VMEM_SHARED((80000,), jnp.int32),
        ],
    )
    return f(batch_idx, fo, enc_flat, cinit_flat, asrc, adst)


def _kh_body(hx_hbm, tcb_hbm, cbg_hbm, gidx_hbm,
             h_hbm, gp_hbm,
             rowbuf, rowbuf2, gbuf, gi_v):
    core = lax.axis_index("c")
    sub = lax.axis_index("s")
    wid = sub * NC + core

    for t in range(4):
        w = wid + t * NW
        @pl.when(w < 125)
        def _cp():
            pltpu.sync_copy(hx_hbm.at[pl.ds(w * 80, 80)], rowbuf.at[pl.ds(0, 80)])
            pltpu.sync_copy(rowbuf.at[pl.ds(0, 80)], h_hbm.at[pl.ds(w * 80, 80)])

    jbase = jnp.minimum(wid * 1280, _F - 1280)

    def _win(t, carry):
        j0 = jbase + t * 128
        for i in range(NUM_BRANCH):
            pltpu.sync_copy(gidx_hbm.at[pl.ds(i * _F + j0, 128)], gi_v)
            pltpu.sync_copy(tcb_hbm.at[gi_v], rowbuf if i == 0 else rowbuf2)
            if i != 0:
                def _acc(r, c2):
                    for q in range(16):
                        rowbuf[r, pl.ds(q * L, L)] = (
                            rowbuf[r, pl.ds(q * L, L)]
                            + rowbuf2[r, pl.ds(q * L, L)])
                    return c2
                lax.fori_loop(0, 128, _acc, 0)
            pltpu.sync_copy(cbg_hbm.at[gi_v], gbuf)
            pltpu.sync_copy(gbuf, gp_hbm.at[pl.ds(i * _F + j0, 128)])
        pltpu.sync_copy(rowbuf, h_hbm.at[pl.ds(_B + j0, 128)])
        return carry
    lax.fori_loop(0, 10, _win, 0)


def _kh(h_x, tcb, cbg, gidx_flat):
    f = pl.kernel(
        _kh_body,
        out_type=[
            jax.ShapeDtypeStruct((_N, 256), jnp.float32),
            jax.ShapeDtypeStruct((NUM_BRANCH * _F, 2 * NUM_D), jnp.float32),
        ],
        mesh=_MESH,
        compiler_params=pltpu.CompilerParams(needs_layout_passes=False),
        scratch_types=[
            pltpu.VMEM((128, 256), jnp.float32),
            pltpu.VMEM((128, 256), jnp.float32),
            pltpu.VMEM((128, 2 * NUM_D), jnp.float32),
            pltpu.VMEM((128,), jnp.int32),
        ],
    )
    return f(h_x, tcb, cbg, gidx_flat)


_CR = 4096
_NCHUNK = 13
_SEG = 4176


def _k3_body(packed_hbm, h_hbm, out_hbm,
             pk_v, sel_loc, seg_v, fine_sel, cnt_v, cnt_all,
             sbuf, dbuf, acc_f, rows_v,
             sel_sh, cnt_sh, sem_a):
    core = lax.axis_index("c")
    sub = lax.axis_index("s")

    eoff = sub * 18752
    nmine = jnp.minimum(18752, _E - eoff)
    pltpu.sync_copy(packed_hbm.at[pl.ds(eoff, 18752)], pk_v)

    def _chunk(c, carry0):
        @pl.when((c % 2) == core)
        def _run():
            base = c * _CR
            stripe = base + sub * 256

            def _sel(t, woff):
                u = _u32(pk_v[pl.ds(t * L, L)])
                d_ = _i32(u >> 16)
                valid = (t * L + _lane()) < nmine
                m = ((d_ >> 12) == c) & valid
                plsc.store_compressed(sel_loc.at[pl.ds(woff, L)],
                                      _i32(u), mask=m)
                pc = plsc.all_reduce_population_count(m)
                return jnp.minimum(woff + jnp.max(pc), 4096)
            woff = lax.fori_loop(0, 18752 // L, _sel, 0)
            cnt_v[...] = jnp.broadcast_to(woff, (L,)).astype(jnp.int32)
            pltpu.sync_copy(sel_loc, sel_sh.at[pl.ds(sub * _SEG, _SEG)])
            pltpu.sync_copy(cnt_v, cnt_sh.at[pl.ds(sub * L, L)])
            plsc.subcore_barrier()

            pltpu.sync_copy(cnt_sh, cnt_all)

            def _seg(s2, foff):
                pltpu.sync_copy(sel_sh.at[pl.ds(s2 * _SEG, _SEG)], seg_v)
                cnt = jnp.max(cnt_all[pl.ds(s2 * L, L)])
                nq = (cnt + L - 1) // L

                def _scan2(q, foff2):
                    v = seg_v[pl.ds(q * L, L)]
                    u = _u32(v)
                    d_ = _i32(u >> 16)
                    valid = (q * L + _lane()) < cnt
                    m = valid & (d_ >= stripe) & (d_ < stripe + 256)
                    plsc.store_compressed(fine_sel.at[pl.ds(foff2, L)],
                                          v, mask=m)
                    pc = plsc.all_reduce_population_count(m)
                    return jnp.minimum(foff2 + jnp.max(pc), 4096)
                return lax.fori_loop(0, nq, _scan2, foff)
            foff = lax.fori_loop(0, NS, _seg, 0)

            k0 = foff // L
            fillv = _i32(((_u32(stripe + 256 + (_lane() & 7))) << 16))
            for t in range(3):
                vi = k0 + t
                fill = (vi * L + _lane()) >= foff
                old = fine_sel[pl.ds(vi * L, L)]
                fine_sel[pl.ds(vi * L, L)] = jnp.where(fill, fillv, old)

            def _z(r, carry):
                acc_f[pl.ds(r * L, L)] = jnp.zeros((L,), jnp.float32)
                return carry
            lax.fori_loop(0, 264 * 256 // L, _z, 0)

            ng = (foff + 31) // 32
            lanev = _lane()

            def _grp(g, carry):
                for q2 in range(2):
                    v = fine_sel[pl.ds(g * 32 + q2 * L, L)]
                    u = _u32(v)
                    sbuf[pl.ds(q2 * L, L)] = _i32(u & 0xFFFF)
                    dbuf[pl.ds(q2 * L, L)] = _i32(u >> 16) - stripe
                pltpu.async_copy(h_hbm.at[sbuf], rows_v, sem_a).wait()

                def _acc_e(e, carry2):
                    q2b = e // L
                    lp = e % L
                    dvec = dbuf[pl.ds(q2b * L, L)]
                    dsp = jnp.take_along_axis(
                        dvec, jnp.broadcast_to(lp, (L,)).astype(jnp.int32), axis=0)
                    ibase = dsp * 256 + lanev
                    for w in range(16):
                        x = rows_v[e, pl.ds(w * L, L)]
                        plsc.addupdate_scatter(acc_f, [ibase + w * L], x)
                    return carry2
                lax.fori_loop(0, 32, _acc_e, 0)
                return carry
            lax.fori_loop(0, ng, _grp, 0)

            def _drblk(blk, carry):
                def _ld(r2, c2):
                    for q2 in range(256 // L):
                        rows_v[r2, pl.ds(q2 * L, L)] = acc_f[
                            pl.ds((blk * 32 + r2) * 256 + q2 * L, L)]
                    return c2
                lax.fori_loop(0, 32, _ld, 0)
                off = pl.multiple_of(base + sub * 256 + blk * 32, 32)
                pltpu.sync_copy(rows_v, out_hbm.at[pl.ds(off, 32)])
                return carry
            lax.fori_loop(0, 8, _drblk, 0)
            plsc.subcore_barrier()
        return carry0
    lax.fori_loop(0, _NCHUNK, _chunk, 0)


def _k3(packed, h_full):
    f = pl.kernel(
        _k3_body,
        out_type=[
            jax.ShapeDtypeStruct((_NCHUNK * _CR, 256), jnp.float32),
        ],
        mesh=_MESH,
        compiler_params=pltpu.CompilerParams(needs_layout_passes=False),
        scratch_types=[
            pltpu.VMEM((18752,), jnp.int32),
            pltpu.VMEM((_SEG,), jnp.int32),
            pltpu.VMEM((_SEG,), jnp.int32),
            pltpu.VMEM((_SEG,), jnp.int32),
            pltpu.VMEM((L,), jnp.int32),
            pltpu.VMEM((NS * L,), jnp.int32),
            pltpu.VMEM((32,), jnp.int32),
            pltpu.VMEM((32,), jnp.int32),
            pltpu.VMEM((264 * 256,), jnp.float32),
            pltpu.VMEM((32, 256), jnp.float32),
            pltpu.VMEM_SHARED((NS * _SEG,), jnp.int32),
            pltpu.VMEM_SHARED((NS * L,), jnp.int32),
            pltpu.SemaphoreType.DMA,
        ],
    )
    return f(packed, h_full)[0]


def _tcb_body(cb_ref, w_ref, o_ref):
    o_ref[...] = jax.lax.dot_general(
        cb_ref[0, :, :NUM_D], w_ref[...], (((1,), (0,)), ((), ())),
        preferred_element_type=jnp.float32)


def _tcb(codebook, W_conv):
    return pl.pallas_call(
        _tcb_body,
        grid=(NUM_BRANCH,),
        in_specs=[
            pl.BlockSpec((1, NUM_M, 2 * NUM_D), lambda r: (r, 0, 0)),
            pl.BlockSpec((NUM_D, 256), lambda r: (r, 0)),
        ],
        out_specs=pl.BlockSpec((NUM_M, 256), lambda r: (r, 0)),
        out_shape=jax.ShapeDtypeStruct((NUM_BRANCH * NUM_M, 256), jnp.float32),
    )(codebook, W_conv)


def _mm_out_body(x_ref, w_ref, bc_ref, bg_ref, o_ref):
    w = w_ref[...]
    b2 = jax.lax.dot_general(bc_ref[...], w, (((1,), (0,)), ((), ())),
                             preferred_element_type=jnp.float32) + bg_ref[...]
    o_ref[...] = jax.lax.dot_general(
        x_ref[...], w, (((1,), (0,)), ((), ())),
        preferred_element_type=jnp.float32) + b2


def _mm_out(out_s, W_gt, b_conv, b_gt):
    BR = 1000
    return pl.pallas_call(
        _mm_out_body,
        grid=(_B // BR,),
        in_specs=[
            pl.BlockSpec((BR, 256), lambda r: (r, 0)),
            pl.BlockSpec((256, 256), lambda r: (0, 0)),
            pl.BlockSpec((1, 256), lambda r: (0, 0)),
            pl.BlockSpec((1, 256), lambda r: (0, 0)),
        ],
        out_specs=pl.BlockSpec((BR, 256), lambda r: (r, 0)),
        out_shape=jax.ShapeDtypeStruct((_B, 256), jnp.float32),
    )(out_s, W_gt, b_conv.reshape(1, 256), b_gt.reshape(1, 256))


def _dotsum2_body(a_ref, g_ref, bc_ref, wur_ref, o_ref):
    gid = pl.program_id(0)

    @pl.when(gid == 0)
    def _init():
        o_ref[0, 0] = 0.0

    part = 0.0
    for i in range(NUM_BRANCH):
        part += jnp.sum((a_ref[:, i, :] + bc_ref[i, :][None, :])
                        * g_ref[i][:, NUM_D:])
    o_ref[0, 0] += part

    @pl.when(gid == pl.num_programs(0) - 1)
    def _fin():
        o_ref[0, 0] *= wur_ref[0]


def _dotsum2(out_s, g_parts, b_conv, warm_up_rate):
    BR = 1000
    nr = _F // BR
    a3 = out_s.reshape(out_s.shape[0], NUM_BRANCH, NUM_D)
    g3 = g_parts.reshape(NUM_BRANCH, _F, 2 * NUM_D)
    out = pl.pallas_call(
        _dotsum2_body,
        grid=(nr,),
        in_specs=[
            pl.BlockSpec((BR, NUM_BRANCH, NUM_D), lambda g: (_B // 1000 + g, 0, 0)),
            pl.BlockSpec((NUM_BRANCH, BR, 2 * NUM_D), lambda g: (0, g, 0)),
            pl.BlockSpec((NUM_BRANCH, NUM_D), lambda g: (0, 0)),
            pl.BlockSpec(memory_space=pltpu.SMEM),
        ],
        out_specs=pl.BlockSpec((1, 1), lambda g: (0, 0), memory_space=pltpu.SMEM),
        out_shape=jax.ShapeDtypeStruct((1, 1), jnp.float32),
    )(a3, g3, b_conv.reshape(NUM_BRANCH, NUM_D),
      warm_up_rate.reshape(1))
    return out[0, 0]


def kernel(x, batch_idx, subset, adj, codebook, c_init, W_conv, b_conv, W_gt, b_gt, warm_up_rate):
    Bn = x.shape[0]
    first_order_idx = subset[Bn:]

    enc = _encode(x, codebook)
    gidx_flat, packed = _kidx(batch_idx, first_order_idx, enc.reshape(-1),
                              c_init.reshape(-1), adj[0], adj[1])

    h_x = _matmul_bias(x, W_conv, jnp.zeros_like(b_conv))
    tcb = _tcb(codebook, W_conv)
    cbg = codebook.reshape(NUM_BRANCH * NUM_M, 2 * NUM_D)

    h_full, g_parts = _kh(h_x, tcb, cbg, gidx_flat)
    out_s = _k3(packed, h_full)

    x_out = _mm_out(out_s, W_gt, b_conv, b_gt)
    info_backward = _dotsum2(out_s, g_parts, b_conv, warm_up_rate)
    return (x_out, info_backward)

# --- scband reference (transcript-rebuilt; emitter-appended) ---
"""Pipeline reference for scband-low-rank-gnnlayer-103079215401 (READ-ONLY COPY).

The authoritative reference and input builder live on the scoring server;
editing this copy changes nothing except your own understanding.
"""

import jax, jax.numpy as jnp
import numpy as np

NUM_BRANCH = 4
NUM_D = 64
NUM_M = 1024
NUM_N = 50000
B = 10000
F = 40000
E = 300000
IN_C = 256
OUT_C = 256


def setup_inputs(seed: int = 0) -> dict:
    key = jax.random.key(seed)
    ks = jax.random.split(key, 10)
    x = jax.random.normal(ks[0], (B, IN_C), dtype=jnp.float32)
    batch_idx = jax.random.randint(ks[1], (B,), 0, NUM_N)
    subset = jax.random.randint(ks[2], (B + F,), 0, NUM_N)
    adj = jax.random.randint(ks[3], (2, E), 0, B + F)
    # per-branch VQ codebook: feature part [:, :NUM_D] and grad part [:, NUM_D:] (vq.get())
    codebook = jax.random.normal(ks[4], (NUM_BRANCH, NUM_M, 2 * NUM_D), dtype=jnp.float32)
    # per-branch c_indices buffer, randomly initialized like torch.randint(0, num_M, (num_N,))
    c_init = jax.random.randint(ks[5], (NUM_BRANCH, NUM_N), 0, NUM_M, dtype=jnp.int32)
    W_conv = jax.random.normal(ks[6], (IN_C, IN_C), dtype=jnp.float32) / np.sqrt(IN_C)
    b_conv = jnp.zeros((IN_C,), dtype=jnp.float32)
    W_gt = jax.random.normal(ks[7], (IN_C, OUT_C), dtype=jnp.float32) / np.sqrt(IN_C)
    b_gt = jnp.zeros((OUT_C,), dtype=jnp.float32)
    warm_up_rate = jnp.float32(1.0)
    return {"x": x, "batch_idx": batch_idx, "subset": subset, "adj": adj,
            "codebook": codebook, "c_init": c_init, "W_conv": W_conv, "b_conv": b_conv,
            "W_gt": W_gt, "b_gt": b_gt, "warm_up_rate": warm_up_rate}


def reference(x, batch_idx, subset, adj, codebook, c_init, W_conv, b_conv, W_gt, b_gt, warm_up_rate):
    Bn = x.shape[0]
    first_order_idx = subset[Bn:]
    x_fo, g_fo = [], []
    for i in range(NUM_BRANCH):
        # gnn_block[i].init: nearest-codeword assignment of the branch slice (vq.feature_update)
        X_B = x[:, NUM_D * i:NUM_D * (i + 1)]
        feat_cb = codebook[i, :, :NUM_D]
        d = jnp.sum(feat_cb * feat_cb, axis=1)[None, :] - 2.0 * (X_B @ feat_cb.T)
        enc = jnp.argmin(d, axis=1).astype(jnp.int32)
        # c_indices[batch_indices] = encoding_indices (scatter overwrite)
        c_i = c_init[i].at[batch_idx].set(enc)
        # first_order_c_idx = c_indices[first_order_idx]; codebook lookup (gather)
        foc = c_i[first_order_idx]
        cb_sel = jnp.take(codebook[i], foc, axis=0)
        x_fo.append(cb_sel[:, :NUM_D])
        g_fo.append(cb_sel[:, NUM_D:])
    x_first_order = jnp.concatenate(x_fo, axis=1)
    grad_first_order = jnp.concatenate(g_fo, axis=1)
    x_input = jnp.concatenate([x, x_first_order], axis=0)
    # OurGCNConv(in, in, normalize=False): linear transform then scatter-add over edges + bias
    h = x_input @ W_conv
    out = jnp.zeros_like(h).at[adj[1]].add(jnp.take(h, adj[0], axis=0)) + b_conv
    info_backward = jnp.sum(out[Bn:] * grad_first_order * warm_up_rate)
    x_out = out[:Bn] @ W_gt + b_gt
    return (x_out, info_backward)

if __name__ == "__main__":
    import jax
    _d = setup_inputs()
    print(jax.jit(kernel)(*tuple(_d.values())))

</pallas_src>

<mosaic_0001>
#map = affine_map<(d0, d1) -> (0)>
module attributes {stable_mosaic.version = 14 : i64} {
  func.func @_kidx_body(%arg0: i32, %arg1: i32, %arg2: memref<10000xi32, #tpu.memory_space<hbm>>, %arg3: memref<40000xi32, #tpu.memory_space<hbm>>, %arg4: memref<80000xi32, #tpu.memory_space<hbm>>, %arg5: memref<200000xi32, #tpu.memory_space<hbm>>, %arg6: memref<300000xi32, #tpu.memory_space<hbm>>, %arg7: memref<300000xi32, #tpu.memory_space<hbm>>, %arg8: memref<160000xi32, #tpu.memory_space<hbm>>, %arg9: memref<300032xi32, #tpu.memory_space<hbm>>, %arg10: memref<10000xi32, #tpu.memory_space<vmem>>, %arg11: memref<3136xi32, #tpu.memory_space<vmem>>, %arg12: memref<9376xi32, #tpu.memory_space<vmem>>, %arg13: memref<9376xi32, #tpu.memory_space<vmem>>, %arg14: memref<9376xi32, #tpu.memory_space<vmem>>, %arg15: memref<12504xi32, #tpu.memory_space<vmem>>, %arg16: memref<1280xi32, #tpu.memory_space<vmem>>, %arg17: memref<1280xi32, #tpu.memory_space<vmem>>, %arg18: memref<1280xi32, #tpu.memory_space<vmem>>, %arg19: memref<1280xi32, #tpu.memory_space<vmem>>, %arg20: memref<1280xi32, #tpu.memory_space<vmem>>, %arg21: memref<1280xi32, #tpu.memory_space<vmem>>, %arg22: memref<1280xi32, #tpu.memory_space<vmem>>, %arg23: memref<50048xi32, #tpu.memory_space<vmem_shared>>, %arg24: memref<200000xi32, #tpu.memory_space<vmem_shared>>, %arg25: memref<80000xi32, #tpu.memory_space<vmem_shared>>) attributes {dimension_semantics = [#tpu.dimension_semantics<core_parallel>, #tpu.dimension_semantics<subcore_parallel>], iteration_bounds = array<i64: 2, 16>, scalar_prefetch = 0 : i64, scratch_operands = 16 : i64, tpu.core_type = #tpu.core_type<sc_vector_subcore>, window_params = [{transform_indices = #map}, {transform_indices = #map}, {transform_indices = #map}, {transform_indices = #map}, {transform_indices = #map}, {transform_indices = #map}, {transform_indices = #map}, {transform_indices = #map}]} {
    %mul3A = arith.constant 2 : i32
    %mul3A_0 = arith.muli %arg1, %mul3A : i32
    %add3A = arith.addi %mul3A_0, %arg0 : i32
    %mul3A_1 = arith.constant 9376 : i32
    %mul3A_2 = arith.muli %add3A, %mul3A_1 : i32
    %min3A = arith.constant 290624 : i32
    %min3A_3 = arith.minsi %mul3A_2, %min3A : i32
    "tpu.region"() ({
      %run_scoped3A = tpu.sem_alloc : memref<!tpu.dma_semaphore, #tpu.memory_space<semaphore_mem>>
      %dma_start3A = tpu.memref_slice %arg6[%min3A_3] : memref<300000xi32, #tpu.memory_space<hbm>> -> memref<9376xi32, #tpu.memory_space<hbm>>
      %dma_start3A_91 = tpu.memref_slice %arg6[%min3A_3] : memref<300000xi32, #tpu.memory_space<hbm>> -> memref<9376xi32, #tpu.memory_space<hbm>>
      tpu.enqueue_dma source(%dma_start3A_91 : memref<9376xi32, #tpu.memory_space<hbm>>) target(%arg12 : memref<9376xi32, #tpu.memory_space<vmem>>) target_semaphore(%run_scoped3A : memref<!tpu.dma_semaphore, #tpu.memory_space<semaphore_mem>>)
      %dma_wait3A = tpu.memref_slice %arg6[%min3A_3] : memref<300000xi32, #tpu.memory_space<hbm>> -> memref<9376xi32, #tpu.memory_space<hbm>>
      %dma_wait3A_92 = tpu.memref_slice %arg6[%min3A_3] : memref<300000xi32, #tpu.memory_space<hbm>> -> memref<9376xi32, #tpu.memory_space<hbm>>
      tpu.wait_dma2 semaphore(%run_scoped3A : memref<!tpu.dma_semaphore, #tpu.memory_space<semaphore_mem>>) src(%dma_wait3A_92 : memref<9376xi32, #tpu.memory_space<hbm>>) dst(%arg12 : memref<9376xi32, #tpu.memory_space<vmem>>)
      tpu.yield
    }) : () -> ()
    "tpu.region"() ({
      %run_scoped3A = tpu.sem_alloc : memref<!tpu.dma_semaphore, #tpu.memory_space<semaphore_mem>>
      %dma_start3A = tpu.memref_slice %arg7[%min3A_3] : memref<300000xi32, #tpu.memory_space<hbm>> -> memref<9376xi32, #tpu.memory_space<hbm>>
      %dma_start3A_91 = tpu.memref_slice %arg7[%min3A_3] : memref<300000xi32, #tpu.memory_space<hbm>> -> memref<9376xi32, #tpu.memory_space<hbm>>
      tpu.enqueue_dma source(%dma_start3A_91 : memref<9376xi32, #tpu.memory_space<hbm>>) target(%arg13 : memref<9376xi32, #tpu.memory_space<vmem>>) target_semaphore(%run_scoped3A : memref<!tpu.dma_semaphore, #tpu.memory_space<semaphore_mem>>)
      %dma_wait3A = tpu.memref_slice %arg7[%min3A_3] : memref<300000xi32, #tpu.memory_space<hbm>> -> memref<9376xi32, #tpu.memory_space<hbm>>
      %dma_wait3A_92 = tpu.memref_slice %arg7[%min3A_3] : memref<300000xi32, #tpu.memory_space<hbm>> -> memref<9376xi32, #tpu.memory_space<hbm>>
      tpu.wait_dma2 semaphore(%run_scoped3A : memref<!tpu.dma_semaphore, #tpu.memory_space<semaphore_mem>>) src(%dma_wait3A_92 : memref<9376xi32, #tpu.memory_space<hbm>>) dst(%arg13 : memref<9376xi32, #tpu.memory_space<vmem>>)
      tpu.yield
    }) : () -> ()
    %scan3A = arith.constant 0 : i32
    %scan3A_4 = arith.constant 0 : i32
    %scan3A_5 = arith.constant 586 : i32
    %scan3A_6 = arith.addi %scan3A_4, %scan3A_5 : i32
    %scan3A_7 = arith.constant 1 : i32
    scf.for %scan3A_91 = %scan3A_4 to %scan3A_6 step %scan3A_7  : i32 {
      %mul3A_92 = arith.constant 16 : i32
      %mul3A_93 = arith.muli %scan3A_91, %mul3A_92 : i32
      %get3A = arith.index_cast %mul3A_93 : i32 to index
      %get3A_94 = tpu.vector_load %arg12[%get3A] {strides = array<i32>} : memref<9376xi32, #tpu.memory_space<vmem>>, vector<16xi32>,
      %mul3A_95 = arith.constant 16 : i32
      %mul3A_96 = arith.muli %scan3A_91, %mul3A_95 : i32
      %get3A_97 = arith.index_cast %mul3A_96 : i32 to index
      %get3A_98 = tpu.vector_load %arg13[%get3A_97] {strides = array<i32>} : memref<9376xi32, #tpu.memory_space<vmem>>, vector<16xi32>,
      %bitcast3A = vector.bitcast %get3A_98 : vector<16xi32> to vector<16xi32>
      %shift_left3A = arith.constant 16 : i32
      %shift_left3A_99 = vector.broadcast %shift_left3A : i32 to vector<16xi32>
      %shift_left3A_100 = arith.shli %bitcast3A, %shift_left3A_99 : vector<16xi32>
      %bitcast3A_101 = vector.bitcast %get3A_94 : vector<16xi32> to vector<16xi32>
      %or3A = arith.ori %shift_left3A_100, %bitcast3A_101 : vector<16xi32>
      %bitcast3A_102 = vector.bitcast %or3A : vector<16xi32> to vector<16xi32>
      %mul3A_103 = arith.constant 16 : i32
      %mul3A_104 = arith.muli %scan3A_91, %mul3A_103 : i32
      %swap3A = arith.index_cast %mul3A_104 : i32 to index
      %swap3A_105 = tpu.vector_load %arg14[%swap3A] {strides = array<i32>} : memref<9376xi32, #tpu.memory_space<vmem>>, vector<16xi32>,
      tpu.vector_store %arg14[%swap3A], %bitcast3A_102 {strides = array<i32>} : memref<9376xi32, #tpu.memory_space<vmem>>, vector<16xi32>,
    }
    %scan3A_8 = arith.constant 586 : i32
    "tpu.region"() ({
      %run_scoped3A = tpu.sem_alloc : memref<!tpu.dma_semaphore, #tpu.memory_space<semaphore_mem>>
      %dma_start3A = tpu.memref_slice %arg9[%min3A_3] : memref<300032xi32, #tpu.memory_space<hbm>> -> memref<9376xi32, #tpu.memory_space<hbm>>
      %dma_start3A_91 = tpu.memref_slice %arg9[%min3A_3] : memref<300032xi32, #tpu.memory_space<hbm>> -> memref<9376xi32, #tpu.memory_space<hbm>>
      tpu.enqueue_dma source(%arg14 : memref<9376xi32, #tpu.memory_space<vmem>>) target(%dma_start3A_91 : memref<9376xi32, #tpu.memory_space<hbm>>) target_semaphore(%run_scoped3A : memref<!tpu.dma_semaphore, #tpu.memory_space<semaphore_mem>>)
      %dma_wait3A = tpu.memref_slice %arg9[%min3A_3] : memref<300032xi32, #tpu.memory_space<hbm>> -> memref<9376xi32, #tpu.memory_space<hbm>>
      %dma_wait3A_92 = tpu.memref_slice %arg9[%min3A_3] : memref<300032xi32, #tpu.memory_space<hbm>> -> memref<9376xi32, #tpu.memory_space<hbm>>
      tpu.wait_dma2 semaphore(%run_scoped3A : memref<!tpu.dma_semaphore, #tpu.memory_space<semaphore_mem>>) src(%arg14 : memref<9376xi32, #tpu.memory_space<vmem>>) dst(%dma_wait3A_92 : memref<9376xi32, #tpu.memory_space<hbm>>)
      tpu.yield
    }) : () -> ()
    %mul3A_9 = arith.constant 12504 : i32
    %mul3A_10 = arith.muli %arg1, %mul3A_9 : i32
    %min3A_11 = arith.constant 187496 : i32
    %min3A_12 = arith.minsi %mul3A_10, %min3A_11 : i32
    "tpu.region"() ({
      %run_scoped3A = tpu.sem_alloc : memref<!tpu.dma_semaphore, #tpu.memory_space<semaphore_mem>>
      %dma_start3A = tpu.memref_slice %arg5[%min3A_12] : memref<200000xi32, #tpu.memory_space<hbm>> -> memref<12504xi32, #tpu.memory_space<hbm>>
      %dma_start3A_91 = tpu.memref_slice %arg5[%min3A_12] : memref<200000xi32, #tpu.memory_space<hbm>> -> memref<12504xi32, #tpu.memory_space<hbm>>
      tpu.enqueue_dma source(%dma_start3A_91 : memref<12504xi32, #tpu.memory_space<hbm>>) target(%arg15 : memref<12504xi32, #tpu.memory_space<vmem>>) target_semaphore(%run_scoped3A : memref<!tpu.dma_semaphore, #tpu.memory_space<semaphore_mem>>)
      %dma_wait3A = tpu.memref_slice %arg5[%min3A_12] : memref<200000xi32, #tpu.memory_space<hbm>> -> memref<12504xi32, #tpu.memory_space<hbm>>
      %dma_wait3A_92 = tpu.memref_slice %arg5[%min3A_12] : memref<200000xi32, #tpu.memory_space<hbm>> -> memref<12504xi32, #tpu.memory_space<hbm>>
      tpu.wait_dma2 semaphore(%run_scoped3A : memref<!tpu.dma_semaphore, #tpu.memory_space<semaphore_mem>>) src(%dma_wait3A_92 : memref<12504xi32, #tpu.memory_space<hbm>>) dst(%arg15 : memref<12504xi32, #tpu.memory_space<vmem>>)
      tpu.yield
    }) : () -> ()
    "tpu.region"() ({
      %run_scoped3A = tpu.sem_alloc : memref<!tpu.dma_semaphore, #tpu.memory_space<semaphore_mem>>
      %dma_start3A = tpu.memref_slice %arg24[%min3A_12] : memref<200000xi32, #tpu.memory_space<vmem_shared>> -> memref<12504xi32, #tpu.memory_space<vmem_shared>>
      %dma_start3A_91 = tpu.memref_slice %arg24[%min3A_12] : memref<200000xi32, #tpu.memory_space<vmem_shared>> -> memref<12504xi32, #tpu.memory_space<vmem_shared>>
      tpu.enqueue_dma source(%arg15 : memref<12504xi32, #tpu.memory_space<vmem>>) target(%dma_start3A_91 : memref<12504xi32, #tpu.memory_space<vmem_shared>>) target_semaphore(%run_scoped3A : memref<!tpu.dma_semaphore, #tpu.memory_space<semaphore_mem>>)
      %dma_wait3A = tpu.memref_slice %arg24[%min3A_12] : memref<200000xi32, #tpu.memory_space<vmem_shared>> -> memref<12504xi32, #tpu.memory_space<vmem_shared>>
      %dma_wait3A_92 = tpu.memref_slice %arg24[%min3A_12] : memref<200000xi32, #tpu.memory_space<vmem_shared>> -> memref<12504xi32, #tpu.memory_space<vmem_shared>>
      tpu.wait_dma2 semaphore(%run_scoped3A : memref<!tpu.dma_semaphore, #tpu.memory_space<semaphore_mem>>) src(%arg15 : memref<12504xi32, #tpu.memory_space<vmem>>) dst(%dma_wait3A_92 : memref<12504xi32, #tpu.memory_space<vmem_shared>>)
      tpu.yield
    }) : () -> ()
    %mul3A_13 = arith.constant 5008 : i32
    %mul3A_14 = arith.muli %arg1, %mul3A_13 : i32
    %min3A_15 = arith.constant 74992 : i32
    %min3A_16 = arith.minsi %mul3A_14, %min3A_15 : i32
    "tpu.region"() ({
      %run_scoped3A = tpu.sem_alloc : memref<!tpu.dma_semaphore, #tpu.memory_space<semaphore_mem>>
      %dma_start3A = arith.constant 0 : i32
      %dma_start3A_91 = tpu.memref_slice %arg15[%dma_start3A] : memref<12504xi32, #tpu.memory_space<vmem>> -> memref<5008xi32, #tpu.memory_space<vmem>>
      %dma_start3A_92 = tpu.memref_slice %arg4[%min3A_16] : memref<80000xi32, #tpu.memory_space<hbm>> -> memref<5008xi32, #tpu.memory_space<hbm>>
      %dma_start3A_93 = arith.constant 0 : i32
      %dma_start3A_94 = tpu.memref_slice %arg15[%dma_start3A_93] : memref<12504xi32, #tpu.memory_space<vmem>> -> memref<5008xi32, #tpu.memory_space<vmem>>
      %dma_start3A_95 = tpu.memref_slice %arg4[%min3A_16] : memref<80000xi32, #tpu.memory_space<hbm>> -> memref<5008xi32, #tpu.memory_space<hbm>>
      tpu.enqueue_dma source(%dma_start3A_95 : memref<5008xi32, #tpu.memory_space<hbm>>) target(%dma_start3A_94 : memref<5008xi32, #tpu.memory_space<vmem>>) target_semaphore(%run_scoped3A : memref<!tpu.dma_semaphore, #tpu.memory_space<semaphore_mem>>)
      %dma_wait3A = arith.constant 0 : i32
      %dma_wait3A_96 = tpu.memref_slice %arg15[%dma_wait3A] : memref<12504xi32, #tpu.memory_space<vmem>> -> memref<5008xi32, #tpu.memory_space<vmem>>
      %dma_wait3A_97 = tpu.memref_slice %arg4[%min3A_16] : memref<80000xi32, #tpu.memory_space<hbm>> -> memref<5008xi32, #tpu.memory_space<hbm>>
      %dma_wait3A_98 = arith.constant 0 : i32
      %dma_wait3A_99 = tpu.memref_slice %arg15[%dma_wait3A_98] : memref<12504xi32, #tpu.memory_space<vmem>> -> memref<5008xi32, #tpu.memory_space<vmem>>
      %dma_wait3A_100 = tpu.memref_slice %arg4[%min3A_16] : memref<80000xi32, #tpu.memory_space<hbm>> -> memref<5008xi32, #tpu.memory_space<hbm>>
      tpu.wait_dma2 semaphore(%run_scoped3A : memref<!tpu.dma_semaphore, #tpu.memory_space<semaphore_mem>>) src(%dma_wait3A_100 : memref<5008xi32, #tpu.memory_space<hbm>>) dst(%dma_wait3A_99 : memref<5008xi32, #tpu.memory_space<vmem>>)
      tpu.yield
    }) : () -> ()
    "tpu.region"() ({
      %run_scoped3A = tpu.sem_alloc : memref<!tpu.dma_semaphore, #tpu.memory_space<semaphore_mem>>
      %dma_start3A = arith.constant 0 : i32
      %dma_start3A_91 = tpu.memref_slice %arg15[%dma_start3A] : memref<12504xi32, #tpu.memory_space<vmem>> -> memref<5008xi32, #tpu.memory_space<vmem>>
      %dma_start3A_92 = tpu.memref_slice %arg25[%min3A_16] : memref<80000xi32, #tpu.memory_space<vmem_shared>> -> memref<5008xi32, #tpu.memory_space<vmem_shared>>
      %dma_start3A_93 = tpu.memref_slice %arg25[%min3A_16] : memref<80000xi32, #tpu.memory_space<vmem_shared>> -> memref<5008xi32, #tpu.memory_space<vmem_shared>>
      %dma_start3A_94 = arith.constant 0 : i32
      %dma_start3A_95 = tpu.memref_slice %arg15[%dma_start3A_94] : memref<12504xi32, #tpu.memory_space<vmem>> -> memref<5008xi32, #tpu.memory_space<vmem>>
      tpu.enqueue_dma source(%dma_start3A_95 : memref<5008xi32, #tpu.memory_space<vmem>>) target(%dma_start3A_93 : memref<5008xi32, #tpu.memory_space<vmem_shared>>) target_semaphore(%run_scoped3A : memref<!tpu.dma_semaphore, #tpu.memory_space<semaphore_mem>>)
      %dma_wait3A = arith.constant 0 : i32
      %dma_wait3A_96 = tpu.memref_slice %arg15[%dma_wait3A] : memref<12504xi32, #tpu.memory_space<vmem>> -> memref<5008xi32, #tpu.memory_space<vmem>>
      %dma_wait3A_97 = tpu.memref_slice %arg25[%min3A_16] : memref<80000xi32, #tpu.memory_space<vmem_shared>> -> memref<5008xi32, #tpu.memory_space<vmem_shared>>
      %dma_wait3A_98 = tpu.memref_slice %arg25[%min3A_16] : memref<80000xi32, #tpu.memory_space<vmem_shared>> -> memref<5008xi32, #tpu.memory_space<vmem_shared>>
      %dma_wait3A_99 = arith.constant 0 : i32
      %dma_wait3A_100 = tpu.memref_slice %arg15[%dma_wait3A_99] : memref<12504xi32, #tpu.memory_space<vmem>> -> memref<5008xi32, #tpu.memory_space<vmem>>
      tpu.wait_dma2 semaphore(%run_scoped3A : memref<!tpu.dma_semaphore, #tpu.memory_space<semaphore_mem>>) src(%dma_wait3A_100 : memref<5008xi32, #tpu.memory_space<vmem>>) dst(%dma_wait3A_98 : memref<5008xi32, #tpu.memory_space<vmem_shared>>)
      tpu.yield
    }) : () -> ()
    %mul3A_17 = arith.constant 3128 : i32
    %mul3A_18 = arith.muli %arg1, %mul3A_17 : i32
    "tpu.region"() ({
      %run_scoped3A = tpu.sem_alloc : memref<!tpu.dma_semaphore, #tpu.memory_space<semaphore_mem>>
      tpu.enqueue_dma source(%arg2 : memref<10000xi32, #tpu.memory_space<hbm>>) target(%arg10 : memref<10000xi32, #tpu.memory_space<vmem>>) target_semaphore(%run_scoped3A : memref<!tpu.dma_semaphore, #tpu.memory_space<semaphore_mem>>)
      tpu.wait_dma2 semaphore(%run_scoped3A : memref<!tpu.dma_semaphore, #tpu.memory_space<semaphore_mem>>) src(%arg2 : memref<10000xi32, #tpu.memory_space<hbm>>) dst(%arg10 : memref<10000xi32, #tpu.memory_space<vmem>>)
      tpu.yield
    }) : () -> ()
    %scan3A_19 = arith.constant 0 : i32
    %scan3A_20 = arith.constant 0 : i32
    %scan3A_21 = arith.constant 196 : i32
    %scan3A_22 = arith.addi %scan3A_20, %scan3A_21 : i32
    %scan3A_23 = arith.constant 1 : i32
    scf.for %scan3A_91 = %scan3A_20 to %scan3A_22 step %scan3A_23  : i32 {
      %broadcast_in_dim3A = arith.constant -1 : i32
      %broadcast_in_dim3A_92 = vector.broadcast %broadcast_in_dim3A : i32 to vector<16xi32>
      %mul3A_93 = arith.constant 16 : i32
      %mul3A_94 = arith.muli %scan3A_91, %mul3A_93 : i32
      %swap3A = arith.index_cast %mul3A_94 : i32 to index
      %swap3A_95 = tpu.vector_load %arg11[%swap3A] {strides = array<i32>} : memref<3136xi32, #tpu.memory_space<vmem>>, vector<16xi32>,
      tpu.vector_store %arg11[%swap3A], %broadcast_in_dim3A_92 {strides = array<i32>} : memref<3136xi32, #tpu.memory_space<vmem>>, vector<16xi32>,
    }
    %scan3A_24 = arith.constant 196 : i32
    %scan3A_25 = arith.constant 0 : i32
    %scan3A_26 = arith.constant 0 : i32
    %scan3A_27 = arith.constant 625 : i32
    %scan3A_28 = arith.addi %scan3A_26, %scan3A_27 : i32
    %scan3A_29 = arith.constant 1 : i32
    scf.for %scan3A_91 = %scan3A_26 to %scan3A_28 step %scan3A_29  : i32 {
      %mul3A_92 = arith.constant 16 : i32
      %mul3A_93 = arith.muli %scan3A_91, %mul3A_92 : i32
      %get3A = arith.index_cast %mul3A_93 : i32 to index
      %get3A_94 = tpu.vector_load %arg10[%get3A] {strides = array<i32>} : memref<10000xi32, #tpu.memory_space<vmem>>, vector<16xi32>,
      %mul3A_95 = arith.constant 16 : i32
      %mul3A_96 = arith.muli %scan3A_91, %mul3A_95 : i32
      %iota3A = tpu.iota {dimensions = array<i32: 0>} : vector<16xi32>
      %add3A_97 = vector.broadcast %mul3A_96 : i32 to vector<16xi32>
      %add3A_98 = arith.addi %add3A_97, %iota3A : vector<16xi32>
      %broadcast_in_dim3A = arith.constant true
      %broadcast_in_dim3A_99 = vector.broadcast %broadcast_in_dim3A : i1 to vector<16xi1>
      %unique3A, %unique3A_100 = tpu.scan_count mask(%broadcast_in_dim3A_99 : vector<16xi1>) value(%get3A_94 : vector<16xi32>) : vector<16xi1>, vector<16xi32>
      %ge3A = vector.broadcast %mul3A_18 : i32 to vector<16xi32>
      %ge3A_101 = arith.cmpi sge, %get3A_94, %ge3A : vector<16xi32>
      %add3A_102 = arith.constant 3128 : i32
      %add3A_103 = arith.addi %mul3A_18, %add3A_102 : i32
      %lt3A = vector.broadcast %add3A_103 : i32 to vector<16xi32>
      %lt3A_104 = arith.cmpi slt, %get3A_94, %lt3A : vector<16xi32>
      %and3A = arith.andi %ge3A_101, %lt3A_104 : vector<16xi1>
      %sub3A = vector.broadcast %mul3A_18 : i32 to vector<16xi32>
      %sub3A_105 = arith.subi %get3A_94, %sub3A : vector<16xi32>
      %and3A_106 = arith.andi %unique3A, %and3A : vector<16xi1>
      tpu.vector_store_idx %arg11[%sub3A_105], %add3A_98 masked %and3A_106 : memref<3136xi32, #tpu.memory_space<vmem>>[vector<16xi32>], vector<16xi32>, vector<16xi1>
    }
    %scan3A_30 = arith.constant 625 : i32
    "tpu.region"() ({
      %run_scoped3A = tpu.sem_alloc : memref<!tpu.dma_semaphore, #tpu.memory_space<semaphore_mem>>
      %dma_start3A = arith.constant 0 : i32
      %dma_start3A_91 = tpu.memref_slice %arg11[%dma_start3A] : memref<3136xi32, #tpu.memory_space<vmem>> -> memref<3128xi32, #tpu.memory_space<vmem>>
      %dma_start3A_92 = tpu.memref_slice %arg23[%mul3A_18] : memref<50048xi32, #tpu.memory_space<vmem_shared>> -> memref<3128xi32, #tpu.memory_space<vmem_shared>>
      %dma_start3A_93 = tpu.memref_slice %arg23[%mul3A_18] : memref<50048xi32, #tpu.memory_space<vmem_shared>> -> memref<3128xi32, #tpu.memory_space<vmem_shared>>
      %dma_start3A_94 = arith.constant 0 : i32
      %dma_start3A_95 = tpu.memref_slice %arg11[%dma_start3A_94] : memref<3136xi32, #tpu.memory_space<vmem>> -> memref<3128xi32, #tpu.memory_space<vmem>>
      tpu.enqueue_dma source(%dma_start3A_95 : memref<3128xi32, #tpu.memory_space<vmem>>) target(%dma_start3A_93 : memref<3128xi32, #tpu.memory_space<vmem_shared>>) target_semaphore(%run_scoped3A : memref<!tpu.dma_semaphore, #tpu.memory_space<semaphore_mem>>)
      %dma_wait3A = arith.constant 0 : i32
      %dma_wait3A_96 = tpu.memref_slice %arg11[%dma_wait3A] : memref<3136xi32, #tpu.memory_space<vmem>> -> memref<3128xi32, #tpu.memory_space<vmem>>
      %dma_wait3A_97 = tpu.memref_slice %arg23[%mul3A_18] : memref<50048xi32, #tpu.memory_space<vmem_shared>> -> memref<3128xi32, #tpu.memory_space<vmem_shared>>
      %dma_wait3A_98 = tpu.memref_slice %arg23[%mul3A_18] : memref<50048xi32, #tpu.memory_space<vmem_shared>> -> memref<3128xi32, #tpu.memory_space<vmem_shared>>
      %dma_wait3A_99 = arith.constant 0 : i32
      %dma_wait3A_100 = tpu.memref_slice %arg11[%dma_wait3A_99] : memref<3136xi32, #tpu.memory_space<vmem>> -> memref<3128xi32, #tpu.memory_space<vmem>>
      tpu.wait_dma2 semaphore(%run_scoped3A : memref<!tpu.dma_semaphore, #tpu.memory_space<semaphore_mem>>) src(%dma_wait3A_100 : memref<3128xi32, #tpu.memory_space<vmem>>) dst(%dma_wait3A_98 : memref<3128xi32, #tpu.memory_space<vmem_shared>>)
      tpu.yield
    }) : () -> ()
    %barrier3A = arith.constant 0 : index
    tpu.barrier barrier_id(%barrier3A)
    %mul3A_31 = arith.constant 1280 : i32
    %mul3A_32 = arith.muli %add3A, %mul3A_31 : i32
    %min3A_33 = arith.constant 38720 : i32
    %min3A_34 = arith.minsi %mul3A_32, %min3A_33 : i32
    "tpu.region"() ({
      %run_scoped3A = tpu.sem_alloc : memref<!tpu.dma_semaphore, #tpu.memory_space<semaphore_mem>>
      %dma_start3A = tpu.memref_slice %arg3[%min3A_34] : memref<40000xi32, #tpu.memory_space<hbm>> -> memref<1280xi32, #tpu.memory_space<hbm>>
      %dma_start3A_91 = tpu.memref_slice %arg3[%min3A_34] : memref<40000xi32, #tpu.memory_space<hbm>> -> memref<1280xi32, #tpu.memory_space<hbm>>
      tpu.enqueue_dma source(%dma_start3A_91 : memref<1280xi32, #tpu.memory_space<hbm>>) target(%arg16 : memref<1280xi32, #tpu.memory_space<vmem>>) target_semaphore(%run_scoped3A : memref<!tpu.dma_semaphore, #tpu.memory_space<semaphore_mem>>)
      %dma_wait3A = tpu.memref_slice %arg3[%min3A_34] : memref<40000xi32, #tpu.memory_space<hbm>> -> memref<1280xi32, #tpu.memory_space<hbm>>
      %dma_wait3A_92 = tpu.memref_slice %arg3[%min3A_34] : memref<40000xi32, #tpu.memory_space<hbm>> -> memref<1280xi32, #tpu.memory_space<hbm>>
      tpu.wait_dma2 semaphore(%run_scoped3A : memref<!tpu.dma_semaphore, #tpu.memory_space<semaphore_mem>>) src(%dma_wait3A_92 : memref<1280xi32, #tpu.memory_space<hbm>>) dst(%arg16 : memref<1280xi32, #tpu.memory_space<vmem>>)
      tpu.yield
    }) : () -> ()
    "tpu.region"() ({
      %run_scoped3A = tpu.sem_alloc : memref<!tpu.dma_semaphore, #tpu.memory_space<semaphore_mem>>
      %dma_start3A = arith.constant 0 : i32
      %dma_start3A_91 = tpu.memref_slice %arg23[%dma_start3A] : memref<50048xi32, #tpu.memory_space<vmem_shared>> -> memref<50048xi32, #tpu.memory_space<vmem_shared>>
      tpu.enqueue_indirect_dma source(%dma_start3A_91 : memref<50048xi32, #tpu.memory_space<vmem_shared>>) target(%arg17 : memref<1280xi32, #tpu.memory_space<vmem>>) offsets(%arg16 : memref<1280xi32, #tpu.memory_space<vmem>>) semaphore(%run_scoped3A : memref<!tpu.dma_semaphore, #tpu.memory_space<semaphore_mem>>)
      %dma_wait3A = arith.constant 0 : i32
      %dma_wait3A_92 = tpu.memref_slice %arg23[%dma_wait3A] : memref<50048xi32, #tpu.memory_space<vmem_shared>> -> memref<50048xi32, #tpu.memory_space<vmem_shared>>
      tpu.wait_indirect_dma semaphore(%run_scoped3A : memref<!tpu.dma_semaphore, #tpu.memory_space<semaphore_mem>>) src(%dma_wait3A_92 : memref<50048xi32, #tpu.memory_space<vmem_shared>>) dst(%arg17 : memref<1280xi32, #tpu.memory_space<vmem>>)
      tpu.yield
    }) : () -> ()
    %scan3A_35 = arith.constant 0 : i32
    %scan3A_36 = arith.constant 0 : i32
    %scan3A_37 = arith.constant 80 : i32
    %scan3A_38 = arith.addi %scan3A_36, %scan3A_37 : i32
    %scan3A_39 = arith.constant 1 : i32
    scf.for %scan3A_91 = %scan3A_36 to %scan3A_38 step %scan3A_39  : i32 {
      %mul3A_92 = arith.constant 16 : i32
      %mul3A_93 = arith.muli %scan3A_91, %mul3A_92 : i32
      %get3A = arith.index_cast %mul3A_93 : i32 to index
      %get3A_94 = tpu.vector_load %arg17[%get3A] {strides = array<i32>} : memref<1280xi32, #tpu.memory_space<vmem>>, vector<16xi32>,
      %mul3A_95 = arith.constant 16 : i32
      %mul3A_96 = arith.muli %scan3A_91, %mul3A_95 : i32
      %get3A_97 = arith.index_cast %mul3A_96 : i32 to index
      %get3A_98 = tpu.vector_load %arg16[%get3A_97] {strides = array<i32>} : memref<1280xi32, #tpu.memory_space<vmem>>, vector<16xi32>,
      %max3A = arith.constant 0 : i32
      %max3A_99 = vector.broadcast %max3A : i32 to vector<16xi32>
      %max3A_100 = arith.maxsi %get3A_94, %max3A_99 : vector<16xi32>
      %mul3A_101 = arith.constant 8 : i32
      %mul3A_102 = vector.broadcast %mul3A_101 : i32 to vector<16xi32>
      %mul3A_103 = arith.muli %max3A_100, %mul3A_102 : vector<16xi32>
      %add3A_104 = arith.constant 0 : i32
      %add3A_105 = vector.broadcast %add3A_104 : i32 to vector<16xi32>
      %add3A_106 = arith.addi %mul3A_103, %add3A_105 : vector<16xi32>
      %mul3A_107 = arith.constant 16 : i32
      %mul3A_108 = arith.muli %scan3A_91, %mul3A_107 : i32
      %swap3A = arith.index_cast %mul3A_108 : i32 to index
      %swap3A_109 = tpu.vector_load %arg18[%swap3A] {strides = array<i32>} : memref<1280xi32, #tpu.memory_space<vmem>>, vector<16xi32>,
      tpu.vector_store %arg18[%swap3A], %add3A_106 {strides = array<i32>} : memref<1280xi32, #tpu.memory_space<vmem>>, vector<16xi32>,
      %add3A_110 = arith.constant 0 : i32
      %add3A_111 = vector.broadcast %add3A_110 : i32 to vector<16xi32>
      %add3A_112 = arith.addi %get3A_98, %add3A_111 : vector<16xi32>
      %mul3A_113 = arith.constant 16 : i32
      %mul3A_114 = arith.muli %scan3A_91, %mul3A_113 : i32
      %swap3A_115 = arith.index_cast %mul3A_114 : i32 to index
      %swap3A_116 = tpu.vector_load %arg19[%swap3A_115] {strides = array<i32>} : memref<1280xi32, #tpu.memory_space<vmem>>, vector<16xi32>,
      tpu.vector_store %arg19[%swap3A_115], %add3A_112 {strides = array<i32>} : memref<1280xi32, #tpu.memory_space<vmem>>, vector<16xi32>,
    }
    %scan3A_40 = arith.constant 80 : i32
    "tpu.region"() ({
      %run_scoped3A = tpu.sem_alloc : memref<!tpu.dma_semaphore, #tpu.memory_space<semaphore_mem>>
      %dma_start3A = arith.constant 0 : i32
      %dma_start3A_91 = tpu.memref_slice %arg25[%dma_start3A] : memref<80000xi32, #tpu.memory_space<vmem_shared>> -> memref<80000xi32, #tpu.memory_space<vmem_shared>>
      tpu.enqueue_indirect_dma source(%dma_start3A_91 : memref<80000xi32, #tpu.memory_space<vmem_shared>>) target(%arg20 : memref<1280xi32, #tpu.memory_space<vmem>>) offsets(%arg18 : memref<1280xi32, #tpu.memory_space<vmem>>) semaphore(%run_scoped3A : memref<!tpu.dma_semaphore, #tpu.memory_space<semaphore_mem>>)
      %dma_wait3A = arith.constant 0 : i32
      %dma_wait3A_92 = tpu.memref_slice %arg25[%dma_wait3A] : memref<80000xi32, #tpu.memory_space<vmem_shared>> -> memref<80000xi32, #tpu.memory_space<vmem_shared>>
      tpu.wait_indirect_dma semaphore(%run_scoped3A : memref<!tpu.dma_semaphore, #tpu.memory_space<semaphore_mem>>) src(%dma_wait3A_92 : memref<80000xi32, #tpu.memory_space<vmem_shared>>) dst(%arg20 : memref<1280xi32, #tpu.memory_space<vmem>>)
      tpu.yield
    }) : () -> ()
    "tpu.region"() ({
      %run_scoped3A = tpu.sem_alloc : memref<!tpu.dma_semaphore, #tpu.memory_space<semaphore_mem>>
      %dma_start3A = arith.constant 0 : i32
      %dma_start3A_91 = tpu.memref_slice %arg24[%dma_start3A] : memref<200000xi32, #tpu.memory_space<vmem_shared>> -> memref<200000xi32, #tpu.memory_space<vmem_shared>>
      tpu.enqueue_indirect_dma source(%dma_start3A_91 : memref<200000xi32, #tpu.memory_space<vmem_shared>>) target(%arg21 : memref<1280xi32, #tpu.memory_space<vmem>>) offsets(%arg19 : memref<1280xi32, #tpu.memory_space<vmem>>) semaphore(%run_scoped3A : memref<!tpu.dma_semaphore, #tpu.memory_space<semaphore_mem>>)
      %dma_wait3A = arith.constant 0 : i32
      %dma_wait3A_92 = tpu.memref_slice %arg24[%dma_wait3A] : memref<200000xi32, #tpu.memory_space<vmem_shared>> -> memref<200000xi32, #tpu.memory_space<vmem_shared>>
      tpu.wait_indirect_dma semaphore(%run_scoped3A : memref<!tpu.dma_semaphore, #tpu.memory_space<semaphore_mem>>) src(%dma_wait3A_92 : memref<200000xi32, #tpu.memory_space<vmem_shared>>) dst(%arg21 : memref<1280xi32, #tpu.memory_space<vmem>>)
      tpu.yield
    }) : () -> ()
    %scan3A_41 = arith.constant 0 : i32
    %scan3A_42 = arith.constant 0 : i32
    %scan3A_43 = arith.constant 80 : i32
    %scan3A_44 = arith.addi %scan3A_42, %scan3A_43 : i32
    %scan3A_45 = arith.constant 1 : i32
    scf.for %scan3A_91 = %scan3A_42 to %scan3A_44 step %scan3A_45  : i32 {
      %mul3A_92 = arith.constant 16 : i32
      %mul3A_93 = arith.muli %scan3A_91, %mul3A_92 : i32
      %get3A = arith.index_cast %mul3A_93 : i32 to index
      %get3A_94 = tpu.vector_load %arg17[%get3A] {strides = array<i32>} : memref<1280xi32, #tpu.memory_space<vmem>>, vector<16xi32>,
      %ge3A = arith.constant 0 : i32
      %ge3A_95 = vector.broadcast %ge3A : i32 to vector<16xi32>
      %ge3A_96 = arith.cmpi sge, %get3A_94, %ge3A_95 : vector<16xi32>
      %mul3A_97 = arith.constant 16 : i32
      %mul3A_98 = arith.muli %scan3A_91, %mul3A_97 : i32
      %get3A_99 = arith.index_cast %mul3A_98 : i32 to index
      %get3A_100 = tpu.vector_load %arg20[%get3A_99] {strides = array<i32>} : memref<1280xi32, #tpu.memory_space<vmem>>, vector<16xi32>,
      %mul3A_101 = arith.constant 16 : i32
      %mul3A_102 = arith.muli %scan3A_91, %mul3A_101 : i32
      %get3A_103 = arith.index_cast %mul3A_102 : i32 to index
      %get3A_104 = tpu.vector_load %arg21[%get3A_103] {strides = array<i32>} : memref<1280xi32, #tpu.memory_space<vmem>>, vector<16xi32>,
      %select_n3A = arith.select %ge3A_96, %get3A_100, %get3A_104 : vector<16xi1>, vector<16xi32>
      %add3A_105 = arith.constant 0 : i32
      %add3A_106 = vector.broadcast %add3A_105 : i32 to vector<16xi32>
      %add3A_107 = arith.addi %select_n3A, %add3A_106 : vector<16xi32>
      %mul3A_108 = arith.constant 16 : i32
      %mul3A_109 = arith.muli %scan3A_91, %mul3A_108 : i32
      %swap3A = arith.index_cast %mul3A_109 : i32 to index
      %swap3A_110 = tpu.vector_load %arg22[%swap3A] {strides = array<i32>} : memref<1280xi32, #tpu.memory_space<vmem>>, vector<16xi32>,
      tpu.vector_store %arg22[%swap3A], %add3A_107 {strides = array<i32>} : memref<1280xi32, #tpu.memory_space<vmem>>, vector<16xi32>,
    }
    %scan3A_46 = arith.constant 80 : i32
    %add3A_47 = arith.constant 0 : i32
    %add3A_48 = arith.addi %add3A_47, %min3A_34 : i32
    "tpu.region"() ({
      %run_scoped3A = tpu.sem_alloc : memref<!tpu.dma_semaphore, #tpu.memory_space<semaphore_mem>>
      %dma_start3A = tpu.memref_slice %arg8[%add3A_48] : memref<160000xi32, #tpu.memory_space<hbm>> -> memref<1280xi32, #tpu.memory_space<hbm>>
      %dma_start3A_91 = tpu.memref_slice %arg8[%add3A_48] : memref<160000xi32, #tpu.memory_space<hbm>> -> memref<1280xi32, #tpu.memory_space<hbm>>
      tpu.enqueue_dma source(%arg22 : memref<1280xi32, #tpu.memory_space<vmem>>) target(%dma_start3A_91 : memref<1280xi32, #tpu.memory_space<hbm>>) target_semaphore(%run_scoped3A : memref<!tpu.dma_semaphore, #tpu.memory_space<semaphore_mem>>)
      %dma_wait3A = tpu.memref_slice %arg8[%add3A_48] : memref<160000xi32, #tpu.memory_space<hbm>> -> memref<1280xi32, #tpu.memory_space<hbm>>
      %dma_wait3A_92 = tpu.memref_slice %arg8[%add3A_48] : memref<160000xi32, #tpu.memory_space<hbm>> -> memref<1280xi32, #tpu.memory_space<hbm>>
      tpu.wait_dma2 semaphore(%run_scoped3A : memref<!tpu.dma_semaphore, #tpu.memory_space<semaphore_mem>>) src(%arg22 : memref<1280xi32, #tpu.memory_space<vmem>>) dst(%dma_wait3A_92 : memref<1280xi32, #tpu.memory_space<hbm>>)
      tpu.yield
    }) : () -> ()
    %scan3A_49 = arith.constant 0 : i32
    %scan3A_50 = arith.constant 0 : i32
    %scan3A_51 = arith.constant 80 : i32
    %scan3A_52 = arith.addi %scan3A_50, %scan3A_51 : i32
    %scan3A_53 = arith.constant 1 : i32
    scf.for %scan3A_91 = %scan3A_50 to %scan3A_52 step %scan3A_53  : i32 {
      %mul3A_92 = arith.constant 16 : i32
      %mul3A_93 = arith.muli %scan3A_91, %mul3A_92 : i32
      %get3A = arith.index_cast %mul3A_93 : i32 to index
      %get3A_94 = tpu.vector_load %arg17[%get3A] {strides = array<i32>} : memref<1280xi32, #tpu.memory_space<vmem>>, vector<16xi32>,
      %mul3A_95 = arith.constant 16 : i32
      %mul3A_96 = arith.muli %scan3A_91, %mul3A_95 : i32
      %get3A_97 = arith.index_cast %mul3A_96 : i32 to index
      %get3A_98 = tpu.vector_load %arg16[%get3A_97] {strides = array<i32>} : memref<1280xi32, #tpu.memory_space<vmem>>, vector<16xi32>,
      %max3A = arith.constant 0 : i32
      %max3A_99 = vector.broadcast %max3A : i32 to vector<16xi32>
      %max3A_100 = arith.maxsi %get3A_94, %max3A_99 : vector<16xi32>
      %mul3A_101 = arith.constant 8 : i32
      %mul3A_102 = vector.broadcast %mul3A_101 : i32 to vector<16xi32>
      %mul3A_103 = arith.muli %max3A_100, %mul3A_102 : vector<16xi32>
      %add3A_104 = arith.constant 1 : i32
      %add3A_105 = vector.broadcast %add3A_104 : i32 to vector<16xi32>
      %add3A_106 = arith.addi %mul3A_103, %add3A_105 : vector<16xi32>
      %mul3A_107 = arith.constant 16 : i32
      %mul3A_108 = arith.muli %scan3A_91, %mul3A_107 : i32
      %swap3A = arith.index_cast %mul3A_108 : i32 to index
      %swap3A_109 = tpu.vector_load %arg18[%swap3A] {strides = array<i32>} : memref<1280xi32, #tpu.memory_space<vmem>>, vector<16xi32>,
      tpu.vector_store %arg18[%swap3A], %add3A_106 {strides = array<i32>} : memref<1280xi32, #tpu.memory_space<vmem>>, vector<16xi32>,
      %add3A_110 = arith.constant 50000 : i32
      %add3A_111 = vector.broadcast %add3A_110 : i32 to vector<16xi32>
      %add3A_112 = arith.addi %get3A_98, %add3A_111 : vector<16xi32>
      %mul3A_113 = arith.constant 16 : i32
      %mul3A_114 = arith.muli %scan3A_91, %mul3A_113 : i32
      %swap3A_115 = arith.index_cast %mul3A_114 : i32 to index
      %swap3A_116 = tpu.vector_load %arg19[%swap3A_115] {strides = array<i32>} : memref<1280xi32, #tpu.memory_space<vmem>>, vector<16xi32>,
      tpu.vector_store %arg19[%swap3A_115], %add3A_112 {strides = array<i32>} : memref<1280xi32, #tpu.memory_space<vmem>>, vector<16xi32>,
    }
    %scan3A_54 = arith.constant 80 : i32
    "tpu.region"() ({
      %run_scoped3A = tpu.sem_alloc : memref<!tpu.dma_semaphore, #tpu.memory_space<semaphore_mem>>
      %dma_start3A = arith.constant 0 : i32
      %dma_start3A_91 = tpu.memref_slice %arg25[%dma_start3A] : memref<80000xi32, #tpu.memory_space<vmem_shared>> -> memref<80000xi32, #tpu.memory_space<vmem_shared>>
      tpu.enqueue_indirect_dma source(%dma_start3A_91 : memref<80000xi32, #tpu.memory_space<vmem_shared>>) target(%arg20 : memref<1280xi32, #tpu.memory_space<vmem>>) offsets(%arg18 : memref<1280xi32, #tpu.memory_space<vmem>>) semaphore(%run_scoped3A : memref<!tpu.dma_semaphore, #tpu.memory_space<semaphore_mem>>)
      %dma_wait3A = arith.constant 0 : i32
      %dma_wait3A_92 = tpu.memref_slice %arg25[%dma_wait3A] : memref<80000xi32, #tpu.memory_space<vmem_shared>> -> memref<80000xi32, #tpu.memory_space<vmem_shared>>
      tpu.wait_indirect_dma semaphore(%run_scoped3A : memref<!tpu.dma_semaphore, #tpu.memory_space<semaphore_mem>>) src(%dma_wait3A_92 : memref<80000xi32, #tpu.memory_space<vmem_shared>>) dst(%arg20 : memref<1280xi32, #tpu.memory_space<vmem>>)
      tpu.yield
    }) : () -> ()
    "tpu.region"() ({
      %run_scoped3A = tpu.sem_alloc : memref<!tpu.dma_semaphore, #tpu.memory_space<semaphore_mem>>
      %dma_start3A = arith.constant 0 : i32
      %dma_start3A_91 = tpu.memref_slice %arg24[%dma_start3A] : memref<200000xi32, #tpu.memory_space<vmem_shared>> -> memref<200000xi32, #tpu.memory_space<vmem_shared>>
      tpu.enqueue_indirect_dma source(%dma_start3A_91 : memref<200000xi32, #tpu.memory_space<vmem_shared>>) target(%arg21 : memref<1280xi32, #tpu.memory_space<vmem>>) offsets(%arg19 : memref<1280xi32, #tpu.memory_space<vmem>>) semaphore(%run_scoped3A : memref<!tpu.dma_semaphore, #tpu.memory_space<semaphore_mem>>)
      %dma_wait3A = arith.constant 0 : i32
      %dma_wait3A_92 = tpu.memref_slice %arg24[%dma_wait3A] : memref<200000xi32, #tpu.memory_space<vmem_shared>> -> memref<200000xi32, #tpu.memory_space<vmem_shared>>
      tpu.wait_indirect_dma semaphore(%run_scoped3A : memref<!tpu.dma_semaphore, #tpu.memory_space<semaphore_mem>>) src(%dma_wait3A_92 : memref<200000xi32, #tpu.memory_space<vmem_shared>>) dst(%arg21 : memref<1280xi32, #tpu.memory_space<vmem>>)
      tpu.yield
    }) : () -> ()
    %scan3A_55 = arith.constant 0 : i32
    %scan3A_56 = arith.constant 0 : i32
    %scan3A_57 = arith.constant 80 : i32
    %scan3A_58 = arith.addi %scan3A_56, %scan3A_57 : i32
    %scan3A_59 = arith.constant 1 : i32
    scf.for %scan3A_91 = %scan3A_56 to %scan3A_58 step %scan3A_59  : i32 {
      %mul3A_92 = arith.constant 16 : i32
      %mul3A_93 = arith.muli %scan3A_91, %mul3A_92 : i32
      %get3A = arith.index_cast %mul3A_93 : i32 to index
      %get3A_94 = tpu.vector_load %arg17[%get3A] {strides = array<i32>} : memref<1280xi32, #tpu.memory_space<vmem>>, vector<16xi32>,
      %ge3A = arith.constant 0 : i32
      %ge3A_95 = vector.broadcast %ge3A : i32 to vector<16xi32>
      %ge3A_96 = arith.cmpi sge, %get3A_94, %ge3A_95 : vector<16xi32>
      %mul3A_97 = arith.constant 16 : i32
      %mul3A_98 = arith.muli %scan3A_91, %mul3A_97 : i32
      %get3A_99 = arith.index_cast %mul3A_98 : i32 to index
      %get3A_100 = tpu.vector_load %arg20[%get3A_99] {strides = array<i32>} : memref<1280xi32, #tpu.memory_space<vmem>>, vector<16xi32>,
      %mul3A_101 = arith.constant 16 : i32
      %mul3A_102 = arith.muli %scan3A_91, %mul3A_101 : i32
      %get3A_103 = arith.index_cast %mul3A_102 : i32 to index
      %get3A_104 = tpu.vector_load %arg21[%get3A_103] {strides = array<i32>} : memref<1280xi32, #tpu.memory_space<vmem>>, vector<16xi32>,
      %select_n3A = arith.select %ge3A_96, %get3A_100, %get3A_104 : vector<16xi1>, vector<16xi32>
      %add3A_105 = arith.constant 1024 : i32
      %add3A_106 = vector.broadcast %add3A_105 : i32 to vector<16xi32>
      %add3A_107 = arith.addi %select_n3A, %add3A_106 : vector<16xi32>
      %mul3A_108 = arith.constant 16 : i32
      %mul3A_109 = arith.muli %scan3A_91, %mul3A_108 : i32
      %swap3A = arith.index_cast %mul3A_109 : i32 to index
      %swap3A_110 = tpu.vector_load %arg22[%swap3A] {strides = array<i32>} : memref<1280xi32, #tpu.memory_space<vmem>>, vector<16xi32>,
      tpu.vector_store %arg22[%swap3A], %add3A_107 {strides = array<i32>} : memref<1280xi32, #tpu.memory_space<vmem>>, vector<16xi32>,
    }
    %scan3A_60 = arith.constant 80 : i32
    %add3A_61 = arith.constant 40000 : i32
    %add3A_62 = arith.addi %add3A_61, %min3A_34 : i32
    "tpu.region"() ({
      %run_scoped3A = tpu.sem_alloc : memref<!tpu.dma_semaphore, #tpu.memory_space<semaphore_mem>>
      %dma_start3A = tpu.memref_slice %arg8[%add3A_62] : memref<160000xi32, #tpu.memory_space<hbm>> -> memref<1280xi32, #tpu.memory_space<hbm>>
      %dma_start3A_91 = tpu.memref_slice %arg8[%add3A_62] : memref<160000xi32, #tpu.memory_space<hbm>> -> memref<1280xi32, #tpu.memory_space<hbm>>
      tpu.enqueue_dma source(%arg22 : memref<1280xi32, #tpu.memory_space<vmem>>) target(%dma_start3A_91 : memref<1280xi32, #tpu.memory_space<hbm>>) target_semaphore(%run_scoped3A : memref<!tpu.dma_semaphore, #tpu.memory_space<semaphore_mem>>)
      %dma_wait3A = tpu.memref_slice %arg8[%add3A_62] : memref<160000xi32, #tpu.memory_space<hbm>> -> memref<1280xi32, #tpu.memory_space<hbm>>
      %dma_wait3A_92 = tpu.memref_slice %arg8[%add3A_62] : memref<160000xi32, #tpu.memory_space<hbm>> -> memref<1280xi32, #tpu.memory_space<hbm>>
      tpu.wait_dma2 semaphore(%run_scoped3A : memref<!tpu.dma_semaphore, #tpu.memory_space<semaphore_mem>>) src(%arg22 : memref<1280xi32, #tpu.memory_space<vmem>>) dst(%dma_wait3A_92 : memref<1280xi32, #tpu.memory_space<hbm>>)
      tpu.yield
    }) : () -> ()
    %scan3A_63 = arith.constant 0 : i32
    %scan3A_64 = arith.constant 0 : i32
    %scan3A_65 = arith.constant 80 : i32
    %scan3A_66 = arith.addi %scan3A_64, %scan3A_65 : i32
    %scan3A_67 = arith.constant 1 : i32
    scf.for %scan3A_91 = %scan3A_64 to %scan3A_66 step %scan3A_67  : i32 {
      %mul3A_92 = arith.constant 16 : i32
      %mul3A_93 = arith.muli %scan3A_91, %mul3A_92 : i32
      %get3A = arith.index_cast %mul3A_93 : i32 to index
      %get3A_94 = tpu.vector_load %arg17[%get3A] {strides = array<i32>} : memref<1280xi32, #tpu.memory_space<vmem>>, vector<16xi32>,
      %mul3A_95 = arith.constant 16 : i32
      %mul3A_96 = arith.muli %scan3A_91, %mul3A_95 : i32
      %get3A_97 = arith.index_cast %mul3A_96 : i32 to index
      %get3A_98 = tpu.vector_load %arg16[%get3A_97] {strides = array<i32>} : memref<1280xi32, #tpu.memory_space<vmem>>, vector<16xi32>,
      %max3A = arith.constant 0 : i32
      %max3A_99 = vector.broadcast %max3A : i32 to vector<16xi32>
      %max3A_100 = arith.maxsi %get3A_94, %max3A_99 : vector<16xi32>
      %mul3A_101 = arith.constant 8 : i32
      %mul3A_102 = vector.broadcast %mul3A_101 : i32 to vector<16xi32>
      %mul3A_103 = arith.muli %max3A_100, %mul3A_102 : vector<16xi32>
      %add3A_104 = arith.constant 2 : i32
      %add3A_105 = vector.broadcast %add3A_104 : i32 to vector<16xi32>
      %add3A_106 = arith.addi %mul3A_103, %add3A_105 : vector<16xi32>
      %mul3A_107 = arith.constant 16 : i32
      %mul3A_108 = arith.muli %scan3A_91, %mul3A_107 : i32
      %swap3A = arith.index_cast %mul3A_108 : i32 to index
      %swap3A_109 = tpu.vector_load %arg18[%swap3A] {strides = array<i32>} : memref<1280xi32, #tpu.memory_space<vmem>>, vector<16xi32>,
      tpu.vector_store %arg18[%swap3A], %add3A_106 {strides = array<i32>} : memref<1280xi32, #tpu.memory_space<vmem>>, vector<16xi32>,
      %add3A_110 = arith.constant 100000 : i32
      %add3A_111 = vector.broadcast %add3A_110 : i32 to vector<16xi32>
      %add3A_112 = arith.addi %get3A_98, %add3A_111 : vector<16xi32>
      %mul3A_113 = arith.constant 16 : i32
      %mul3A_114 = arith.muli %scan3A_91, %mul3A_113 : i32
      %swap3A_115 = arith.index_cast %mul3A_114 : i32 to index
      %swap3A_116 = tpu.vector_load %arg19[%swap3A_115] {strides = array<i32>} : memref<1280xi32, #tpu.memory_space<vmem>>, vector<16xi32>,
      tpu.vector_store %arg19[%swap3A_115], %add3A_112 {strides = array<i32>} : memref<1280xi32, #tpu.memory_space<vmem>>, vector<16xi32>,
    }
    %scan3A_68 = arith.constant 80 : i32
    "tpu.region"() ({
      %run_scoped3A = tpu.sem_alloc : memref<!tpu.dma_semaphore, #tpu.memory_space<semaphore_mem>>
      %dma_start3A = arith.constant 0 : i32
      %dma_start3A_91 = tpu.memref_slice %arg25[%dma_start3A] : memref<80000xi32, #tpu.memory_space<vmem_shared>> -> memref<80000xi32, #tpu.memory_space<vmem_shared>>
      tpu.enqueue_indirect_dma source(%dma_start3A_91 : memref<80000xi32, #tpu.memory_space<vmem_shared>>) target(%arg20 : memref<1280xi32, #tpu.memory_space<vmem>>) offsets(%arg18 : memref<1280xi32, #tpu.memory_space<vmem>>) semaphore(%run_scoped3A : memref<!tpu.dma_semaphore, #tpu.memory_space<semaphore_mem>>)
      %dma_wait3A = arith.constant 0 : i32
      %dma_wait3A_92 = tpu.memref_slice %arg25[%dma_wait3A] : memref<80000xi32, #tpu.memory_space<vmem_shared>> -> memref<80000xi32, #tpu.memory_space<vmem_shared>>
      tpu.wait_indirect_dma semaphore(%run_scoped3A : memref<!tpu.dma_semaphore, #tpu.memory_space<semaphore_mem>>) src(%dma_wait3A_92 : memref<80000xi32, #tpu.memory_space<vmem_shared>>) dst(%arg20 : memref<1280xi32, #tpu.memory_space<vmem>>)
      tpu.yield
    }) : () -> ()
    "tpu.region"() ({
      %run_scoped3A = tpu.sem_alloc : memref<!tpu.dma_semaphore, #tpu.memory_space<semaphore_mem>>
      %dma_start3A = arith.constant 0 : i32
      %dma_start3A_91 = tpu.memref_slice %arg24[%dma_start3A] : memref<200000xi32, #tpu.memory_space<vmem_shared>> -> memref<200000xi32, #tpu.memory_space<vmem_shared>>
      tpu.enqueue_indirect_dma source(%dma_start3A_91 : memref<200000xi32, #tpu.memory_space<vmem_shared>>) target(%arg21 : memref<1280xi32, #tpu.memory_space<vmem>>) offsets(%arg19 : memref<1280xi32, #tpu.memory_space<vmem>>) semaphore(%run_scoped3A : memref<!tpu.dma_semaphore, #tpu.memory_space<semaphore_mem>>)
      %dma_wait3A = arith.constant 0 : i32
      %dma_wait3A_92 = tpu.memref_slice %arg24[%dma_wait3A] : memref<200000xi32, #tpu.memory_space<vmem_shared>> -> memref<200000xi32, #tpu.memory_space<vmem_shared>>
      tpu.wait_indirect_dma semaphore(%run_scoped3A : memref<!tpu.dma_semaphore, #tpu.memory_space<semaphore_mem>>) src(%dma_wait3A_92 : memref<200000xi32, #tpu.memory_space<vmem_shared>>) dst(%arg21 : memref<1280xi32, #tpu.memory_space<vmem>>)
      tpu.yield
    }) : () -> ()
    %scan3A_69 = arith.constant 0 : i32
    %scan3A_70 = arith.constant 0 : i32
    %scan3A_71 = arith.constant 80 : i32
    %scan3A_72 = arith.addi %scan3A_70, %scan3A_71 : i32
    %scan3A_73 = arith.constant 1 : i32
    scf.for %scan3A_91 = %scan3A_70 to %scan3A_72 step %scan3A_73  : i32 {
      %mul3A_92 = arith.constant 16 : i32
      %mul3A_93 = arith.muli %scan3A_91, %mul3A_92 : i32
      %get3A = arith.index_cast %mul3A_93 : i32 to index
      %get3A_94 = tpu.vector_load %arg17[%get3A] {strides = array<i32>} : memref<1280xi32, #tpu.memory_space<vmem>>, vector<16xi32>,
      %ge3A = arith.constant 0 : i32
      %ge3A_95 = vector.broadcast %ge3A : i32 to vector<16xi32>
      %ge3A_96 = arith.cmpi sge, %get3A_94, %ge3A_95 : vector<16xi32>
      %mul3A_97 = arith.constant 16 : i32
      %mul3A_98 = arith.muli %scan3A_91, %mul3A_97 : i32
      %get3A_99 = arith.index_cast %mul3A_98 : i32 to index
      %get3A_100 = tpu.vector_load %arg20[%get3A_99] {strides = array<i32>} : memref<1280xi32, #tpu.memory_space<vmem>>, vector<16xi32>,
      %mul3A_101 = arith.constant 16 : i32
      %mul3A_102 = arith.muli %scan3A_91, %mul3A_101 : i32
      %get3A_103 = arith.index_cast %mul3A_102 : i32 to index
      %get3A_104 = tpu.vector_load %arg21[%get3A_103] {strides = array<i32>} : memref<1280xi32, #tpu.memory_space<vmem>>, vector<16xi32>,
      %select_n3A = arith.select %ge3A_96, %get3A_100, %get3A_104 : vector<16xi1>, vector<16xi32>
      %add3A_105 = arith.constant 2048 : i32
      %add3A_106 = vector.broadcast %add3A_105 : i32 to vector<16xi32>
      %add3A_107 = arith.addi %select_n3A, %add3A_106 : vector<16xi32>
      %mul3A_108 = arith.constant 16 : i32
      %mul3A_109 = arith.muli %scan3A_91, %mul3A_108 : i32
      %swap3A = arith.index_cast %mul3A_109 : i32 to index
      %swap3A_110 = tpu.vector_load %arg22[%swap3A] {strides = array<i32>} : memref<1280xi32, #tpu.memory_space<vmem>>, vector<16xi32>,
      tpu.vector_store %arg22[%swap3A], %add3A_107 {strides = array<i32>} : memref<1280xi32, #tpu.memory_space<vmem>>, vector<16xi32>,
    }
    %scan3A_74 = arith.constant 80 : i32
    %add3A_75 = arith.constant 80000 : i32
    %add3A_76 = arith.addi %add3A_75, %min3A_34 : i32
    "tpu.region"() ({
      %run_scoped3A = tpu.sem_alloc : memref<!tpu.dma_semaphore, #tpu.memory_space<semaphore_mem>>
      %dma_start3A = tpu.memref_slice %arg8[%add3A_76] : memref<160000xi32, #tpu.memory_space<hbm>> -> memref<1280xi32, #tpu.memory_space<hbm>>
      %dma_start3A_91 = tpu.memref_slice %arg8[%add3A_76] : memref<160000xi32, #tpu.memory_space<hbm>> -> memref<1280xi32, #tpu.memory_space<hbm>>
      tpu.enqueue_dma source(%arg22 : memref<1280xi32, #tpu.memory_space<vmem>>) target(%dma_start3A_91 : memref<1280xi32, #tpu.memory_space<hbm>>) target_semaphore(%run_scoped3A : memref<!tpu.dma_semaphore, #tpu.memory_space<semaphore_mem>>)
      %dma_wait3A = tpu.memref_slice %arg8[%add3A_76] : memref<160000xi32, #tpu.memory_space<hbm>> -> memref<1280xi32, #tpu.memory_space<hbm>>
      %dma_wait3A_92 = tpu.memref_slice %arg8[%add3A_76] : memref<160000xi32, #tpu.memory_space<hbm>> -> memref<1280xi32, #tpu.memory_space<hbm>>
      tpu.wait_dma2 semaphore(%run_scoped3A : memref<!tpu.dma_semaphore, #tpu.memory_space<semaphore_mem>>) src(%arg22 : memref<1280xi32, #tpu.memory_space<vmem>>) dst(%dma_wait3A_92 : memref<1280xi32, #tpu.memory_space<hbm>>)
      tpu.yield
    }) : () -> ()
    %scan3A_77 = arith.constant 0 : i32
    %scan3A_78 = arith.constant 0 : i32
    %scan3A_79 = arith.constant 80 : i32
    %scan3A_80 = arith.addi %scan3A_78, %scan3A_79 : i32
    %scan3A_81 = arith.constant 1 : i32
    scf.for %scan3A_91 = %scan3A_78 to %scan3A_80 step %scan3A_81  : i32 {
      %mul3A_92 = arith.constant 16 : i32
      %mul3A_93 = arith.muli %scan3A_91, %mul3A_92 : i32
      %get3A = arith.index_cast %mul3A_93 : i32 to index
      %get3A_94 = tpu.vector_load %arg17[%get3A] {strides = array<i32>} : memref<1280xi32, #tpu.memory_space<vmem>>, vector<16xi32>,
      %mul3A_95 = arith.constant 16 : i32
      %mul3A_96 = arith.muli %scan3A_91, %mul3A_95 : i32
      %get3A_97 = arith.index_cast %mul3A_96 : i32 to index
      %get3A_98 = tpu.vector_load %arg16[%get3A_97] {strides = array<i32>} : memref<1280xi32, #tpu.memory_space<vmem>>, vector<16xi32>,
      %max3A = arith.constant 0 : i32
      %max3A_99 = vector.broadcast %max3A : i32 to vector<16xi32>
      %max3A_100 = arith.maxsi %get3A_94, %max3A_99 : vector<16xi32>
      %mul3A_101 = arith.constant 8 : i32
      %mul3A_102 = vector.broadcast %mul3A_101 : i32 to vector<16xi32>
      %mul3A_103 = arith.muli %max3A_100, %mul3A_102 : vector<16xi32>
      %add3A_104 = arith.constant 3 : i32
      %add3A_105 = vector.broadcast %add3A_104 : i32 to vector<16xi32>
      %add3A_106 = arith.addi %mul3A_103, %add3A_105 : vector<16xi32>
      %mul3A_107 = arith.constant 16 : i32
      %mul3A_108 = arith.muli %scan3A_91, %mul3A_107 : i32
      %swap3A = arith.index_cast %mul3A_108 : i32 to index
      %swap3A_109 = tpu.vector_load %arg18[%swap3A] {strides = array<i32>} : memref<1280xi32, #tpu.memory_space<vmem>>, vector<16xi32>,
      tpu.vector_store %arg18[%swap3A], %add3A_106 {strides = array<i32>} : memref<1280xi32, #tpu.memory_space<vmem>>, vector<16xi32>,
      %add3A_110 = arith.constant 150000 : i32
      %add3A_111 = vector.broadcast %add3A_110 : i32 to vector<16xi32>
      %add3A_112 = arith.addi %get3A_98, %add3A_111 : vector<16xi32>
      %mul3A_113 = arith.constant 16 : i32
      %mul3A_114 = arith.muli %scan3A_91, %mul3A_113 : i32
      %swap3A_115 = arith.index_cast %mul3A_114 : i32 to index
      %swap3A_116 = tpu.vector_load %arg19[%swap3A_115] {strides = array<i32>} : memref<1280xi32, #tpu.memory_space<vmem>>, vector<16xi32>,
      tpu.vector_store %arg19[%swap3A_115], %add3A_112 {strides = array<i32>} : memref<1280xi32, #tpu.memory_space<vmem>>, vector<16xi32>,
    }
    %scan3A_82 = arith.constant 80 : i32
    "tpu.region"() ({
      %run_scoped3A = tpu.sem_alloc : memref<!tpu.dma_semaphore, #tpu.memory_space<semaphore_mem>>
      %dma_start3A = arith.constant 0 : i32
      %dma_start3A_91 = tpu.memref_slice %arg25[%dma_start3A] : memref<80000xi32, #tpu.memory_space<vmem_shared>> -> memref<80000xi32, #tpu.memory_space<vmem_shared>>
      tpu.enqueue_indirect_dma source(%dma_start3A_91 : memref<80000xi32, #tpu.memory_space<vmem_shared>>) target(%arg20 : memref<1280xi32, #tpu.memory_space<vmem>>) offsets(%arg18 : memref<1280xi32, #tpu.memory_space<vmem>>) semaphore(%run_scoped3A : memref<!tpu.dma_semaphore, #tpu.memory_space<semaphore_mem>>)
      %dma_wait3A = arith.constant 0 : i32
      %dma_wait3A_92 = tpu.memref_slice %arg25[%dma_wait3A] : memref<80000xi32, #tpu.memory_space<vmem_shared>> -> memref<80000xi32, #tpu.memory_space<vmem_shared>>
      tpu.wait_indirect_dma semaphore(%run_scoped3A : memref<!tpu.dma_semaphore, #tpu.memory_space<semaphore_mem>>) src(%dma_wait3A_92 : memref<80000xi32, #tpu.memory_space<vmem_shared>>) dst(%arg20 : memref<1280xi32, #tpu.memory_space<vmem>>)
      tpu.yield
    }) : () -> ()
    "tpu.region"() ({
      %run_scoped3A = tpu.sem_alloc : memref<!tpu.dma_semaphore, #tpu.memory_space<semaphore_mem>>
      %dma_start3A = arith.constant 0 : i32
      %dma_start3A_91 = tpu.memref_slice %arg24[%dma_start3A] : memref<200000xi32, #tpu.memory_space<vmem_shared>> -> memref<200000xi32, #tpu.memory_space<vmem_shared>>
      tpu.enqueue_indirect_dma source(%dma_start3A_91 : memref<200000xi32, #tpu.memory_space<vmem_shared>>) target(%arg21 : memref<1280xi32, #tpu.memory_space<vmem>>) offsets(%arg19 : memref<1280xi32, #tpu.memory_space<vmem>>) semaphore(%run_scoped3A : memref<!tpu.dma_semaphore, #tpu.memory_space<semaphore_mem>>)
      %dma_wait3A = arith.constant 0 : i32
      %dma_wait3A_92 = tpu.memref_slice %arg24[%dma_wait3A] : memref<200000xi32, #tpu.memory_space<vmem_shared>> -> memref<200000xi32, #tpu.memory_space<vmem_shared>>
      tpu.wait_indirect_dma semaphore(%run_scoped3A : memref<!tpu.dma_semaphore, #tpu.memory_space<semaphore_mem>>) src(%dma_wait3A_92 : memref<200000xi32, #tpu.memory_space<vmem_shared>>) dst(%arg21 : memref<1280xi32, #tpu.memory_space<vmem>>)
      tpu.yield
    }) : () -> ()
    %scan3A_83 = arith.constant 0 : i32
    %scan3A_84 = arith.constant 0 : i32
    %scan3A_85 = arith.constant 80 : i32
    %scan3A_86 = arith.addi %scan3A_84, %scan3A_85 : i32
    %scan3A_87 = arith.constant 1 : i32
    scf.for %scan3A_91 = %scan3A_84 to %scan3A_86 step %scan3A_87  : i32 {
      %mul3A_92 = arith.constant 16 : i32
      %mul3A_93 = arith.muli %scan3A_91, %mul3A_92 : i32
      %get3A = arith.index_cast %mul3A_93 : i32 to index
      %get3A_94 = tpu.vector_load %arg17[%get3A] {strides = array<i32>} : memref<1280xi32, #tpu.memory_space<vmem>>, vector<16xi32>,
      %ge3A = arith.constant 0 : i32
      %ge3A_95 = vector.broadcast %ge3A : i32 to vector<16xi32>
      %ge3A_96 = arith.cmpi sge, %get3A_94, %ge3A_95 : vector<16xi32>
      %mul3A_97 = arith.constant 16 : i32
      %mul3A_98 = arith.muli %scan3A_91, %mul3A_97 : i32
      %get3A_99 = arith.index_cast %mul3A_98 : i32 to index
      %get3A_100 = tpu.vector_load %arg20[%get3A_99] {strides = array<i32>} : memref<1280xi32, #tpu.memory_space<vmem>>, vector<16xi32>,
      %mul3A_101 = arith.constant 16 : i32
      %mul3A_102 = arith.muli %scan3A_91, %mul3A_101 : i32
      %get3A_103 = arith.index_cast %mul3A_102 : i32 to index
      %get3A_104 = tpu.vector_load %arg21[%get3A_103] {strides = array<i32>} : memref<1280xi32, #tpu.memory_space<vmem>>, vector<16xi32>,
      %select_n3A = arith.select %ge3A_96, %get3A_100, %get3A_104 : vector<16xi1>, vector<16xi32>
      %add3A_105 = arith.constant 3072 : i32
      %add3A_106 = vector.broadcast %add3A_105 : i32 to vector<16xi32>
      %add3A_107 = arith.addi %select_n3A, %add3A_106 : vector<16xi32>
      %mul3A_108 = arith.constant 16 : i32
      %mul3A_109 = arith.muli %scan3A_91, %mul3A_108 : i32
      %swap3A = arith.index_cast %mul3A_109 : i32 to index
      %swap3A_110 = tpu.vector_load %arg22[%swap3A] {strides = array<i32>} : memref<1280xi32, #tpu.memory_space<vmem>>, vector<16xi32>,
      tpu.vector_store %arg22[%swap3A], %add3A_107 {strides = array<i32>} : memref<1280xi32, #tpu.memory_space<vmem>>, vector<16xi32>,
    }
    %scan3A_88 = arith.constant 80 : i32
    %add3A_89 = arith.constant 120000 : i32
    %add3A_90 = arith.addi %add3A_89, %min3A_34 : i32
    "tpu.region"() ({
      %run_scoped3A = tpu.sem_alloc : memref<!tpu.dma_semaphore, #tpu.memory_space<semaphore_mem>>
      %dma_start3A = tpu.memref_slice %arg8[%add3A_90] : memref<160000xi32, #tpu.memory_space<hbm>> -> memref<1280xi32, #tpu.memory_space<hbm>>
      %dma_start3A_91 = tpu.memref_slice %arg8[%add3A_90] : memref<160000xi32, #tpu.memory_space<hbm>> -> memref<1280xi32, #tpu.memory_space<hbm>>
      tpu.enqueue_dma source(%arg22 : memref<1280xi32, #tpu.memory_space<vmem>>) target(%dma_start3A_91 : memref<1280xi32, #tpu.memory_space<hbm>>) target_semaphore(%run_scoped3A : memref<!tpu.dma_semaphore, #tpu.memory_space<semaphore_mem>>)
      %dma_wait3A = tpu.memref_slice %arg8[%add3A_90] : memref<160000xi32, #tpu.memory_space<hbm>> -> memref<1280xi32, #tpu.memory_space<hbm>>
      %dma_wait3A_92 = tpu.memref_slice %arg8[%add3A_90] : memref<160000xi32, #tpu.memory_space<hbm>> -> memref<1280xi32, #tpu.memory_space<hbm>>
      tpu.wait_dma2 semaphore(%run_scoped3A : memref<!tpu.dma_semaphore, #tpu.memory_space<semaphore_mem>>) src(%arg22 : memref<1280xi32, #tpu.memory_space<vmem>>) dst(%dma_wait3A_92 : memref<1280xi32, #tpu.memory_space<hbm>>)
      tpu.yield
    }) : () -> ()
    return
  }
}

#map = affine_map<(d0, d1) -> (0, 0)>
#map1 = affine_map<(d0, d1) -> (0)>
module attributes {stable_mosaic.version = 14 : i64} {
  func.func @_kh_body(%arg0: i32, %arg1: i32, %arg2: memref<10000x256xf32, #tpu.memory_space<hbm>>, %arg3: memref<4096x256xf32, #tpu.memory_space<hbm>>, %arg4: memref<4096x128xf32, #tpu.memory_space<hbm>>, %arg5: memref<160000xi32, #tpu.memory_space<hbm>>, %arg6: memref<50000x256xf32, #tpu.memory_space<hbm>>, %arg7: memref<160000x128xf32, #tpu.memory_space<hbm>>, %arg8: memref<128x256xf32, #tpu.memory_space<vmem>>, %arg9: memref<128x256xf32, #tpu.memory_space<vmem>>, %arg10: memref<128x128xf32, #tpu.memory_space<vmem>>, %arg11: memref<128xi32, #tpu.memory_space<vmem>>) attributes {dimension_semantics = [#tpu.dimension_semantics<core_parallel>, #tpu.dimension_semantics<subcore_parallel>], iteration_bounds = array<i64: 2, 16>, scalar_prefetch = 0 : i64, scratch_operands = 4 : i64, tpu.core_type = #tpu.core_type<sc_vector_subcore>, window_params = [{transform_indices = #map}, {transform_indices = #map}, {transform_indices = #map}, {transform_indices = #map1}, {transform_indices = #map}, {transform_indices = #map}]} {
    %mul3A = arith.constant 2 : i32
    %mul3A_0 = arith.muli %arg1, %mul3A : i32
    %add3A = arith.addi %mul3A_0, %arg0 : i32
    %add3A_1 = arith.constant 0 : i32
    %add3A_2 = arith.addi %add3A, %add3A_1 : i32
    %lt3A = arith.constant 125 : i32
    %lt3A_3 = arith.cmpi slt, %add3A_2, %lt3A : i32
    %convert_element_type3A = arith.extui %lt3A_3 : i1 to i32
    %cond3A = arith.constant 0 : i32
    %cond3A_4 = arith.cmpi ne, %convert_element_type3A, %cond3A : i32
    scf.if %cond3A_4 {
      %mul3A_34 = arith.constant 80 : i32
      %mul3A_35 = arith.muli %add3A_2, %mul3A_34 : i32
      "tpu.region"() ({
        %run_scoped3A = tpu.sem_alloc : memref<!tpu.dma_semaphore, #tpu.memory_space<semaphore_mem>>
        %dma_start3A = arith.constant 0 : i32
        %dma_start3A_38 = arith.constant 0 : i32
        %dma_start3A_39 = tpu.memref_slice %arg8[%dma_start3A, %dma_start3A_38] : memref<128x256xf32, #tpu.memory_space<vmem>> -> memref<80x256xf32, #tpu.memory_space<vmem>>
        %dma_start3A_40 = arith.constant 0 : i32
        %dma_start3A_41 = tpu.memref_slice %arg2[%mul3A_35, %dma_start3A_40] : memref<10000x256xf32, #tpu.memory_space<hbm>> -> memref<80x256xf32, #tpu.memory_space<hbm>>
        %dma_start3A_42 = arith.constant 0 : i32
        %dma_start3A_43 = arith.constant 0 : i32
        %dma_start3A_44 = tpu.memref_slice %arg8[%dma_start3A_42, %dma_start3A_43] : memref<128x256xf32, #tpu.memory_space<vmem>> -> memref<80x256xf32, #tpu.memory_space<vmem>>
        %dma_start3A_45 = arith.constant 0 : i32
        %dma_start3A_46 = tpu.memref_slice %arg2[%mul3A_35, %dma_start3A_45] : memref<10000x256xf32, #tpu.memory_space<hbm>> -> memref<80x256xf32, #tpu.memory_space<hbm>>
        tpu.enqueue_dma source(%dma_start3A_46 : memref<80x256xf32, #tpu.memory_space<hbm>>) target(%dma_start3A_44 : memref<80x256xf32, #tpu.memory_space<vmem>>) target_semaphore(%run_scoped3A : memref<!tpu.dma_semaphore, #tpu.memory_space<semaphore_mem>>)
        %dma_wait3A = arith.constant 0 : i32
        %dma_wait3A_47 = arith.constant 0 : i32
        %dma_wait3A_48 = tpu.memref_slice %arg8[%dma_wait3A, %dma_wait3A_47] : memref<128x256xf32, #tpu.memory_space<vmem>> -> memref<80x256xf32, #tpu.memory_space<vmem>>
        %dma_wait3A_49 = arith.constant 0 : i32
        %dma_wait3A_50 = tpu.memref_slice %arg2[%mul3A_35, %dma_wait3A_49] : memref<10000x256xf32, #tpu.memory_space<hbm>> -> memref<80x256xf32, #tpu.memory_space<hbm>>
        %dma_wait3A_51 = arith.constant 0 : i32
        %dma_wait3A_52 = arith.constant 0 : i32
        %dma_wait3A_53 = tpu.memref_slice %arg8[%dma_wait3A_51, %dma_wait3A_52] : memref<128x256xf32, #tpu.memory_space<vmem>> -> memref<80x256xf32, #tpu.memory_space<vmem>>
        %dma_wait3A_54 = arith.constant 0 : i32
        %dma_wait3A_55 = tpu.memref_slice %arg2[%mul3A_35, %dma_wait3A_54] : memref<10000x256xf32, #tpu.memory_space<hbm>> -> memref<80x256xf32, #tpu.memory_space<hbm>>
        tpu.wait_dma2 semaphore(%run_scoped3A : memref<!tpu.dma_semaphore, #tpu.memory_space<semaphore_mem>>) src(%dma_wait3A_55 : memref<80x256xf32, #tpu.memory_space<hbm>>) dst(%dma_wait3A_53 : memref<80x256xf32, #tpu.memory_space<vmem>>)
        tpu.yield
      }) : () -> ()
      %mul3A_36 = arith.constant 80 : i32
      %mul3A_37 = arith.muli %add3A_2, %mul3A_36 : i32
      "tpu.region"() ({
        %run_scoped3A = tpu.sem_alloc : memref<!tpu.dma_semaphore, #tpu.memory_space<semaphore_mem>>
        %dma_start3A = arith.constant 0 : i32
        %dma_start3A_38 = arith.constant 0 : i32
        %dma_start3A_39 = tpu.memref_slice %arg8[%dma_start3A, %dma_start3A_38] : memref<128x256xf32, #tpu.memory_space<vmem>> -> memref<80x256xf32, #tpu.memory_space<vmem>>
        %dma_start3A_40 = arith.constant 0 : i32
        %dma_start3A_41 = tpu.memref_slice %arg6[%mul3A_37, %dma_start3A_40] : memref<50000x256xf32, #tpu.memory_space<hbm>> -> memref<80x256xf32, #tpu.memory_space<hbm>>
        %dma_start3A_42 = arith.constant 0 : i32
        %dma_start3A_43 = tpu.memref_slice %arg6[%mul3A_37, %dma_start3A_42] : memref<50000x256xf32, #tpu.memory_space<hbm>> -> memref<80x256xf32, #tpu.memory_space<hbm>>
        %dma_start3A_44 = arith.constant 0 : i32
        %dma_start3A_45 = arith.constant 0 : i32
        %dma_start3A_46 = tpu.memref_slice %arg8[%dma_start3A_44, %dma_start3A_45] : memref<128x256xf32, #tpu.memory_space<vmem>> -> memref<80x256xf32, #tpu.memory_space<vmem>>
        tpu.enqueue_dma source(%dma_start3A_46 : memref<80x256xf32, #tpu.memory_space<vmem>>) target(%dma_start3A_43 : memref<80x256xf32, #tpu.memory_space<hbm>>) target_semaphore(%run_scoped3A : memref<!tpu.dma_semaphore, #tpu.memory_space<semaphore_mem>>)
        %dma_wait3A = arith.constant 0 : i32
        %dma_wait3A_47 = arith.constant 0 : i32
        %dma_wait3A_48 = tpu.memref_slice %arg8[%dma_wait3A, %dma_wait3A_47] : memref<128x256xf32, #tpu.memory_space<vmem>> -> memref<80x256xf32, #tpu.memory_space<vmem>>
        %dma_wait3A_49 = arith.constant 0 : i32
        %dma_wait3A_50 = tpu.memref_slice %arg6[%mul3A_37, %dma_wait3A_49] : memref<50000x256xf32, #tpu.memory_space<hbm>> -> memref<80x256xf32, #tpu.memory_space<hbm>>
        %dma_wait3A_51 = arith.constant 0 : i32
        %dma_wait3A_52 = tpu.memref_slice %arg6[%mul3A_37, %dma_wait3A_51] : memref<50000x256xf32, #tpu.memory_space<hbm>> -> memref<80x256xf32, #tpu.memory_space<hbm>>
        %dma_wait3A_53 = arith.constant 0 : i32
        %dma_wait3A_54 = arith.constant 0 : i32
        %dma_wait3A_55 = tpu.memref_slice %arg8[%dma_wait3A_53, %dma_wait3A_54] : memref<128x256xf32, #tpu.memory_space<vmem>> -> memref<80x256xf32, #tpu.memory_space<vmem>>
        tpu.wait_dma2 semaphore(%run_scoped3A : memref<!tpu.dma_semaphore, #tpu.memory_space<semaphore_mem>>) src(%dma_wait3A_55 : memref<80x256xf32, #tpu.memory_space<vmem>>) dst(%dma_wait3A_52 : memref<80x256xf32, #tpu.memory_space<hbm>>)
        tpu.yield
      }) : () -> ()
    } else {
    }
    %add3A_5 = arith.constant 32 : i32
    %add3A_6 = arith.addi %add3A, %add3A_5 : i32
    %lt3A_7 = arith.constant 125 : i32
    %lt3A_8 = arith.cmpi slt, %add3A_6, %lt3A_7 : i32
    %convert_element_type3A_9 = arith.extui %lt3A_8 : i1 to i32
    %cond3A_10 = arith.constant 0 : i32
    %cond3A_11 = arith.cmpi ne, %convert_element_type3A_9, %cond3A_10 : i32
    scf.if %cond3A_11 {
      %mul3A_34 = arith.constant 80 : i32
      %mul3A_35 = arith.muli %add3A_6, %mul3A_34 : i32
      "tpu.region"() ({
        %run_scoped3A = tpu.sem_alloc : memref<!tpu.dma_semaphore, #tpu.memory_space<semaphore_mem>>
        %dma_start3A = arith.constant 0 : i32
        %dma_start3A_38 = arith.constant 0 : i32
        %dma_start3A_39 = tpu.memref_slice %arg8[%dma_start3A, %dma_start3A_38] : memref<128x256xf32, #tpu.memory_space<vmem>> -> memref<80x256xf32, #tpu.memory_space<vmem>>
        %dma_start3A_40 = arith.constant 0 : i32
        %dma_start3A_41 = tpu.memref_slice %arg2[%mul3A_35, %dma_start3A_40] : memref<10000x256xf32, #tpu.memory_space<hbm>> -> memref<80x256xf32, #tpu.memory_space<hbm>>
        %dma_start3A_42 = arith.constant 0 : i32
        %dma_start3A_43 = arith.constant 0 : i32
        %dma_start3A_44 = tpu.memref_slice %arg8[%dma_start3A_42, %dma_start3A_43] : memref<128x256xf32, #tpu.memory_space<vmem>> -> memref<80x256xf32, #tpu.memory_space<vmem>>
        %dma_start3A_45 = arith.constant 0 : i32
        %dma_start3A_46 = tpu.memref_slice %arg2[%mul3A_35, %dma_start3A_45] : memref<10000x256xf32, #tpu.memory_space<hbm>> -> memref<80x256xf32, #tpu.memory_space<hbm>>
        tpu.enqueue_dma source(%dma_start3A_46 : memref<80x256xf32, #tpu.memory_space<hbm>>) target(%dma_start3A_44 : memref<80x256xf32, #tpu.memory_space<vmem>>) target_semaphore(%run_scoped3A : memref<!tpu.dma_semaphore, #tpu.memory_space<semaphore_mem>>)
        %dma_wait3A = arith.constant 0 : i32
        %dma_wait3A_47 = arith.constant 0 : i32
        %dma_wait3A_48 = tpu.memref_slice %arg8[%dma_wait3A, %dma_wait3A_47] : memref<128x256xf32, #tpu.memory_space<vmem>> -> memref<80x256xf32, #tpu.memory_space<vmem>>
        %dma_wait3A_49 = arith.constant 0 : i32
        %dma_wait3A_50 = tpu.memref_slice %arg2[%mul3A_35, %dma_wait3A_49] : memref<10000x256xf32, #tpu.memory_space<hbm>> -> memref<80x256xf32, #tpu.memory_space<hbm>>
        %dma_wait3A_51 = arith.constant 0 : i32
        %dma_wait3A_52 = arith.constant 0 : i32
        %dma_wait3A_53 = tpu.memref_slice %arg8[%dma_wait3A_51, %dma_wait3A_52] : memref<128x256xf32, #tpu.memory_space<vmem>> -> memref<80x256xf32, #tpu.memory_space<vmem>>
        %dma_wait3A_54 = arith.constant 0 : i32
        %dma_wait3A_55 = tpu.memref_slice %arg2[%mul3A_35, %dma_wait3A_54] : memref<10000x256xf32, #tpu.memory_space<hbm>> -> memref<80x256xf32, #tpu.memory_space<hbm>>
        tpu.wait_dma2 semaphore(%run_scoped3A : memref<!tpu.dma_semaphore, #tpu.memory_space<semaphore_mem>>) src(%dma_wait3A_55 : memref<80x256xf32, #tpu.memory_space<hbm>>) dst(%dma_wait3A_53 : memref<80x256xf32, #tpu.memory_space<vmem>>)
        tpu.yield
      }) : () -> ()
      %mul3A_36 = arith.constant 80 : i32
      %mul3A_37 = arith.muli %add3A_6, %mul3A_36 : i32
      "tpu.region"() ({
        %run_scoped3A = tpu.sem_alloc : memref<!tpu.dma_semaphore, #tpu.memory_space<semaphore_mem>>
        %dma_start3A = arith.constant 0 : i32
        %dma_start3A_38 = arith.constant 0 : i32
        %dma_start3A_39 = tpu.memref_slice %arg8[%dma_start3A, %dma_start3A_38] : memref<128x256xf32, #tpu.memory_space<vmem>> -> memref<80x256xf32, #tpu.memory_space<vmem>>
        %dma_start3A_40 = arith.constant 0 : i32
        %dma_start3A_41 = tpu.memref_slice %arg6[%mul3A_37, %dma_start3A_40] : memref<50000x256xf32, #tpu.memory_space<hbm>> -> memref<80x256xf32, #tpu.memory_space<hbm>>
        %dma_start3A_42 = arith.constant 0 : i32
        %dma_start3A_43 = tpu.memref_slice %arg6[%mul3A_37, %dma_start3A_42] : memref<50000x256xf32, #tpu.memory_space<hbm>> -> memref<80x256xf32, #tpu.memory_space<hbm>>
        %dma_start3A_44 = arith.constant 0 : i32
        %dma_start3A_45 = arith.constant 0 : i32
        %dma_start3A_46 = tpu.memref_slice %arg8[%dma_start3A_44, %dma_start3A_45] : memref<128x256xf32, #tpu.memory_space<vmem>> -> memref<80x256xf32, #tpu.memory_space<vmem>>
        tpu.enqueue_dma source(%dma_start3A_46 : memref<80x256xf32, #tpu.memory_space<vmem>>) target(%dma_start3A_43 : memref<80x256xf32, #tpu.memory_space<hbm>>) target_semaphore(%run_scoped3A : memref<!tpu.dma_semaphore, #tpu.memory_space<semaphore_mem>>)
        %dma_wait3A = arith.constant 0 : i32
        %dma_wait3A_47 = arith.constant 0 : i32
        %dma_wait3A_48 = tpu.memref_slice %arg8[%dma_wait3A, %dma_wait3A_47] : memref<128x256xf32, #tpu.memory_space<vmem>> -> memref<80x256xf32, #tpu.memory_space<vmem>>
        %dma_wait3A_49 = arith.constant 0 : i32
        %dma_wait3A_50 = tpu.memref_slice %arg6[%mul3A_37, %dma_wait3A_49] : memref<50000x256xf32, #tpu.memory_space<hbm>> -> memref<80x256xf32, #tpu.memory_space<hbm>>
        %dma_wait3A_51 = arith.constant 0 : i32
        %dma_wait3A_52 = tpu.memref_slice %arg6[%mul3A_37, %dma_wait3A_51] : memref<50000x256xf32, #tpu.memory_space<hbm>> -> memref<80x256xf32, #tpu.memory_space<hbm>>
        %dma_wait3A_53 = arith.constant 0 : i32
        %dma_wait3A_54 = arith.constant 0 : i32
        %dma_wait3A_55 = tpu.memref_slice %arg8[%dma_wait3A_53, %dma_wait3A_54] : memref<128x256xf32, #tpu.memory_space<vmem>> -> memref<80x256xf32, #tpu.memory_space<vmem>>
        tpu.wait_dma2 semaphore(%run_scoped3A : memref<!tpu.dma_semaphore, #tpu.memory_space<semaphore_mem>>) src(%dma_wait3A_55 : memref<80x256xf32, #tpu.memory_space<vmem>>) dst(%dma_wait3A_52 : memref<80x256xf32, #tpu.memory_space<hbm>>)
        tpu.yield
      }) : () -> ()
    } else {
    }
    %add3A_12 = arith.constant 64 : i32
    %add3A_13 = arith.addi %add3A, %add3A_12 : i32
    %lt3A_14 = arith.constant 125 : i32
    %lt3A_15 = arith.cmpi slt, %add3A_13, %lt3A_14 : i32
    %convert_element_type3A_16 = arith.extui %lt3A_15 : i1 to i32
    %cond3A_17 = arith.constant 0 : i32
    %cond3A_18 = arith.cmpi ne, %convert_element_type3A_16, %cond3A_17 : i32
    scf.if %cond3A_18 {
      %mul3A_34 = arith.constant 80 : i32
      %mul3A_35 = arith.muli %add3A_13, %mul3A_34 : i32
      "tpu.region"() ({
        %run_scoped3A = tpu.sem_alloc : memref<!tpu.dma_semaphore, #tpu.memory_space<semaphore_mem>>
        %dma_start3A = arith.constant 0 : i32
        %dma_start3A_38 = arith.constant 0 : i32
        %dma_start3A_39 = tpu.memref_slice %arg8[%dma_start3A, %dma_start3A_38] : memref<128x256xf32, #tpu.memory_space<vmem>> -> memref<80x256xf32, #tpu.memory_space<vmem>>
        %dma_start3A_40 = arith.constant 0 : i32
        %dma_start3A_41 = tpu.memref_slice %arg2[%mul3A_35, %dma_start3A_40] : memref<10000x256xf32, #tpu.memory_space<hbm>> -> memref<80x256xf32, #tpu.memory_space<hbm>>
        %dma_start3A_42 = arith.constant 0 : i32
        %dma_start3A_43 = arith.constant 0 : i32
        %dma_start3A_44 = tpu.memref_slice %arg8[%dma_start3A_42, %dma_start3A_43] : memref<128x256xf32, #tpu.memory_space<vmem>> -> memref<80x256xf32, #tpu.memory_space<vmem>>
        %dma_start3A_45 = arith.constant 0 : i32
        %dma_start3A_46 = tpu.memref_slice %arg2[%mul3A_35, %dma_start3A_45] : memref<10000x256xf32, #tpu.memory_space<hbm>> -> memref<80x256xf32, #tpu.memory_space<hbm>>
        tpu.enqueue_dma source(%dma_start3A_46 : memref<80x256xf32, #tpu.memory_space<hbm>>) target(%dma_start3A_44 : memref<80x256xf32, #tpu.memory_space<vmem>>) target_semaphore(%run_scoped3A : memref<!tpu.dma_semaphore, #tpu.memory_space<semaphore_mem>>)
        %dma_wait3A = arith.constant 0 : i32
        %dma_wait3A_47 = arith.constant 0 : i32
        %dma_wait3A_48 = tpu.memref_slice %arg8[%dma_wait3A, %dma_wait3A_47] : memref<128x256xf32, #tpu.memory_space<vmem>> -> memref<80x256xf32, #tpu.memory_space<vmem>>
        %dma_wait3A_49 = arith.constant 0 : i32
        %dma_wait3A_50 = tpu.memref_slice %arg2[%mul3A_35, %dma_wait3A_49] : memref<10000x256xf32, #tpu.memory_space<hbm>> -> memref<80x256xf32, #tpu.memory_space<hbm>>
        %dma_wait3A_51 = arith.constant 0 : i32
        %dma_wait3A_52 = arith.constant 0 : i32
        %dma_wait3A_53 = tpu.memref_slice %arg8[%dma_wait3A_51, %dma_wait3A_52] : memref<128x256xf32, #tpu.memory_space<vmem>> -> memref<80x256xf32, #tpu.memory_space<vmem>>
        %dma_wait3A_54 = arith.constant 0 : i32
        %dma_wait3A_55 = tpu.memref_slice %arg2[%mul3A_35, %dma_wait3A_54] : memref<10000x256xf32, #tpu.memory_space<hbm>> -> memref<80x256xf32, #tpu.memory_space<hbm>>
        tpu.wait_dma2 semaphore(%run_scoped3A : memref<!tpu.dma_semaphore, #tpu.memory_space<semaphore_mem>>) src(%dma_wait3A_55 : memref<80x256xf32, #tpu.memory_space<hbm>>) dst(%dma_wait3A_53 : memref<80x256xf32, #tpu.memory_space<vmem>>)
        tpu.yield
      }) : () -> ()
      %mul3A_36 = arith.constant 80 : i32
      %mul3A_37 = arith.muli %add3A_13, %mul3A_36 : i32
      "tpu.region"() ({
        %run_scoped3A = tpu.sem_alloc : memref<!tpu.dma_semaphore, #tpu.memory_space<semaphore_mem>>
        %dma_start3A = arith.constant 0 : i32
        %dma_start3A_38 = arith.constant 0 : i32
        %dma_start3A_39 = tpu.memref_slice %arg8[%dma_start3A, %dma_start3A_38] : memref<128x256xf32, #tpu.memory_space<vmem>> -> memref<80x256xf32, #tpu.memory_space<vmem>>
        %dma_start3A_40 = arith.constant 0 : i32
        %dma_start3A_41 = tpu.memref_slice %arg6[%mul3A_37, %dma_start3A_40] : memref<50000x256xf32, #tpu.memory_space<hbm>> -> memref<80x256xf32, #tpu.memory_space<hbm>>
        %dma_start3A_42 = arith.constant 0 : i32
        %dma_start3A_43 = tpu.memref_slice %arg6[%mul3A_37, %dma_start3A_42] : memref<50000x256xf32, #tpu.memory_space<hbm>> -> memref<80x256xf32, #tpu.memory_space<hbm>>
        %dma_start3A_44 = arith.constant 0 : i32
        %dma_start3A_45 = arith.constant 0 : i32
        %dma_start3A_46 = tpu.memref_slice %arg8[%dma_start3A_44, %dma_start3A_45] : memref<128x256xf32, #tpu.memory_space<vmem>> -> memref<80x256xf32, #tpu.memory_space<vmem>>
        tpu.enqueue_dma source(%dma_start3A_46 : memref<80x256xf32, #tpu.memory_space<vmem>>) target(%dma_start3A_43 : memref<80x256xf32, #tpu.memory_space<hbm>>) target_semaphore(%run_scoped3A : memref<!tpu.dma_semaphore, #tpu.memory_space<semaphore_mem>>)
        %dma_wait3A = arith.constant 0 : i32
        %dma_wait3A_47 = arith.constant 0 : i32
        %dma_wait3A_48 = tpu.memref_slice %arg8[%dma_wait3A, %dma_wait3A_47] : memref<128x256xf32, #tpu.memory_space<vmem>> -> memref<80x256xf32, #tpu.memory_space<vmem>>
        %dma_wait3A_49 = arith.constant 0 : i32
        %dma_wait3A_50 = tpu.memref_slice %arg6[%mul3A_37, %dma_wait3A_49] : memref<50000x256xf32, #tpu.memory_space<hbm>> -> memref<80x256xf32, #tpu.memory_space<hbm>>
        %dma_wait3A_51 = arith.constant 0 : i32
        %dma_wait3A_52 = tpu.memref_slice %arg6[%mul3A_37, %dma_wait3A_51] : memref<50000x256xf32, #tpu.memory_space<hbm>> -> memref<80x256xf32, #tpu.memory_space<hbm>>
        %dma_wait3A_53 = arith.constant 0 : i32
        %dma_wait3A_54 = arith.constant 0 : i32
        %dma_wait3A_55 = tpu.memref_slice %arg8[%dma_wait3A_53, %dma_wait3A_54] : memref<128x256xf32, #tpu.memory_space<vmem>> -> memref<80x256xf32, #tpu.memory_space<vmem>>
        tpu.wait_dma2 semaphore(%run_scoped3A : memref<!tpu.dma_semaphore, #tpu.memory_space<semaphore_mem>>) src(%dma_wait3A_55 : memref<80x256xf32, #tpu.memory_space<vmem>>) dst(%dma_wait3A_52 : memref<80x256xf32, #tpu.memory_space<hbm>>)
        tpu.yield
      }) : () -> ()
    } else {
    }
    %add3A_19 = arith.constant 96 : i32
    %add3A_20 = arith.addi %add3A, %add3A_19 : i32
    %lt3A_21 = arith.constant 125 : i32
    %lt3A_22 = arith.cmpi slt, %add3A_20, %lt3A_21 : i32
    %convert_element_type3A_23 = arith.extui %lt3A_22 : i1 to i32
    %cond3A_24 = arith.constant 0 : i32
    %cond3A_25 = arith.cmpi ne, %convert_element_type3A_23, %cond3A_24 : i32
    scf.if %cond3A_25 {
      %mul3A_34 = arith.constant 80 : i32
      %mul3A_35 = arith.muli %add3A_20, %mul3A_34 : i32
      "tpu.region"() ({
        %run_scoped3A = tpu.sem_alloc : memref<!tpu.dma_semaphore, #tpu.memory_space<semaphore_mem>>
        %dma_start3A = arith.constant 0 : i32
        %dma_start3A_38 = arith.constant 0 : i32
        %dma_start3A_39 = tpu.memref_slice %arg8[%dma_start3A, %dma_start3A_38] : memref<128x256xf32, #tpu.memory_space<vmem>> -> memref<80x256xf32, #tpu.memory_space<vmem>>
        %dma_start3A_40 = arith.constant 0 : i32
        %dma_start3A_41 = tpu.memref_slice %arg2[%mul3A_35, %dma_start3A_40] : memref<10000x256xf32, #tpu.memory_space<hbm>> -> memref<80x256xf32, #tpu.memory_space<hbm>>
        %dma_start3A_42 = arith.constant 0 : i32
        %dma_start3A_43 = arith.constant 0 : i32
        %dma_start3A_44 = tpu.memref_slice %arg8[%dma_start3A_42, %dma_start3A_43] : memref<128x256xf32, #tpu.memory_space<vmem>> -> memref<80x256xf32, #tpu.memory_space<vmem>>
        %dma_start3A_45 = arith.constant 0 : i32
        %dma_start3A_46 = tpu.memref_slice %arg2[%mul3A_35, %dma_start3A_45] : memref<10000x256xf32, #tpu.memory_space<hbm>> -> memref<80x256xf32, #tpu.memory_space<hbm>>
        tpu.enqueue_dma source(%dma_start3A_46 : memref<80x256xf32, #tpu.memory_space<hbm>>) target(%dma_start3A_44 : memref<80x256xf32, #tpu.memory_space<vmem>>) target_semaphore(%run_scoped3A : memref<!tpu.dma_semaphore, #tpu.memory_space<semaphore_mem>>)
        %dma_wait3A = arith.constant 0 : i32
        %dma_wait3A_47 = arith.constant 0 : i32
        %dma_wait3A_48 = tpu.memref_slice %arg8[%dma_wait3A, %dma_wait3A_47] : memref<128x256xf32, #tpu.memory_space<vmem>> -> memref<80x256xf32, #tpu.memory_space<vmem>>
        %dma_wait3A_49 = arith.constant 0 : i32
        %dma_wait3A_50 = tpu.memref_slice %arg2[%mul3A_35, %dma_wait3A_49] : memref<10000x256xf32, #tpu.memory_space<hbm>> -> memref<80x256xf32, #tpu.memory_space<hbm>>
        %dma_wait3A_51 = arith.constant 0 : i32
        %dma_wait3A_52 = arith.constant 0 : i32
        %dma_wait3A_53 = tpu.memref_slice %arg8[%dma_wait3A_51, %dma_wait3A_52] : memref<128x256xf32, #tpu.memory_space<vmem>> -> memref<80x256xf32, #tpu.memory_space<vmem>>
        %dma_wait3A_54 = arith.constant 0 : i32
        %dma_wait3A_55 = tpu.memref_slice %arg2[%mul3A_35, %dma_wait3A_54] : memref<10000x256xf32, #tpu.memory_space<hbm>> -> memref<80x256xf32, #tpu.memory_space<hbm>>
        tpu.wait_dma2 semaphore(%run_scoped3A : memref<!tpu.dma_semaphore, #tpu.memory_space<semaphore_mem>>) src(%dma_wait3A_55 : memref<80x256xf32, #tpu.memory_space<hbm>>) dst(%dma_wait3A_53 : memref<80x256xf32, #tpu.memory_space<vmem>>)
        tpu.yield
      }) : () -> ()
      %mul3A_36 = arith.constant 80 : i32
      %mul3A_37 = arith.muli %add3A_20, %mul3A_36 : i32
      "tpu.region"() ({
        %run_scoped3A = tpu.sem_alloc : memref<!tpu.dma_semaphore, #tpu.memory_space<semaphore_mem>>
        %dma_start3A = arith.constant 0 : i32
        %dma_start3A_38 = arith.constant 0 : i32
        %dma_start3A_39 = tpu.memref_slice %arg8[%dma_start3A, %dma_start3A_38] : memref<128x256xf32, #tpu.memory_space<vmem>> -> memref<80x256xf32, #tpu.memory_space<vmem>>
        %dma_start3A_40 = arith.constant 0 : i32
        %dma_start3A_41 = tpu.memref_slice %arg6[%mul3A_37, %dma_start3A_40] : memref<50000x256xf32, #tpu.memory_space<hbm>> -> memref<80x256xf32, #tpu.memory_space<hbm>>
        %dma_start3A_42 = arith.constant 0 : i32
        %dma_start3A_43 = tpu.memref_slice %arg6[%mul3A_37, %dma_start3A_42] : memref<50000x256xf32, #tpu.memory_space<hbm>> -> memref<80x256xf32, #tpu.memory_space<hbm>>
        %dma_start3A_44 = arith.constant 0 : i32
        %dma_start3A_45 = arith.constant 0 : i32
        %dma_start3A_46 = tpu.memref_slice %arg8[%dma_start3A_44, %dma_start3A_45] : memref<128x256xf32, #tpu.memory_space<vmem>> -> memref<80x256xf32, #tpu.memory_space<vmem>>
        tpu.enqueue_dma source(%dma_start3A_46 : memref<80x256xf32, #tpu.memory_space<vmem>>) target(%dma_start3A_43 : memref<80x256xf32, #tpu.memory_space<hbm>>) target_semaphore(%run_scoped3A : memref<!tpu.dma_semaphore, #tpu.memory_space<semaphore_mem>>)
        %dma_wait3A = arith.constant 0 : i32
        %dma_wait3A_47 = arith.constant 0 : i32
        %dma_wait3A_48 = tpu.memref_slice %arg8[%dma_wait3A, %dma_wait3A_47] : memref<128x256xf32, #tpu.memory_space<vmem>> -> memref<80x256xf32, #tpu.memory_space<vmem>>
        %dma_wait3A_49 = arith.constant 0 : i32
        %dma_wait3A_50 = tpu.memref_slice %arg6[%mul3A_37, %dma_wait3A_49] : memref<50000x256xf32, #tpu.memory_space<hbm>> -> memref<80x256xf32, #tpu.memory_space<hbm>>
        %dma_wait3A_51 = arith.constant 0 : i32
        %dma_wait3A_52 = tpu.memref_slice %arg6[%mul3A_37, %dma_wait3A_51] : memref<50000x256xf32, #tpu.memory_space<hbm>> -> memref<80x256xf32, #tpu.memory_space<hbm>>
        %dma_wait3A_53 = arith.constant 0 : i32
        %dma_wait3A_54 = arith.constant 0 : i32
        %dma_wait3A_55 = tpu.memref_slice %arg8[%dma_wait3A_53, %dma_wait3A_54] : memref<128x256xf32, #tpu.memory_space<vmem>> -> memref<80x256xf32, #tpu.memory_space<vmem>>
        tpu.wait_dma2 semaphore(%run_scoped3A : memref<!tpu.dma_semaphore, #tpu.memory_space<semaphore_mem>>) src(%dma_wait3A_55 : memref<80x256xf32, #tpu.memory_space<vmem>>) dst(%dma_wait3A_52 : memref<80x256xf32, #tpu.memory_space<hbm>>)
        tpu.yield
      }) : () -> ()
    } else {
    }
    %mul3A_26 = arith.constant 1280 : i32
    %mul3A_27 = arith.muli %add3A, %mul3A_26 : i32
    %min3A = arith.constant 38720 : i32
    %min3A_28 = arith.minsi %mul3A_27, %min3A : i32
    %scan3A = arith.constant 0 : i32
    %scan3A_29 = arith.constant 0 : i32
    %scan3A_30 = arith.constant 10 : i32
    %scan3A_31 = arith.addi %scan3A_29, %scan3A_30 : i32
    %scan3A_32 = arith.constant 1 : i32
    scf.for %scan3A_34 = %scan3A_29 to %scan3A_31 step %scan3A_32  : i32 {
      %mul3A_35 = arith.constant 128 : i32
      %mul3A_36 = arith.muli %scan3A_34, %mul3A_35 : i32
      %add3A_37 = arith.addi %min3A_28, %mul3A_36 : i32
      %add3A_38 = arith.constant 0 : i32
      %add3A_39 = arith.addi %add3A_38, %add3A_37 : i32
      "tpu.region"() ({
        %run_scoped3A = tpu.sem_alloc : memref<!tpu.dma_semaphore, #tpu.memory_space<semaphore_mem>>
        %dma_start3A = tpu.memref_slice %arg5[%add3A_39] : memref<160000xi32, #tpu.memory_space<hbm>> -> memref<128xi32, #tpu.memory_space<hbm>>
        %dma_start3A_74 = tpu.memref_slice %arg5[%add3A_39] : memref<160000xi32, #tpu.memory_space<hbm>> -> memref<128xi32, #tpu.memory_space<hbm>>
        tpu.enqueue_dma source(%dma_start3A_74 : memref<128xi32, #tpu.memory_space<hbm>>) target(%arg11 : memref<128xi32, #tpu.memory_space<vmem>>) target_semaphore(%run_scoped3A : memref<!tpu.dma_semaphore, #tpu.memory_space<semaphore_mem>>)
        %dma_wait3A = tpu.memref_slice %arg5[%add3A_39] : memref<160000xi32, #tpu.memory_space<hbm>> -> memref<128xi32, #tpu.memory_space<hbm>>
        %dma_wait3A_75 = tpu.memref_slice %arg5[%add3A_39] : memref<160000xi32, #tpu.memory_space<hbm>> -> memref<128xi32, #tpu.memory_space<hbm>>
        tpu.wait_dma2 semaphore(%run_scoped3A : memref<!tpu.dma_semaphore, #tpu.memory_space<semaphore_mem>>) src(%dma_wait3A_75 : memref<128xi32, #tpu.memory_space<hbm>>) dst(%arg11 : memref<128xi32, #tpu.memory_space<vmem>>)
        tpu.yield
      }) : () -> ()
      "tpu.region"() ({
        %run_scoped3A = tpu.sem_alloc : memref<!tpu.dma_semaphore, #tpu.memory_space<semaphore_mem>>
        %dma_start3A = arith.constant 0 : i32
        %dma_start3A_74 = arith.constant 0 : i32
        %dma_start3A_75 = tpu.memref_slice %arg3[%dma_start3A, %dma_start3A_74] : memref<4096x256xf32, #tpu.memory_space<hbm>> -> memref<4096x256xf32, #tpu.memory_space<hbm>>
        tpu.enqueue_indirect_dma source(%dma_start3A_75 : memref<4096x256xf32, #tpu.memory_space<hbm>>) target(%arg8 : memref<128x256xf32, #tpu.memory_space<vmem>>) offsets(%arg11 : memref<128xi32, #tpu.memory_space<vmem>>) semaphore(%run_scoped3A : memref<!tpu.dma_semaphore, #tpu.memory_space<semaphore_mem>>)
        %dma_wait3A = arith.constant 0 : i32
        %dma_wait3A_76 = arith.constant 0 : i32
        %dma_wait3A_77 = tpu.memref_slice %arg3[%dma_wait3A, %dma_wait3A_76] : memref<4096x256xf32, #tpu.memory_space<hbm>> -> memref<4096x256xf32, #tpu.memory_space<hbm>>
        tpu.wait_indirect_dma semaphore(%run_scoped3A : memref<!tpu.dma_semaphore, #tpu.memory_space<semaphore_mem>>) src(%dma_wait3A_77 : memref<4096x256xf32, #tpu.memory_space<hbm>>) dst(%arg8 : memref<128x256xf32, #tpu.memory_space<vmem>>)
        tpu.yield
      }) : () -> ()
      "tpu.region"() ({
        %run_scoped3A = tpu.sem_alloc : memref<!tpu.dma_semaphore, #tpu.memory_space<semaphore_mem>>
        %dma_start3A = arith.constant 0 : i32
        %dma_start3A_74 = arith.constant 0 : i32
        %dma_start3A_75 = tpu.memref_slice %arg4[%dma_start3A, %dma_start3A_74] : memref<4096x128xf32, #tpu.memory_space<hbm>> -> memref<4096x128xf32, #tpu.memory_space<hbm>>
        tpu.enqueue_indirect_dma source(%dma_start3A_75 : memref<4096x128xf32, #tpu.memory_space<hbm>>) target(%arg10 : memref<128x128xf32, #tpu.memory_space<vmem>>) offsets(%arg11 : memref<128xi32, #tpu.memory_space<vmem>>) semaphore(%run_scoped3A : memref<!tpu.dma_semaphore, #tpu.memory_space<semaphore_mem>>)
        %dma_wait3A = arith.constant 0 : i32
        %dma_wait3A_76 = arith.constant 0 : i32
        %dma_wait3A_77 = tpu.memref_slice %arg4[%dma_wait3A, %dma_wait3A_76] : memref<4096x128xf32, #tpu.memory_space<hbm>> -> memref<4096x128xf32, #tpu.memory_space<hbm>>
        tpu.wait_indirect_dma semaphore(%run_scoped3A : memref<!tpu.dma_semaphore, #tpu.memory_space<semaphore_mem>>) src(%dma_wait3A_77 : memref<4096x128xf32, #tpu.memory_space<hbm>>) dst(%arg10 : memref<128x128xf32, #tpu.memory_space<vmem>>)
        tpu.yield
      }) : () -> ()
      %add3A_40 = arith.constant 0 : i32
      %add3A_41 = arith.addi %add3A_40, %add3A_37 : i32
      "tpu.region"() ({
        %run_scoped3A = tpu.sem_alloc : memref<!tpu.dma_semaphore, #tpu.memory_space<semaphore_mem>>
        %dma_start3A = arith.constant 0 : i32
        %dma_start3A_74 = tpu.memref_slice %arg7[%add3A_41, %dma_start3A] : memref<160000x128xf32, #tpu.memory_space<hbm>> -> memref<128x128xf32, #tpu.memory_space<hbm>>
        %dma_start3A_75 = arith.constant 0 : i32
        %dma_start3A_76 = tpu.memref_slice %arg7[%add3A_41, %dma_start3A_75] : memref<160000x128xf32, #tpu.memory_space<hbm>> -> memref<128x128xf32, #tpu.memory_space<hbm>>
        tpu.enqueue_dma source(%arg10 : memref<128x128xf32, #tpu.memory_space<vmem>>) target(%dma_start3A_76 : memref<128x128xf32, #tpu.memory_space<hbm>>) target_semaphore(%run_scoped3A : memref<!tpu.dma_semaphore, #tpu.memory_space<semaphore_mem>>)
        %dma_wait3A = arith.constant 0 : i32
        %dma_wait3A_77 = tpu.memref_slice %arg7[%add3A_41, %dma_wait3A] : memref<160000x128xf32, #tpu.memory_space<hbm>> -> memref<128x128xf32, #tpu.memory_space<hbm>>
        %dma_wait3A_78 = arith.constant 0 : i32
        %dma_wait3A_79 = tpu.memref_slice %arg7[%add3A_41, %dma_wait3A_78] : memref<160000x128xf32, #tpu.memory_space<hbm>> -> memref<128x128xf32, #tpu.memory_space<hbm>>
        tpu.wait_dma2 semaphore(%run_scoped3A : memref<!tpu.dma_semaphore, #tpu.memory_space<semaphore_mem>>) src(%arg10 : memref<128x128xf32, #tpu.memory_space<vmem>>) dst(%dma_wait3A_79 : memref<128x128xf32, #tpu.memory_space<hbm>>)
        tpu.yield
      }) : () -> ()
      %add3A_42 = arith.constant 40000 : i32
      %add3A_43 = arith.addi %add3A_42, %add3A_37 : i32
      "tpu.region"() ({
        %run_scoped3A = tpu.sem_alloc : memref<!tpu.dma_semaphore, #tpu.memory_space<semaphore_mem>>
        %dma_start3A = tpu.memref_slice %arg5[%add3A_43] : memref<160000xi32, #tpu.memory_space<hbm>> -> memref<128xi32, #tpu.memory_space<hbm>>
        %dma_start3A_74 = tpu.memref_slice %arg5[%add3A_43] : memref<160000xi32, #tpu.memory_space<hbm>> -> memref<128xi32, #tpu.memory_space<hbm>>
        tpu.enqueue_dma source(%dma_start3A_74 : memref<128xi32, #tpu.memory_space<hbm>>) target(%arg11 : memref<128xi32, #tpu.memory_space<vmem>>) target_semaphore(%run_scoped3A : memref<!tpu.dma_semaphore, #tpu.memory_space<semaphore_mem>>)
        %dma_wait3A = tpu.memref_slice %arg5[%add3A_43] : memref<160000xi32, #tpu.memory_space<hbm>> -> memref<128xi32, #tpu.memory_space<hbm>>
        %dma_wait3A_75 = tpu.memref_slice %arg5[%add3A_43] : memref<160000xi32, #tpu.memory_space<hbm>> -> memref<128xi32, #tpu.memory_space<hbm>>
        tpu.wait_dma2 semaphore(%run_scoped3A : memref<!tpu.dma_semaphore, #tpu.memory_space<semaphore_mem>>) src(%dma_wait3A_75 : memref<128xi32, #tpu.memory_space<hbm>>) dst(%arg11 : memref<128xi32, #tpu.memory_space<vmem>>)
        tpu.yield
      }) : () -> ()
      "tpu.region"() ({
        %run_scoped3A = tpu.sem_alloc : memref<!tpu.dma_semaphore, #tpu.memory_space<semaphore_mem>>
        %dma_start3A = arith.constant 0 : i32
        %dma_start3A_74 = arith.constant 0 : i32
        %dma_start3A_75 = tpu.memref_slice %arg3[%dma_start3A, %dma_start3A_74] : memref<4096x256xf32, #tpu.memory_space<hbm>> -> memref<4096x256xf32, #tpu.memory_space<hbm>>
        tpu.enqueue_indirect_dma source(%dma_start3A_75 : memref<4096x256xf32, #tpu.memory_space<hbm>>) target(%arg9 : memref<128x256xf32, #tpu.memory_space<vmem>>) offsets(%arg11 : memref<128xi32, #tpu.memory_space<vmem>>) semaphore(%run_scoped3A : memref<!tpu.dma_semaphore, #tpu.memory_space<semaphore_mem>>)
        %dma_wait3A = arith.constant 0 : i32
        %dma_wait3A_76 = arith.constant 0 : i32
        %dma_wait3A_77 = tpu.memref_slice %arg3[%dma_wait3A, %dma_wait3A_76] : memref<4096x256xf32, #tpu.memory_space<hbm>> -> memref<4096x256xf32, #tpu.memory_space<hbm>>
        tpu.wait_indirect_dma semaphore(%run_scoped3A : memref<!tpu.dma_semaphore, #tpu.memory_space<semaphore_mem>>) src(%dma_wait3A_77 : memref<4096x256xf32, #tpu.memory_space<hbm>>) dst(%arg9 : memref<128x256xf32, #tpu.memory_space<vmem>>)
        tpu.yield
      }) : () -> ()
      %scan3A_44 = arith.constant 0 : i32
      %scan3A_45 = arith.constant 0 : i32
      %scan3A_46 = arith.constant 128 : i32
      %scan3A_47 = arith.addi %scan3A_45, %scan3A_46 : i32
      %scan3A_48 = arith.constant 1 : i32
      scf.for %scan3A_74 = %scan3A_45 to %scan3A_47 step %scan3A_48  : i32 {
        %get3A = arith.index_cast %scan3A_74 : i32 to index
        %get3A_75 = arith.constant 0 : index
        %get3A_76 = tpu.vector_load %arg8[%get3A, %get3A_75] {strides = array<i32>} : memref<128x256xf32, #tpu.memory_space<vmem>>, vector<16xf32>,
        %get3A_77 = arith.index_cast %scan3A_74 : i32 to index
        %get3A_78 = arith.constant 0 : index
        %get3A_79 = tpu.vector_load %arg9[%get3A_77, %get3A_78] {strides = array<i32>} : memref<128x256xf32, #tpu.memory_space<vmem>>, vector<16xf32>,
        %add3A_80 = arith.addf %get3A_76, %get3A_79 : vector<16xf32>
        %swap3A = arith.index_cast %scan3A_74 : i32 to index
        %swap3A_81 = arith.constant 0 : index
        %swap3A_82 = tpu.vector_load %arg8[%swap3A, %swap3A_81] {strides = array<i32>} : memref<128x256xf32, #tpu.memory_space<vmem>>, vector<16xf32>,
        tpu.vector_store %arg8[%swap3A, %swap3A_81], %add3A_80 {strides = array<i32>} : memref<128x256xf32, #tpu.memory_space<vmem>>, vector<16xf32>,
        %get3A_83 = arith.index_cast %scan3A_74 : i32 to index
        %get3A_84 = arith.constant 16 : index
        %get3A_85 = tpu.vector_load %arg8[%get3A_83, %get3A_84] {strides = array<i32>} : memref<128x256xf32, #tpu.memory_space<vmem>>, vector<16xf32>,
        %get3A_86 = arith.index_cast %scan3A_74 : i32 to index
        %get3A_87 = arith.constant 16 : index
        %get3A_88 = tpu.vector_load %arg9[%get3A_86, %get3A_87] {strides = array<i32>} : memref<128x256xf32, #tpu.memory_space<vmem>>, vector<16xf32>,
        %add3A_89 = arith.addf %get3A_85, %get3A_88 : vector<16xf32>
        %swap3A_90 = arith.index_cast %scan3A_74 : i32 to index
        %swap3A_91 = arith.constant 16 : index
        %swap3A_92 = tpu.vector_load %arg8[%swap3A_90, %swap3A_91] {strides = array<i32>} : memref<128x256xf32, #tpu.memory_space<vmem>>, vector<16xf32>,
        tpu.vector_store %arg8[%swap3A_90, %swap3A_91], %add3A_89 {strides = array<i32>} : memref<128x256xf32, #tpu.memory_space<vmem>>, vector<16xf32>,
        %get3A_93 = arith.index_cast %scan3A_74 : i32 to index
        %get3A_94 = arith.constant 32 : index
        %get3A_95 = tpu.vector_load %arg8[%get3A_93, %get3A_94] {strides = array<i32>} : memref<128x256xf32, #tpu.memory_space<vmem>>, vector<16xf32>,
        %get3A_96 = arith.index_cast %scan3A_74 : i32 to index
        %get3A_97 = arith.constant 32 : index
        %get3A_98 = tpu.vector_load %arg9[%get3A_96, %get3A_97] {strides = array<i32>} : memref<128x256xf32, #tpu.memory_space<vmem>>, vector<16xf32>,
        %add3A_99 = arith.addf %get3A_95, %get3A_98 : vector<16xf32>
        %swap3A_100 = arith.index_cast %scan3A_74 : i32 to index
        %swap3A_101 = arith.constant 32 : index
        %swap3A_102 = tpu.vector_load %arg8[%swap3A_100, %swap3A_101] {strides = array<i32>} : memref<128x256xf32, #tpu.memory_space<vmem>>, vector<16xf32>,
        tpu.vector_store %arg8[%swap3A_100, %swap3A_101], %add3A_99 {strides = array<i32>} : memref<128x256xf32, #tpu.memory_space<vmem>>, vector<16xf32>,
        %get3A_103 = arith.index_cast %scan3A_74 : i32 to index
        %get3A_104 = arith.constant 48 : index
        %get3A_105 = tpu.vector_load %arg8[%get3A_103, %get3A_104] {strides = array<i32>} : memref<128x256xf32, #tpu.memory_space<vmem>>, vector<16xf32>,
        %get3A_106 = arith.index_cast %scan3A_74 : i32 to index
        %get3A_107 = arith.constant 48 : index
        %get3A_108 = tpu.vector_load %arg9[%get3A_106, %get3A_107] {strides = array<i32>} : memref<128x256xf32, #tpu.memory_space<vmem>>, vector<16xf32>,
        %add3A_109 = arith.addf %get3A_105, %get3A_108 : vector<16xf32>
        %swap3A_110 = arith.index_cast %scan3A_74 : i32 to index
        %swap3A_111 = arith.constant 48 : index
        %swap3A_112 = tpu.vector_load %arg8[%swap3A_110, %swap3A_111] {strides = array<i32>} : memref<128x256xf32, #tpu.memory_space<vmem>>, vector<16xf32>,
        tpu.vector_store %arg8[%swap3A_110, %swap3A_111], %add3A_109 {strides = array<i32>} : memref<128x256xf32, #tpu.memory_space<vmem>>, vector<16xf32>,
        %get3A_113 = arith.index_cast %scan3A_74 : i32 to index
        %get3A_114 = arith.constant 64 : index
        %get3A_115 = tpu.vector_load %arg8[%get3A_113, %get3A_114] {strides = array<i32>} : memref<128x256xf32, #tpu.memory_space<vmem>>, vector<16xf32>,
        %get3A_116 = arith.index_cast %scan3A_74 : i32 to index
        %get3A_117 = arith.constant 64 : index
        %get3A_118 = tpu.vector_load %arg9[%get3A_116, %get3A_117] {strides = array<i32>} : memref<128x256xf32, #tpu.memory_space<vmem>>, vector<16xf32>,
        %add3A_119 = arith.addf %get3A_115, %get3A_118 : vector<16xf32>
        %swap3A_120 = arith.index_cast %scan3A_74 : i32 to index
        %swap3A_121 = arith.constant 64 : index
        %swap3A_122 = tpu.vector_load %arg8[%swap3A_120, %swap3A_121] {strides = array<i32>} : memref<128x256xf32, #tpu.memory_space<vmem>>, vector<16xf32>,
        tpu.vector_store %arg8[%swap3A_120, %swap3A_121], %add3A_119 {strides = array<i32>} : memref<128x256xf32, #tpu.memory_space<vmem>>, vector<16xf32>,
        %get3A_123 = arith.index_cast %scan3A_74 : i32 to index
        %get3A_124 = arith.constant 80 : index
        %get3A_125 = tpu.vector_load %arg8[%get3A_123, %get3A_124] {strides = array<i32>} : memref<128x256xf32, #tpu.memory_space<vmem>>, vector<16xf32>,
        %get3A_126 = arith.index_cast %scan3A_74 : i32 to index
        %get3A_127 = arith.constant 80 : index
        %get3A_128 = tpu.vector_load %arg9[%get3A_126, %get3A_127] {strides = array<i32>} : memref<128x256xf32, #tpu.memory_space<vmem>>, vector<16xf32>,
        %add3A_129 = arith.addf %get3A_125, %get3A_128 : vector<16xf32>
        %swap3A_130 = arith.index_cast %scan3A_74 : i32 to index
        %swap3A_131 = arith.constant 80 : index
        %swap3A_132 = tpu.vector_load %arg8[%swap3A_130, %swap3A_131] {strides = array<i32>} : memref<128x256xf32, #tpu.memory_space<vmem>>, vector<16xf32>,
        tpu.vector_store %arg8[%swap3A_130, %swap3A_131], %add3A_129 {strides = array<i32>} : memref<128x256xf32, #tpu.memory_space<vmem>>, vector<16xf32>,
        %get3A_133 = arith.index_cast %scan3A_74 : i32 to index
        %get3A_134 = arith.constant 96 : index
        %get3A_135 = tpu.vector_load %arg8[%get3A_133, %get3A_134] {strides = array<i32>} : memref<128x256xf32, #tpu.memory_space<vmem>>, vector<16xf32>,
        %get3A_136 = arith.index_cast %scan3A_74 : i32 to index
        %get3A_137 = arith.constant 96 : index
        %get3A_138 = tpu.vector_load %arg9[%get3A_136, %get3A_137] {strides = array<i32>} : memref<128x256xf32, #tpu.memory_space<vmem>>, vector<16xf32>,
        %add3A_139 = arith.addf %get3A_135, %get3A_138 : vector<16xf32>
        %swap3A_140 = arith.index_cast %scan3A_74 : i32 to index
        %swap3A_141 = arith.constant 96 : index
        %swap3A_142 = tpu.vector_load %arg8[%swap3A_140, %swap3A_141] {strides = array<i32>} : memref<128x256xf32, #tpu.memory_space<vmem>>, vector<16xf32>,
        tpu.vector_store %arg8[%swap3A_140, %swap3A_141], %add3A_139 {strides = array<i32>} : memref<128x256xf32, #tpu.memory_space<vmem>>, vector<16xf32>,
        %get3A_143 = arith.index_cast %scan3A_74 : i32 to index
        %get3A_144 = arith.constant 112 : index
        %get3A_145 = tpu.vector_load %arg8[%get3A_143, %get3A_144] {strides = array<i32>} : memref<128x256xf32, #tpu.memory_space<vmem>>, vector<16xf32>,
        %get3A_146 = arith.index_cast %scan3A_74 : i32 to index
        %get3A_147 = arith.constant 112 : index
        %get3A_148 = tpu.vector_load %arg9[%get3A_146, %get3A_147] {strides = array<i32>} : memref<128x256xf32, #tpu.memory_space<vmem>>, vector<16xf32>,
        %add3A_149 = arith.addf %get3A_145, %get3A_148 : vector<16xf32>
        %swap3A_150 = arith.index_cast %scan3A_74 : i32 to index
        %swap3A_151 = arith.constant 112 : index
        %swap3A_152 = tpu.vector_load %arg8[%swap3A_150, %swap3A_151] {strides = array<i32>} : memref<128x256xf32, #tpu.memory_space<vmem>>, vector<16xf32>,
        tpu.vector_store %arg8[%swap3A_150, %swap3A_151], %add3A_149 {strides = array<i32>} : memref<128x256xf32, #tpu.memory_space<vmem>>, vector<16xf32>,
        %get3A_153 = arith.index_cast %scan3A_74 : i32 to index
        %get3A_154 = arith.constant 128 : index
        %get3A_155 = tpu.vector_load %arg8[%get3A_153, %get3A_154] {strides = array<i32>} : memref<128x256xf32, #tpu.memory_space<vmem>>, vector<16xf32>,
        %get3A_156 = arith.index_cast %scan3A_74 : i32 to index
        %get3A_157 = arith.constant 128 : index
        %get3A_158 = tpu.vector_load %arg9[%get3A_156, %get3A_157] {strides = array<i32>} : memref<128x256xf32, #tpu.memory_space<vmem>>, vector<16xf32>,
        %add3A_159 = arith.addf %get3A_155, %get3A_158 : vector<16xf32>
        %swap3A_160 = arith.index_cast %scan3A_74 : i32 to index
        %swap3A_161 = arith.constant 128 : index
        %swap3A_162 = tpu.vector_load %arg8[%swap3A_160, %swap3A_161] {strides = array<i32>} : memref<128x256xf32, #tpu.memory_space<vmem>>, vector<16xf32>,
        tpu.vector_store %arg8[%swap3A_160, %swap3A_161], %add3A_159 {strides = array<i32>} : memref<128x256xf32, #tpu.memory_space<vmem>>, vector<16xf32>,
        %get3A_163 = arith.index_cast %scan3A_74 : i32 to index
        %get3A_164 = arith.constant 144 : index
        %get3A_165 = tpu.vector_load %arg8[%get3A_163, %get3A_164] {strides = array<i32>} : memref<128x256xf32, #tpu.memory_space<vmem>>, vector<16xf32>,
        %get3A_166 = arith.index_cast %scan3A_74 : i32 to index
        %get3A_167 = arith.constant 144 : index
        %get3A_168 = tpu.vector_load %arg9[%get3A_166, %get3A_167] {strides = array<i32>} : memref<128x256xf32, #tpu.memory_space<vmem>>, vector<16xf32>,
        %add3A_169 = arith.addf %get3A_165, %get3A_168 : vector<16xf32>
        %swap3A_170 = arith.index_cast %scan3A_74 : i32 to index
        %swap3A_171 = arith.constant 144 : index
        %swap3A_172 = tpu.vector_load %arg8[%swap3A_170, %swap3A_171] {strides = array<i32>} : memref<128x256xf32, #tpu.memory_space<vmem>>, vector<16xf32>,
        tpu.vector_store %arg8[%swap3A_170, %swap3A_171], %add3A_169 {strides = array<i32>} : memref<128x256xf32, #tpu.memory_space<vmem>>, vector<16xf32>,
        %get3A_173 = arith.index_cast %scan3A_74 : i32 to index
        %get3A_174 = arith.constant 160 : index
        %get3A_175 = tpu.vector_load %arg8[%get3A_173, %get3A_174] {strides = array<i32>} : memref<128x256xf32, #tpu.memory_space<vmem>>, vector<16xf32>,
        %get3A_176 = arith.index_cast %scan3A_74 : i32 to index
        %get3A_177 = arith.constant 160 : index
        %get3A_178 = tpu.vector_load %arg9[%get3A_176, %get3A_177] {strides = array<i32>} : memref<128x256xf32, #tpu.memory_space<vmem>>, vector<16xf32>,
        %add3A_179 = arith.addf %get3A_175, %get3A_178 : vector<16xf32>
        %swap3A_180 = arith.index_cast %scan3A_74 : i32 to index
        %swap3A_181 = arith.constant 160 : index
        %swap3A_182 = tpu.vector_load %arg8[%swap3A_180, %swap3A_181] {strides = array<i32>} : memref<128x256xf32, #tpu.memory_space<vmem>>, vector<16xf32>,
        tpu.vector_store %arg8[%swap3A_180, %swap3A_181], %add3A_179 {strides = array<i32>} : memref<128x256xf32, #tpu.memory_space<vmem>>, vector<16xf32>,
        %get3A_183 = arith.index_cast %scan3A_74 : i32 to index
        %get3A_184 = arith.constant 176 : index
        %get3A_185 = tpu.vector_load %arg8[%get3A_183, %get3A_184] {strides = array<i32>} : memref<128x256xf32, #tpu.memory_space<vmem>>, vector<16xf32>,
        %get3A_186 = arith.index_cast %scan3A_74 : i32 to index
        %get3A_187 = arith.constant 176 : index
        %get3A_188 = tpu.vector_load %arg9[%get3A_186, %get3A_187] {strides = array<i32>} : memref<128x256xf32, #tpu.memory_space<vmem>>, vector<16xf32>,
        %add3A_189 = arith.addf %get3A_185, %get3A_188 : vector<16xf32>
        %swap3A_190 = arith.index_cast %scan3A_74 : i32 to index
        %swap3A_191 = arith.constant 176 : index
        %swap3A_192 = tpu.vector_load %arg8[%swap3A_190, %swap3A_191] {strides = array<i32>} : memref<128x256xf32, #tpu.memory_space<vmem>>, vector<16xf32>,
        tpu.vector_store %arg8[%swap3A_190, %swap3A_191], %add3A_189 {strides = array<i32>} : memref<128x256xf32, #tpu.memory_space<vmem>>, vector<16xf32>,
        %get3A_193 = arith.index_cast %scan3A_74 : i32 to index
        %get3A_194 = arith.constant 192 : index
        %get3A_195 = tpu.vector_load %arg8[%get3A_193, %get3A_194] {strides = array<i32>} : memref<128x256xf32, #tpu.memory_space<vmem>>, vector<16xf32>,
        %get3A_196 = arith.index_cast %scan3A_74 : i32 to index
        %get3A_197 = arith.constant 192 : index
        %get3A_198 = tpu.vector_load %arg9[%get3A_196, %get3A_197] {strides = array<i32>} : memref<128x256xf32, #tpu.memory_space<vmem>>, vector<16xf32>,
        %add3A_199 = arith.addf %get3A_195, %get3A_198 : vector<16xf32>
        %swap3A_200 = arith.index_cast %scan3A_74 : i32 to index
        %swap3A_201 = arith.constant 192 : index
        %swap3A_202 = tpu.vector_load %arg8[%swap3A_200, %swap3A_201] {strides = array<i32>} : memref<128x256xf32, #tpu.memory_space<vmem>>, vector<16xf32>,
        tpu.vector_store %arg8[%swap3A_200, %swap3A_201], %add3A_199 {strides = array<i32>} : memref<128x256xf32, #tpu.memory_space<vmem>>, vector<16xf32>,
        %get3A_203 = arith.index_cast %scan3A_74 : i32 to index
        %get3A_204 = arith.constant 208 : index
        %get3A_205 = tpu.vector_load %arg8[%get3A_203, %get3A_204] {strides = array<i32>} : memref<128x256xf32, #tpu.memory_space<vmem>>, vector<16xf32>,
        %get3A_206 = arith.index_cast %scan3A_74 : i32 to index
        %get3A_207 = arith.constant 208 : index
        %get3A_208 = tpu.vector_load %arg9[%get3A_206, %get3A_207] {strides = array<i32>} : memref<128x256xf32, #tpu.memory_space<vmem>>, vector<16xf32>,
        %add3A_209 = arith.addf %get3A_205, %get3A_208 : vector<16xf32>
        %swap3A_210 = arith.index_cast %scan3A_74 : i32 to index
        %swap3A_211 = arith.constant 208 : index
        %swap3A_212 = tpu.vector_load %arg8[%swap3A_210, %swap3A_211] {strides = array<i32>} : memref<128x256xf32, #tpu.memory_space<vmem>>, vector<16xf32>,
        tpu.vector_store %arg8[%swap3A_210, %swap3A_211], %add3A_209 {strides = array<i32>} : memref<128x256xf32, #tpu.memory_space<vmem>>, vector<16xf32>,
        %get3A_213 = arith.index_cast %scan3A_74 : i32 to index
        %get3A_214 = arith.constant 224 : index
        %get3A_215 = tpu.vector_load %arg8[%get3A_213, %get3A_214] {strides = array<i32>} : memref<128x256xf32, #tpu.memory_space<vmem>>, vector<16xf32>,
        %get3A_216 = arith.index_cast %scan3A_74 : i32 to index
        %get3A_217 = arith.constant 224 : index
        %get3A_218 = tpu.vector_load %arg9[%get3A_216, %get3A_217] {strides = array<i32>} : memref<128x256xf32, #tpu.memory_space<vmem>>, vector<16xf32>,
        %add3A_219 = arith.addf %get3A_215, %get3A_218 : vector<16xf32>
        %swap3A_220 = arith.index_cast %scan3A_74 : i32 to index
        %swap3A_221 = arith.constant 224 : index
        %swap3A_222 = tpu.vector_load %arg8[%swap3A_220, %swap3A_221] {strides = array<i32>} : memref<128x256xf32, #tpu.memory_space<vmem>>, vector<16xf32>,
        tpu.vector_store %arg8[%swap3A_220, %swap3A_221], %add3A_219 {strides = array<i32>} : memref<128x256xf32, #tpu.memory_space<vmem>>, vector<16xf32>,
        %get3A_223 = arith.index_cast %scan3A_74 : i32 to index
        %get3A_224 = arith.constant 240 : index
        %get3A_225 = tpu.vector_load %arg8[%get3A_223, %get3A_224] {strides = array<i32>} : memref<128x256xf32, #tpu.memory_space<vmem>>, vector<16xf32>,
        %get3A_226 = arith.index_cast %scan3A_74 : i32 to index
        %get3A_227 = arith.constant 240 : index
        %get3A_228 = tpu.vector_load %arg9[%get3A_226, %get3A_227] {strides = array<i32>} : memref<128x256xf32, #tpu.memory_space<vmem>>, vector<16xf32>,
        %add3A_229 = arith.addf %get3A_225, %get3A_228 : vector<16xf32>
        %swap3A_230 = arith.index_cast %scan3A_74 : i32 to index
        %swap3A_231 = arith.constant 240 : index
        %swap3A_232 = tpu.vector_load %arg8[%swap3A_230, %swap3A_231] {strides = array<i32>} : memref<128x256xf32, #tpu.memory_space<vmem>>, vector<16xf32>,
        tpu.vector_store %arg8[%swap3A_230, %swap3A_231], %add3A_229 {strides = array<i32>} : memref<128x256xf32, #tpu.memory_space<vmem>>, vector<16xf32>,
      }
      %scan3A_49 = arith.constant 128 : i32
      "tpu.region"() ({
        %run_scoped3A = tpu.sem_alloc : memref<!tpu.dma_semaphore, #tpu.memory_space<semaphore_mem>>
        %dma_start3A = arith.constant 0 : i32
        %dma_start3A_74 = arith.constant 0 : i32
        %dma_start3A_75 = tpu.memref_slice %arg4[%dma_start3A, %dma_start3A_74] : memref<4096x128xf32, #tpu.memory_space<hbm>> -> memref<4096x128xf32, #tpu.memory_space<hbm>>
        tpu.enqueue_indirect_dma source(%dma_start3A_75 : memref<4096x128xf32, #tpu.memory_space<hbm>>) target(%arg10 : memref<128x128xf32, #tpu.memory_space<vmem>>) offsets(%arg11 : memref<128xi32, #tpu.memory_space<vmem>>) semaphore(%run_scoped3A : memref<!tpu.dma_semaphore, #tpu.memory_space<semaphore_mem>>)
        %dma_wait3A = arith.constant 0 : i32
        %dma_wait3A_76 = arith.constant 0 : i32
        %dma_wait3A_77 = tpu.memref_slice %arg4[%dma_wait3A, %dma_wait3A_76] : memref<4096x128xf32, #tpu.memory_space<hbm>> -> memref<4096x128xf32, #tpu.memory_space<hbm>>
        tpu.wait_indirect_dma semaphore(%run_scoped3A : memref<!tpu.dma_semaphore, #tpu.memory_space<semaphore_mem>>) src(%dma_wait3A_77 : memref<4096x128xf32, #tpu.memory_space<hbm>>) dst(%arg10 : memref<128x128xf32, #tpu.memory_space<vmem>>)
        tpu.yield
      }) : () -> ()
      %add3A_50 = arith.constant 40000 : i32
      %add3A_51 = arith.addi %add3A_50, %add3A_37 : i32
      "tpu.region"() ({
        %run_scoped3A = tpu.sem_alloc : memref<!tpu.dma_semaphore, #tpu.memory_space<semaphore_mem>>
        %dma_start3A = arith.constant 0 : i32
        %dma_start3A_74 = tpu.memref_slice %arg7[%add3A_51, %dma_start3A] : memref<160000x128xf32, #tpu.memory_space<hbm>> -> memref<128x128xf32, #tpu.memory_space<hbm>>
        %dma_start3A_75 = arith.constant 0 : i32
        %dma_start3A_76 = tpu.memref_slice %arg7[%add3A_51, %dma_start3A_75] : memref<160000x128xf32, #tpu.memory_space<hbm>> -> memref<128x128xf32, #tpu.memory_space<hbm>>
        tpu.enqueue_dma source(%arg10 : memref<128x128xf32, #tpu.memory_space<vmem>>) target(%dma_start3A_76 : memref<128x128xf32, #tpu.memory_space<hbm>>) target_semaphore(%run_scoped3A : memref<!tpu.dma_semaphore, #tpu.memory_space<semaphore_mem>>)
        %dma_wait3A = arith.constant 0 : i32
        %dma_wait3A_77 = tpu.memref_slice %arg7[%add3A_51, %dma_wait3A] : memref<160000x128xf32, #tpu.memory_space<hbm>> -> memref<128x128xf32, #tpu.memory_space<hbm>>
        %dma_wait3A_78 = arith.constant 0 : i32
        %dma_wait3A_79 = tpu.memref_slice %arg7[%add3A_51, %dma_wait3A_78] : memref<160000x128xf32, #tpu.memory_space<hbm>> -> memref<128x128xf32, #tpu.memory_space<hbm>>
        tpu.wait_dma2 semaphore(%run_scoped3A : memref<!tpu.dma_semaphore, #tpu.memory_space<semaphore_mem>>) src(%arg10 : memref<128x128xf32, #tpu.memory_space<vmem>>) dst(%dma_wait3A_79 : memref<128x128xf32, #tpu.memory_space<hbm>>)
        tpu.yield
      }) : () -> ()
      %add3A_52 = arith.constant 80000 : i32
      %add3A_53 = arith.addi %add3A_52, %add3A_37 : i32
      "tpu.region"() ({
        %run_scoped3A = tpu.sem_alloc : memref<!tpu.dma_semaphore, #tpu.memory_space<semaphore_mem>>
        %dma_start3A = tpu.memref_slice %arg5[%add3A_53] : memref<160000xi32, #tpu.memory_space<hbm>> -> memref<128xi32, #tpu.memory_space<hbm>>
        %dma_start3A_74 = tpu.memref_slice %arg5[%add3A_53] : memref<160000xi32, #tpu.memory_space<hbm>> -> memref<128xi32, #tpu.memory_space<hbm>>
        tpu.enqueue_dma source(%dma_start3A_74 : memref<128xi32, #tpu.memory_space<hbm>>) target(%arg11 : memref<128xi32, #tpu.memory_space<vmem>>) target_semaphore(%run_scoped3A : memref<!tpu.dma_semaphore, #tpu.memory_space<semaphore_mem>>)
        %dma_wait3A = tpu.memref_slice %arg5[%add3A_53] : memref<160000xi32, #tpu.memory_space<hbm>> -> memref<128xi32, #tpu.memory_space<hbm>>
        %dma_wait3A_75 = tpu.memref_slice %arg5[%add3A_53] : memref<160000xi32, #tpu.memory_space<hbm>> -> memref<128xi32, #tpu.memory_space<hbm>>
        tpu.wait_dma2 semaphore(%run_scoped3A : memref<!tpu.dma_semaphore, #tpu.memory_space<semaphore_mem>>) src(%dma_wait3A_75 : memref<128xi32, #tpu.memory_space<hbm>>) dst(%arg11 : memref<128xi32, #tpu.memory_space<vmem>>)
        tpu.yield
      }) : () -> ()
      "tpu.region"() ({
        %run_scoped3A = tpu.sem_alloc : memref<!tpu.dma_semaphore, #tpu.memory_space<semaphore_mem>>
        %dma_start3A = arith.constant 0 : i32
        %dma_start3A_74 = arith.constant 0 : i32
        %dma_start3A_75 = tpu.memref_slice %arg3[%dma_start3A, %dma_start3A_74] : memref<4096x256xf32, #tpu.memory_space<hbm>> -> memref<4096x256xf32, #tpu.memory_space<hbm>>
        tpu.enqueue_indirect_dma source(%dma_start3A_75 : memref<4096x256xf32, #tpu.memory_space<hbm>>) target(%arg9 : memref<128x256xf32, #tpu.memory_space<vmem>>) offsets(%arg11 : memref<128xi32, #tpu.memory_space<vmem>>) semaphore(%run_scoped3A : memref<!tpu.dma_semaphore, #tpu.memory_space<semaphore_mem>>)
        %dma_wait3A = arith.constant 0 : i32
        %dma_wait3A_76 = arith.constant 0 : i32
        %dma_wait3A_77 = tpu.memref_slice %arg3[%dma_wait3A, %dma_wait3A_76] : memref<4096x256xf32, #tpu.memory_space<hbm>> -> memref<4096x256xf32, #tpu.memory_space<hbm>>
        tpu.wait_indirect_dma semaphore(%run_scoped3A : memref<!tpu.dma_semaphore, #tpu.memory_space<semaphore_mem>>) src(%dma_wait3A_77 : memref<4096x256xf32, #tpu.memory_space<hbm>>) dst(%arg9 : memref<128x256xf32, #tpu.memory_space<vmem>>)
        tpu.yield
      }) : () -> ()
      %scan3A_54 = arith.constant 0 : i32
      %scan3A_55 = arith.constant 0 : i32
      %scan3A_56 = arith.constant 128 : i32
      %scan3A_57 = arith.addi %scan3A_55, %scan3A_56 : i32
      %scan3A_58 = arith.constant 1 : i32
      scf.for %scan3A_74 = %scan3A_55 to %scan3A_57 step %scan3A_58  : i32 {
        %get3A = arith.index_cast %scan3A_74 : i32 to index
        %get3A_75 = arith.constant 0 : index
        %get3A_76 = tpu.vector_load %arg8[%get3A, %get3A_75] {strides = array<i32>} : memref<128x256xf32, #tpu.memory_space<vmem>>, vector<16xf32>,
        %get3A_77 = arith.index_cast %scan3A_74 : i32 to index
        %get3A_78 = arith.constant 0 : index
        %get3A_79 = tpu.vector_load %arg9[%get3A_77, %get3A_78] {strides = array<i32>} : memref<128x256xf32, #tpu.memory_space<vmem>>, vector<16xf32>,
        %add3A_80 = arith.addf %get3A_76, %get3A_79 : vector<16xf32>
        %swap3A = arith.index_cast %scan3A_74 : i32 to index
        %swap3A_81 = arith.constant 0 : index
        %swap3A_82 = tpu.vector_load %arg8[%swap3A, %swap3A_81] {strides = array<i32>} : memref<128x256xf32, #tpu.memory_space<vmem>>, vector<16xf32>,
        tpu.vector_store %arg8[%swap3A, %swap3A_81], %add3A_80 {strides = array<i32>} : memref<128x256xf32, #tpu.memory_space<vmem>>, vector<16xf32>,
        %get3A_83 = arith.index_cast %scan3A_74 : i32 to index
        %get3A_84 = arith.constant 16 : index
        %get3A_85 = tpu.vector_load %arg8[%get3A_83, %get3A_84] {strides = array<i32>} : memref<128x256xf32, #tpu.memory_space<vmem>>, vector<16xf32>,
        %get3A_86 = arith.index_cast %scan3A_74 : i32 to index
        %get3A_87 = arith.constant 16 : index
        %get3A_88 = tpu.vector_load %arg9[%get3A_86, %get3A_87] {strides = array<i32>} : memref<128x256xf32, #tpu.memory_space<vmem>>, vector<16xf32>,
        %add3A_89 = arith.addf %get3A_85, %get3A_88 : vector<16xf32>
        %swap3A_90 = arith.index_cast %scan3A_74 : i32 to index
        %swap3A_91 = arith.constant 16 : index
        %swap3A_92 = tpu.vector_load %arg8[%swap3A_90, %swap3A_91] {strides = array<i32>} : memref<128x256xf32, #tpu.memory_space<vmem>>, vector<16xf32>,
        tpu.vector_store %arg8[%swap3A_90, %swap3A_91], %add3A_89 {strides = array<i32>} : memref<128x256xf32, #tpu.memory_space<vmem>>, vector<16xf32>,
        %get3A_93 = arith.index_cast %scan3A_74 : i32 to index
        %get3A_94 = arith.constant 32 : index
        %get3A_95 = tpu.vector_load %arg8[%get3A_93, %get3A_94] {strides = array<i32>} : memref<128x256xf32, #tpu.memory_space<vmem>>, vector<16xf32>,
        %get3A_96 = arith.index_cast %scan3A_74 : i32 to index
        %get3A_97 = arith.constant 32 : index
        %get3A_98 = tpu.vector_load %arg9[%get3A_96, %get3A_97] {strides = array<i32>} : memref<128x256xf32, #tpu.memory_space<vmem>>, vector<16xf32>,
        %add3A_99 = arith.addf %get3A_95, %get3A_98 : vector<16xf32>
        %swap3A_100 = arith.index_cast %scan3A_74 : i32 to index
        %swap3A_101 = arith.constant 32 : index
        %swap3A_102 = tpu.vector_load %arg8[%swap3A_100, %swap3A_101] {strides = array<i32>} : memref<128x256xf32, #tpu.memory_space<vmem>>, vector<16xf32>,
        tpu.vector_store %arg8[%swap3A_100, %swap3A_101], %add3A_99 {strides = array<i32>} : memref<128x256xf32, #tpu.memory_space<vmem>>, vector<16xf32>,
        %get3A_103 = arith.index_cast %scan3A_74 : i32 to index
        %get3A_104 = arith.constant 48 : index
        %get3A_105 = tpu.vector_load %arg8[%get3A_103, %get3A_104] {strides = array<i32>} : memref<128x256xf32, #tpu.memory_space<vmem>>, vector<16xf32>,
        %get3A_106 = arith.index_cast %scan3A_74 : i32 to index
        %get3A_107 = arith.constant 48 : index
        %get3A_108 = tpu.vector_load %arg9[%get3A_106, %get3A_107] {strides = array<i32>} : memref<128x256xf32, #tpu.memory_space<vmem>>, vector<16xf32>,
        %add3A_109 = arith.addf %get3A_105, %get3A_108 : vector<16xf32>
        %swap3A_110 = arith.index_cast %scan3A_74 : i32 to index
        %swap3A_111 = arith.constant 48 : index
        %swap3A_112 = tpu.vector_load %arg8[%swap3A_110, %swap3A_111] {strides = array<i32>} : memref<128x256xf32, #tpu.memory_space<vmem>>, vector<16xf32>,
        tpu.vector_store %arg8[%swap3A_110, %swap3A_111], %add3A_109 {strides = array<i32>} : memref<128x256xf32, #tpu.memory_space<vmem>>, vector<16xf32>,
        %get3A_113 = arith.index_cast %scan3A_74 : i32 to index
        %get3A_114 = arith.constant 64 : index
        %get3A_115 = tpu.vector_load %arg8[%get3A_113, %get3A_114] {strides = array<i32>} : memref<128x256xf32, #tpu.memory_space<vmem>>, vector<16xf32>,
        %get3A_116 = arith.index_cast %scan3A_74 : i32 to index
        %get3A_117 = arith.constant 64 : index
        %get3A_118 = tpu.vector_load %arg9[%get3A_116, %get3A_117] {strides = array<i32>} : memref<128x256xf32, #tpu.memory_space<vmem>>, vector<16xf32>,
        %add3A_119 = arith.addf %get3A_115, %get3A_118 : vector<16xf32>
        %swap3A_120 = arith.index_cast %scan3A_74 : i32 to index
        %swap3A_121 = arith.constant 64 : index
        %swap3A_122 = tpu.vector_load %arg8[%swap3A_120, %swap3A_121] {strides = array<i32>} : memref<128x256xf32, #tpu.memory_space<vmem>>, vector<16xf32>,
        tpu.vector_store %arg8[%swap3A_120, %swap3A_121], %add3A_119 {strides = array<i32>} : memref<128x256xf32, #tpu.memory_space<vmem>>, vector<16xf32>,
        %get3A_123 = arith.index_cast %scan3A_74 : i32 to index
        %get3A_124 = arith.constant 80 : index
        %get3A_125 = tpu.vector_load %arg8[%get3A_123, %get3A_124] {strides = array<i32>} : memref<128x256xf32, #tpu.memory_space<vmem>>, vector<16xf32>,
        %get3A_126 = arith.index_cast %scan3A_74 : i32 to index
        %get3A_127 = arith.constant 80 : index
        %get3A_128 = tpu.vector_load %arg9[%get3A_126, %get3A_127] {strides = array<i32>} : memref<128x256xf32, #tpu.memory_space<vmem>>, vector<16xf32>,
        %add3A_129 = arith.addf %get3A_125, %get3A_128 : vector<16xf32>
        %swap3A_130 = arith.index_cast %scan3A_74 : i32 to index
        %swap3A_131 = arith.constant 80 : index
        %swap3A_132 = tpu.vector_load %arg8[%swap3A_130, %swap3A_131] {strides = array<i32>} : memref<128x256xf32, #tpu.memory_space<vmem>>, vector<16xf32>,
        tpu.vector_store %arg8[%swap3A_130, %swap3A_131], %add3A_129 {strides = array<i32>} : memref<128x256xf32, #tpu.memory_space<vmem>>, vector<16xf32>,
        %get3A_133 = arith.index_cast %scan3A_74 : i32 to index
        %get3A_134 = arith.constant 96 : index
        %get3A_135 = tpu.vector_load %arg8[%get3A_133, %get3A_134] {strides = array<i32>} : memref<128x256xf32, #tpu.memory_space<vmem>>, vector<16xf32>,
        %get3A_136 = arith.index_cast %scan3A_74 : i32 to index
        %get3A_137 = arith.constant 96 : index
        %get3A_138 = tpu.vector_load %arg9[%get3A_136, %get3A_137] {strides = array<i32>} : memref<128x256xf32, #tpu.memory_space<vmem>>, vector<16xf32>,
        %add3A_139 = arith.addf %get3A_135, %get3A_138 : vector<16xf32>
        %swap3A_140 = arith.index_cast %scan3A_74 : i32 to index
        %swap3A_141 = arith.constant 96 : index
        %swap3A_142 = tpu.vector_load %arg8[%swap3A_140, %swap3A_141] {strides = array<i32>} : memref<128x256xf32, #tpu.memory_space<vmem>>, vector<16xf32>,
        tpu.vector_store %arg8[%swap3A_140, %swap3A_141], %add3A_139 {strides = array<i32>} : memref<128x256xf32, #tpu.memory_space<vmem>>, vector<16xf32>,
        %get3A_143 = arith.index_cast %scan3A_74 : i32 to index
        %get3A_144 = arith.constant 112 : index
        %get3A_145 = tpu.vector_load %arg8[%get3A_143, %get3A_144] {strides = array<i32>} : memref<128x256xf32, #tpu.memory_space<vmem>>, vector<16xf32>,
        %get3A_146 = arith.index_cast %scan3A_74 : i32 to index
        %get3A_147 = arith.constant 112 : index
        %get3A_148 = tpu.vector_load %arg9[%get3A_146, %get3A_147] {strides = array<i32>} : memref<128x256xf32, #tpu.memory_space<vmem>>, vector<16xf32>,
        %add3A_149 = arith.addf %get3A_145, %get3A_148 : vector<16xf32>
        %swap3A_150 = arith.index_cast %scan3A_74 : i32 to index
        %swap3A_151 = arith.constant 112 : index
        %swap3A_152 = tpu.vector_load %arg8[%swap3A_150, %swap3A_151] {strides = array<i32>} : memref<128x256xf32, #tpu.memory_space<vmem>>, vector<16xf32>,
        tpu.vector_store %arg8[%swap3A_150, %swap3A_151], %add3A_149 {strides = array<i32>} : memref<128x256xf32, #tpu.memory_space<vmem>>, vector<16xf32>,
        %get3A_153 = arith.index_cast %scan3A_74 : i32 to index
        %get3A_154 = arith.constant 128 : index
        %get3A_155 = tpu.vector_load %arg8[%get3A_153, %get3A_154] {strides = array<i32>} : memref<128x256xf32, #tpu.memory_space<vmem>>, vector<16xf32>,
        %get3A_156 = arith.index_cast %scan3A_74 : i32 to index
        %get3A_157 = arith.constant 128 : index
        %get3A_158 = tpu.vector_load %arg9[%get3A_156, %get3A_157] {strides = array<i32>} : memref<128x256xf32, #tpu.memory_space<vmem>>, vector<16xf32>,
        %add3A_159 = arith.addf %get3A_155, %get3A_158 : vector<16xf32>
        %swap3A_160 = arith.index_cast %scan3A_74 : i32 to index
        %swap3A_161 = arith.constant 128 : index
        %swap3A_162 = tpu.vector_load %arg8[%swap3A_160, %swap3A_161] {strides = array<i32>} : memref<128x256xf32, #tpu.memory_space<vmem>>, vector<16xf32>,
        tpu.vector_store %arg8[%swap3A_160, %swap3A_161], %add3A_159 {strides = array<i32>} : memref<128x256xf32, #tpu.memory_space<vmem>>, vector<16xf32>,
        %get3A_163 = arith.index_cast %scan3A_74 : i32 to index
        %get3A_164 = arith.constant 144 : index
        %get3A_165 = tpu.vector_load %arg8[%get3A_163, %get3A_164] {strides = array<i32>} : memref<128x256xf32, #tpu.memory_space<vmem>>, vector<16xf32>,
        %get3A_166 = arith.index_cast %scan3A_74 : i32 to index
        %get3A_167 = arith.constant 144 : index
        %get3A_168 = tpu.vector_load %arg9[%get3A_166, %get3A_167] {strides = array<i32>} : memref<128x256xf32, #tpu.memory_space<vmem>>, vector<16xf32>,
        %add3A_169 = arith.addf %get3A_165, %get3A_168 : vector<16xf32>
        %swap3A_170 = arith.index_cast %scan3A_74 : i32 to index
        %swap3A_171 = arith.constant 144 : index
        %swap3A_172 = tpu.vector_load %arg8[%swap3A_170, %swap3A_171] {strides = array<i32>} : memref<128x256xf32, #tpu.memory_space<vmem>>, vector<16xf32>,
        tpu.vector_store %arg8[%swap3A_170, %swap3A_171], %add3A_169 {strides = array<i32>} : memref<128x256xf32, #tpu.memory_space<vmem>>, vector<16xf32>,
        %get3A_173 = arith.index_cast %scan3A_74 : i32 to index
        %get3A_174 = arith.constant 160 : index
        %get3A_175 = tpu.vector_load %arg8[%get3A_173, %get3A_174] {strides = array<i32>} : memref<128x256xf32, #tpu.memory_space<vmem>>, vector<16xf32>,
        %get3A_176 = arith.index_cast %scan3A_74 : i32 to index
        %get3A_177 = arith.constant 160 : index
        %get3A_178 = tpu.vector_load %arg9[%get3A_176, %get3A_177] {strides = array<i32>} : memref<128x256xf32, #tpu.memory_space<vmem>>, vector<16xf32>,
        %add3A_179 = arith.addf %get3A_175, %get3A_178 : vector<16xf32>
        %swap3A_180 = arith.index_cast %scan3A_74 : i32 to index
        %swap3A_181 = arith.constant 160 : index
        %swap3A_182 = tpu.vector_load %arg8[%swap3A_180, %swap3A_181] {strides = array<i32>} : memref<128x256xf32, #tpu.memory_space<vmem>>, vector<16xf32>,
        tpu.vector_store %arg8[%swap3A_180, %swap3A_181], %add3A_179 {strides = array<i32>} : memref<128x256xf32, #tpu.memory_space<vmem>>, vector<16xf32>,
        %get3A_183 = arith.index_cast %scan3A_74 : i32 to index
        %get3A_184 = arith.constant 176 : index
        %get3A_185 = tpu.vector_load %arg8[%get3A_183, %get3A_184] {strides = array<i32>} : memref<128x256xf32, #tpu.memory_space<vmem>>, vector<16xf32>,
        %get3A_186 = arith.index_cast %scan3A_74 : i32 to index
        %get3A_187 = arith.constant 176 : index
        %get3A_188 = tpu.vector_load %arg9[%get3A_186, %get3A_187] {strides = array<i32>} : memref<128x256xf32, #tpu.memory_space<vmem>>, vector<16xf32>,
        %add3A_189 = arith.addf %get3A_185, %get3A_188 : vector<16xf32>
        %swap3A_190 = arith.index_cast %scan3A_74 : i32 to index
        %swap3A_191 = arith.constant 176 : index
        %swap3A_192 = tpu.vector_load %arg8[%swap3A_190, %swap3A_191] {strides = array<i32>} : memref<128x256xf32, #tpu.memory_space<vmem>>, vector<16xf32>,
        tpu.vector_store %arg8[%swap3A_190, %swap3A_191], %add3A_189 {strides = array<i32>} : memref<128x256xf32, #tpu.memory_space<vmem>>, vector<16xf32>,
        %get3A_193 = arith.index_cast %scan3A_74 : i32 to index
        %get3A_194 = arith.constant 192 : index
        %get3A_195 = tpu.vector_load %arg8[%get3A_193, %get3A_194] {strides = array<i32>} : memref<128x256xf32, #tpu.memory_space<vmem>>, vector<16xf32>,
        %get3A_196 = arith.index_cast %scan3A_74 : i32 to index
        %get3A_197 = arith.constant 192 : index
        %get3A_198 = tpu.vector_load %arg9[%get3A_196, %get3A_197] {strides = array<i32>} : memref<128x256xf32, #tpu.memory_space<vmem>>, vector<16xf32>,
        %add3A_199 = arith.addf %get3A_195, %get3A_198 : vector<16xf32>
        %swap3A_200 = arith.index_cast %scan3A_74 : i32 to index
        %swap3A_201 = arith.constant 192 : index
        %swap3A_202 = tpu.vector_load %arg8[%swap3A_200, %swap3A_201] {strides = array<i32>} : memref<128x256xf32, #tpu.memory_space<vmem>>, vector<16xf32>,
        tpu.vector_store %arg8[%swap3A_200, %swap3A_201], %add3A_199 {strides = array<i32>} : memref<128x256xf32, #tpu.memory_space<vmem>>, vector<16xf32>,
        %get3A_203 = arith.index_cast %scan3A_74 : i32 to index
        %get3A_204 = arith.constant 208 : index
        %get3A_205 = tpu.vector_load %arg8[%get3A_203, %get3A_204] {strides = array<i32>} : memref<128x256xf32, #tpu.memory_space<vmem>>, vector<16xf32>,
        %get3A_206 = arith.index_cast %scan3A_74 : i32 to index
        %get3A_207 = arith.constant 208 : index
        %get3A_208 = tpu.vector_load %arg9[%get3A_206, %get3A_207] {strides = array<i32>} : memref<128x256xf32, #tpu.memory_space<vmem>>, vector<16xf32>,
        %add3A_209 = arith.addf %get3A_205, %get3A_208 : vector<16xf32>
        %swap3A_210 = arith.index_cast %scan3A_74 : i32 to index
        %swap3A_211 = arith.constant 208 : index
        %swap3A_212 = tpu.vector_load %arg8[%swap3A_210, %swap3A_211] {strides = array<i32>} : memref<128x256xf32, #tpu.memory_space<vmem>>, vector<16xf32>,
        tpu.vector_store %arg8[%swap3A_210, %swap3A_211], %add3A_209 {strides = array<i32>} : memref<128x256xf32, #tpu.memory_space<vmem>>, vector<16xf32>,
        %get3A_213 = arith.index_cast %scan3A_74 : i32 to index
        %get3A_214 = arith.constant 224 : index
        %get3A_215 = tpu.vector_load %arg8[%get3A_213, %get3A_214] {strides = array<i32>} : memref<128x256xf32, #tpu.memory_space<vmem>>, vector<16xf32>,
        %get3A_216 = arith.index_cast %scan3A_74 : i32 to index
        %get3A_217 = arith.constant 224 : index
        %get3A_218 = tpu.vector_load %arg9[%get3A_216, %get3A_217] {strides = array<i32>} : memref<128x256xf32, #tpu.memory_space<vmem>>, vector<16xf32>,
        %add3A_219 = arith.addf %get3A_215, %get3A_218 : vector<16xf32>
        %swap3A_220 = arith.index_cast %scan3A_74 : i32 to index
        %swap3A_221 = arith.constant 224 : index
        %swap3A_222 = tpu.vector_load %arg8[%swap3A_220, %swap3A_221] {strides = array<i32>} : memref<128x256xf32, #tpu.memory_space<vmem>>, vector<16xf32>,
        tpu.vector_store %arg8[%swap3A_220, %swap3A_221], %add3A_219 {strides = array<i32>} : memref<128x256xf32, #tpu.memory_space<vmem>>, vector<16xf32>,
        %get3A_223 = arith.index_cast %scan3A_74 : i32 to index
        %get3A_224 = arith.constant 240 : index
        %get3A_225 = tpu.vector_load %arg8[%get3A_223, %get3A_224] {strides = array<i32>} : memref<128x256xf32, #tpu.memory_space<vmem>>, vector<16xf32>,
        %get3A_226 = arith.index_cast %scan3A_74 : i32 to index
        %get3A_227 = arith.constant 240 : index
        %get3A_228 = tpu.vector_load %arg9[%get3A_226, %get3A_227] {strides = array<i32>} : memref<128x256xf32, #tpu.memory_space<vmem>>, vector<16xf32>,
        %add3A_229 = arith.addf %get3A_225, %get3A_228 : vector<16xf32>
        %swap3A_230 = arith.index_cast %scan3A_74 : i32 to index
        %swap3A_231 = arith.constant 240 : index
        %swap3A_232 = tpu.vector_load %arg8[%swap3A_230, %swap3A_231] {strides = array<i32>} : memref<128x256xf32, #tpu.memory_space<vmem>>, vector<16xf32>,
        tpu.vector_store %arg8[%swap3A_230, %swap3A_231], %add3A_229 {strides = array<i32>} : memref<128x256xf32, #tpu.memory_space<vmem>>, vector<16xf32>,
      }
      %scan3A_59 = arith.constant 128 : i32
      "tpu.region"() ({
        %run_scoped3A = tpu.sem_alloc : memref<!tpu.dma_semaphore, #tpu.memory_space<semaphore_mem>>
        %dma_start3A = arith.constant 0 : i32
        %dma_start3A_74 = arith.constant 0 : i32
        %dma_start3A_75 = tpu.memref_slice %arg4[%dma_start3A, %dma_start3A_74] : memref<4096x128xf32, #tpu.memory_space<hbm>> -> memref<4096x128xf32, #tpu.memory_space<hbm>>
        tpu.enqueue_indirect_dma source(%dma_start3A_75 : memref<4096x128xf32, #tpu.memory_space<hbm>>) target(%arg10 : memref<128x128xf32, #tpu.memory_space<vmem>>) offsets(%arg11 : memref<128xi32, #tpu.memory_space<vmem>>) semaphore(%run_scoped3A : memref<!tpu.dma_semaphore, #tpu.memory_space<semaphore_mem>>)
        %dma_wait3A = arith.constant 0 : i32
        %dma_wait3A_76 = arith.constant 0 : i32
        %dma_wait3A_77 = tpu.memref_slice %arg4[%dma_wait3A, %dma_wait3A_76] : memref<4096x128xf32, #tpu.memory_space<hbm>> -> memref<4096x128xf32, #tpu.memory_space<hbm>>
        tpu.wait_indirect_dma semaphore(%run_scoped3A : memref<!tpu.dma_semaphore, #tpu.memory_space<semaphore_mem>>) src(%dma_wait3A_77 : memref<4096x128xf32, #tpu.memory_space<hbm>>) dst(%arg10 : memref<128x128xf32, #tpu.memory_space<vmem>>)
        tpu.yield
      }) : () -> ()
      %add3A_60 = arith.constant 80000 : i32
      %add3A_61 = arith.addi %add3A_60, %add3A_37 : i32
      "tpu.region"() ({
        %run_scoped3A = tpu.sem_alloc : memref<!tpu.dma_semaphore, #tpu.memory_space<semaphore_mem>>
        %dma_start3A = arith.constant 0 : i32
        %dma_start3A_74 = tpu.memref_slice %arg7[%add3A_61, %dma_start3A] : memref<160000x128xf32, #tpu.memory_space<hbm>> -> memref<128x128xf32, #tpu.memory_space<hbm>>
        %dma_start3A_75 = arith.constant 0 : i32
        %dma_start3A_76 = tpu.memref_slice %arg7[%add3A_61, %dma_start3A_75] : memref<160000x128xf32, #tpu.memory_space<hbm>> -> memref<128x128xf32, #tpu.memory_space<hbm>>
        tpu.enqueue_dma source(%arg10 : memref<128x128xf32, #tpu.memory_space<vmem>>) target(%dma_start3A_76 : memref<128x128xf32, #tpu.memory_space<hbm>>) target_semaphore(%run_scoped3A : memref<!tpu.dma_semaphore, #tpu.memory_space<semaphore_mem>>)
        %dma_wait3A = arith.constant 0 : i32
        %dma_wait3A_77 = tpu.memref_slice %arg7[%add3A_61, %dma_wait3A] : memref<160000x128xf32, #tpu.memory_space<hbm>> -> memref<128x128xf32, #tpu.memory_space<hbm>>
        %dma_wait3A_78 = arith.constant 0 : i32
        %dma_wait3A_79 = tpu.memref_slice %arg7[%add3A_61, %dma_wait3A_78] : memref<160000x128xf32, #tpu.memory_space<hbm>> -> memref<128x128xf32, #tpu.memory_space<hbm>>
        tpu.wait_dma2 semaphore(%run_scoped3A : memref<!tpu.dma_semaphore, #tpu.memory_space<semaphore_mem>>) src(%arg10 : memref<128x128xf32, #tpu.memory_space<vmem>>) dst(%dma_wait3A_79 : memref<128x128xf32, #tpu.memory_space<hbm>>)
        tpu.yield
      }) : () -> ()
      %add3A_62 = arith.constant 120000 : i32
      %add3A_63 = arith.addi %add3A_62, %add3A_37 : i32
      "tpu.region"() ({
        %run_scoped3A = tpu.sem_alloc : memref<!tpu.dma_semaphore, #tpu.memory_space<semaphore_mem>>
        %dma_start3A = tpu.memref_slice %arg5[%add3A_63] : memref<160000xi32, #tpu.memory_space<hbm>> -> memref<128xi32, #tpu.memory_space<hbm>>
        %dma_start3A_74 = tpu.memref_slice %arg5[%add3A_63] : memref<160000xi32, #tpu.memory_space<hbm>> -> memref<128xi32, #tpu.memory_space<hbm>>
        tpu.enqueue_dma source(%dma_start3A_74 : memref<128xi32, #tpu.memory_space<hbm>>) target(%arg11 : memref<128xi32, #tpu.memory_space<vmem>>) target_semaphore(%run_scoped3A : memref<!tpu.dma_semaphore, #tpu.memory_space<semaphore_mem>>)
        %dma_wait3A = tpu.memref_slice %arg5[%add3A_63] : memref<160000xi32, #tpu.memory_space<hbm>> -> memref<128xi32, #tpu.memory_space<hbm>>
        %dma_wait3A_75 = tpu.memref_slice %arg5[%add3A_63] : memref<160000xi32, #tpu.memory_space<hbm>> -> memref<128xi32, #tpu.memory_space<hbm>>
        tpu.wait_dma2 semaphore(%run_scoped3A : memref<!tpu.dma_semaphore, #tpu.memory_space<semaphore_mem>>) src(%dma_wait3A_75 : memref<128xi32, #tpu.memory_space<hbm>>) dst(%arg11 : memref<128xi32, #tpu.memory_space<vmem>>)
        tpu.yield
      }) : () -> ()
      "tpu.region"() ({
        %run_scoped3A = tpu.sem_alloc : memref<!tpu.dma_semaphore, #tpu.memory_space<semaphore_mem>>
        %dma_start3A = arith.constant 0 : i32
        %dma_start3A_74 = arith.constant 0 : i32
        %dma_start3A_75 = tpu.memref_slice %arg3[%dma_start3A, %dma_start3A_74] : memref<4096x256xf32, #tpu.memory_space<hbm>> -> memref<4096x256xf32, #tpu.memory_space<hbm>>
        tpu.enqueue_indirect_dma source(%dma_start3A_75 : memref<4096x256xf32, #tpu.memory_space<hbm>>) target(%arg9 : memref<128x256xf32, #tpu.memory_space<vmem>>) offsets(%arg11 : memref<128xi32, #tpu.memory_space<vmem>>) semaphore(%run_scoped3A : memref<!tpu.dma_semaphore, #tpu.memory_space<semaphore_mem>>)
        %dma_wait3A = arith.constant 0 : i32
        %dma_wait3A_76 = arith.constant 0 : i32
        %dma_wait3A_77 = tpu.memref_slice %arg3[%dma_wait3A, %dma_wait3A_76] : memref<4096x256xf32, #tpu.memory_space<hbm>> -> memref<4096x256xf32, #tpu.memory_space<hbm>>
        tpu.wait_indirect_dma semaphore(%run_scoped3A : memref<!tpu.dma_semaphore, #tpu.memory_space<semaphore_mem>>) src(%dma_wait3A_77 : memref<4096x256xf32, #tpu.memory_space<hbm>>) dst(%arg9 : memref<128x256xf32, #tpu.memory_space<vmem>>)
        tpu.yield
      }) : () -> ()
      %scan3A_64 = arith.constant 0 : i32
      %scan3A_65 = arith.constant 0 : i32
      %scan3A_66 = arith.constant 128 : i32
      %scan3A_67 = arith.addi %scan3A_65, %scan3A_66 : i32
      %scan3A_68 = arith.constant 1 : i32
      scf.for %scan3A_74 = %scan3A_65 to %scan3A_67 step %scan3A_68  : i32 {
        %get3A = arith.index_cast %scan3A_74 : i32 to index
        %get3A_75 = arith.constant 0 : index
        %get3A_76 = tpu.vector_load %arg8[%get3A, %get3A_75] {strides = array<i32>} : memref<128x256xf32, #tpu.memory_space<vmem>>, vector<16xf32>,
        %get3A_77 = arith.index_cast %scan3A_74 : i32 to index
        %get3A_78 = arith.constant 0 : index
        %get3A_79 = tpu.vector_load %arg9[%get3A_77, %get3A_78] {strides = array<i32>} : memref<128x256xf32, #tpu.memory_space<vmem>>, vector<16xf32>,
        %add3A_80 = arith.addf %get3A_76, %get3A_79 : vector<16xf32>
        %swap3A = arith.index_cast %scan3A_74 : i32 to index
        %swap3A_81 = arith.constant 0 : index
        %swap3A_82 = tpu.vector_load %arg8[%swap3A, %swap3A_81] {strides = array<i32>} : memref<128x256xf32, #tpu.memory_space<vmem>>, vector<16xf32>,
        tpu.vector_store %arg8[%swap3A, %swap3A_81], %add3A_80 {strides = array<i32>} : memref<128x256xf32, #tpu.memory_space<vmem>>, vector<16xf32>,
        %get3A_83 = arith.index_cast %scan3A_74 : i32 to index
        %get3A_84 = arith.constant 16 : index
        %get3A_85 = tpu.vector_load %arg8[%get3A_83, %get3A_84] {strides = array<i32>} : memref<128x256xf32, #tpu.memory_space<vmem>>, vector<16xf32>,
        %get3A_86 = arith.index_cast %scan3A_74 : i32 to index
        %get3A_87 = arith.constant 16 : index
        %get3A_88 = tpu.vector_load %arg9[%get3A_86, %get3A_87] {strides = array<i32>} : memref<128x256xf32, #tpu.memory_space<vmem>>, vector<16xf32>,
        %add3A_89 = arith.addf %get3A_85, %get3A_88 : vector<16xf32>
        %swap3A_90 = arith.index_cast %scan3A_74 : i32 to index
        %swap3A_91 = arith.constant 16 : index
        %swap3A_92 = tpu.vector_load %arg8[%swap3A_90, %swap3A_91] {strides = array<i32>} : memref<128x256xf32, #tpu.memory_space<vmem>>, vector<16xf32>,
        tpu.vector_store %arg8[%swap3A_90, %swap3A_91], %add3A_89 {strides = array<i32>} : memref<128x256xf32, #tpu.memory_space<vmem>>, vector<16xf32>,
        %get3A_93 = arith.index_cast %scan3A_74 : i32 to index
        %get3A_94 = arith.constant 32 : index
        %get3A_95 = tpu.vector_load %arg8[%get3A_93, %get3A_94] {strides = array<i32>} : memref<128x256xf32, #tpu.memory_space<vmem>>, vector<16xf32>,
        %get3A_96 = arith.index_cast %scan3A_74 : i32 to index
        %get3A_97 = arith.constant 32 : index
        %get3A_98 = tpu.vector_load %arg9[%get3A_96, %get3A_97] {strides = array<i32>} : memref<128x256xf32, #tpu.memory_space<vmem>>, vector<16xf32>,
        %add3A_99 = arith.addf %get3A_95, %get3A_98 : vector<16xf32>
        %swap3A_100 = arith.index_cast %scan3A_74 : i32 to index
        %swap3A_101 = arith.constant 32 : index
        %swap3A_102 = tpu.vector_load %arg8[%swap3A_100, %swap3A_101] {strides = array<i32>} : memref<128x256xf32, #tpu.memory_space<vmem>>, vector<16xf32>,
        tpu.vector_store %arg8[%swap3A_100, %swap3A_101], %add3A_99 {strides = array<i32>} : memref<128x256xf32, #tpu.memory_space<vmem>>, vector<16xf32>,
        %get3A_103 = arith.index_cast %scan3A_74 : i32 to index
        %get3A_104 = arith.constant 48 : index
        %get3A_105 = tpu.vector_load %arg8[%get3A_103, %get3A_104] {strides = array<i32>} : memref<128x256xf32, #tpu.memory_space<vmem>>, vector<16xf32>,
        %get3A_106 = arith.index_cast %scan3A_74 : i32 to index
        %get3A_107 = arith.constant 48 : index
        %get3A_108 = tpu.vector_load %arg9[%get3A_106, %get3A_107] {strides = array<i32>} : memref<128x256xf32, #tpu.memory_space<vmem>>, vector<16xf32>,
        %add3A_109 = arith.addf %get3A_105, %get3A_108 : vector<16xf32>
        %swap3A_110 = arith.index_cast %scan3A_74 : i32 to index
        %swap3A_111 = arith.constant 48 : index
        %swap3A_112 = tpu.vector_load %arg8[%swap3A_110, %swap3A_111] {strides = array<i32>} : memref<128x256xf32, #tpu.memory_space<vmem>>, vector<16xf32>,
        tpu.vector_store %arg8[%swap3A_110, %swap3A_111], %add3A_109 {strides = array<i32>} : memref<128x256xf32, #tpu.memory_space<vmem>>, vector<16xf32>,
        %get3A_113 = arith.index_cast %scan3A_74 : i32 to index
        %get3A_114 = arith.constant 64 : index
        %get3A_115 = tpu.vector_load %arg8[%get3A_113, %get3A_114] {strides = array<i32>} : memref<128x256xf32, #tpu.memory_space<vmem>>, vector<16xf32>,
        %get3A_116 = arith.index_cast %scan3A_74 : i32 to index
        %get3A_117 = arith.constant 64 : index
        %get3A_118 = tpu.vector_load %arg9[%get3A_116, %get3A_117] {strides = array<i32>} : memref<128x256xf32, #tpu.memory_space<vmem>>, vector<16xf32>,
        %add3A_119 = arith.addf %get3A_115, %get3A_118 : vector<16xf32>
        %swap3A_120 = arith.index_cast %scan3A_74 : i32 to index
        %swap3A_121 = arith.constant 64 : index
        %swap3A_122 = tpu.vector_load %arg8[%swap3A_120, %swap3A_121] {strides = array<i32>} : memref<128x256xf32, #tpu.memory_space<vmem>>, vector<16xf32>,
        tpu.vector_store %arg8[%swap3A_120, %swap3A_121], %add3A_119 {strides = array<i32>} : memref<128x256xf32, #tpu.memory_space<vmem>>, vector<16xf32>,
        %get3A_123 = arith.index_cast %scan3A_74 : i32 to index
        %get3A_124 = arith.constant 80 : index
        %get3A_125 = tpu.vector_load %arg8[%get3A_123, %get3A_124] {strides = array<i32>} : memref<128x256xf32, #tpu.memory_space<vmem>>, vector<16xf32>,
        %get3A_126 = arith.index_cast %scan3A_74 : i32 to index
        %get3A_127 = arith.constant 80 : index
        %get3A_128 = tpu.vector_load %arg9[%get3A_126, %get3A_127] {strides = array<i32>} : memref<128x256xf32, #tpu.memory_space<vmem>>, vector<16xf32>,
        %add3A_129 = arith.addf %get3A_125, %get3A_128 : vector<16xf32>
        %swap3A_130 = arith.index_cast %scan3A_74 : i32 to index
        %swap3A_131 = arith.constant 80 : index
        %swap3A_132 = tpu.vector_load %arg8[%swap3A_130, %swap3A_131] {strides = array<i32>} : memref<128x256xf32, #tpu.memory_space<vmem>>, vector<16xf32>,
        tpu.vector_store %arg8[%swap3A_130, %swap3A_131], %add3A_129 {strides = array<i32>} : memref<128x256xf32, #tpu.memory_space<vmem>>, vector<16xf32>,
        %get3A_133 = arith.index_cast %scan3A_74 : i32 to index
        %get3A_134 = arith.constant 96 : index
        %get3A_135 = tpu.vector_load %arg8[%get3A_133, %get3A_134] {strides = array<i32>} : memref<128x256xf32, #tpu.memory_space<vmem>>, vector<16xf32>,
        %get3A_136 = arith.index_cast %scan3A_74 : i32 to index
        %get3A_137 = arith.constant 96 : index
        %get3A_138 = tpu.vector_load %arg9[%get3A_136, %get3A_137] {strides = array<i32>} : memref<128x256xf32, #tpu.memory_space<vmem>>, vector<16xf32>,
        %add3A_139 = arith.addf %get3A_135, %get3A_138 : vector<16xf32>
        %swap3A_140 = arith.index_cast %scan3A_74 : i32 to index
        %swap3A_141 = arith.constant 96 : index
        %swap3A_142 = tpu.vector_load %arg8[%swap3A_140, %swap3A_141] {strides = array<i32>} : memref<128x256xf32, #tpu.memory_space<vmem>>, vector<16xf32>,
        tpu.vector_store %arg8[%swap3A_140, %swap3A_141], %add3A_139 {strides = array<i32>} : memref<128x256xf32, #tpu.memory_space<vmem>>, vector<16xf32>,
        %get3A_143 = arith.index_cast %scan3A_74 : i32 to index
        %get3A_144 = arith.constant 112 : index
        %get3A_145 = tpu.vector_load %arg8[%get3A_143, %get3A_144] {strides = array<i32>} : memref<128x256xf32, #tpu.memory_space<vmem>>, vector<16xf32>,
        %get3A_146 = arith.index_cast %scan3A_74 : i32 to index
        %get3A_147 = arith.constant 112 : index
        %get3A_148 = tpu.vector_load %arg9[%get3A_146, %get3A_147] {strides = array<i32>} : memref<128x256xf32, #tpu.memory_space<vmem>>, vector<16xf32>,
        %add3A_149 = arith.addf %get3A_145, %get3A_148 : vector<16xf32>
        %swap3A_150 = arith.index_cast %scan3A_74 : i32 to index
        %swap3A_151 = arith.constant 112 : index
        %swap3A_152 = tpu.vector_load %arg8[%swap3A_150, %swap3A_151] {strides = array<i32>} : memref<128x256xf32, #tpu.memory_space<vmem>>, vector<16xf32>,
        tpu.vector_store %arg8[%swap3A_150, %swap3A_151], %add3A_149 {strides = array<i32>} : memref<128x256xf32, #tpu.memory_space<vmem>>, vector<16xf32>,
        %get3A_153 = arith.index_cast %scan3A_74 : i32 to index
        %get3A_154 = arith.constant 128 : index
        %get3A_155 = tpu.vector_load %arg8[%get3A_153, %get3A_154] {strides = array<i32>} : memref<128x256xf32, #tpu.memory_space<vmem>>, vector<16xf32>,
        %get3A_156 = arith.index_cast %scan3A_74 : i32 to index
        %get3A_157 = arith.constant 128 : index
        %get3A_158 = tpu.vector_load %arg9[%get3A_156, %get3A_157] {strides = array<i32>} : memref<128x256xf32, #tpu.memory_space<vmem>>, vector<16xf32>,
        %add3A_159 = arith.addf %get3A_155, %get3A_158 : vector<16xf32>
        %swap3A_160 = arith.index_cast %scan3A_74 : i32 to index
        %swap3A_161 = arith.constant 128 : index
        %swap3A_162 = tpu.vector_load %arg8[%swap3A_160, %swap3A_161] {strides = array<i32>} : memref<128x256xf32, #tpu.memory_space<vmem>>, vector<16xf32>,
        tpu.vector_store %arg8[%swap3A_160, %swap3A_161], %add3A_159 {strides = array<i32>} : memref<128x256xf32, #tpu.memory_space<vmem>>, vector<16xf32>,
        %get3A_163 = arith.index_cast %scan3A_74 : i32 to index
        %get3A_164 = arith.constant 144 : index
        %get3A_165 = tpu.vector_load %arg8[%get3A_163, %get3A_164] {strides = array<i32>} : memref<128x256xf32, #tpu.memory_space<vmem>>, vector<16xf32>,
        %get3A_166 = arith.index_cast %scan3A_74 : i32 to index
        %get3A_167 = arith.constant 144 : index
        %get3A_168 = tpu.vector_load %arg9[%get3A_166, %get3A_167] {strides = array<i32>} : memref<128x256xf32, #tpu.memory_space<vmem>>, vector<16xf32>,
        %add3A_169 = arith.addf %get3A_165, %get3A_168 : vector<16xf32>
        %swap3A_170 = arith.index_cast %scan3A_74 : i32 to index
        %swap3A_171 = arith.constant 144 : index
        %swap3A_172 = tpu.vector_load %arg8[%swap3A_170, %swap3A_171] {strides = array<i32>} : memref<128x256xf32, #tpu.memory_space<vmem>>, vector<16xf32>,
        tpu.vector_store %arg8[%swap3A_170, %swap3A_171], %add3A_169 {strides = array<i32>} : memref<128x256xf32, #tpu.memory_space<vmem>>, vector<16xf32>,
        %get3A_173 = arith.index_cast %scan3A_74 : i32 to index
        %get3A_174 = arith.constant 160 : index
        %get3A_175 = tpu.vector_load %arg8[%get3A_173, %get3A_174] {strides = array<i32>} : memref<128x256xf32, #tpu.memory_space<vmem>>, vector<16xf32>,
        %get3A_176 = arith.index_cast %scan3A_74 : i32 to index
        %get3A_177 = arith.constant 160 : index
        %get3A_178 = tpu.vector_load %arg9[%get3A_176, %get3A_177] {strides = array<i32>} : memref<128x256xf32, #tpu.memory_space<vmem>>, vector<16xf32>,
        %add3A_179 = arith.addf %get3A_175, %get3A_178 : vector<16xf32>
        %swap3A_180 = arith.index_cast %scan3A_74 : i32 to index
        %swap3A_181 = arith.constant 160 : index
        %swap3A_182 = tpu.vector_load %arg8[%swap3A_180, %swap3A_181] {strides = array<i32>} : memref<128x256xf32, #tpu.memory_space<vmem>>, vector<16xf32>,
        tpu.vector_store %arg8[%swap3A_180, %swap3A_181], %add3A_179 {strides = array<i32>} : memref<128x256xf32, #tpu.memory_space<vmem>>, vector<16xf32>,
        %get3A_183 = arith.index_cast %scan3A_74 : i32 to index
        %get3A_184 = arith.constant 176 : index
        %get3A_185 = tpu.vector_load %arg8[%get3A_183, %get3A_184] {strides = array<i32>} : memref<128x256xf32, #tpu.memory_space<vmem>>, vector<16xf32>,
        %get3A_186 = arith.index_cast %scan3A_74 : i32 to index
        %get3A_187 = arith.constant 176 : index
        %get3A_188 = tpu.vector_load %arg9[%get3A_186, %get3A_187] {strides = array<i32>} : memref<128x256xf32, #tpu.memory_space<vmem>>, vector<16xf32>,
        %add3A_189 = arith.addf %get3A_185, %get3A_188 : vector<16xf32>
        %swap3A_190 = arith.index_cast %scan3A_74 : i32 to index
        %swap3A_191 = arith.constant 176 : index
        %swap3A_192 = tpu.vector_load %arg8[%swap3A_190, %swap3A_191] {strides = array<i32>} : memref<128x256xf32, #tpu.memory_space<vmem>>, vector<16xf32>,
        tpu.vector_store %arg8[%swap3A_190, %swap3A_191], %add3A_189 {strides = array<i32>} : memref<128x256xf32, #tpu.memory_space<vmem>>, vector<16xf32>,
        %get3A_193 = arith.index_cast %scan3A_74 : i32 to index
        %get3A_194 = arith.constant 192 : index
        %get3A_195 = tpu.vector_load %arg8[%get3A_193, %get3A_194] {strides = array<i32>} : memref<128x256xf32, #tpu.memory_space<vmem>>, vector<16xf32>,
        %get3A_196 = arith.index_cast %scan3A_74 : i32 to index
        %get3A_197 = arith.constant 192 : index
        %get3A_198 = tpu.vector_load %arg9[%get3A_196, %get3A_197] {strides = array<i32>} : memref<128x256xf32, #tpu.memory_space<vmem>>, vector<16xf32>,
        %add3A_199 = arith.addf %get3A_195, %get3A_198 : vector<16xf32>
        %swap3A_200 = arith.index_cast %scan3A_74 : i32 to index
        %swap3A_201 = arith.constant 192 : index
        %swap3A_202 = tpu.vector_load %arg8[%swap3A_200, %swap3A_201] {strides = array<i32>} : memref<128x256xf32, #tpu.memory_space<vmem>>, vector<16xf32>,
        tpu.vector_store %arg8[%swap3A_200, %swap3A_201], %add3A_199 {strides = array<i32>} : memref<128x256xf32, #tpu.memory_space<vmem>>, vector<16xf32>,
        %get3A_203 = arith.index_cast %scan3A_74 : i32 to index
        %get3A_204 = arith.constant 208 : index
        %get3A_205 = tpu.vector_load %arg8[%get3A_203, %get3A_204] {strides = array<i32>} : memref<128x256xf32, #tpu.memory_space<vmem>>, vector<16xf32>,
        %get3A_206 = arith.index_cast %scan3A_74 : i32 to index
        %get3A_207 = arith.constant 208 : index
        %get3A_208 = tpu.vector_load %arg9[%get3A_206, %get3A_207] {strides = array<i32>} : memref<128x256xf32, #tpu.memory_space<vmem>>, vector<16xf32>,
        %add3A_209 = arith.addf %get3A_205, %get3A_208 : vector<16xf32>
        %swap3A_210 = arith.index_cast %scan3A_74 : i32 to index
        %swap3A_211 = arith.constant 208 : index
        %swap3A_212 = tpu.vector_load %arg8[%swap3A_210, %swap3A_211] {strides = array<i32>} : memref<128x256xf32, #tpu.memory_space<vmem>>, vector<16xf32>,
        tpu.vector_store %arg8[%swap3A_210, %swap3A_211], %add3A_209 {strides = array<i32>} : memref<128x256xf32, #tpu.memory_space<vmem>>, vector<16xf32>,
        %get3A_213 = arith.index_cast %scan3A_74 : i32 to index
        %get3A_214 = arith.constant 224 : index
        %get3A_215 = tpu.vector_load %arg8[%get3A_213, %get3A_214] {strides = array<i32>} : memref<128x256xf32, #tpu.memory_space<vmem>>, vector<16xf32>,
        %get3A_216 = arith.index_cast %scan3A_74 : i32 to index
        %get3A_217 = arith.constant 224 : index
        %get3A_218 = tpu.vector_load %arg9[%get3A_216, %get3A_217] {strides = array<i32>} : memref<128x256xf32, #tpu.memory_space<vmem>>, vector<16xf32>,
        %add3A_219 = arith.addf %get3A_215, %get3A_218 : vector<16xf32>
        %swap3A_220 = arith.index_cast %scan3A_74 : i32 to index
        %swap3A_221 = arith.constant 224 : index
        %swap3A_222 = tpu.vector_load %arg8[%swap3A_220, %swap3A_221] {strides = array<i32>} : memref<128x256xf32, #tpu.memory_space<vmem>>, vector<16xf32>,
        tpu.vector_store %arg8[%swap3A_220, %swap3A_221], %add3A_219 {strides = array<i32>} : memref<128x256xf32, #tpu.memory_space<vmem>>, vector<16xf32>,
        %get3A_223 = arith.index_cast %scan3A_74 : i32 to index
        %get3A_224 = arith.constant 240 : index
        %get3A_225 = tpu.vector_load %arg8[%get3A_223, %get3A_224] {strides = array<i32>} : memref<128x256xf32, #tpu.memory_space<vmem>>, vector<16xf32>,
        %get3A_226 = arith.index_cast %scan3A_74 : i32 to index
        %get3A_227 = arith.constant 240 : index
        %get3A_228 = tpu.vector_load %arg9[%get3A_226, %get3A_227] {strides = array<i32>} : memref<128x256xf32, #tpu.memory_space<vmem>>, vector<16xf32>,
        %add3A_229 = arith.addf %get3A_225, %get3A_228 : vector<16xf32>
        %swap3A_230 = arith.index_cast %scan3A_74 : i32 to index
        %swap3A_231 = arith.constant 240 : index
        %swap3A_232 = tpu.vector_load %arg8[%swap3A_230, %swap3A_231] {strides = array<i32>} : memref<128x256xf32, #tpu.memory_space<vmem>>, vector<16xf32>,
        tpu.vector_store %arg8[%swap3A_230, %swap3A_231], %add3A_229 {strides = array<i32>} : memref<128x256xf32, #tpu.memory_space<vmem>>, vector<16xf32>,
      }
      %scan3A_69 = arith.constant 128 : i32
      "tpu.region"() ({
        %run_scoped3A = tpu.sem_alloc : memref<!tpu.dma_semaphore, #tpu.memory_space<semaphore_mem>>
        %dma_start3A = arith.constant 0 : i32
        %dma_start3A_74 = arith.constant 0 : i32
        %dma_start3A_75 = tpu.memref_slice %arg4[%dma_start3A, %dma_start3A_74] : memref<4096x128xf32, #tpu.memory_space<hbm>> -> memref<4096x128xf32, #tpu.memory_space<hbm>>
        tpu.enqueue_indirect_dma source(%dma_start3A_75 : memref<4096x128xf32, #tpu.memory_space<hbm>>) target(%arg10 : memref<128x128xf32, #tpu.memory_space<vmem>>) offsets(%arg11 : memref<128xi32, #tpu.memory_space<vmem>>) semaphore(%run_scoped3A : memref<!tpu.dma_semaphore, #tpu.memory_space<semaphore_mem>>)
        %dma_wait3A = arith.constant 0 : i32
        %dma_wait3A_76 = arith.constant 0 : i32
        %dma_wait3A_77 = tpu.memref_slice %arg4[%dma_wait3A, %dma_wait3A_76] : memref<4096x128xf32, #tpu.memory_space<hbm>> -> memref<4096x128xf32, #tpu.memory_space<hbm>>
        tpu.wait_indirect_dma semaphore(%run_scoped3A : memref<!tpu.dma_semaphore, #tpu.memory_space<semaphore_mem>>) src(%dma_wait3A_77 : memref<4096x128xf32, #tpu.memory_space<hbm>>) dst(%arg10 : memref<128x128xf32, #tpu.memory_space<vmem>>)
        tpu.yield
      }) : () -> ()
      %add3A_70 = arith.constant 120000 : i32
      %add3A_71 = arith.addi %add3A_70, %add3A_37 : i32
      "tpu.region"() ({
        %run_scoped3A = tpu.sem_alloc : memref<!tpu.dma_semaphore, #tpu.memory_space<semaphore_mem>>
        %dma_start3A = arith.constant 0 : i32
        %dma_start3A_74 = tpu.memref_slice %arg7[%add3A_71, %dma_start3A] : memref<160000x128xf32, #tpu.memory_space<hbm>> -> memref<128x128xf32, #tpu.memory_space<hbm>>
        %dma_start3A_75 = arith.constant 0 : i32
        %dma_start3A_76 = tpu.memref_slice %arg7[%add3A_71, %dma_start3A_75] : memref<160000x128xf32, #tpu.memory_space<hbm>> -> memref<128x128xf32, #tpu.memory_space<hbm>>
        tpu.enqueue_dma source(%arg10 : memref<128x128xf32, #tpu.memory_space<vmem>>) target(%dma_start3A_76 : memref<128x128xf32, #tpu.memory_space<hbm>>) target_semaphore(%run_scoped3A : memref<!tpu.dma_semaphore, #tpu.memory_space<semaphore_mem>>)
        %dma_wait3A = arith.constant 0 : i32
        %dma_wait3A_77 = tpu.memref_slice %arg7[%add3A_71, %dma_wait3A] : memref<160000x128xf32, #tpu.memory_space<hbm>> -> memref<128x128xf32, #tpu.memory_space<hbm>>
        %dma_wait3A_78 = arith.constant 0 : i32
        %dma_wait3A_79 = tpu.memref_slice %arg7[%add3A_71, %dma_wait3A_78] : memref<160000x128xf32, #tpu.memory_space<hbm>> -> memref<128x128xf32, #tpu.memory_space<hbm>>
        tpu.wait_dma2 semaphore(%run_scoped3A : memref<!tpu.dma_semaphore, #tpu.memory_space<semaphore_mem>>) src(%arg10 : memref<128x128xf32, #tpu.memory_space<vmem>>) dst(%dma_wait3A_79 : memref<128x128xf32, #tpu.memory_space<hbm>>)
        tpu.yield
      }) : () -> ()
      %add3A_72 = arith.constant 10000 : i32
      %add3A_73 = arith.addi %add3A_72, %add3A_37 : i32
      "tpu.region"() ({
        %run_scoped3A = tpu.sem_alloc : memref<!tpu.dma_semaphore, #tpu.memory_space<semaphore_mem>>
        %dma_start3A = arith.constant 0 : i32
        %dma_start3A_74 = tpu.memref_slice %arg6[%add3A_73, %dma_start3A] : memref<50000x256xf32, #tpu.memory_space<hbm>> -> memref<128x256xf32, #tpu.memory_space<hbm>>
        %dma_start3A_75 = arith.constant 0 : i32
        %dma_start3A_76 = tpu.memref_slice %arg6[%add3A_73, %dma_start3A_75] : memref<50000x256xf32, #tpu.memory_space<hbm>> -> memref<128x256xf32, #tpu.memory_space<hbm>>
        tpu.enqueue_dma source(%arg8 : memref<128x256xf32, #tpu.memory_space<vmem>>) target(%dma_start3A_76 : memref<128x256xf32, #tpu.memory_space<hbm>>) target_semaphore(%run_scoped3A : memref<!tpu.dma_semaphore, #tpu.memory_space<semaphore_mem>>)
        %dma_wait3A = arith.constant 0 : i32
        %dma_wait3A_77 = tpu.memref_slice %arg6[%add3A_73, %dma_wait3A] : memref<50000x256xf32, #tpu.memory_space<hbm>> -> memref<128x256xf32, #tpu.memory_space<hbm>>
        %dma_wait3A_78 = arith.constant 0 : i32
        %dma_wait3A_79 = tpu.memref_slice %arg6[%add3A_73, %dma_wait3A_78] : memref<50000x256xf32, #tpu.memory_space<hbm>> -> memref<128x256xf32, #tpu.memory_space<hbm>>
        tpu.wait_dma2 semaphore(%run_scoped3A : memref<!tpu.dma_semaphore, #tpu.memory_space<semaphore_mem>>) src(%arg8 : memref<128x256xf32, #tpu.memory_space<vmem>>) dst(%dma_wait3A_79 : memref<128x256xf32, #tpu.memory_space<hbm>>)
        tpu.yield
      }) : () -> ()
    }
    %scan3A_33 = arith.constant 10 : i32
    return
  }
}

#map = affine_map<(d0, d1) -> (0)>
#map1 = affine_map<(d0, d1) -> (0, 0)>
module attributes {stable_mosaic.version = 14 : i64} {
  func.func @_k3_body(%arg0: i32, %arg1: i32, %arg2: memref<300032xi32, #tpu.memory_space<hbm>>, %arg3: memref<50000x256xf32, #tpu.memory_space<hbm>>, %arg4: memref<53248x256xf32, #tpu.memory_space<hbm>>, %arg5: memref<18752xi32, #tpu.memory_space<vmem>>, %arg6: memref<4176xi32, #tpu.memory_space<vmem>>, %arg7: memref<4176xi32, #tpu.memory_space<vmem>>, %arg8: memref<4176xi32, #tpu.memory_space<vmem>>, %arg9: memref<16xi32, #tpu.memory_space<vmem>>, %arg10: memref<256xi32, #tpu.memory_space<vmem>>, %arg11: memref<32xi32, #tpu.memory_space<vmem>>, %arg12: memref<32xi32, #tpu.memory_space<vmem>>, %arg13: memref<67584xf32, #tpu.memory_space<vmem>>, %arg14: memref<32x256xf32, #tpu.memory_space<vmem>>, %arg15: memref<66816xi32, #tpu.memory_space<vmem_shared>>, %arg16: memref<256xi32, #tpu.memory_space<vmem_shared>>, %arg17: memref<!tpu.dma_semaphore, #tpu.memory_space<semaphore_mem>>) attributes {dimension_semantics = [#tpu.dimension_semantics<core_parallel>, #tpu.dimension_semantics<subcore_parallel>], iteration_bounds = array<i64: 2, 16>, scalar_prefetch = 0 : i64, scratch_operands = 13 : i64, tpu.core_type = #tpu.core_type<sc_vector_subcore>, window_params = [{transform_indices = #map}, {transform_indices = #map1}, {transform_indices = #map1}]} {
    %mul3A = arith.constant 18752 : i32
    %mul3A_0 = arith.muli %arg1, %mul3A : i32
    %sub3A = arith.constant 300000 : i32
    %sub3A_1 = arith.subi %sub3A, %mul3A_0 : i32
    %min3A = arith.constant 18752 : i32
    %min3A_2 = arith.minsi %min3A, %sub3A_1 : i32
    "tpu.region"() ({
      %run_scoped3A = tpu.sem_alloc : memref<!tpu.dma_semaphore, #tpu.memory_space<semaphore_mem>>
      %dma_start3A = tpu.memref_slice %arg2[%mul3A_0] : memref<300032xi32, #tpu.memory_space<hbm>> -> memref<18752xi32, #tpu.memory_space<hbm>>
      %dma_start3A_8 = tpu.memref_slice %arg2[%mul3A_0] : memref<300032xi32, #tpu.memory_space<hbm>> -> memref<18752xi32, #tpu.memory_space<hbm>>
      tpu.enqueue_dma source(%dma_start3A_8 : memref<18752xi32, #tpu.memory_space<hbm>>) target(%arg5 : memref<18752xi32, #tpu.memory_space<vmem>>) target_semaphore(%run_scoped3A : memref<!tpu.dma_semaphore, #tpu.memory_space<semaphore_mem>>)
      %dma_wait3A = tpu.memref_slice %arg2[%mul3A_0] : memref<300032xi32, #tpu.memory_space<hbm>> -> memref<18752xi32, #tpu.memory_space<hbm>>
      %dma_wait3A_9 = tpu.memref_slice %arg2[%mul3A_0] : memref<300032xi32, #tpu.memory_space<hbm>> -> memref<18752xi32, #tpu.memory_space<hbm>>
      tpu.wait_dma2 semaphore(%run_scoped3A : memref<!tpu.dma_semaphore, #tpu.memory_space<semaphore_mem>>) src(%dma_wait3A_9 : memref<18752xi32, #tpu.memory_space<hbm>>) dst(%arg5 : memref<18752xi32, #tpu.memory_space<vmem>>)
      tpu.yield
    }) : () -> ()
    %scan3A = arith.constant 0 : i32
    %scan3A_3 = arith.constant 0 : i32
    %scan3A_4 = arith.constant 13 : i32
    %scan3A_5 = arith.addi %scan3A_3, %scan3A_4 : i32
    %scan3A_6 = arith.constant 1 : i32
    scf.for %scan3A_8 = %scan3A_3 to %scan3A_5 step %scan3A_6  : i32 {
      %jit3A = arith.constant 2 : i32
      %eq3A = arith.constant 0 : i32
      %eq3A_9 = arith.cmpi eq, %jit3A, %eq3A : i32
      %jit3A_10 = arith.constant 1 : i32
      %select_n3A = arith.select %eq3A_9, %jit3A_10, %jit3A : i32
      %rem3A = arith.remsi %scan3A_8, %select_n3A : i32
      %ne3A = arith.constant 0 : i32
      %ne3A_11 = arith.cmpi ne, %rem3A, %ne3A : i32
      %lt3A = arith.constant 0 : i32
      %lt3A_12 = arith.cmpi slt, %rem3A, %lt3A : i32
      %lt3A_13 = arith.constant 0 : i32
      %lt3A_14 = arith.cmpi slt, %select_n3A, %lt3A_13 : i32
      %ne3A_15 = arith.xori %lt3A_12, %lt3A_14 : i1
      %and3A = arith.andi %ne3A_15, %ne3A_11 : i1
      %add3A = arith.addi %rem3A, %select_n3A : i32
      %select_n3A_16 = arith.select %and3A, %add3A, %rem3A : i32
      %eq3A_17 = arith.cmpi eq, %select_n3A_16, %arg0 : i32
      %convert_element_type3A = arith.extui %eq3A_17 : i1 to i32
      %cond3A = arith.constant 0 : i32
      %cond3A_18 = arith.cmpi ne, %convert_element_type3A, %cond3A : i32
      scf.if %cond3A_18 {
        %mul3A_19 = arith.constant 4096 : i32
        %mul3A_20 = arith.muli %scan3A_8, %mul3A_19 : i32
        %mul3A_21 = arith.constant 256 : i32
        %mul3A_22 = arith.muli %arg1, %mul3A_21 : i32
        %add3A_23 = arith.addi %mul3A_20, %mul3A_22 : i32
        %scan3A_24 = arith.constant 0 : i32
        %scan3A_25 = arith.constant 0 : i32
        %scan3A_26 = arith.constant 1172 : i32
        %scan3A_27 = arith.addi %scan3A_25, %scan3A_26 : i32
        %scan3A_28 = arith.constant 1 : i32
        %scan3A_29 = scf.for %scan3A_176 = %scan3A_25 to %scan3A_27 step %scan3A_28 iter_args(%scan3A_177 = %scan3A_24) -> (i32)  : i32 {
          %mul3A_178 = arith.constant 16 : i32
          %mul3A_179 = arith.muli %scan3A_176, %mul3A_178 : i32
          %get3A_180 = arith.index_cast %mul3A_179 : i32 to index
          %get3A_181 = tpu.vector_load %arg5[%get3A_180] {strides = array<i32>} : memref<18752xi32, #tpu.memory_space<vmem>>, vector<16xi32>,
          %bitcast3A_182 = vector.bitcast %get3A_181 : vector<16xi32> to vector<16xi32>
          %shift_right_logical3A = arith.constant 16 : i32
          %shift_right_logical3A_183 = vector.broadcast %shift_right_logical3A : i32 to vector<16xi32>
          %shift_right_logical3A_184 = arith.shrui %bitcast3A_182, %shift_right_logical3A_183 : vector<16xi32>
          %bitcast3A_185 = vector.bitcast %shift_right_logical3A_184 : vector<16xi32> to vector<16xi32>
          %mul3A_186 = arith.constant 16 : i32
          %mul3A_187 = arith.muli %scan3A_176, %mul3A_186 : i32
          %iota3A_188 = tpu.iota {dimensions = array<i32: 0>} : vector<16xi32>
          %add3A_189 = vector.broadcast %mul3A_187 : i32 to vector<16xi32>
          %add3A_190 = arith.addi %add3A_189, %iota3A_188 : vector<16xi32>
          %lt3A_191 = vector.broadcast %min3A_2 : i32 to vector<16xi32>
          %lt3A_192 = arith.cmpi slt, %add3A_190, %lt3A_191 : vector<16xi32>
          %shift_right_arithmetic3A = arith.constant 12 : i32
          %shift_right_arithmetic3A_193 = vector.broadcast %shift_right_arithmetic3A : i32 to vector<16xi32>
          %shift_right_arithmetic3A_194 = arith.shrsi %bitcast3A_185, %shift_right_arithmetic3A_193 : vector<16xi32>
          %eq3A_195 = vector.broadcast %scan3A_8 : i32 to vector<16xi32>
          %eq3A_196 = arith.cmpi eq, %shift_right_arithmetic3A_194, %eq3A_195 : vector<16xi32>
          %and3A_197 = arith.andi %eq3A_196, %lt3A_192 : vector<16xi1>
          %bitcast3A_198 = vector.bitcast %bitcast3A_182 : vector<16xi32> to vector<16xi32>
          %swap3A_199 = arith.index_cast %scan3A_177 : i32 to index
          %swap3A_200 = tpu.vector_load %arg6[%swap3A_199] masked %and3A_197 {strides = array<i32>} : memref<4176xi32, #tpu.memory_space<vmem>>, vector<16xi32>, vector<16xi1>
          tpu.vector_store %arg6[%swap3A_199], %bitcast3A_198 masked %and3A_197 {strides = array<i32>} : memref<4176xi32, #tpu.memory_space<vmem>>, vector<16xi32>, vector<16xi1>
          %all_reduce_population_count3A = tpu.all_reduce %and3A_197 {dim = 0 : i64, kind = #tpu.reduction_kind<sum>} : vector<16xi1> -> vector<16xi32>
          %reduce_max3A = arith.constant true
          %reduce_max3A_201 = vector.broadcast %reduce_max3A : i1 to vector<16xi1>
          %reduce_max3A_202 = arith.constant -2147483648 : i32
          %reduce_max3A_203 = vector.broadcast %reduce_max3A_202 : i32 to vector<16xi32>
          %reduce_max3A_204 = arith.xori %all_reduce_population_count3A, %reduce_max3A_203 : vector<16xi32>
          %reduce_max3A_205 = tpu.scan <max>, %reduce_max3A_204 masked %reduce_max3A_201 : vector<16xi32>, vector<16xi1> -> vector<16xi32>
          %reduce_max3A_206 = arith.xori %reduce_max3A_205, %reduce_max3A_203 : vector<16xi32>
          %reduce_max3A_207 = vector.extract %reduce_max3A_206[15] : i32 from vector<16xi32>
          %add3A_208 = arith.addi %scan3A_177, %reduce_max3A_207 : i32
          %min3A_209 = arith.constant 4096 : i32
          %min3A_210 = arith.minsi %add3A_208, %min3A_209 : i32
          scf.yield %min3A_210 : i32
        }
        %scan3A_30 = arith.constant 1172 : i32
        %broadcast_in_dim3A = vector.broadcast %scan3A_29 : i32 to vector<16xi32>
        %swap3A = arith.constant 0 : index
        %swap3A_31 = tpu.vector_load %arg9[%swap3A] {strides = array<i32>} : memref<16xi32, #tpu.memory_space<vmem>>, vector<16xi32>,
        tpu.vector_store %arg9[%swap3A], %broadcast_in_dim3A {strides = array<i32>} : memref<16xi32, #tpu.memory_space<vmem>>, vector<16xi32>,
        %mul3A_32 = arith.constant 4176 : i32
        %mul3A_33 = arith.muli %arg1, %mul3A_32 : i32
        "tpu.region"() ({
          %run_scoped3A = tpu.sem_alloc : memref<!tpu.dma_semaphore, #tpu.memory_space<semaphore_mem>>
          %dma_start3A = tpu.memref_slice %arg15[%mul3A_33] : memref<66816xi32, #tpu.memory_space<vmem_shared>> -> memref<4176xi32, #tpu.memory_space<vmem_shared>>
          %dma_start3A_176 = tpu.memref_slice %arg15[%mul3A_33] : memref<66816xi32, #tpu.memory_space<vmem_shared>> -> memref<4176xi32, #tpu.memory_space<vmem_shared>>
          tpu.enqueue_dma source(%arg6 : memref<4176xi32, #tpu.memory_space<vmem>>) target(%dma_start3A_176 : memref<4176xi32, #tpu.memory_space<vmem_shared>>) target_semaphore(%run_scoped3A : memref<!tpu.dma_semaphore, #tpu.memory_space<semaphore_mem>>)
          %dma_wait3A = tpu.memref_slice %arg15[%mul3A_33] : memref<66816xi32, #tpu.memory_space<vmem_shared>> -> memref<4176xi32, #tpu.memory_space<vmem_shared>>
          %dma_wait3A_177 = tpu.memref_slice %arg15[%mul3A_33] : memref<66816xi32, #tpu.memory_space<vmem_shared>> -> memref<4176xi32, #tpu.memory_space<vmem_shared>>
          tpu.wait_dma2 semaphore(%run_scoped3A : memref<!tpu.dma_semaphore, #tpu.memory_space<semaphore_mem>>) src(%arg6 : memref<4176xi32, #tpu.memory_space<vmem>>) dst(%dma_wait3A_177 : memref<4176xi32, #tpu.memory_space<vmem_shared>>)
          tpu.yield
        }) : () -> ()
        %mul3A_34 = arith.constant 16 : i32
        %mul3A_35 = arith.muli %arg1, %mul3A_34 : i32
        "tpu.region"() ({
          %run_scoped3A = tpu.sem_alloc : memref<!tpu.dma_semaphore, #tpu.memory_space<semaphore_mem>>
          %dma_start3A = tpu.memref_slice %arg16[%mul3A_35] : memref<256xi32, #tpu.memory_space<vmem_shared>> -> memref<16xi32, #tpu.memory_space<vmem_shared>>
          %dma_start3A_176 = tpu.memref_slice %arg16[%mul3A_35] : memref<256xi32, #tpu.memory_space<vmem_shared>> -> memref<16xi32, #tpu.memory_space<vmem_shared>>
          tpu.enqueue_dma source(%arg9 : memref<16xi32, #tpu.memory_space<vmem>>) target(%dma_start3A_176 : memref<16xi32, #tpu.memory_space<vmem_shared>>) target_semaphore(%run_scoped3A : memref<!tpu.dma_semaphore, #tpu.memory_space<semaphore_mem>>)
          %dma_wait3A = tpu.memref_slice %arg16[%mul3A_35] : memref<256xi32, #tpu.memory_space<vmem_shared>> -> memref<16xi32, #tpu.memory_space<vmem_shared>>
          %dma_wait3A_177 = tpu.memref_slice %arg16[%mul3A_35] : memref<256xi32, #tpu.memory_space<vmem_shared>> -> memref<16xi32, #tpu.memory_space<vmem_shared>>
          tpu.wait_dma2 semaphore(%run_scoped3A : memref<!tpu.dma_semaphore, #tpu.memory_space<semaphore_mem>>) src(%arg9 : memref<16xi32, #tpu.memory_space<vmem>>) dst(%dma_wait3A_177 : memref<16xi32, #tpu.memory_space<vmem_shared>>)
          tpu.yield
        }) : () -> ()
        %barrier3A = arith.constant 0 : index
        tpu.barrier barrier_id(%barrier3A)
        "tpu.region"() ({
          %run_scoped3A = tpu.sem_alloc : memref<!tpu.dma_semaphore, #tpu.memory_space<semaphore_mem>>
          tpu.enqueue_dma source(%arg16 : memref<256xi32, #tpu.memory_space<vmem_shared>>) target(%arg10 : memref<256xi32, #tpu.memory_space<vmem>>) target_semaphore(%run_scoped3A : memref<!tpu.dma_semaphore, #tpu.memory_space<semaphore_mem>>)
          tpu.wait_dma2 semaphore(%run_scoped3A : memref<!tpu.dma_semaphore, #tpu.memory_space<semaphore_mem>>) src(%arg16 : memref<256xi32, #tpu.memory_space<vmem_shared>>) dst(%arg10 : memref<256xi32, #tpu.memory_space<vmem>>)
          tpu.yield
        }) : () -> ()
        %scan3A_36 = arith.constant 0 : i32
        %scan3A_37 = arith.constant 0 : i32
        %scan3A_38 = arith.constant 16 : i32
        %scan3A_39 = arith.addi %scan3A_37, %scan3A_38 : i32
        %scan3A_40 = arith.constant 1 : i32
        %scan3A_41 = scf.for %scan3A_176 = %scan3A_37 to %scan3A_39 step %scan3A_40 iter_args(%scan3A_177 = %scan3A_36) -> (i32)  : i32 {
          %mul3A_178 = arith.constant 4176 : i32
          %mul3A_179 = arith.muli %scan3A_176, %mul3A_178 : i32
          "tpu.region"() ({
            %run_scoped3A = tpu.sem_alloc : memref<!tpu.dma_semaphore, #tpu.memory_space<semaphore_mem>>
            %dma_start3A = tpu.memref_slice %arg15[%mul3A_179] : memref<66816xi32, #tpu.memory_space<vmem_shared>> -> memref<4176xi32, #tpu.memory_space<vmem_shared>>
            %dma_start3A_230 = tpu.memref_slice %arg15[%mul3A_179] : memref<66816xi32, #tpu.memory_space<vmem_shared>> -> memref<4176xi32, #tpu.memory_space<vmem_shared>>
            tpu.enqueue_dma source(%dma_start3A_230 : memref<4176xi32, #tpu.memory_space<vmem_shared>>) target(%arg7 : memref<4176xi32, #tpu.memory_space<vmem>>) target_semaphore(%run_scoped3A : memref<!tpu.dma_semaphore, #tpu.memory_space<semaphore_mem>>)
            %dma_wait3A = tpu.memref_slice %arg15[%mul3A_179] : memref<66816xi32, #tpu.memory_space<vmem_shared>> -> memref<4176xi32, #tpu.memory_space<vmem_shared>>
            %dma_wait3A_231 = tpu.memref_slice %arg15[%mul3A_179] : memref<66816xi32, #tpu.memory_space<vmem_shared>> -> memref<4176xi32, #tpu.memory_space<vmem_shared>>
            tpu.wait_dma2 semaphore(%run_scoped3A : memref<!tpu.dma_semaphore, #tpu.memory_space<semaphore_mem>>) src(%dma_wait3A_231 : memref<4176xi32, #tpu.memory_space<vmem_shared>>) dst(%arg7 : memref<4176xi32, #tpu.memory_space<vmem>>)
            tpu.yield
          }) : () -> ()
          %mul3A_180 = arith.constant 16 : i32
          %mul3A_181 = arith.muli %scan3A_176, %mul3A_180 : i32
          %get3A_182 = arith.index_cast %mul3A_181 : i32 to index
          %get3A_183 = tpu.vector_load %arg10[%get3A_182] {strides = array<i32>} : memref<256xi32, #tpu.memory_space<vmem>>, vector<16xi32>,
          %reduce_max3A = arith.constant true
          %reduce_max3A_184 = vector.broadcast %reduce_max3A : i1 to vector<16xi1>
          %reduce_max3A_185 = arith.constant -2147483648 : i32
          %reduce_max3A_186 = vector.broadcast %reduce_max3A_185 : i32 to vector<16xi32>
          %reduce_max3A_187 = arith.xori %get3A_183, %reduce_max3A_186 : vector<16xi32>
          %reduce_max3A_188 = tpu.scan <max>, %reduce_max3A_187 masked %reduce_max3A_184 : vector<16xi32>, vector<16xi1> -> vector<16xi32>
          %reduce_max3A_189 = arith.xori %reduce_max3A_188, %reduce_max3A_186 : vector<16xi32>
          %reduce_max3A_190 = vector.extract %reduce_max3A_189[15] : i32 from vector<16xi32>
          %add3A_191 = arith.constant 16 : i32
          %add3A_192 = arith.addi %reduce_max3A_190, %add3A_191 : i32
          %sub3A_193 = arith.constant 1 : i32
          %sub3A_194 = arith.subi %add3A_192, %sub3A_193 : i32
          %jit3A_195 = arith.constant 16 : i32
          %div3A_196 = arith.divsi %sub3A_194, %jit3A_195 : i32
          %sign3A_197 = arith.constant 0 : i32
          %sign3A_198 = arith.cmpi sgt, %sub3A_194, %sign3A_197 : i32
          %sign3A_199 = arith.extui %sign3A_198 : i1 to i32
          %sign3A_200 = arith.constant 0 : i32
          %sign3A_201 = arith.cmpi slt, %sub3A_194, %sign3A_200 : i32
          %sign3A_202 = arith.extui %sign3A_201 : i1 to i32
          %sign3A_203 = arith.subi %sign3A_199, %sign3A_202 : i32
          %sign3A_204 = arith.constant 0 : i32
          %sign3A_205 = arith.cmpi sgt, %jit3A_195, %sign3A_204 : i32
          %sign3A_206 = arith.extui %sign3A_205 : i1 to i32
          %sign3A_207 = arith.constant 0 : i32
          %sign3A_208 = arith.cmpi slt, %jit3A_195, %sign3A_207 : i32
          %sign3A_209 = arith.extui %sign3A_208 : i1 to i32
          %sign3A_210 = arith.subi %sign3A_206, %sign3A_209 : i32
          %ne3A_211 = arith.cmpi ne, %sign3A_203, %sign3A_210 : i32
          %rem3A_212 = arith.remsi %sub3A_194, %jit3A_195 : i32
          %ne3A_213 = arith.constant 0 : i32
          %ne3A_214 = arith.cmpi ne, %rem3A_212, %ne3A_213 : i32
          %and3A_215 = arith.andi %ne3A_211, %ne3A_214 : i1
          %sub3A_216 = arith.constant 1 : i32
          %sub3A_217 = arith.subi %div3A_196, %sub3A_216 : i32
          %select_n3A_218 = arith.select %and3A_215, %sub3A_217, %div3A_196 : i32
          %while3A_219 = arith.constant 0 : i32
          %while3A_220 = arith.subi %select_n3A_218, %while3A_219 : i32
          %while3A_221 = arith.addi %while3A_219, %while3A_220 : i32
          %while3A_222 = arith.constant 1 : i32
          %while3A_223 = arith.divsi %while3A_220, %while3A_222 : i32
          %while3A_224 = arith.muli %while3A_223, %while3A_222 : i32
          %while3A_225 = arith.addi %while3A_219, %while3A_224 : i32
          %while3A_226 = arith.constant 1 : i32
          %while3A_227 = scf.for %while3A_230 = %while3A_219 to %while3A_225 step %while3A_226 iter_args(%while3A_231 = %scan3A_177) -> (i32)  : i32 {
            %mul3A_232 = arith.constant 16 : i32
            %mul3A_233 = arith.muli %while3A_230, %mul3A_232 : i32
            %get3A_234 = arith.index_cast %mul3A_233 : i32 to index
            %get3A_235 = tpu.vector_load %arg7[%get3A_234] {strides = array<i32>} : memref<4176xi32, #tpu.memory_space<vmem>>, vector<16xi32>,
            %bitcast3A_236 = vector.bitcast %get3A_235 : vector<16xi32> to vector<16xi32>
            %shift_right_logical3A = arith.constant 16 : i32
            %shift_right_logical3A_237 = vector.broadcast %shift_right_logical3A : i32 to vector<16xi32>
            %shift_right_logical3A_238 = arith.shrui %bitcast3A_236, %shift_right_logical3A_237 : vector<16xi32>
            %bitcast3A_239 = vector.bitcast %shift_right_logical3A_238 : vector<16xi32> to vector<16xi32>
            %mul3A_240 = arith.constant 16 : i32
            %mul3A_241 = arith.muli %while3A_230, %mul3A_240 : i32
            %iota3A_242 = tpu.iota {dimensions = array<i32: 0>} : vector<16xi32>
            %add3A_243 = vector.broadcast %mul3A_241 : i32 to vector<16xi32>
            %add3A_244 = arith.addi %add3A_243, %iota3A_242 : vector<16xi32>
            %lt3A_245 = vector.broadcast %reduce_max3A_190 : i32 to vector<16xi32>
            %lt3A_246 = arith.cmpi slt, %add3A_244, %lt3A_245 : vector<16xi32>
            %ge3A_247 = vector.broadcast %add3A_23 : i32 to vector<16xi32>
            %ge3A_248 = arith.cmpi sge, %bitcast3A_239, %ge3A_247 : vector<16xi32>
            %and3A_249 = arith.andi %lt3A_246, %ge3A_248 : vector<16xi1>
            %add3A_250 = arith.constant 256 : i32
            %add3A_251 = arith.addi %add3A_23, %add3A_250 : i32
            %lt3A_252 = vector.broadcast %add3A_251 : i32 to vector<16xi32>
            %lt3A_253 = arith.cmpi slt, %bitcast3A_239, %lt3A_252 : vector<16xi32>
            %and3A_254 = arith.andi %and3A_249, %lt3A_253 : vector<16xi1>
            %swap3A_255 = arith.index_cast %while3A_231 : i32 to index
            %swap3A_256 = tpu.vector_load %arg8[%swap3A_255] masked %and3A_254 {strides = array<i32>} : memref<4176xi32, #tpu.memory_space<vmem>>, vector<16xi32>, vector<16xi1>
            tpu.vector_store %arg8[%swap3A_255], %get3A_235 masked %and3A_254 {strides = array<i32>} : memref<4176xi32, #tpu.memory_space<vmem>>, vector<16xi32>, vector<16xi1>
            %all_reduce_population_count3A = tpu.all_reduce %and3A_254 {dim = 0 : i64, kind = #tpu.reduction_kind<sum>} : vector<16xi1> -> vector<16xi32>
            %reduce_max3A_257 = arith.constant true
            %reduce_max3A_258 = vector.broadcast %reduce_max3A_257 : i1 to vector<16xi1>
            %reduce_max3A_259 = arith.constant -2147483648 : i32
            %reduce_max3A_260 = vector.broadcast %reduce_max3A_259 : i32 to vector<16xi32>
            %reduce_max3A_261 = arith.xori %all_reduce_population_count3A, %reduce_max3A_260 : vector<16xi32>
            %reduce_max3A_262 = tpu.scan <max>, %reduce_max3A_261 masked %reduce_max3A_258 : vector<16xi32>, vector<16xi1> -> vector<16xi32>
            %reduce_max3A_263 = arith.xori %reduce_max3A_262, %reduce_max3A_260 : vector<16xi32>
            %reduce_max3A_264 = vector.extract %reduce_max3A_263[15] : i32 from vector<16xi32>
            %add3A_265 = arith.addi %while3A_231, %reduce_max3A_264 : i32
            %min3A_266 = arith.constant 4096 : i32
            %min3A_267 = arith.minsi %add3A_265, %min3A_266 : i32
            scf.yield %min3A_267 : i32
          }
          %while3A_228 = arith.constant 1 : i32
          %while3A_229 = scf.for %while3A_230 = %while3A_225 to %while3A_221 step %while3A_228 iter_args(%while3A_231 = %while3A_227) -> (i32)  : i32 {
            %mul3A_232 = arith.constant 16 : i32
            %mul3A_233 = arith.muli %while3A_230, %mul3A_232 : i32
            %get3A_234 = arith.index_cast %mul3A_233 : i32 to index
            %get3A_235 = tpu.vector_load %arg7[%get3A_234] {strides = array<i32>} : memref<4176xi32, #tpu.memory_space<vmem>>, vector<16xi32>,
            %bitcast3A_236 = vector.bitcast %get3A_235 : vector<16xi32> to vector<16xi32>
            %shift_right_logical3A = arith.constant 16 : i32
            %shift_right_logical3A_237 = vector.broadcast %shift_right_logical3A : i32 to vector<16xi32>
            %shift_right_logical3A_238 = arith.shrui %bitcast3A_236, %shift_right_logical3A_237 : vector<16xi32>
            %bitcast3A_239 = vector.bitcast %shift_right_logical3A_238 : vector<16xi32> to vector<16xi32>
            %mul3A_240 = arith.constant 16 : i32
            %mul3A_241 = arith.muli %while3A_230, %mul3A_240 : i32
            %iota3A_242 = tpu.iota {dimensions = array<i32: 0>} : vector<16xi32>
            %add3A_243 = vector.broadcast %mul3A_241 : i32 to vector<16xi32>
            %add3A_244 = arith.addi %add3A_243, %iota3A_242 : vector<16xi32>
            %lt3A_245 = vector.broadcast %reduce_max3A_190 : i32 to vector<16xi32>
            %lt3A_246 = arith.cmpi slt, %add3A_244, %lt3A_245 : vector<16xi32>
            %ge3A_247 = vector.broadcast %add3A_23 : i32 to vector<16xi32>
            %ge3A_248 = arith.cmpi sge, %bitcast3A_239, %ge3A_247 : vector<16xi32>
            %and3A_249 = arith.andi %lt3A_246, %ge3A_248 : vector<16xi1>
            %add3A_250 = arith.constant 256 : i32
            %add3A_251 = arith.addi %add3A_23, %add3A_250 : i32
            %lt3A_252 = vector.broadcast %add3A_251 : i32 to vector<16xi32>
            %lt3A_253 = arith.cmpi slt, %bitcast3A_239, %lt3A_252 : vector<16xi32>
            %and3A_254 = arith.andi %and3A_249, %lt3A_253 : vector<16xi1>
            %swap3A_255 = arith.index_cast %while3A_231 : i32 to index
            %swap3A_256 = tpu.vector_load %arg8[%swap3A_255] masked %and3A_254 {strides = array<i32>} : memref<4176xi32, #tpu.memory_space<vmem>>, vector<16xi32>, vector<16xi1>
            tpu.vector_store %arg8[%swap3A_255], %get3A_235 masked %and3A_254 {strides = array<i32>} : memref<4176xi32, #tpu.memory_space<vmem>>, vector<16xi32>, vector<16xi1>
            %all_reduce_population_count3A = tpu.all_reduce %and3A_254 {dim = 0 : i64, kind = #tpu.reduction_kind<sum>} : vector<16xi1> -> vector<16xi32>
            %reduce_max3A_257 = arith.constant true
            %reduce_max3A_258 = vector.broadcast %reduce_max3A_257 : i1 to vector<16xi1>
            %reduce_max3A_259 = arith.constant -2147483648 : i32
            %reduce_max3A_260 = vector.broadcast %reduce_max3A_259 : i32 to vector<16xi32>
            %reduce_max3A_261 = arith.xori %all_reduce_population_count3A, %reduce_max3A_260 : vector<16xi32>
            %reduce_max3A_262 = tpu.scan <max>, %reduce_max3A_261 masked %reduce_max3A_258 : vector<16xi32>, vector<16xi1> -> vector<16xi32>
            %reduce_max3A_263 = arith.xori %reduce_max3A_262, %reduce_max3A_260 : vector<16xi32>
            %reduce_max3A_264 = vector.extract %reduce_max3A_263[15] : i32 from vector<16xi32>
            %add3A_265 = arith.addi %while3A_231, %reduce_max3A_264 : i32
            %min3A_266 = arith.constant 4096 : i32
            %min3A_267 = arith.minsi %add3A_265, %min3A_266 : i32
            scf.yield %min3A_267 : i32
          }
          scf.yield %while3A_229 : i32
        }
        %scan3A_42 = arith.constant 16 : i32
        %jit3A_43 = arith.constant 16 : i32
        %div3A = arith.divsi %scan3A_41, %jit3A_43 : i32
        %sign3A = arith.constant 0 : i32
        %sign3A_44 = arith.cmpi sgt, %scan3A_41, %sign3A : i32
        %sign3A_45 = arith.extui %sign3A_44 : i1 to i32
        %sign3A_46 = arith.constant 0 : i32
        %sign3A_47 = arith.cmpi slt, %scan3A_41, %sign3A_46 : i32
        %sign3A_48 = arith.extui %sign3A_47 : i1 to i32
        %sign3A_49 = arith.subi %sign3A_45, %sign3A_48 : i32
        %sign3A_50 = arith.constant 0 : i32
        %sign3A_51 = arith.cmpi sgt, %jit3A_43, %sign3A_50 : i32
        %sign3A_52 = arith.extui %sign3A_51 : i1 to i32
        %sign3A_53 = arith.constant 0 : i32
        %sign3A_54 = arith.cmpi slt, %jit3A_43, %sign3A_53 : i32
        %sign3A_55 = arith.extui %sign3A_54 : i1 to i32
        %sign3A_56 = arith.subi %sign3A_52, %sign3A_55 : i32
        %ne3A_57 = arith.cmpi ne, %sign3A_49, %sign3A_56 : i32
        %rem3A_58 = arith.remsi %scan3A_41, %jit3A_43 : i32
        %ne3A_59 = arith.constant 0 : i32
        %ne3A_60 = arith.cmpi ne, %rem3A_58, %ne3A_59 : i32
        %and3A_61 = arith.andi %ne3A_57, %ne3A_60 : i1
        %sub3A_62 = arith.constant 1 : i32
        %sub3A_63 = arith.subi %div3A, %sub3A_62 : i32
        %select_n3A_64 = arith.select %and3A_61, %sub3A_63, %div3A : i32
        %add3A_65 = arith.constant 256 : i32
        %add3A_66 = arith.addi %add3A_23, %add3A_65 : i32
        %iota3A = tpu.iota {dimensions = array<i32: 0>} : vector<16xi32>
        %and3A_67 = arith.constant 7 : i32
        %and3A_68 = vector.broadcast %and3A_67 : i32 to vector<16xi32>
        %and3A_69 = arith.andi %iota3A, %and3A_68 : vector<16xi32>
        %add3A_70 = vector.broadcast %add3A_66 : i32 to vector<16xi32>
        %add3A_71 = arith.addi %add3A_70, %and3A_69 : vector<16xi32>
        %bitcast3A = vector.bitcast %add3A_71 : vector<16xi32> to vector<16xi32>
        %shift_left3A = arith.constant 16 : i32
        %shift_left3A_72 = vector.broadcast %shift_left3A : i32 to vector<16xi32>
        %shift_left3A_73 = arith.shli %bitcast3A, %shift_left3A_72 : vector<16xi32>
        %bitcast3A_74 = vector.bitcast %shift_left3A_73 : vector<16xi32> to vector<16xi32>
        %add3A_75 = arith.constant 0 : i32
        %add3A_76 = arith.addi %select_n3A_64, %add3A_75 : i32
        %mul3A_77 = arith.constant 16 : i32
        %mul3A_78 = arith.muli %add3A_76, %mul3A_77 : i32
        %iota3A_79 = tpu.iota {dimensions = array<i32: 0>} : vector<16xi32>
        %add3A_80 = vector.broadcast %mul3A_78 : i32 to vector<16xi32>
        %add3A_81 = arith.addi %add3A_80, %iota3A_79 : vector<16xi32>
        %ge3A = vector.broadcast %scan3A_41 : i32 to vector<16xi32>
        %ge3A_82 = arith.cmpi sge, %add3A_81, %ge3A : vector<16xi32>
        %mul3A_83 = arith.constant 16 : i32
        %mul3A_84 = arith.muli %add3A_76, %mul3A_83 : i32
        %get3A = arith.index_cast %mul3A_84 : i32 to index
        %get3A_85 = tpu.vector_load %arg8[%get3A] {strides = array<i32>} : memref<4176xi32, #tpu.memory_space<vmem>>, vector<16xi32>,
        %select_n3A_86 = arith.select %ge3A_82, %bitcast3A_74, %get3A_85 : vector<16xi1>, vector<16xi32>
        %mul3A_87 = arith.constant 16 : i32
        %mul3A_88 = arith.muli %add3A_76, %mul3A_87 : i32
        %swap3A_89 = arith.index_cast %mul3A_88 : i32 to index
        %swap3A_90 = tpu.vector_load %arg8[%swap3A_89] {strides = array<i32>} : memref<4176xi32, #tpu.memory_space<vmem>>, vector<16xi32>,
        tpu.vector_store %arg8[%swap3A_89], %select_n3A_86 {strides = array<i32>} : memref<4176xi32, #tpu.memory_space<vmem>>, vector<16xi32>,
        %add3A_91 = arith.constant 1 : i32
        %add3A_92 = arith.addi %select_n3A_64, %add3A_91 : i32
        %mul3A_93 = arith.constant 16 : i32
        %mul3A_94 = arith.muli %add3A_92, %mul3A_93 : i32
        %iota3A_95 = tpu.iota {dimensions = array<i32: 0>} : vector<16xi32>
        %add3A_96 = vector.broadcast %mul3A_94 : i32 to vector<16xi32>
        %add3A_97 = arith.addi %add3A_96, %iota3A_95 : vector<16xi32>
        %ge3A_98 = vector.broadcast %scan3A_41 : i32 to vector<16xi32>
        %ge3A_99 = arith.cmpi sge, %add3A_97, %ge3A_98 : vector<16xi32>
        %mul3A_100 = arith.constant 16 : i32
        %mul3A_101 = arith.muli %add3A_92, %mul3A_100 : i32
        %get3A_102 = arith.index_cast %mul3A_101 : i32 to index
        %get3A_103 = tpu.vector_load %arg8[%get3A_102] {strides = array<i32>} : memref<4176xi32, #tpu.memory_space<vmem>>, vector<16xi32>,
        %select_n3A_104 = arith.select %ge3A_99, %bitcast3A_74, %get3A_103 : vector<16xi1>, vector<16xi32>
        %mul3A_105 = arith.constant 16 : i32
        %mul3A_106 = arith.muli %add3A_92, %mul3A_105 : i32
        %swap3A_107 = arith.index_cast %mul3A_106 : i32 to index
        %swap3A_108 = tpu.vector_load %arg8[%swap3A_107] {strides = array<i32>} : memref<4176xi32, #tpu.memory_space<vmem>>, vector<16xi32>,
        tpu.vector_store %arg8[%swap3A_107], %select_n3A_104 {strides = array<i32>} : memref<4176xi32, #tpu.memory_space<vmem>>, vector<16xi32>,
        %add3A_109 = arith.constant 2 : i32
        %add3A_110 = arith.addi %select_n3A_64, %add3A_109 : i32
        %mul3A_111 = arith.constant 16 : i32
        %mul3A_112 = arith.muli %add3A_110, %mul3A_111 : i32
        %iota3A_113 = tpu.iota {dimensions = array<i32: 0>} : vector<16xi32>
        %add3A_114 = vector.broadcast %mul3A_112 : i32 to vector<16xi32>
        %add3A_115 = arith.addi %add3A_114, %iota3A_113 : vector<16xi32>
        %ge3A_116 = vector.broadcast %scan3A_41 : i32 to vector<16xi32>
        %ge3A_117 = arith.cmpi sge, %add3A_115, %ge3A_116 : vector<16xi32>
        %mul3A_118 = arith.constant 16 : i32
        %mul3A_119 = arith.muli %add3A_110, %mul3A_118 : i32
        %get3A_120 = arith.index_cast %mul3A_119 : i32 to index
        %get3A_121 = tpu.vector_load %arg8[%get3A_120] {strides = array<i32>} : memref<4176xi32, #tpu.memory_space<vmem>>, vector<16xi32>,
        %select_n3A_122 = arith.select %ge3A_117, %bitcast3A_74, %get3A_121 : vector<16xi1>, vector<16xi32>
        %mul3A_123 = arith.constant 16 : i32
        %mul3A_124 = arith.muli %add3A_110, %mul3A_123 : i32
        %swap3A_125 = arith.index_cast %mul3A_124 : i32 to index
        %swap3A_126 = tpu.vector_load %arg8[%swap3A_125] {strides = array<i32>} : memref<4176xi32, #tpu.memory_space<vmem>>, vector<16xi32>,
        tpu.vector_store %arg8[%swap3A_125], %select_n3A_122 {strides = array<i32>} : memref<4176xi32, #tpu.memory_space<vmem>>, vector<16xi32>,
        %scan3A_127 = arith.constant 0 : i32
        %scan3A_128 = arith.constant 0 : i32
        %scan3A_129 = arith.constant 4224 : i32
        %scan3A_130 = arith.addi %scan3A_128, %scan3A_129 : i32
        %scan3A_131 = arith.constant 1 : i32
        scf.for %scan3A_176 = %scan3A_128 to %scan3A_130 step %scan3A_131  : i32 {
          %broadcast_in_dim3A_177 = arith.constant 0.000000e+00 : f32
          %broadcast_in_dim3A_178 = vector.broadcast %broadcast_in_dim3A_177 : f32 to vector<16xf32>
          %mul3A_179 = arith.constant 16 : i32
          %mul3A_180 = arith.muli %scan3A_176, %mul3A_179 : i32
          %swap3A_181 = arith.index_cast %mul3A_180 : i32 to index
          %swap3A_182 = tpu.vector_load %arg13[%swap3A_181] {strides = array<i32>} : memref<67584xf32, #tpu.memory_space<vmem>>, vector<16xf32>,
          tpu.vector_store %arg13[%swap3A_181], %broadcast_in_dim3A_178 {strides = array<i32>} : memref<67584xf32, #tpu.memory_space<vmem>>, vector<16xf32>,
        }
        %scan3A_132 = arith.constant 4224 : i32
        %add3A_133 = arith.constant 31 : i32
        %add3A_134 = arith.addi %scan3A_41, %add3A_133 : i32
        %jit3A_135 = arith.constant 32 : i32
        %div3A_136 = arith.divsi %add3A_134, %jit3A_135 : i32
        %sign3A_137 = arith.constant 0 : i32
        %sign3A_138 = arith.cmpi sgt, %add3A_134, %sign3A_137 : i32
        %sign3A_139 = arith.extui %sign3A_138 : i1 to i32
        %sign3A_140 = arith.constant 0 : i32
        %sign3A_141 = arith.cmpi slt, %add3A_134, %sign3A_140 : i32
        %sign3A_142 = arith.extui %sign3A_141 : i1 to i32
        %sign3A_143 = arith.subi %sign3A_139, %sign3A_142 : i32
        %sign3A_144 = arith.constant 0 : i32
        %sign3A_145 = arith.cmpi sgt, %jit3A_135, %sign3A_144 : i32
        %sign3A_146 = arith.extui %sign3A_145 : i1 to i32
        %sign3A_147 = arith.constant 0 : i32
        %sign3A_148 = arith.cmpi slt, %jit3A_135, %sign3A_147 : i32
        %sign3A_149 = arith.extui %sign3A_148 : i1 to i32
        %sign3A_150 = arith.subi %sign3A_146, %sign3A_149 : i32
        %ne3A_151 = arith.cmpi ne, %sign3A_143, %sign3A_150 : i32
        %rem3A_152 = arith.remsi %add3A_134, %jit3A_135 : i32
        %ne3A_153 = arith.constant 0 : i32
        %ne3A_154 = arith.cmpi ne, %rem3A_152, %ne3A_153 : i32
        %and3A_155 = arith.andi %ne3A_151, %ne3A_154 : i1
        %sub3A_156 = arith.constant 1 : i32
        %sub3A_157 = arith.subi %div3A_136, %sub3A_156 : i32
        %select_n3A_158 = arith.select %and3A_155, %sub3A_157, %div3A_136 : i32
        %iota3A_159 = tpu.iota {dimensions = array<i32: 0>} : vector<16xi32>
        %while3A = arith.constant 0 : i32
        %while3A_160 = arith.constant 0 : i32
        %while3A_161 = arith.subi %select_n3A_158, %while3A_160 : i32
        %while3A_162 = arith.addi %while3A_160, %while3A_161 : i32
        %while3A_163 = arith.constant 1 : i32
        %while3A_164 = arith.divsi %while3A_161, %while3A_163 : i32
        %while3A_165 = arith.muli %while3A_164, %while3A_163 : i32
        %while3A_166 = arith.addi %while3A_160, %while3A_165 : i32
        %while3A_167 = arith.constant 1 : i32
        scf.for %while3A_176 = %while3A_160 to %while3A_166 step %while3A_167  : i32 {
          %mul3A_177 = arith.constant 32 : i32
          %mul3A_178 = arith.muli %while3A_176, %mul3A_177 : i32
          %add3A_179 = arith.constant 0 : i32
          %add3A_180 = arith.addi %mul3A_178, %add3A_179 : i32
          %get3A_181 = arith.index_cast %add3A_180 : i32 to index
          %get3A_182 = tpu.vector_load %arg8[%get3A_181] {strides = array<i32>} : memref<4176xi32, #tpu.memory_space<vmem>>, vector<16xi32>,
          %bitcast3A_183 = vector.bitcast %get3A_182 : vector<16xi32> to vector<16xi32>
          %and3A_184 = arith.constant 65535 : i32
          %and3A_185 = vector.broadcast %and3A_184 : i32 to vector<16xi32>
          %and3A_186 = arith.andi %bitcast3A_183, %and3A_185 : vector<16xi32>
          %bitcast3A_187 = vector.bitcast %and3A_186 : vector<16xi32> to vector<16xi32>
          %swap3A_188 = arith.constant 0 : index
          %swap3A_189 = tpu.vector_load %arg11[%swap3A_188] {strides = array<i32>} : memref<32xi32, #tpu.memory_space<vmem>>, vector<16xi32>,
          tpu.vector_store %arg11[%swap3A_188], %bitcast3A_187 {strides = array<i32>} : memref<32xi32, #tpu.memory_space<vmem>>, vector<16xi32>,
          %shift_right_logical3A = arith.constant 16 : i32
          %shift_right_logical3A_190 = vector.broadcast %shift_right_logical3A : i32 to vector<16xi32>
          %shift_right_logical3A_191 = arith.shrui %bitcast3A_183, %shift_right_logical3A_190 : vector<16xi32>
          %bitcast3A_192 = vector.bitcast %shift_right_logical3A_191 : vector<16xi32> to vector<16xi32>
          %sub3A_193 = vector.broadcast %add3A_23 : i32 to vector<16xi32>
          %sub3A_194 = arith.subi %bitcast3A_192, %sub3A_193 : vector<16xi32>
          %swap3A_195 = arith.constant 0 : index
          %swap3A_196 = tpu.vector_load %arg12[%swap3A_195] {strides = array<i32>} : memref<32xi32, #tpu.memory_space<vmem>>, vector<16xi32>,
          tpu.vector_store %arg12[%swap3A_195], %sub3A_194 {strides = array<i32>} : memref<32xi32, #tpu.memory_space<vmem>>, vector<16xi32>,
          %mul3A_197 = arith.constant 32 : i32
          %mul3A_198 = arith.muli %while3A_176, %mul3A_197 : i32
          %add3A_199 = arith.constant 16 : i32
          %add3A_200 = arith.addi %mul3A_198, %add3A_199 : i32
          %get3A_201 = arith.index_cast %add3A_200 : i32 to index
          %get3A_202 = tpu.vector_load %arg8[%get3A_201] {strides = array<i32>} : memref<4176xi32, #tpu.memory_space<vmem>>, vector<16xi32>,
          %bitcast3A_203 = vector.bitcast %get3A_202 : vector<16xi32> to vector<16xi32>
          %and3A_204 = arith.constant 65535 : i32
          %and3A_205 = vector.broadcast %and3A_204 : i32 to vector<16xi32>
          %and3A_206 = arith.andi %bitcast3A_203, %and3A_205 : vector<16xi32>
          %bitcast3A_207 = vector.bitcast %and3A_206 : vector<16xi32> to vector<16xi32>
          %swap3A_208 = arith.constant 16 : index
          %swap3A_209 = tpu.vector_load %arg11[%swap3A_208] {strides = array<i32>} : memref<32xi32, #tpu.memory_space<vmem>>, vector<16xi32>,
          tpu.vector_store %arg11[%swap3A_208], %bitcast3A_207 {strides = array<i32>} : memref<32xi32, #tpu.memory_space<vmem>>, vector<16xi32>,
          %shift_right_logical3A_210 = arith.constant 16 : i32
          %shift_right_logical3A_211 = vector.broadcast %shift_right_logical3A_210 : i32 to vector<16xi32>
          %shift_right_logical3A_212 = arith.shrui %bitcast3A_203, %shift_right_logical3A_211 : vector<16xi32>
          %bitcast3A_213 = vector.bitcast %shift_right_logical3A_212 : vector<16xi32> to vector<16xi32>
          %sub3A_214 = vector.broadcast %add3A_23 : i32 to vector<16xi32>
          %sub3A_215 = arith.subi %bitcast3A_213, %sub3A_214 : vector<16xi32>
          %swap3A_216 = arith.constant 16 : index
          %swap3A_217 = tpu.vector_load %arg12[%swap3A_216] {strides = array<i32>} : memref<32xi32, #tpu.memory_space<vmem>>, vector<16xi32>,
          tpu.vector_store %arg12[%swap3A_216], %sub3A_215 {strides = array<i32>} : memref<32xi32, #tpu.memory_space<vmem>>, vector<16xi32>,
          %dma_start3A = arith.constant 0 : i32
          %dma_start3A_218 = arith.constant 0 : i32
          %dma_start3A_219 = tpu.memref_slice %arg3[%dma_start3A, %dma_start3A_218] : memref<50000x256xf32, #tpu.memory_space<hbm>> -> memref<50000x256xf32, #tpu.memory_space<hbm>>
          tpu.enqueue_indirect_dma source(%dma_start3A_219 : memref<50000x256xf32, #tpu.memory_space<hbm>>) target(%arg14 : memref<32x256xf32, #tpu.memory_space<vmem>>) offsets(%arg11 : memref<32xi32, #tpu.memory_space<vmem>>) semaphore(%arg17 : memref<!tpu.dma_semaphore, #tpu.memory_space<semaphore_mem>>)
          %dma_wait3A = arith.constant 0 : i32
          %dma_wait3A_220 = arith.constant 0 : i32
          %dma_wait3A_221 = tpu.memref_slice %arg3[%dma_wait3A, %dma_wait3A_220] : memref<50000x256xf32, #tpu.memory_space<hbm>> -> memref<50000x256xf32, #tpu.memory_space<hbm>>
          tpu.wait_indirect_dma semaphore(%arg17 : memref<!tpu.dma_semaphore, #tpu.memory_space<semaphore_mem>>) src(%dma_wait3A_221 : memref<50000x256xf32, #tpu.memory_space<hbm>>) dst(%arg14 : memref<32x256xf32, #tpu.memory_space<vmem>>)
          %scan3A_222 = arith.constant 0 : i32
          %scan3A_223 = arith.constant 0 : i32
          %scan3A_224 = arith.constant 32 : i32
          %scan3A_225 = arith.addi %scan3A_223, %scan3A_224 : i32
          %scan3A_226 = arith.constant 1 : i32
          scf.for %scan3A_228 = %scan3A_223 to %scan3A_225 step %scan3A_226  : i32 {
            %jit3A_229 = arith.constant 16 : i32
            %div3A_230 = arith.divsi %scan3A_228, %jit3A_229 : i32
            %sign3A_231 = arith.constant 0 : i32
            %sign3A_232 = arith.cmpi sgt, %scan3A_228, %sign3A_231 : i32
            %sign3A_233 = arith.extui %sign3A_232 : i1 to i32
            %sign3A_234 = arith.constant 0 : i32
            %sign3A_235 = arith.cmpi slt, %scan3A_228, %sign3A_234 : i32
            %sign3A_236 = arith.extui %sign3A_235 : i1 to i32
            %sign3A_237 = arith.subi %sign3A_233, %sign3A_236 : i32
            %sign3A_238 = arith.constant 0 : i32
            %sign3A_239 = arith.cmpi sgt, %jit3A_229, %sign3A_238 : i32
            %sign3A_240 = arith.extui %sign3A_239 : i1 to i32
            %sign3A_241 = arith.constant 0 : i32
            %sign3A_242 = arith.cmpi slt, %jit3A_229, %sign3A_241 : i32
            %sign3A_243 = arith.extui %sign3A_242 : i1 to i32
            %sign3A_244 = arith.subi %sign3A_240, %sign3A_243 : i32
            %ne3A_245 = arith.cmpi ne, %sign3A_237, %sign3A_244 : i32
            %rem3A_246 = arith.remsi %scan3A_228, %jit3A_229 : i32
            %ne3A_247 = arith.constant 0 : i32
            %ne3A_248 = arith.cmpi ne, %rem3A_246, %ne3A_247 : i32
            %and3A_249 = arith.andi %ne3A_245, %ne3A_248 : i1
            %sub3A_250 = arith.constant 1 : i32
            %sub3A_251 = arith.subi %div3A_230, %sub3A_250 : i32
            %select_n3A_252 = arith.select %and3A_249, %sub3A_251, %div3A_230 : i32
            %jit3A_253 = arith.constant 16 : i32
            %eq3A_254 = arith.constant 0 : i32
            %eq3A_255 = arith.cmpi eq, %jit3A_253, %eq3A_254 : i32
            %jit3A_256 = arith.constant 1 : i32
            %select_n3A_257 = arith.select %eq3A_255, %jit3A_256, %jit3A_253 : i32
            %rem3A_258 = arith.remsi %scan3A_228, %select_n3A_257 : i32
            %ne3A_259 = arith.constant 0 : i32
            %ne3A_260 = arith.cmpi ne, %rem3A_258, %ne3A_259 : i32
            %lt3A_261 = arith.constant 0 : i32
            %lt3A_262 = arith.cmpi slt, %rem3A_258, %lt3A_261 : i32
            %lt3A_263 = arith.constant 0 : i32
            %lt3A_264 = arith.cmpi slt, %select_n3A_257, %lt3A_263 : i32
            %ne3A_265 = arith.xori %lt3A_262, %lt3A_264 : i1
            %and3A_266 = arith.andi %ne3A_265, %ne3A_260 : i1
            %add3A_267 = arith.addi %rem3A_258, %select_n3A_257 : i32
            %select_n3A_268 = arith.select %and3A_266, %add3A_267, %rem3A_258 : i32
            %mul3A_269 = arith.constant 16 : i32
            %mul3A_270 = arith.muli %select_n3A_252, %mul3A_269 : i32
            %get3A_271 = arith.index_cast %mul3A_270 : i32 to index
            %get3A_272 = tpu.vector_load %arg12[%get3A_271] {strides = array<i32>} : memref<32xi32, #tpu.memory_space<vmem>>, vector<16xi32>,
            %broadcast_in_dim3A_273 = vector.broadcast %select_n3A_268 : i32 to vector<16xi32>
            %lt3A_274 = arith.constant 0 : i32
            %lt3A_275 = vector.broadcast %lt3A_274 : i32 to vector<16xi32>
            %lt3A_276 = arith.cmpi slt, %broadcast_in_dim3A_273, %lt3A_275 : vector<16xi32>
            %add3A_277 = arith.constant 16 : i32
            %add3A_278 = vector.broadcast %add3A_277 : i32 to vector<16xi32>
            %add3A_279 = arith.addi %broadcast_in_dim3A_273, %add3A_278 : vector<16xi32>
            %select_n3A_280 = arith.select %lt3A_276, %add3A_279, %broadcast_in_dim3A_273 : vector<16xi1>, vector<16xi32>
            %reshape3A = vector.shape_cast %select_n3A_280 : vector<16xi32> to vector<16x1xi32>
            %gather3A = vector.shape_cast %reshape3A : vector<16x1xi32> to vector<16xi32>
            %gather3A_281 = tpu.dynamic_gather %get3A_272[%gather3A] in [0] : vector<16xi32>, vector<16xi32> -> vector<16xi32>
            %mul3A_282 = arith.constant 256 : i32
            %mul3A_283 = vector.broadcast %mul3A_282 : i32 to vector<16xi32>
            %mul3A_284 = arith.muli %gather3A_281, %mul3A_283 : vector<16xi32>
            %add3A_285 = arith.addi %mul3A_284, %iota3A_159 : vector<16xi32>
            %get3A_286 = arith.index_cast %scan3A_228 : i32 to index
            %get3A_287 = arith.constant 0 : index
            %get3A_288 = tpu.vector_load %arg14[%get3A_286, %get3A_287] {strides = array<i32>} : memref<32x256xf32, #tpu.memory_space<vmem>>, vector<16xf32>,
            %add3A_289 = arith.constant 0 : i32
            %add3A_290 = vector.broadcast %add3A_289 : i32 to vector<16xi32>
            %add3A_291 = arith.addi %add3A_285, %add3A_290 : vector<16xi32>
            tpu.vector_store_idx %arg13[%add3A_291], %get3A_288 {add = true} : memref<67584xf32, #tpu.memory_space<vmem>>[vector<16xi32>], vector<16xf32>,
            %get3A_292 = arith.index_cast %scan3A_228 : i32 to index
            %get3A_293 = arith.constant 16 : index
            %get3A_294 = tpu.vector_load %arg14[%get3A_292, %get3A_293] {strides = array<i32>} : memref<32x256xf32, #tpu.memory_space<vmem>>, vector<16xf32>,
            %add3A_295 = arith.constant 16 : i32
            %add3A_296 = vector.broadcast %add3A_295 : i32 to vector<16xi32>
            %add3A_297 = arith.addi %add3A_285, %add3A_296 : vector<16xi32>
            tpu.vector_store_idx %arg13[%add3A_297], %get3A_294 {add = true} : memref<67584xf32, #tpu.memory_space<vmem>>[vector<16xi32>], vector<16xf32>,
            %get3A_298 = arith.index_cast %scan3A_228 : i32 to index
            %get3A_299 = arith.constant 32 : index
            %get3A_300 = tpu.vector_load %arg14[%get3A_298, %get3A_299] {strides = array<i32>} : memref<32x256xf32, #tpu.memory_space<vmem>>, vector<16xf32>,
            %add3A_301 = arith.constant 32 : i32
            %add3A_302 = vector.broadcast %add3A_301 : i32 to vector<16xi32>
            %add3A_303 = arith.addi %add3A_285, %add3A_302 : vector<16xi32>
            tpu.vector_store_idx %arg13[%add3A_303], %get3A_300 {add = true} : memref<67584xf32, #tpu.memory_space<vmem>>[vector<16xi32>], vector<16xf32>,
            %get3A_304 = arith.index_cast %scan3A_228 : i32 to index
            %get3A_305 = arith.constant 48 : index
            %get3A_306 = tpu.vector_load %arg14[%get3A_304, %get3A_305] {strides = array<i32>} : memref<32x256xf32, #tpu.memory_space<vmem>>, vector<16xf32>,
            %add3A_307 = arith.constant 48 : i32
            %add3A_308 = vector.broadcast %add3A_307 : i32 to vector<16xi32>
            %add3A_309 = arith.addi %add3A_285, %add3A_308 : vector<16xi32>
            tpu.vector_store_idx %arg13[%add3A_309], %get3A_306 {add = true} : memref<67584xf32, #tpu.memory_space<vmem>>[vector<16xi32>], vector<16xf32>,
            %get3A_310 = arith.index_cast %scan3A_228 : i32 to index
            %get3A_311 = arith.constant 64 : index
            %get3A_312 = tpu.vector_load %arg14[%get3A_310, %get3A_311] {strides = array<i32>} : memref<32x256xf32, #tpu.memory_space<vmem>>, vector<16xf32>,
            %add3A_313 = arith.constant 64 : i32
            %add3A_314 = vector.broadcast %add3A_313 : i32 to vector<16xi32>
            %add3A_315 = arith.addi %add3A_285, %add3A_314 : vector<16xi32>
            tpu.vector_store_idx %arg13[%add3A_315], %get3A_312 {add = true} : memref<67584xf32, #tpu.memory_space<vmem>>[vector<16xi32>], vector<16xf32>,
            %get3A_316 = arith.index_cast %scan3A_228 : i32 to index
            %get3A_317 = arith.constant 80 : index
            %get3A_318 = tpu.vector_load %arg14[%get3A_316, %get3A_317] {strides = array<i32>} : memref<32x256xf32, #tpu.memory_space<vmem>>, vector<16xf32>,
            %add3A_319 = arith.constant 80 : i32
            %add3A_320 = vector.broadcast %add3A_319 : i32 to vector<16xi32>
            %add3A_321 = arith.addi %add3A_285, %add3A_320 : vector<16xi32>
            tpu.vector_store_idx %arg13[%add3A_321], %get3A_318 {add = true} : memref<67584xf32, #tpu.memory_space<vmem>>[vector<16xi32>], vector<16xf32>,
            %get3A_322 = arith.index_cast %scan3A_228 : i32 to index
            %get3A_323 = arith.constant 96 : index
            %get3A_324 = tpu.vector_load %arg14[%get3A_322, %get3A_323] {strides = array<i32>} : memref<32x256xf32, #tpu.memory_space<vmem>>, vector<16xf32>,
            %add3A_325 = arith.constant 96 : i32
            %add3A_326 = vector.broadcast %add3A_325 : i32 to vector<16xi32>
            %add3A_327 = arith.addi %add3A_285, %add3A_326 : vector<16xi32>
            tpu.vector_store_idx %arg13[%add3A_327], %get3A_324 {add = true} : memref<67584xf32, #tpu.memory_space<vmem>>[vector<16xi32>], vector<16xf32>,
            %get3A_328 = arith.index_cast %scan3A_228 : i32 to index
            %get3A_329 = arith.constant 112 : index
            %get3A_330 = tpu.vector_load %arg14[%get3A_328, %get3A_329] {strides = array<i32>} : memref<32x256xf32, #tpu.memory_space<vmem>>, vector<16xf32>,
            %add3A_331 = arith.constant 112 : i32
            %add3A_332 = vector.broadcast %add3A_331 : i32 to vector<16xi32>
            %add3A_333 = arith.addi %add3A_285, %add3A_332 : vector<16xi32>
            tpu.vector_store_idx %arg13[%add3A_333], %get3A_330 {add = true} : memref<67584xf32, #tpu.memory_space<vmem>>[vector<16xi32>], vector<16xf32>,
            %get3A_334 = arith.index_cast %scan3A_228 : i32 to index
            %get3A_335 = arith.constant 128 : index
            %get3A_336 = tpu.vector_load %arg14[%get3A_334, %get3A_335] {strides = array<i32>} : memref<32x256xf32, #tpu.memory_space<vmem>>, vector<16xf32>,
            %add3A_337 = arith.constant 128 : i32
            %add3A_338 = vector.broadcast %add3A_337 : i32 to vector<16xi32>
            %add3A_339 = arith.addi %add3A_285, %add3A_338 : vector<16xi32>
            tpu.vector_store_idx %arg13[%add3A_339], %get3A_336 {add = true} : memref<67584xf32, #tpu.memory_space<vmem>>[vector<16xi32>], vector<16xf32>,
            %get3A_340 = arith.index_cast %scan3A_228 : i32 to index
            %get3A_341 = arith.constant 144 : index
            %get3A_342 = tpu.vector_load %arg14[%get3A_340, %get3A_341] {strides = array<i32>} : memref<32x256xf32, #tpu.memory_space<vmem>>, vector<16xf32>,
            %add3A_343 = arith.constant 144 : i32
            %add3A_344 = vector.broadcast %add3A_343 : i32 to vector<16xi32>
            %add3A_345 = arith.addi %add3A_285, %add3A_344 : vector<16xi32>
            tpu.vector_store_idx %arg13[%add3A_345], %get3A_342 {add = true} : memref<67584xf32, #tpu.memory_space<vmem>>[vector<16xi32>], vector<16xf32>,
            %get3A_346 = arith.index_cast %scan3A_228 : i32 to index
            %get3A_347 = arith.constant 160 : index
            %get3A_348 = tpu.vector_load %arg14[%get3A_346, %get3A_347] {strides = array<i32>} : memref<32x256xf32, #tpu.memory_space<vmem>>, vector<16xf32>,
            %add3A_349 = arith.constant 160 : i32
            %add3A_350 = vector.broadcast %add3A_349 : i32 to vector<16xi32>
            %add3A_351 = arith.addi %add3A_285, %add3A_350 : vector<16xi32>
            tpu.vector_store_idx %arg13[%add3A_351], %get3A_348 {add = true} : memref<67584xf32, #tpu.memory_space<vmem>>[vector<16xi32>], vector<16xf32>,
            %get3A_352 = arith.index_cast %scan3A_228 : i32 to index
            %get3A_353 = arith.constant 176 : index
            %get3A_354 = tpu.vector_load %arg14[%get3A_352, %get3A_353] {strides = array<i32>} : memref<32x256xf32, #tpu.memory_space<vmem>>, vector<16xf32>,
            %add3A_355 = arith.constant 176 : i32
            %add3A_356 = vector.broadcast %add3A_355 : i32 to vector<16xi32>
            %add3A_357 = arith.addi %add3A_285, %add3A_356 : vector<16xi32>
            tpu.vector_store_idx %arg13[%add3A_357], %get3A_354 {add = true} : memref<67584xf32, #tpu.memory_space<vmem>>[vector<16xi32>], vector<16xf32>,
            %get3A_358 = arith.index_cast %scan3A_228 : i32 to index
            %get3A_359 = arith.constant 192 : index
            %get3A_360 = tpu.vector_load %arg14[%get3A_358, %get3A_359] {strides = array<i32>} : memref<32x256xf32, #tpu.memory_space<vmem>>, vector<16xf32>,
            %add3A_361 = arith.constant 192 : i32
            %add3A_362 = vector.broadcast %add3A_361 : i32 to vector<16xi32>
            %add3A_363 = arith.addi %add3A_285, %add3A_362 : vector<16xi32>
            tpu.vector_store_idx %arg13[%add3A_363], %get3A_360 {add = true} : memref<67584xf32, #tpu.memory_space<vmem>>[vector<16xi32>], vector<16xf32>,
            %get3A_364 = arith.index_cast %scan3A_228 : i32 to index
            %get3A_365 = arith.constant 208 : index
            %get3A_366 = tpu.vector_load %arg14[%get3A_364, %get3A_365] {strides = array<i32>} : memref<32x256xf32, #tpu.memory_space<vmem>>, vector<16xf32>,
            %add3A_367 = arith.constant 208 : i32
            %add3A_368 = vector.broadcast %add3A_367 : i32 to vector<16xi32>
            %add3A_369 = arith.addi %add3A_285, %add3A_368 : vector<16xi32>
            tpu.vector_store_idx %arg13[%add3A_369], %get3A_366 {add = true} : memref<67584xf32, #tpu.memory_space<vmem>>[vector<16xi32>], vector<16xf32>,
            %get3A_370 = arith.index_cast %scan3A_228 : i32 to index
            %get3A_371 = arith.constant 224 : index
            %get3A_372 = tpu.vector_load %arg14[%get3A_370, %get3A_371] {strides = array<i32>} : memref<32x256xf32, #tpu.memory_space<vmem>>, vector<16xf32>,
            %add3A_373 = arith.constant 224 : i32
            %add3A_374 = vector.broadcast %add3A_373 : i32 to vector<16xi32>
            %add3A_375 = arith.addi %add3A_285, %add3A_374 : vector<16xi32>
            tpu.vector_store_idx %arg13[%add3A_375], %get3A_372 {add = true} : memref<67584xf32, #tpu.memory_space<vmem>>[vector<16xi32>], vector<16xf32>,
            %get3A_376 = arith.index_cast %scan3A_228 : i32 to index
            %get3A_377 = arith.constant 240 : index
            %get3A_378 = tpu.vector_load %arg14[%get3A_376, %get3A_377] {strides = array<i32>} : memref<32x256xf32, #tpu.memory_space<vmem>>, vector<16xf32>,
            %add3A_379 = arith.constant 240 : i32
            %add3A_380 = vector.broadcast %add3A_379 : i32 to vector<16xi32>
            %add3A_381 = arith.addi %add3A_285, %add3A_380 : vector<16xi32>
            tpu.vector_store_idx %arg13[%add3A_381], %get3A_378 {add = true} : memref<67584xf32, #tpu.memory_space<vmem>>[vector<16xi32>], vector<16xf32>,
          }
          %scan3A_227 = arith.constant 32 : i32
        }
        %while3A_168 = arith.constant 1 : i32
        scf.for %while3A_176 = %while3A_166 to %while3A_162 step %while3A_168  : i32 {
          %mul3A_177 = arith.constant 32 : i32
          %mul3A_178 = arith.muli %while3A_176, %mul3A_177 : i32
          %add3A_179 = arith.constant 0 : i32
          %add3A_180 = arith.addi %mul3A_178, %add3A_179 : i32
          %get3A_181 = arith.index_cast %add3A_180 : i32 to index
          %get3A_182 = tpu.vector_load %arg8[%get3A_181] {strides = array<i32>} : memref<4176xi32, #tpu.memory_space<vmem>>, vector<16xi32>,
          %bitcast3A_183 = vector.bitcast %get3A_182 : vector<16xi32> to vector<16xi32>
          %and3A_184 = arith.constant 65535 : i32
          %and3A_185 = vector.broadcast %and3A_184 : i32 to vector<16xi32>
          %and3A_186 = arith.andi %bitcast3A_183, %and3A_185 : vector<16xi32>
          %bitcast3A_187 = vector.bitcast %and3A_186 : vector<16xi32> to vector<16xi32>
          %swap3A_188 = arith.constant 0 : index
          %swap3A_189 = tpu.vector_load %arg11[%swap3A_188] {strides = array<i32>} : memref<32xi32, #tpu.memory_space<vmem>>, vector<16xi32>,
          tpu.vector_store %arg11[%swap3A_188], %bitcast3A_187 {strides = array<i32>} : memref<32xi32, #tpu.memory_space<vmem>>, vector<16xi32>,
          %shift_right_logical3A = arith.constant 16 : i32
          %shift_right_logical3A_190 = vector.broadcast %shift_right_logical3A : i32 to vector<16xi32>
          %shift_right_logical3A_191 = arith.shrui %bitcast3A_183, %shift_right_logical3A_190 : vector<16xi32>
          %bitcast3A_192 = vector.bitcast %shift_right_logical3A_191 : vector<16xi32> to vector<16xi32>
          %sub3A_193 = vector.broadcast %add3A_23 : i32 to vector<16xi32>
          %sub3A_194 = arith.subi %bitcast3A_192, %sub3A_193 : vector<16xi32>
          %swap3A_195 = arith.constant 0 : index
          %swap3A_196 = tpu.vector_load %arg12[%swap3A_195] {strides = array<i32>} : memref<32xi32, #tpu.memory_space<vmem>>, vector<16xi32>,
          tpu.vector_store %arg12[%swap3A_195], %sub3A_194 {strides = array<i32>} : memref<32xi32, #tpu.memory_space<vmem>>, vector<16xi32>,
          %mul3A_197 = arith.constant 32 : i32
          %mul3A_198 = arith.muli %while3A_176, %mul3A_197 : i32
          %add3A_199 = arith.constant 16 : i32
          %add3A_200 = arith.addi %mul3A_198, %add3A_199 : i32
          %get3A_201 = arith.index_cast %add3A_200 : i32 to index
          %get3A_202 = tpu.vector_load %arg8[%get3A_201] {strides = array<i32>} : memref<4176xi32, #tpu.memory_space<vmem>>, vector<16xi32>,
          %bitcast3A_203 = vector.bitcast %get3A_202 : vector<16xi32> to vector<16xi32>
          %and3A_204 = arith.constant 65535 : i32
          %and3A_205 = vector.broadcast %and3A_204 : i32 to vector<16xi32>
          %and3A_206 = arith.andi %bitcast3A_203, %and3A_205 : vector<16xi32>
          %bitcast3A_207 = vector.bitcast %and3A_206 : vector<16xi32> to vector<16xi32>
          %swap3A_208 = arith.constant 16 : index
          %swap3A_209 = tpu.vector_load %arg11[%swap3A_208] {strides = array<i32>} : memref<32xi32, #tpu.memory_space<vmem>>, vector<16xi32>,
          tpu.vector_store %arg11[%swap3A_208], %bitcast3A_207 {strides = array<i32>} : memref<32xi32, #tpu.memory_space<vmem>>, vector<16xi32>,
          %shift_right_logical3A_210 = arith.constant 16 : i32
          %shift_right_logical3A_211 = vector.broadcast %shift_right_logical3A_210 : i32 to vector<16xi32>
          %shift_right_logical3A_212 = arith.shrui %bitcast3A_203, %shift_right_logical3A_211 : vector<16xi32>
          %bitcast3A_213 = vector.bitcast %shift_right_logical3A_212 : vector<16xi32> to vector<16xi32>
          %sub3A_214 = vector.broadcast %add3A_23 : i32 to vector<16xi32>
          %sub3A_215 = arith.subi %bitcast3A_213, %sub3A_214 : vector<16xi32>
          %swap3A_216 = arith.constant 16 : index
          %swap3A_217 = tpu.vector_load %arg12[%swap3A_216] {strides = array<i32>} : memref<32xi32, #tpu.memory_space<vmem>>, vector<16xi32>,
          tpu.vector_store %arg12[%swap3A_216], %sub3A_215 {strides = array<i32>} : memref<32xi32, #tpu.memory_space<vmem>>, vector<16xi32>,
          %dma_start3A = arith.constant 0 : i32
          %dma_start3A_218 = arith.constant 0 : i32
          %dma_start3A_219 = tpu.memref_slice %arg3[%dma_start3A, %dma_start3A_218] : memref<50000x256xf32, #tpu.memory_space<hbm>> -> memref<50000x256xf32, #tpu.memory_space<hbm>>
          tpu.enqueue_indirect_dma source(%dma_start3A_219 : memref<50000x256xf32, #tpu.memory_space<hbm>>) target(%arg14 : memref<32x256xf32, #tpu.memory_space<vmem>>) offsets(%arg11 : memref<32xi32, #tpu.memory_space<vmem>>) semaphore(%arg17 : memref<!tpu.dma_semaphore, #tpu.memory_space<semaphore_mem>>)
          %dma_wait3A = arith.constant 0 : i32
          %dma_wait3A_220 = arith.constant 0 : i32
          %dma_wait3A_221 = tpu.memref_slice %arg3[%dma_wait3A, %dma_wait3A_220] : memref<50000x256xf32, #tpu.memory_space<hbm>> -> memref<50000x256xf32, #tpu.memory_space<hbm>>
          tpu.wait_indirect_dma semaphore(%arg17 : memref<!tpu.dma_semaphore, #tpu.memory_space<semaphore_mem>>) src(%dma_wait3A_221 : memref<50000x256xf32, #tpu.memory_space<hbm>>) dst(%arg14 : memref<32x256xf32, #tpu.memory_space<vmem>>)
          %scan3A_222 = arith.constant 0 : i32
          %scan3A_223 = arith.constant 0 : i32
          %scan3A_224 = arith.constant 32 : i32
          %scan3A_225 = arith.addi %scan3A_223, %scan3A_224 : i32
          %scan3A_226 = arith.constant 1 : i32
          scf.for %scan3A_228 = %scan3A_223 to %scan3A_225 step %scan3A_226  : i32 {
            %jit3A_229 = arith.constant 16 : i32
            %div3A_230 = arith.divsi %scan3A_228, %jit3A_229 : i32
            %sign3A_231 = arith.constant 0 : i32
            %sign3A_232 = arith.cmpi sgt, %scan3A_228, %sign3A_231 : i32
            %sign3A_233 = arith.extui %sign3A_232 : i1 to i32
            %sign3A_234 = arith.constant 0 : i32
            %sign3A_235 = arith.cmpi slt, %scan3A_228, %sign3A_234 : i32
            %sign3A_236 = arith.extui %sign3A_235 : i1 to i32
            %sign3A_237 = arith.subi %sign3A_233, %sign3A_236 : i32
            %sign3A_238 = arith.constant 0 : i32
            %sign3A_239 = arith.cmpi sgt, %jit3A_229, %sign3A_238 : i32
            %sign3A_240 = arith.extui %sign3A_239 : i1 to i32
            %sign3A_241 = arith.constant 0 : i32
            %sign3A_242 = arith.cmpi slt, %jit3A_229, %sign3A_241 : i32
            %sign3A_243 = arith.extui %sign3A_242 : i1 to i32
            %sign3A_244 = arith.subi %sign3A_240, %sign3A_243 : i32
            %ne3A_245 = arith.cmpi ne, %sign3A_237, %sign3A_244 : i32
            %rem3A_246 = arith.remsi %scan3A_228, %jit3A_229 : i32
            %ne3A_247 = arith.constant 0 : i32
            %ne3A_248 = arith.cmpi ne, %rem3A_246, %ne3A_247 : i32
            %and3A_249 = arith.andi %ne3A_245, %ne3A_248 : i1
            %sub3A_250 = arith.constant 1 : i32
            %sub3A_251 = arith.subi %div3A_230, %sub3A_250 : i32
            %select_n3A_252 = arith.select %and3A_249, %sub3A_251, %div3A_230 : i32
            %jit3A_253 = arith.constant 16 : i32
            %eq3A_254 = arith.constant 0 : i32
            %eq3A_255 = arith.cmpi eq, %jit3A_253, %eq3A_254 : i32
            %jit3A_256 = arith.constant 1 : i32
            %select_n3A_257 = arith.select %eq3A_255, %jit3A_256, %jit3A_253 : i32
            %rem3A_258 = arith.remsi %scan3A_228, %select_n3A_257 : i32
            %ne3A_259 = arith.constant 0 : i32
            %ne3A_260 = arith.cmpi ne, %rem3A_258, %ne3A_259 : i32
            %lt3A_261 = arith.constant 0 : i32
            %lt3A_262 = arith.cmpi slt, %rem3A_258, %lt3A_261 : i32
            %lt3A_263 = arith.constant 0 : i32
            %lt3A_264 = arith.cmpi slt, %select_n3A_257, %lt3A_263 : i32
            %ne3A_265 = arith.xori %lt3A_262, %lt3A_264 : i1
            %and3A_266 = arith.andi %ne3A_265, %ne3A_260 : i1
            %add3A_267 = arith.addi %rem3A_258, %select_n3A_257 : i32
            %select_n3A_268 = arith.select %and3A_266, %add3A_267, %rem3A_258 : i32
            %mul3A_269 = arith.constant 16 : i32
            %mul3A_270 = arith.muli %select_n3A_252, %mul3A_269 : i32
            %get3A_271 = arith.index_cast %mul3A_270 : i32 to index
            %get3A_272 = tpu.vector_load %arg12[%get3A_271] {strides = array<i32>} : memref<32xi32, #tpu.memory_space<vmem>>, vector<16xi32>,
            %broadcast_in_dim3A_273 = vector.broadcast %select_n3A_268 : i32 to vector<16xi32>
            %lt3A_274 = arith.constant 0 : i32
            %lt3A_275 = vector.broadcast %lt3A_274 : i32 to vector<16xi32>
            %lt3A_276 = arith.cmpi slt, %broadcast_in_dim3A_273, %lt3A_275 : vector<16xi32>
            %add3A_277 = arith.constant 16 : i32
            %add3A_278 = vector.broadcast %add3A_277 : i32 to vector<16xi32>
            %add3A_279 = arith.addi %broadcast_in_dim3A_273, %add3A_278 : vector<16xi32>
            %select_n3A_280 = arith.select %lt3A_276, %add3A_279, %broadcast_in_dim3A_273 : vector<16xi1>, vector<16xi32>
            %reshape3A = vector.shape_cast %select_n3A_280 : vector<16xi32> to vector<16x1xi32>
            %gather3A = vector.shape_cast %reshape3A : vector<16x1xi32> to vector<16xi32>
            %gather3A_281 = tpu.dynamic_gather %get3A_272[%gather3A] in [0] : vector<16xi32>, vector<16xi32> -> vector<16xi32>
            %mul3A_282 = arith.constant 256 : i32
            %mul3A_283 = vector.broadcast %mul3A_282 : i32 to vector<16xi32>
            %mul3A_284 = arith.muli %gather3A_281, %mul3A_283 : vector<16xi32>
            %add3A_285 = arith.addi %mul3A_284, %iota3A_159 : vector<16xi32>
            %get3A_286 = arith.index_cast %scan3A_228 : i32 to index
            %get3A_287 = arith.constant 0 : index
            %get3A_288 = tpu.vector_load %arg14[%get3A_286, %get3A_287] {strides = array<i32>} : memref<32x256xf32, #tpu.memory_space<vmem>>, vector<16xf32>,
            %add3A_289 = arith.constant 0 : i32
            %add3A_290 = vector.broadcast %add3A_289 : i32 to vector<16xi32>
            %add3A_291 = arith.addi %add3A_285, %add3A_290 : vector<16xi32>
            tpu.vector_store_idx %arg13[%add3A_291], %get3A_288 {add = true} : memref<67584xf32, #tpu.memory_space<vmem>>[vector<16xi32>], vector<16xf32>,
            %get3A_292 = arith.index_cast %scan3A_228 : i32 to index
            %get3A_293 = arith.constant 16 : index
            %get3A_294 = tpu.vector_load %arg14[%get3A_292, %get3A_293] {strides = array<i32>} : memref<32x256xf32, #tpu.memory_space<vmem>>, vector<16xf32>,
            %add3A_295 = arith.constant 16 : i32
            %add3A_296 = vector.broadcast %add3A_295 : i32 to vector<16xi32>
            %add3A_297 = arith.addi %add3A_285, %add3A_296 : vector<16xi32>
            tpu.vector_store_idx %arg13[%add3A_297], %get3A_294 {add = true} : memref<67584xf32, #tpu.memory_space<vmem>>[vector<16xi32>], vector<16xf32>,
            %get3A_298 = arith.index_cast %scan3A_228 : i32 to index
            %get3A_299 = arith.constant 32 : index
            %get3A_300 = tpu.vector_load %arg14[%get3A_298, %get3A_299] {strides = array<i32>} : memref<32x256xf32, #tpu.memory_space<vmem>>, vector<16xf32>,
            %add3A_301 = arith.constant 32 : i32
            %add3A_302 = vector.broadcast %add3A_301 : i32 to vector<16xi32>
            %add3A_303 = arith.addi %add3A_285, %add3A_302 : vector<16xi32>
            tpu.vector_store_idx %arg13[%add3A_303], %get3A_300 {add = true} : memref<67584xf32, #tpu.memory_space<vmem>>[vector<16xi32>], vector<16xf32>,
            %get3A_304 = arith.index_cast %scan3A_228 : i32 to index
            %get3A_305 = arith.constant 48 : index
            %get3A_306 = tpu.vector_load %arg14[%get3A_304, %get3A_305] {strides = array<i32>} : memref<32x256xf32, #tpu.memory_space<vmem>>, vector<16xf32>,
            %add3A_307 = arith.constant 48 : i32
            %add3A_308 = vector.broadcast %add3A_307 : i32 to vector<16xi32>
            %add3A_309 = arith.addi %add3A_285, %add3A_308 : vector<16xi32>
            tpu.vector_store_idx %arg13[%add3A_309], %get3A_306 {add = true} : memref<67584xf32, #tpu.memory_space<vmem>>[vector<16xi32>], vector<16xf32>,
            %get3A_310 = arith.index_cast %scan3A_228 : i32 to index
            %get3A_311 = arith.constant 64 : index
            %get3A_312 = tpu.vector_load %arg14[%get3A_310, %get3A_311] {strides = array<i32>} : memref<32x256xf32, #tpu.memory_space<vmem>>, vector<16xf32>,
            %add3A_313 = arith.constant 64 : i32
            %add3A_314 = vector.broadcast %add3A_313 : i32 to vector<16xi32>
            %add3A_315 = arith.addi %add3A_285, %add3A_314 : vector<16xi32>
            tpu.vector_store_idx %arg13[%add3A_315], %get3A_312 {add = true} : memref<67584xf32, #tpu.memory_space<vmem>>[vector<16xi32>], vector<16xf32>,
            %get3A_316 = arith.index_cast %scan3A_228 : i32 to index
            %get3A_317 = arith.constant 80 : index
            %get3A_318 = tpu.vector_load %arg14[%get3A_316, %get3A_317] {strides = array<i32>} : memref<32x256xf32, #tpu.memory_space<vmem>>, vector<16xf32>,
            %add3A_319 = arith.constant 80 : i32
            %add3A_320 = vector.broadcast %add3A_319 : i32 to vector<16xi32>
            %add3A_321 = arith.addi %add3A_285, %add3A_320 : vector<16xi32>
            tpu.vector_store_idx %arg13[%add3A_321], %get3A_318 {add = true} : memref<67584xf32, #tpu.memory_space<vmem>>[vector<16xi32>], vector<16xf32>,
            %get3A_322 = arith.index_cast %scan3A_228 : i32 to index
            %get3A_323 = arith.constant 96 : index
            %get3A_324 = tpu.vector_load %arg14[%get3A_322, %get3A_323] {strides = array<i32>} : memref<32x256xf32, #tpu.memory_space<vmem>>, vector<16xf32>,
            %add3A_325 = arith.constant 96 : i32
            %add3A_326 = vector.broadcast %add3A_325 : i32 to vector<16xi32>
            %add3A_327 = arith.addi %add3A_285, %add3A_326 : vector<16xi32>
            tpu.vector_store_idx %arg13[%add3A_327], %get3A_324 {add = true} : memref<67584xf32, #tpu.memory_space<vmem>>[vector<16xi32>], vector<16xf32>,
            %get3A_328 = arith.index_cast %scan3A_228 : i32 to index
            %get3A_329 = arith.constant 112 : index
            %get3A_330 = tpu.vector_load %arg14[%get3A_328, %get3A_329] {strides = array<i32>} : memref<32x256xf32, #tpu.memory_space<vmem>>, vector<16xf32>,
            %add3A_331 = arith.constant 112 : i32
            %add3A_332 = vector.broadcast %add3A_331 : i32 to vector<16xi32>
            %add3A_333 = arith.addi %add3A_285, %add3A_332 : vector<16xi32>
            tpu.vector_store_idx %arg13[%add3A_333], %get3A_330 {add = true} : memref<67584xf32, #tpu.memory_space<vmem>>[vector<16xi32>], vector<16xf32>,
            %get3A_334 = arith.index_cast %scan3A_228 : i32 to index
            %get3A_335 = arith.constant 128 : index
            %get3A_336 = tpu.vector_load %arg14[%get3A_334, %get3A_335] {strides = array<i32>} : memref<32x256xf32, #tpu.memory_space<vmem>>, vector<16xf32>,
            %add3A_337 = arith.constant 128 : i32
            %add3A_338 = vector.broadcast %add3A_337 : i32 to vector<16xi32>
            %add3A_339 = arith.addi %add3A_285, %add3A_338 : vector<16xi32>
            tpu.vector_store_idx %arg13[%add3A_339], %get3A_336 {add = true} : memref<67584xf32, #tpu.memory_space<vmem>>[vector<16xi32>], vector<16xf32>,
            %get3A_340 = arith.index_cast %scan3A_228 : i32 to index
            %get3A_341 = arith.constant 144 : index
            %get3A_342 = tpu.vector_load %arg14[%get3A_340, %get3A_341] {strides = array<i32>} : memref<32x256xf32, #tpu.memory_space<vmem>>, vector<16xf32>,
            %add3A_343 = arith.constant 144 : i32
            %add3A_344 = vector.broadcast %add3A_343 : i32 to vector<16xi32>
            %add3A_345 = arith.addi %add3A_285, %add3A_344 : vector<16xi32>
            tpu.vector_store_idx %arg13[%add3A_345], %get3A_342 {add = true} : memref<67584xf32, #tpu.memory_space<vmem>>[vector<16xi32>], vector<16xf32>,
            %get3A_346 = arith.index_cast %scan3A_228 : i32 to index
            %get3A_347 = arith.constant 160 : index
            %get3A_348 = tpu.vector_load %arg14[%get3A_346, %get3A_347] {strides = array<i32>} : memref<32x256xf32, #tpu.memory_space<vmem>>, vector<16xf32>,
            %add3A_349 = arith.constant 160 : i32
            %add3A_350 = vector.broadcast %add3A_349 : i32 to vector<16xi32>
            %add3A_351 = arith.addi %add3A_285, %add3A_350 : vector<16xi32>
            tpu.vector_store_idx %arg13[%add3A_351], %get3A_348 {add = true} : memref<67584xf32, #tpu.memory_space<vmem>>[vector<16xi32>], vector<16xf32>,
            %get3A_352 = arith.index_cast %scan3A_228 : i32 to index
            %get3A_353 = arith.constant 176 : index
            %get3A_354 = tpu.vector_load %arg14[%get3A_352, %get3A_353] {strides = array<i32>} : memref<32x256xf32, #tpu.memory_space<vmem>>, vector<16xf32>,
            %add3A_355 = arith.constant 176 : i32
            %add3A_356 = vector.broadcast %add3A_355 : i32 to vector<16xi32>
            %add3A_357 = arith.addi %add3A_285, %add3A_356 : vector<16xi32>
            tpu.vector_store_idx %arg13[%add3A_357], %get3A_354 {add = true} : memref<67584xf32, #tpu.memory_space<vmem>>[vector<16xi32>], vector<16xf32>,
            %get3A_358 = arith.index_cast %scan3A_228 : i32 to index
            %get3A_359 = arith.constant 192 : index
            %get3A_360 = tpu.vector_load %arg14[%get3A_358, %get3A_359] {strides = array<i32>} : memref<32x256xf32, #tpu.memory_space<vmem>>, vector<16xf32>,
            %add3A_361 = arith.constant 192 : i32
            %add3A_362 = vector.broadcast %add3A_361 : i32 to vector<16xi32>
            %add3A_363 = arith.addi %add3A_285, %add3A_362 : vector<16xi32>
            tpu.vector_store_idx %arg13[%add3A_363], %get3A_360 {add = true} : memref<67584xf32, #tpu.memory_space<vmem>>[vector<16xi32>], vector<16xf32>,
            %get3A_364 = arith.index_cast %scan3A_228 : i32 to index
            %get3A_365 = arith.constant 208 : index
            %get3A_366 = tpu.vector_load %arg14[%get3A_364, %get3A_365] {strides = array<i32>} : memref<32x256xf32, #tpu.memory_space<vmem>>, vector<16xf32>,
            %add3A_367 = arith.constant 208 : i32
            %add3A_368 = vector.broadcast %add3A_367 : i32 to vector<16xi32>
            %add3A_369 = arith.addi %add3A_285, %add3A_368 : vector<16xi32>
            tpu.vector_store_idx %arg13[%add3A_369], %get3A_366 {add = true} : memref<67584xf32, #tpu.memory_space<vmem>>[vector<16xi32>], vector<16xf32>,
            %get3A_370 = arith.index_cast %scan3A_228 : i32 to index
            %get3A_371 = arith.constant 224 : index
            %get3A_372 = tpu.vector_load %arg14[%get3A_370, %get3A_371] {strides = array<i32>} : memref<32x256xf32, #tpu.memory_space<vmem>>, vector<16xf32>,
            %add3A_373 = arith.constant 224 : i32
            %add3A_374 = vector.broadcast %add3A_373 : i32 to vector<16xi32>
            %add3A_375 = arith.addi %add3A_285, %add3A_374 : vector<16xi32>
            tpu.vector_store_idx %arg13[%add3A_375], %get3A_372 {add = true} : memref<67584xf32, #tpu.memory_space<vmem>>[vector<16xi32>], vector<16xf32>,
            %get3A_376 = arith.index_cast %scan3A_228 : i32 to index
            %get3A_377 = arith.constant 240 : index
            %get3A_378 = tpu.vector_load %arg14[%get3A_376, %get3A_377] {strides = array<i32>} : memref<32x256xf32, #tpu.memory_space<vmem>>, vector<16xf32>,
            %add3A_379 = arith.constant 240 : i32
            %add3A_380 = vector.broadcast %add3A_379 : i32 to vector<16xi32>
            %add3A_381 = arith.addi %add3A_285, %add3A_380 : vector<16xi32>
            tpu.vector_store_idx %arg13[%add3A_381], %get3A_378 {add = true} : memref<67584xf32, #tpu.memory_space<vmem>>[vector<16xi32>], vector<16xf32>,
          }
          %scan3A_227 = arith.constant 32 : i32
        }
        %scan3A_169 = arith.constant 0 : i32
        %scan3A_170 = arith.constant 0 : i32
        %scan3A_171 = arith.constant 8 : i32
        %scan3A_172 = arith.addi %scan3A_170, %scan3A_171 : i32
        %scan3A_173 = arith.constant 1 : i32
        scf.for %scan3A_176 = %scan3A_170 to %scan3A_172 step %scan3A_173  : i32 {
          %scan3A_177 = arith.constant 0 : i32
          %scan3A_178 = arith.constant 0 : i32
          %scan3A_179 = arith.constant 32 : i32
          %scan3A_180 = arith.addi %scan3A_178, %scan3A_179 : i32
          %scan3A_181 = arith.constant 1 : i32
          scf.for %scan3A_189 = %scan3A_178 to %scan3A_180 step %scan3A_181  : i32 {
            %mul3A_190 = arith.constant 32 : i32
            %mul3A_191 = arith.muli %scan3A_176, %mul3A_190 : i32
            %add3A_192 = arith.addi %mul3A_191, %scan3A_189 : i32
            %mul3A_193 = arith.constant 256 : i32
            %mul3A_194 = arith.muli %add3A_192, %mul3A_193 : i32
            %add3A_195 = arith.constant 0 : i32
            %add3A_196 = arith.addi %mul3A_194, %add3A_195 : i32
            %get3A_197 = arith.index_cast %add3A_196 : i32 to index
            %get3A_198 = tpu.vector_load %arg13[%get3A_197] {strides = array<i32>} : memref<67584xf32, #tpu.memory_space<vmem>>, vector<16xf32>,
            %swap3A_199 = arith.index_cast %scan3A_189 : i32 to index
            %swap3A_200 = arith.constant 0 : index
            %swap3A_201 = tpu.vector_load %arg14[%swap3A_199, %swap3A_200] {strides = array<i32>} : memref<32x256xf32, #tpu.memory_space<vmem>>, vector<16xf32>,
            tpu.vector_store %arg14[%swap3A_199, %swap3A_200], %get3A_198 {strides = array<i32>} : memref<32x256xf32, #tpu.memory_space<vmem>>, vector<16xf32>,
            %mul3A_202 = arith.constant 32 : i32
            %mul3A_203 = arith.muli %scan3A_176, %mul3A_202 : i32
            %add3A_204 = arith.addi %mul3A_203, %scan3A_189 : i32
            %mul3A_205 = arith.constant 256 : i32
            %mul3A_206 = arith.muli %add3A_204, %mul3A_205 : i32
            %add3A_207 = arith.constant 16 : i32
            %add3A_208 = arith.addi %mul3A_206, %add3A_207 : i32
            %get3A_209 = arith.index_cast %add3A_208 : i32 to index
            %get3A_210 = tpu.vector_load %arg13[%get3A_209] {strides = array<i32>} : memref<67584xf32, #tpu.memory_space<vmem>>, vector<16xf32>,
            %swap3A_211 = arith.index_cast %scan3A_189 : i32 to index
            %swap3A_212 = arith.constant 16 : index
            %swap3A_213 = tpu.vector_load %arg14[%swap3A_211, %swap3A_212] {strides = array<i32>} : memref<32x256xf32, #tpu.memory_space<vmem>>, vector<16xf32>,
            tpu.vector_store %arg14[%swap3A_211, %swap3A_212], %get3A_210 {strides = array<i32>} : memref<32x256xf32, #tpu.memory_space<vmem>>, vector<16xf32>,
            %mul3A_214 = arith.constant 32 : i32
            %mul3A_215 = arith.muli %scan3A_176, %mul3A_214 : i32
            %add3A_216 = arith.addi %mul3A_215, %scan3A_189 : i32
            %mul3A_217 = arith.constant 256 : i32
            %mul3A_218 = arith.muli %add3A_216, %mul3A_217 : i32
            %add3A_219 = arith.constant 32 : i32
            %add3A_220 = arith.addi %mul3A_218, %add3A_219 : i32
            %get3A_221 = arith.index_cast %add3A_220 : i32 to index
            %get3A_222 = tpu.vector_load %arg13[%get3A_221] {strides = array<i32>} : memref<67584xf32, #tpu.memory_space<vmem>>, vector<16xf32>,
            %swap3A_223 = arith.index_cast %scan3A_189 : i32 to index
            %swap3A_224 = arith.constant 32 : index
            %swap3A_225 = tpu.vector_load %arg14[%swap3A_223, %swap3A_224] {strides = array<i32>} : memref<32x256xf32, #tpu.memory_space<vmem>>, vector<16xf32>,
            tpu.vector_store %arg14[%swap3A_223, %swap3A_224], %get3A_222 {strides = array<i32>} : memref<32x256xf32, #tpu.memory_space<vmem>>, vector<16xf32>,
            %mul3A_226 = arith.constant 32 : i32
            %mul3A_227 = arith.muli %scan3A_176, %mul3A_226 : i32
            %add3A_228 = arith.addi %mul3A_227, %scan3A_189 : i32
            %mul3A_229 = arith.constant 256 : i32
            %mul3A_230 = arith.muli %add3A_228, %mul3A_229 : i32
            %add3A_231 = arith.constant 48 : i32
            %add3A_232 = arith.addi %mul3A_230, %add3A_231 : i32
            %get3A_233 = arith.index_cast %add3A_232 : i32 to index
            %get3A_234 = tpu.vector_load %arg13[%get3A_233] {strides = array<i32>} : memref<67584xf32, #tpu.memory_space<vmem>>, vector<16xf32>,
            %swap3A_235 = arith.index_cast %scan3A_189 : i32 to index
            %swap3A_236 = arith.constant 48 : index
            %swap3A_237 = tpu.vector_load %arg14[%swap3A_235, %swap3A_236] {strides = array<i32>} : memref<32x256xf32, #tpu.memory_space<vmem>>, vector<16xf32>,
            tpu.vector_store %arg14[%swap3A_235, %swap3A_236], %get3A_234 {strides = array<i32>} : memref<32x256xf32, #tpu.memory_space<vmem>>, vector<16xf32>,
            %mul3A_238 = arith.constant 32 : i32
            %mul3A_239 = arith.muli %scan3A_176, %mul3A_238 : i32
            %add3A_240 = arith.addi %mul3A_239, %scan3A_189 : i32
            %mul3A_241 = arith.constant 256 : i32
            %mul3A_242 = arith.muli %add3A_240, %mul3A_241 : i32
            %add3A_243 = arith.constant 64 : i32
            %add3A_244 = arith.addi %mul3A_242, %add3A_243 : i32
            %get3A_245 = arith.index_cast %add3A_244 : i32 to index
            %get3A_246 = tpu.vector_load %arg13[%get3A_245] {strides = array<i32>} : memref<67584xf32, #tpu.memory_space<vmem>>, vector<16xf32>,
            %swap3A_247 = arith.index_cast %scan3A_189 : i32 to index
            %swap3A_248 = arith.constant 64 : index
            %swap3A_249 = tpu.vector_load %arg14[%swap3A_247, %swap3A_248] {strides = array<i32>} : memref<32x256xf32, #tpu.memory_space<vmem>>, vector<16xf32>,
            tpu.vector_store %arg14[%swap3A_247, %swap3A_248], %get3A_246 {strides = array<i32>} : memref<32x256xf32, #tpu.memory_space<vmem>>, vector<16xf32>,
            %mul3A_250 = arith.constant 32 : i32
            %mul3A_251 = arith.muli %scan3A_176, %mul3A_250 : i32
            %add3A_252 = arith.addi %mul3A_251, %scan3A_189 : i32
            %mul3A_253 = arith.constant 256 : i32
            %mul3A_254 = arith.muli %add3A_252, %mul3A_253 : i32
            %add3A_255 = arith.constant 80 : i32
            %add3A_256 = arith.addi %mul3A_254, %add3A_255 : i32
            %get3A_257 = arith.index_cast %add3A_256 : i32 to index
            %get3A_258 = tpu.vector_load %arg13[%get3A_257] {strides = array<i32>} : memref<67584xf32, #tpu.memory_space<vmem>>, vector<16xf32>,
            %swap3A_259 = arith.index_cast %scan3A_189 : i32 to index
            %swap3A_260 = arith.constant 80 : index
            %swap3A_261 = tpu.vector_load %arg14[%swap3A_259, %swap3A_260] {strides = array<i32>} : memref<32x256xf32, #tpu.memory_space<vmem>>, vector<16xf32>,
            tpu.vector_store %arg14[%swap3A_259, %swap3A_260], %get3A_258 {strides = array<i32>} : memref<32x256xf32, #tpu.memory_space<vmem>>, vector<16xf32>,
            %mul3A_262 = arith.constant 32 : i32
            %mul3A_263 = arith.muli %scan3A_176, %mul3A_262 : i32
            %add3A_264 = arith.addi %mul3A_263, %scan3A_189 : i32
            %mul3A_265 = arith.constant 256 : i32
            %mul3A_266 = arith.muli %add3A_264, %mul3A_265 : i32
            %add3A_267 = arith.constant 96 : i32
            %add3A_268 = arith.addi %mul3A_266, %add3A_267 : i32
            %get3A_269 = arith.index_cast %add3A_268 : i32 to index
            %get3A_270 = tpu.vector_load %arg13[%get3A_269] {strides = array<i32>} : memref<67584xf32, #tpu.memory_space<vmem>>, vector<16xf32>,
            %swap3A_271 = arith.index_cast %scan3A_189 : i32 to index
            %swap3A_272 = arith.constant 96 : index
            %swap3A_273 = tpu.vector_load %arg14[%swap3A_271, %swap3A_272] {strides = array<i32>} : memref<32x256xf32, #tpu.memory_space<vmem>>, vector<16xf32>,
            tpu.vector_store %arg14[%swap3A_271, %swap3A_272], %get3A_270 {strides = array<i32>} : memref<32x256xf32, #tpu.memory_space<vmem>>, vector<16xf32>,
            %mul3A_274 = arith.constant 32 : i32
            %mul3A_275 = arith.muli %scan3A_176, %mul3A_274 : i32
            %add3A_276 = arith.addi %mul3A_275, %scan3A_189 : i32
            %mul3A_277 = arith.constant 256 : i32
            %mul3A_278 = arith.muli %add3A_276, %mul3A_277 : i32
            %add3A_279 = arith.constant 112 : i32
            %add3A_280 = arith.addi %mul3A_278, %add3A_279 : i32
            %get3A_281 = arith.index_cast %add3A_280 : i32 to index
            %get3A_282 = tpu.vector_load %arg13[%get3A_281] {strides = array<i32>} : memref<67584xf32, #tpu.memory_space<vmem>>, vector<16xf32>,
            %swap3A_283 = arith.index_cast %scan3A_189 : i32 to index
            %swap3A_284 = arith.constant 112 : index
            %swap3A_285 = tpu.vector_load %arg14[%swap3A_283, %swap3A_284] {strides = array<i32>} : memref<32x256xf32, #tpu.memory_space<vmem>>, vector<16xf32>,
            tpu.vector_store %arg14[%swap3A_283, %swap3A_284], %get3A_282 {strides = array<i32>} : memref<32x256xf32, #tpu.memory_space<vmem>>, vector<16xf32>,
            %mul3A_286 = arith.constant 32 : i32
            %mul3A_287 = arith.muli %scan3A_176, %mul3A_286 : i32
            %add3A_288 = arith.addi %mul3A_287, %scan3A_189 : i32
            %mul3A_289 = arith.constant 256 : i32
            %mul3A_290 = arith.muli %add3A_288, %mul3A_289 : i32
            %add3A_291 = arith.constant 128 : i32
            %add3A_292 = arith.addi %mul3A_290, %add3A_291 : i32
            %get3A_293 = arith.index_cast %add3A_292 : i32 to index
            %get3A_294 = tpu.vector_load %arg13[%get3A_293] {strides = array<i32>} : memref<67584xf32, #tpu.memory_space<vmem>>, vector<16xf32>,
            %swap3A_295 = arith.index_cast %scan3A_189 : i32 to index
            %swap3A_296 = arith.constant 128 : index
            %swap3A_297 = tpu.vector_load %arg14[%swap3A_295, %swap3A_296] {strides = array<i32>} : memref<32x256xf32, #tpu.memory_space<vmem>>, vector<16xf32>,
            tpu.vector_store %arg14[%swap3A_295, %swap3A_296], %get3A_294 {strides = array<i32>} : memref<32x256xf32, #tpu.memory_space<vmem>>, vector<16xf32>,
            %mul3A_298 = arith.constant 32 : i32
            %mul3A_299 = arith.muli %scan3A_176, %mul3A_298 : i32
            %add3A_300 = arith.addi %mul3A_299, %scan3A_189 : i32
            %mul3A_301 = arith.constant 256 : i32
            %mul3A_302 = arith.muli %add3A_300, %mul3A_301 : i32
            %add3A_303 = arith.constant 144 : i32
            %add3A_304 = arith.addi %mul3A_302, %add3A_303 : i32
            %get3A_305 = arith.index_cast %add3A_304 : i32 to index
            %get3A_306 = tpu.vector_load %arg13[%get3A_305] {strides = array<i32>} : memref<67584xf32, #tpu.memory_space<vmem>>, vector<16xf32>,
            %swap3A_307 = arith.index_cast %scan3A_189 : i32 to index
            %swap3A_308 = arith.constant 144 : index
            %swap3A_309 = tpu.vector_load %arg14[%swap3A_307, %swap3A_308] {strides = array<i32>} : memref<32x256xf32, #tpu.memory_space<vmem>>, vector<16xf32>,
            tpu.vector_store %arg14[%swap3A_307, %swap3A_308], %get3A_306 {strides = array<i32>} : memref<32x256xf32, #tpu.memory_space<vmem>>, vector<16xf32>,
            %mul3A_310 = arith.constant 32 : i32
            %mul3A_311 = arith.muli %scan3A_176, %mul3A_310 : i32
            %add3A_312 = arith.addi %mul3A_311, %scan3A_189 : i32
            %mul3A_313 = arith.constant 256 : i32
            %mul3A_314 = arith.muli %add3A_312, %mul3A_313 : i32
            %add3A_315 = arith.constant 160 : i32
            %add3A_316 = arith.addi %mul3A_314, %add3A_315 : i32
            %get3A_317 = arith.index_cast %add3A_316 : i32 to index
            %get3A_318 = tpu.vector_load %arg13[%get3A_317] {strides = array<i32>} : memref<67584xf32, #tpu.memory_space<vmem>>, vector<16xf32>,
            %swap3A_319 = arith.index_cast %scan3A_189 : i32 to index
            %swap3A_320 = arith.constant 160 : index
            %swap3A_321 = tpu.vector_load %arg14[%swap3A_319, %swap3A_320] {strides = array<i32>} : memref<32x256xf32, #tpu.memory_space<vmem>>, vector<16xf32>,
            tpu.vector_store %arg14[%swap3A_319, %swap3A_320], %get3A_318 {strides = array<i32>} : memref<32x256xf32, #tpu.memory_space<vmem>>, vector<16xf32>,
            %mul3A_322 = arith.constant 32 : i32
            %mul3A_323 = arith.muli %scan3A_176, %mul3A_322 : i32
            %add3A_324 = arith.addi %mul3A_323, %scan3A_189 : i32
            %mul3A_325 = arith.constant 256 : i32
            %mul3A_326 = arith.muli %add3A_324, %mul3A_325 : i32
            %add3A_327 = arith.constant 176 : i32
            %add3A_328 = arith.addi %mul3A_326, %add3A_327 : i32
            %get3A_329 = arith.index_cast %add3A_328 : i32 to index
            %get3A_330 = tpu.vector_load %arg13[%get3A_329] {strides = array<i32>} : memref<67584xf32, #tpu.memory_space<vmem>>, vector<16xf32>,
            %swap3A_331 = arith.index_cast %scan3A_189 : i32 to index
            %swap3A_332 = arith.constant 176 : index
            %swap3A_333 = tpu.vector_load %arg14[%swap3A_331, %swap3A_332] {strides = array<i32>} : memref<32x256xf32, #tpu.memory_space<vmem>>, vector<16xf32>,
            tpu.vector_store %arg14[%swap3A_331, %swap3A_332], %get3A_330 {strides = array<i32>} : memref<32x256xf32, #tpu.memory_space<vmem>>, vector<16xf32>,
            %mul3A_334 = arith.constant 32 : i32
            %mul3A_335 = arith.muli %scan3A_176, %mul3A_334 : i32
            %add3A_336 = arith.addi %mul3A_335, %scan3A_189 : i32
            %mul3A_337 = arith.constant 256 : i32
            %mul3A_338 = arith.muli %add3A_336, %mul3A_337 : i32
            %add3A_339 = arith.constant 192 : i32
            %add3A_340 = arith.addi %mul3A_338, %add3A_339 : i32
            %get3A_341 = arith.index_cast %add3A_340 : i32 to index
            %get3A_342 = tpu.vector_load %arg13[%get3A_341] {strides = array<i32>} : memref<67584xf32, #tpu.memory_space<vmem>>, vector<16xf32>,
            %swap3A_343 = arith.index_cast %scan3A_189 : i32 to index
            %swap3A_344 = arith.constant 192 : index
            %swap3A_345 = tpu.vector_load %arg14[%swap3A_343, %swap3A_344] {strides = array<i32>} : memref<32x256xf32, #tpu.memory_space<vmem>>, vector<16xf32>,
            tpu.vector_store %arg14[%swap3A_343, %swap3A_344], %get3A_342 {strides = array<i32>} : memref<32x256xf32, #tpu.memory_space<vmem>>, vector<16xf32>,
            %mul3A_346 = arith.constant 32 : i32
            %mul3A_347 = arith.muli %scan3A_176, %mul3A_346 : i32
            %add3A_348 = arith.addi %mul3A_347, %scan3A_189 : i32
            %mul3A_349 = arith.constant 256 : i32
            %mul3A_350 = arith.muli %add3A_348, %mul3A_349 : i32
            %add3A_351 = arith.constant 208 : i32
            %add3A_352 = arith.addi %mul3A_350, %add3A_351 : i32
            %get3A_353 = arith.index_cast %add3A_352 : i32 to index
            %get3A_354 = tpu.vector_load %arg13[%get3A_353] {strides = array<i32>} : memref<67584xf32, #tpu.memory_space<vmem>>, vector<16xf32>,
            %swap3A_355 = arith.index_cast %scan3A_189 : i32 to index
            %swap3A_356 = arith.constant 208 : index
            %swap3A_357 = tpu.vector_load %arg14[%swap3A_355, %swap3A_356] {strides = array<i32>} : memref<32x256xf32, #tpu.memory_space<vmem>>, vector<16xf32>,
            tpu.vector_store %arg14[%swap3A_355, %swap3A_356], %get3A_354 {strides = array<i32>} : memref<32x256xf32, #tpu.memory_space<vmem>>, vector<16xf32>,
            %mul3A_358 = arith.constant 32 : i32
            %mul3A_359 = arith.muli %scan3A_176, %mul3A_358 : i32
            %add3A_360 = arith.addi %mul3A_359, %scan3A_189 : i32
            %mul3A_361 = arith.constant 256 : i32
            %mul3A_362 = arith.muli %add3A_360, %mul3A_361 : i32
            %add3A_363 = arith.constant 224 : i32
            %add3A_364 = arith.addi %mul3A_362, %add3A_363 : i32
            %get3A_365 = arith.index_cast %add3A_364 : i32 to index
            %get3A_366 = tpu.vector_load %arg13[%get3A_365] {strides = array<i32>} : memref<67584xf32, #tpu.memory_space<vmem>>, vector<16xf32>,
            %swap3A_367 = arith.index_cast %scan3A_189 : i32 to index
            %swap3A_368 = arith.constant 224 : index
            %swap3A_369 = tpu.vector_load %arg14[%swap3A_367, %swap3A_368] {strides = array<i32>} : memref<32x256xf32, #tpu.memory_space<vmem>>, vector<16xf32>,
            tpu.vector_store %arg14[%swap3A_367, %swap3A_368], %get3A_366 {strides = array<i32>} : memref<32x256xf32, #tpu.memory_space<vmem>>, vector<16xf32>,
            %mul3A_370 = arith.constant 32 : i32
            %mul3A_371 = arith.muli %scan3A_176, %mul3A_370 : i32
            %add3A_372 = arith.addi %mul3A_371, %scan3A_189 : i32
            %mul3A_373 = arith.constant 256 : i32
            %mul3A_374 = arith.muli %add3A_372, %mul3A_373 : i32
            %add3A_375 = arith.constant 240 : i32
            %add3A_376 = arith.addi %mul3A_374, %add3A_375 : i32
            %get3A_377 = arith.index_cast %add3A_376 : i32 to index
            %get3A_378 = tpu.vector_load %arg13[%get3A_377] {strides = array<i32>} : memref<67584xf32, #tpu.memory_space<vmem>>, vector<16xf32>,
            %swap3A_379 = arith.index_cast %scan3A_189 : i32 to index
            %swap3A_380 = arith.constant 240 : index
            %swap3A_381 = tpu.vector_load %arg14[%swap3A_379, %swap3A_380] {strides = array<i32>} : memref<32x256xf32, #tpu.memory_space<vmem>>, vector<16xf32>,
            tpu.vector_store %arg14[%swap3A_379, %swap3A_380], %get3A_378 {strides = array<i32>} : memref<32x256xf32, #tpu.memory_space<vmem>>, vector<16xf32>,
          }
          %scan3A_182 = arith.constant 32 : i32
          %mul3A_183 = arith.constant 256 : i32
          %mul3A_184 = arith.muli %arg1, %mul3A_183 : i32
          %add3A_185 = arith.addi %mul3A_20, %mul3A_184 : i32
          %mul3A_186 = arith.constant 32 : i32
          %mul3A_187 = arith.muli %scan3A_176, %mul3A_186 : i32
          %add3A_188 = arith.addi %add3A_185, %mul3A_187 : i32
          %multiple_of3A = tpu.assume_multiple %add3A_188, 32 : i32
          "tpu.region"() ({
            %run_scoped3A = tpu.sem_alloc : memref<!tpu.dma_semaphore, #tpu.memory_space<semaphore_mem>>
            %dma_start3A = arith.constant 0 : i32
            %dma_start3A_189 = tpu.memref_slice %arg4[%multiple_of3A, %dma_start3A] : memref<53248x256xf32, #tpu.memory_space<hbm>> -> memref<32x256xf32, #tpu.memory_space<hbm>>
            %dma_start3A_190 = arith.constant 0 : i32
            %dma_start3A_191 = tpu.memref_slice %arg4[%multiple_of3A, %dma_start3A_190] : memref<53248x256xf32, #tpu.memory_space<hbm>> -> memref<32x256xf32, #tpu.memory_space<hbm>>
            tpu.enqueue_dma source(%arg14 : memref<32x256xf32, #tpu.memory_space<vmem>>) target(%dma_start3A_191 : memref<32x256xf32, #tpu.memory_space<hbm>>) target_semaphore(%run_scoped3A : memref<!tpu.dma_semaphore, #tpu.memory_space<semaphore_mem>>)
            %dma_wait3A = arith.constant 0 : i32
            %dma_wait3A_192 = tpu.memref_slice %arg4[%multiple_of3A, %dma_wait3A] : memref<53248x256xf32, #tpu.memory_space<hbm>> -> memref<32x256xf32, #tpu.memory_space<hbm>>
            %dma_wait3A_193 = arith.constant 0 : i32
            %dma_wait3A_194 = tpu.memref_slice %arg4[%multiple_of3A, %dma_wait3A_193] : memref<53248x256xf32, #tpu.memory_space<hbm>> -> memref<32x256xf32, #tpu.memory_space<hbm>>
            tpu.wait_dma2 semaphore(%run_scoped3A : memref<!tpu.dma_semaphore, #tpu.memory_space<semaphore_mem>>) src(%arg14 : memref<32x256xf32, #tpu.memory_space<vmem>>) dst(%dma_wait3A_194 : memref<32x256xf32, #tpu.memory_space<hbm>>)
            tpu.yield
          }) : () -> ()
        }
        %scan3A_174 = arith.constant 8 : i32
        %barrier3A_175 = arith.constant 0 : index
        tpu.barrier barrier_id(%barrier3A_175)
      } else {
      }
    }
    %scan3A_7 = arith.constant 13 : i32
    return
  }
}

module attributes {stable_mosaic.version = 14 : i64} {
  func.func @_encode_body(%arg0: i32, %arg1: memref<400x256xf32, #tpu.memory_space<vmem>>, %arg2: memref<4x64x1024xf32, #tpu.memory_space<vmem>>, %arg3: memref<4x1024xf32, #tpu.memory_space<vmem>>, %arg4: memref<400x8xi32, #tpu.memory_space<vmem>>) attributes {dimension_semantics = [#tpu.dimension_semantics<arbitrary>], iteration_bounds = array<i64: 25>, scalar_prefetch = 0 : i64, scratch_operands = 0 : i64, tpu.core_type = #tpu.core_type<tc>, window_params = [{transform_indices = @transform_0, window_bounds = array<i64: 400, 256>}, {pipeline_mode = #tpu.pipeline_mode<synchronous>, transform_indices = @transform_1, window_bounds = array<i64: 4, 64, 1024>}, {pipeline_mode = #tpu.pipeline_mode<synchronous>, transform_indices = @transform_2, window_bounds = array<i64: 4, 1024>}, {transform_indices = @transform_3, window_bounds = array<i64: 400, 8>}]} {
    %get3A = arith.constant 0 : index
    %get3A_0 = arith.constant 0 : index
    %get3A_1 = vector.load %arg1[%get3A, %get3A_0] : memref<400x256xf32, #tpu.memory_space<vmem>>, vector<400x256xf32>
    %slice3A = vector.extract_strided_slice %get3A_1 {offsets = [0, 0], sizes = [400, 64], strides = [1, 1]} : vector<400x256xf32> to vector<400x64xf32>
    %get3A_2 = arith.constant 0 : index
    %get3A_3 = arith.constant 0 : index
    %get3A_4 = vector.load %arg3[%get3A_2, %get3A_3] : memref<4x1024xf32, #tpu.memory_space<vmem>>, vector<1x1024xf32>
    %get3A_5 = vector.shape_cast %get3A_4 : vector<1x1024xf32> to vector<1024xf32>
    %broadcast_in_dim3A = vector.shape_cast %get3A_5 : vector<1024xf32> to vector<1x1024xf32>
    %get3A_6 = arith.constant 0 : index
    %get3A_7 = arith.constant 0 : index
    %get3A_8 = arith.constant 0 : index
    %get3A_9 = vector.load %arg2[%get3A_6, %get3A_7, %get3A_8] : memref<4x64x1024xf32, #tpu.memory_space<vmem>>, vector<1x64x1024xf32>
    %get3A_10 = vector.shape_cast %get3A_9 : vector<1x64x1024xf32> to vector<64x1024xf32>
    %dot_general3A = arith.constant dense<0.000000e+00> : vector<400x1024xf32>
    %dot_general3A_11 = tpu.matmul %slice3A, %get3A_10, %dot_general3A {dimension_numbers = #tpu.dot_dimension_numbers<[1], [0], [0], [1], [0, 0, 1, 1], [], []>, transpose_lhs_hint = false} : vector<400x64xf32>, vector<64x1024xf32>, vector<400x1024xf32> -> vector<400x1024xf32>
    %mul3A = arith.constant 2.000000e+00 : f32
    %mul3A_12 = vector.broadcast %mul3A : f32 to vector<400x1024xf32>
    %mul3A_13 = arith.mulf %mul3A_12, %dot_general3A_11 : vector<400x1024xf32>
    %sub3A = vector.broadcast %broadcast_in_dim3A : vector<1x1024xf32> to vector<400x1024xf32>
    %sub3A_14 = arith.subf %sub3A, %mul3A_13 : vector<400x1024xf32>
    %reduce_min3A = arith.constant dense<0x7F800000> : vector<400xf32>
    %reduce_min3A_15 = vector.multi_reduction <minimumf>, %sub3A_14, %reduce_min3A [1] : vector<400x1024xf32> to vector<400xf32>
    %broadcast_in_dim3A_16 = vector.shape_cast %reduce_min3A_15 : vector<400xf32> to vector<400x1xf32>
    %iota3A = tpu.iota {dimensions = array<i32: 1>} : vector<400x1024xi32>
    %eq3A = vector.broadcast %broadcast_in_dim3A_16 : vector<400x1xf32> to vector<400x1024xf32>
    %eq3A_17 = arith.cmpf oeq, %sub3A_14, %eq3A : vector<400x1024xf32>
    %jit3A = arith.constant 1024 : i32
    %broadcast_in_dim3A_18 = vector.broadcast %jit3A : i32 to vector<400x1024xi32>
    %select_n3A = arith.select %eq3A_17, %iota3A, %broadcast_in_dim3A_18 : vector<400x1024xi1>, vector<400x1024xi32>
    %reduce_min3A_19 = arith.constant dense<2147483647> : vector<400xi32>
    %reduce_min3A_20 = vector.multi_reduction <minsi>, %select_n3A, %reduce_min3A_19 [1] : vector<400x1024xi32> to vector<400xi32>
    %slice3A_21 = vector.extract_strided_slice %get3A_1 {offsets = [0, 64], sizes = [400, 64], strides = [1, 1]} : vector<400x256xf32> to vector<400x64xf32>
    %get3A_22 = arith.constant 1 : index
    %get3A_23 = arith.constant 0 : index
    %get3A_24 = vector.load %arg3[%get3A_22, %get3A_23] : memref<4x1024xf32, #tpu.memory_space<vmem>>, vector<1x1024xf32>
    %get3A_25 = vector.shape_cast %get3A_24 : vector<1x1024xf32> to vector<1024xf32>
    %broadcast_in_dim3A_26 = vector.shape_cast %get3A_25 : vector<1024xf32> to vector<1x1024xf32>
    %get3A_27 = arith.constant 1 : index
    %get3A_28 = arith.constant 0 : index
    %get3A_29 = arith.constant 0 : index
    %get3A_30 = vector.load %arg2[%get3A_27, %get3A_28, %get3A_29] : memref<4x64x1024xf32, #tpu.memory_space<vmem>>, vector<1x64x1024xf32>
    %get3A_31 = vector.shape_cast %get3A_30 : vector<1x64x1024xf32> to vector<64x1024xf32>
    %dot_general3A_32 = arith.constant dense<0.000000e+00> : vector<400x1024xf32>
    %dot_general3A_33 = tpu.matmul %slice3A_21, %get3A_31, %dot_general3A_32 {dimension_numbers = #tpu.dot_dimension_numbers<[1], [0], [0], [1], [0, 0, 1, 1], [], []>, transpose_lhs_hint = false} : vector<400x64xf32>, vector<64x1024xf32>, vector<400x1024xf32> -> vector<400x1024xf32>
    %mul3A_34 = arith.constant 2.000000e+00 : f32
    %mul3A_35 = vector.broadcast %mul3A_34 : f32 to vector<400x1024xf32>
    %mul3A_36 = arith.mulf %mul3A_35, %dot_general3A_33 : vector<400x1024xf32>
    %sub3A_37 = vector.broadcast %broadcast_in_dim3A_26 : vector<1x1024xf32> to vector<400x1024xf32>
    %sub3A_38 = arith.subf %sub3A_37, %mul3A_36 : vector<400x1024xf32>
    %reduce_min3A_39 = arith.constant dense<0x7F800000> : vector<400xf32>
    %reduce_min3A_40 = vector.multi_reduction <minimumf>, %sub3A_38, %reduce_min3A_39 [1] : vector<400x1024xf32> to vector<400xf32>
    %broadcast_in_dim3A_41 = vector.shape_cast %reduce_min3A_40 : vector<400xf32> to vector<400x1xf32>
    %iota3A_42 = tpu.iota {dimensions = array<i32: 1>} : vector<400x1024xi32>
    %eq3A_43 = vector.broadcast %broadcast_in_dim3A_41 : vector<400x1xf32> to vector<400x1024xf32>
    %eq3A_44 = arith.cmpf oeq, %sub3A_38, %eq3A_43 : vector<400x1024xf32>
    %jit3A_45 = arith.constant 1024 : i32
    %broadcast_in_dim3A_46 = vector.broadcast %jit3A_45 : i32 to vector<400x1024xi32>
    %select_n3A_47 = arith.select %eq3A_44, %iota3A_42, %broadcast_in_dim3A_46 : vector<400x1024xi1>, vector<400x1024xi32>
    %reduce_min3A_48 = arith.constant dense<2147483647> : vector<400xi32>
    %reduce_min3A_49 = vector.multi_reduction <minsi>, %select_n3A_47, %reduce_min3A_48 [1] : vector<400x1024xi32> to vector<400xi32>
    %slice3A_50 = vector.extract_strided_slice %get3A_1 {offsets = [0, 128], sizes = [400, 64], strides = [1, 1]} : vector<400x256xf32> to vector<400x64xf32>
    %get3A_51 = arith.constant 2 : index
    %get3A_52 = arith.constant 0 : index
    %get3A_53 = vector.load %arg3[%get3A_51, %get3A_52] : memref<4x1024xf32, #tpu.memory_space<vmem>>, vector<1x1024xf32>
    %get3A_54 = vector.shape_cast %get3A_53 : vector<1x1024xf32> to vector<1024xf32>
    %broadcast_in_dim3A_55 = vector.shape_cast %get3A_54 : vector<1024xf32> to vector<1x1024xf32>
    %get3A_56 = arith.constant 2 : index
    %get3A_57 = arith.constant 0 : index
    %get3A_58 = arith.constant 0 : index
    %get3A_59 = vector.load %arg2[%get3A_56, %get3A_57, %get3A_58] : memref<4x64x1024xf32, #tpu.memory_space<vmem>>, vector<1x64x1024xf32>
    %get3A_60 = vector.shape_cast %get3A_59 : vector<1x64x1024xf32> to vector<64x1024xf32>
    %dot_general3A_61 = arith.constant dense<0.000000e+00> : vector<400x1024xf32>
    %dot_general3A_62 = tpu.matmul %slice3A_50, %get3A_60, %dot_general3A_61 {dimension_numbers = #tpu.dot_dimension_numbers<[1], [0], [0], [1], [0, 0, 1, 1], [], []>, transpose_lhs_hint = false} : vector<400x64xf32>, vector<64x1024xf32>, vector<400x1024xf32> -> vector<400x1024xf32>
    %mul3A_63 = arith.constant 2.000000e+00 : f32
    %mul3A_64 = vector.broadcast %mul3A_63 : f32 to vector<400x1024xf32>
    %mul3A_65 = arith.mulf %mul3A_64, %dot_general3A_62 : vector<400x1024xf32>
    %sub3A_66 = vector.broadcast %broadcast_in_dim3A_55 : vector<1x1024xf32> to vector<400x1024xf32>
    %sub3A_67 = arith.subf %sub3A_66, %mul3A_65 : vector<400x1024xf32>
    %reduce_min3A_68 = arith.constant dense<0x7F800000> : vector<400xf32>
    %reduce_min3A_69 = vector.multi_reduction <minimumf>, %sub3A_67, %reduce_min3A_68 [1] : vector<400x1024xf32> to vector<400xf32>
    %broadcast_in_dim3A_70 = vector.shape_cast %reduce_min3A_69 : vector<400xf32> to vector<400x1xf32>
    %iota3A_71 = tpu.iota {dimensions = array<i32: 1>} : vector<400x1024xi32>
    %eq3A_72 = vector.broadcast %broadcast_in_dim3A_70 : vector<400x1xf32> to vector<400x1024xf32>
    %eq3A_73 = arith.cmpf oeq, %sub3A_67, %eq3A_72 : vector<400x1024xf32>
    %jit3A_74 = arith.constant 1024 : i32
    %broadcast_in_dim3A_75 = vector.broadcast %jit3A_74 : i32 to vector<400x1024xi32>
    %select_n3A_76 = arith.select %eq3A_73, %iota3A_71, %broadcast_in_dim3A_75 : vector<400x1024xi1>, vector<400x1024xi32>
    %reduce_min3A_77 = arith.constant dense<2147483647> : vector<400xi32>
    %reduce_min3A_78 = vector.multi_reduction <minsi>, %select_n3A_76, %reduce_min3A_77 [1] : vector<400x1024xi32> to vector<400xi32>
    %slice3A_79 = vector.extract_strided_slice %get3A_1 {offsets = [0, 192], sizes = [400, 64], strides = [1, 1]} : vector<400x256xf32> to vector<400x64xf32>
    %get3A_80 = arith.constant 3 : index
    %get3A_81 = arith.constant 0 : index
    %get3A_82 = vector.load %arg3[%get3A_80, %get3A_81] : memref<4x1024xf32, #tpu.memory_space<vmem>>, vector<1x1024xf32>
    %get3A_83 = vector.shape_cast %get3A_82 : vector<1x1024xf32> to vector<1024xf32>
    %broadcast_in_dim3A_84 = vector.shape_cast %get3A_83 : vector<1024xf32> to vector<1x1024xf32>
    %get3A_85 = arith.constant 3 : index
    %get3A_86 = arith.constant 0 : index
    %get3A_87 = arith.constant 0 : index
    %get3A_88 = vector.load %arg2[%get3A_85, %get3A_86, %get3A_87] : memref<4x64x1024xf32, #tpu.memory_space<vmem>>, vector<1x64x1024xf32>
    %get3A_89 = vector.shape_cast %get3A_88 : vector<1x64x1024xf32> to vector<64x1024xf32>
    %dot_general3A_90 = arith.constant dense<0.000000e+00> : vector<400x1024xf32>
    %dot_general3A_91 = tpu.matmul %slice3A_79, %get3A_89, %dot_general3A_90 {dimension_numbers = #tpu.dot_dimension_numbers<[1], [0], [0], [1], [0, 0, 1, 1], [], []>, transpose_lhs_hint = false} : vector<400x64xf32>, vector<64x1024xf32>, vector<400x1024xf32> -> vector<400x1024xf32>
    %mul3A_92 = arith.constant 2.000000e+00 : f32
    %mul3A_93 = vector.broadcast %mul3A_92 : f32 to vector<400x1024xf32>
    %mul3A_94 = arith.mulf %mul3A_93, %dot_general3A_91 : vector<400x1024xf32>
    %sub3A_95 = vector.broadcast %broadcast_in_dim3A_84 : vector<1x1024xf32> to vector<400x1024xf32>
    %sub3A_96 = arith.subf %sub3A_95, %mul3A_94 : vector<400x1024xf32>
    %reduce_min3A_97 = arith.constant dense<0x7F800000> : vector<400xf32>
    %reduce_min3A_98 = vector.multi_reduction <minimumf>, %sub3A_96, %reduce_min3A_97 [1] : vector<400x1024xf32> to vector<400xf32>
    %broadcast_in_dim3A_99 = vector.shape_cast %reduce_min3A_98 : vector<400xf32> to vector<400x1xf32>
    %iota3A_100 = tpu.iota {dimensions = array<i32: 1>} : vector<400x1024xi32>
    %eq3A_101 = vector.broadcast %broadcast_in_dim3A_99 : vector<400x1xf32> to vector<400x1024xf32>
    %eq3A_102 = arith.cmpf oeq, %sub3A_96, %eq3A_101 : vector<400x1024xf32>
    %jit3A_103 = arith.constant 1024 : i32
    %broadcast_in_dim3A_104 = vector.broadcast %jit3A_103 : i32 to vector<400x1024xi32>
    %select_n3A_105 = arith.select %eq3A_102, %iota3A_100, %broadcast_in_dim3A_104 : vector<400x1024xi1>, vector<400x1024xi32>
    %reduce_min3A_106 = arith.constant dense<2147483647> : vector<400xi32>
    %reduce_min3A_107 = vector.multi_reduction <minsi>, %select_n3A_105, %reduce_min3A_106 [1] : vector<400x1024xi32> to vector<400xi32>
    %iota3A_108 = tpu.iota {dimensions = array<i32: 1>} : vector<400x8xi32>
    %broadcast_in_dim3A_109 = arith.constant 0 : i32
    %broadcast_in_dim3A_110 = vector.broadcast %broadcast_in_dim3A_109 : i32 to vector<400x8xi32>
    %eq3A_111 = arith.constant 0 : i32
    %eq3A_112 = vector.broadcast %eq3A_111 : i32 to vector<400x8xi32>
    %eq3A_113 = arith.cmpi eq, %iota3A_108, %eq3A_112 : vector<400x8xi32>
    %broadcast_in_dim3A_114 = vector.shape_cast %reduce_min3A_20 : vector<400xi32> to vector<400x1xi32>
    %jit3A_115 = arith.constant 0 : i32
    %broadcast_in_dim3A_116 = vector.shape_cast %broadcast_in_dim3A_114 : vector<400x1xi32> to vector<400x1xi32>
    %broadcast_in_dim3A_117 = vector.broadcast %broadcast_in_dim3A_116 : vector<400x1xi32> to vector<400x8xi32>
    %broadcast_in_dim3A_118 = vector.broadcast %jit3A_115 : i32 to vector<400x8xi32>
    %select_n3A_119 = arith.select %eq3A_113, %broadcast_in_dim3A_117, %broadcast_in_dim3A_118 : vector<400x8xi1>, vector<400x8xi32>
    %add3A = arith.addi %broadcast_in_dim3A_110, %select_n3A_119 : vector<400x8xi32>
    %eq3A_120 = arith.constant 1 : i32
    %eq3A_121 = vector.broadcast %eq3A_120 : i32 to vector<400x8xi32>
    %eq3A_122 = arith.cmpi eq, %iota3A_108, %eq3A_121 : vector<400x8xi32>
    %broadcast_in_dim3A_123 = vector.shape_cast %reduce_min3A_49 : vector<400xi32> to vector<400x1xi32>
    %jit3A_124 = arith.constant 0 : i32
    %broadcast_in_dim3A_125 = vector.shape_cast %broadcast_in_dim3A_123 : vector<400x1xi32> to vector<400x1xi32>
    %broadcast_in_dim3A_126 = vector.broadcast %broadcast_in_dim3A_125 : vector<400x1xi32> to vector<400x8xi32>
    %broadcast_in_dim3A_127 = vector.broadcast %jit3A_124 : i32 to vector<400x8xi32>
    %select_n3A_128 = arith.select %eq3A_122, %broadcast_in_dim3A_126, %broadcast_in_dim3A_127 : vector<400x8xi1>, vector<400x8xi32>
    %add3A_129 = arith.addi %add3A, %select_n3A_128 : vector<400x8xi32>
    %eq3A_130 = arith.constant 2 : i32
    %eq3A_131 = vector.broadcast %eq3A_130 : i32 to vector<400x8xi32>
    %eq3A_132 = arith.cmpi eq, %iota3A_108, %eq3A_131 : vector<400x8xi32>
    %broadcast_in_dim3A_133 = vector.shape_cast %reduce_min3A_78 : vector<400xi32> to vector<400x1xi32>
    %jit3A_134 = arith.constant 0 : i32
    %broadcast_in_dim3A_135 = vector.shape_cast %broadcast_in_dim3A_133 : vector<400x1xi32> to vector<400x1xi32>
    %broadcast_in_dim3A_136 = vector.broadcast %broadcast_in_dim3A_135 : vector<400x1xi32> to vector<400x8xi32>
    %broadcast_in_dim3A_137 = vector.broadcast %jit3A_134 : i32 to vector<400x8xi32>
    %select_n3A_138 = arith.select %eq3A_132, %broadcast_in_dim3A_136, %broadcast_in_dim3A_137 : vector<400x8xi1>, vector<400x8xi32>
    %add3A_139 = arith.addi %add3A_129, %select_n3A_138 : vector<400x8xi32>
    %eq3A_140 = arith.constant 3 : i32
    %eq3A_141 = vector.broadcast %eq3A_140 : i32 to vector<400x8xi32>
    %eq3A_142 = arith.cmpi eq, %iota3A_108, %eq3A_141 : vector<400x8xi32>
    %broadcast_in_dim3A_143 = vector.shape_cast %reduce_min3A_107 : vector<400xi32> to vector<400x1xi32>
    %jit3A_144 = arith.constant 0 : i32
    %broadcast_in_dim3A_145 = vector.shape_cast %broadcast_in_dim3A_143 : vector<400x1xi32> to vector<400x1xi32>
    %broadcast_in_dim3A_146 = vector.broadcast %broadcast_in_dim3A_145 : vector<400x1xi32> to vector<400x8xi32>
    %broadcast_in_dim3A_147 = vector.broadcast %jit3A_144 : i32 to vector<400x8xi32>
    %select_n3A_148 = arith.select %eq3A_142, %broadcast_in_dim3A_146, %broadcast_in_dim3A_147 : vector<400x8xi1>, vector<400x8xi32>
    %add3A_149 = arith.addi %add3A_139, %select_n3A_148 : vector<400x8xi32>
    %swap3A = arith.constant 0 : index
    %swap3A_150 = arith.constant 0 : index
    %swap3A_151 = vector.load %arg4[%swap3A, %swap3A_150] : memref<400x8xi32, #tpu.memory_space<vmem>>, vector<400x8xi32>
    tpu.vector_store %arg4[%swap3A, %swap3A_150], %add3A_149 {strides = array<i32>} : memref<400x8xi32, #tpu.memory_space<vmem>>, vector<400x8xi32>,
    return
  }
  func.func @transform_0(%arg0: i32) -> (i32, i32) {
    %c0_i32 = arith.constant 0 : i32
    %c0_i32_0 = arith.constant 0 : i32
    return %arg0, %c0_i32 : i32, i32
  }
  func.func @transform_1(%arg0: i32) -> (i32, i32, i32) {
    %c0_i32 = arith.constant 0 : i32
    %c0_i32_0 = arith.constant 0 : i32
    %c0_i32_1 = arith.constant 0 : i32
    %c0_i32_2 = arith.constant 0 : i32
    return %c0_i32, %c0_i32_0, %c0_i32_1 : i32, i32, i32
  }
  func.func @transform_2(%arg0: i32) -> (i32, i32) {
    %c0_i32 = arith.constant 0 : i32
    %c0_i32_0 = arith.constant 0 : i32
    %c0_i32_1 = arith.constant 0 : i32
    return %c0_i32, %c0_i32_0 : i32, i32
  }
  func.func @transform_3(%arg0: i32) -> (i32, i32) {
    %c0_i32 = arith.constant 0 : i32
    %c0_i32_0 = arith.constant 0 : i32
    return %arg0, %c0_i32 : i32, i32
  }
}

module attributes {stable_mosaic.version = 14 : i64} {
  func.func @_tcb_body(%arg0: i32, %arg1: memref<1x1024x128xf32, #tpu.memory_space<vmem>>, %arg2: memref<64x256xf32, #tpu.memory_space<vmem>>, %arg3: memref<1024x256xf32, #tpu.memory_space<vmem>>) attributes {dimension_semantics = [#tpu.dimension_semantics<arbitrary>], iteration_bounds = array<i64: 4>, scalar_prefetch = 0 : i64, scratch_operands = 0 : i64, tpu.core_type = #tpu.core_type<tc>, window_params = [{transform_indices = @transform_0, window_bounds = array<i64: 1, 1024, 128>}, {transform_indices = @transform_1, window_bounds = array<i64: 64, 256>}, {transform_indices = @transform_2, window_bounds = array<i64: 1024, 256>}]} {
    %get3A = arith.constant 0 : index
    %get3A_0 = arith.constant 0 : index
    %get3A_1 = arith.constant 0 : index
    %get3A_2 = vector.load %arg1[%get3A, %get3A_0, %get3A_1] : memref<1x1024x128xf32, #tpu.memory_space<vmem>>, vector<1x1024x64xf32>
    %get3A_3 = vector.shape_cast %get3A_2 : vector<1x1024x64xf32> to vector<1024x64xf32>
    %get3A_4 = arith.constant 0 : index
    %get3A_5 = arith.constant 0 : index
    %get3A_6 = vector.load %arg2[%get3A_4, %get3A_5] : memref<64x256xf32, #tpu.memory_space<vmem>>, vector<64x256xf32>
    %dot_general3A = arith.constant dense<0.000000e+00> : vector<1024x256xf32>
    %dot_general3A_7 = tpu.matmul %get3A_3, %get3A_6, %dot_general3A {dimension_numbers = #tpu.dot_dimension_numbers<[1], [0], [0], [1], [0, 0, 1, 1], [], []>, transpose_lhs_hint = false} : vector<1024x64xf32>, vector<64x256xf32>, vector<1024x256xf32> -> vector<1024x256xf32>
    %swap3A = arith.constant 0 : index
    %swap3A_8 = arith.constant 0 : index
    %swap3A_9 = vector.load %arg3[%swap3A, %swap3A_8] : memref<1024x256xf32, #tpu.memory_space<vmem>>, vector<1024x256xf32>
    tpu.vector_store %arg3[%swap3A, %swap3A_8], %dot_general3A_7 {strides = array<i32>} : memref<1024x256xf32, #tpu.memory_space<vmem>>, vector<1024x256xf32>,
    return
  }
  func.func @transform_0(%arg0: i32) -> (i32, i32, i32) {
    %c0_i32 = arith.constant 0 : i32
    %c0_i32_0 = arith.constant 0 : i32
    %c0_i32_1 = arith.constant 0 : i32
    return %arg0, %c0_i32, %c0_i32_0 : i32, i32, i32
  }
  func.func @transform_1(%arg0: i32) -> (i32, i32) {
    %c0_i32 = arith.constant 0 : i32
    %c0_i32_0 = arith.constant 0 : i32
    return %arg0, %c0_i32 : i32, i32
  }
  func.func @transform_2(%arg0: i32) -> (i32, i32) {
    %c0_i32 = arith.constant 0 : i32
    %c0_i32_0 = arith.constant 0 : i32
    return %arg0, %c0_i32 : i32, i32
  }
}

module attributes {stable_mosaic.version = 14 : i64} {
  func.func @_matmul_body(%arg0: i32, %arg1: memref<1000x256xf32, #tpu.memory_space<vmem>>, %arg2: memref<256x256xf32, #tpu.memory_space<vmem>>, %arg3: memref<1x256xf32, #tpu.memory_space<vmem>>, %arg4: memref<1000x256xf32, #tpu.memory_space<vmem>>) attributes {dimension_semantics = [#tpu.dimension_semantics<arbitrary>], iteration_bounds = array<i64: 10>, scalar_prefetch = 0 : i64, scratch_operands = 0 : i64, tpu.core_type = #tpu.core_type<tc>, window_params = [{transform_indices = @transform_0, window_bounds = array<i64: 1000, 256>}, {pipeline_mode = #tpu.pipeline_mode<synchronous>, transform_indices = @transform_1, window_bounds = array<i64: 256, 256>}, {pipeline_mode = #tpu.pipeline_mode<synchronous>, transform_indices = @transform_2, window_bounds = array<i64: 1, 256>}, {transform_indices = @transform_3, window_bounds = array<i64: 1000, 256>}]} {
    %get3A = arith.constant 0 : index
    %get3A_0 = arith.constant 0 : index
    %get3A_1 = vector.load %arg1[%get3A, %get3A_0] : memref<1000x256xf32, #tpu.memory_space<vmem>>, vector<1000x256xf32>
    %get3A_2 = arith.constant 0 : index
    %get3A_3 = arith.constant 0 : index
    %get3A_4 = vector.load %arg2[%get3A_2, %get3A_3] : memref<256x256xf32, #tpu.memory_space<vmem>>, vector<256x256xf32>
    %dot_general3A = arith.constant dense<0.000000e+00> : vector<1000x256xf32>
    %dot_general3A_5 = tpu.matmul %get3A_1, %get3A_4, %dot_general3A {dimension_numbers = #tpu.dot_dimension_numbers<[1], [0], [0], [1], [0, 0, 1, 1], [], []>, transpose_lhs_hint = false} : vector<1000x256xf32>, vector<256x256xf32>, vector<1000x256xf32> -> vector<1000x256xf32>
    %get3A_6 = arith.constant 0 : index
    %get3A_7 = arith.constant 0 : index
    %get3A_8 = vector.load %arg3[%get3A_6, %get3A_7] : memref<1x256xf32, #tpu.memory_space<vmem>>, vector<1x256xf32>
    %add3A = vector.broadcast %get3A_8 : vector<1x256xf32> to vector<1000x256xf32>
    %add3A_9 = arith.addf %dot_general3A_5, %add3A : vector<1000x256xf32>
    %swap3A = arith.constant 0 : index
    %swap3A_10 = arith.constant 0 : index
    %swap3A_11 = vector.load %arg4[%swap3A, %swap3A_10] : memref<1000x256xf32, #tpu.memory_space<vmem>>, vector<1000x256xf32>
    tpu.vector_store %arg4[%swap3A, %swap3A_10], %add3A_9 {strides = array<i32>} : memref<1000x256xf32, #tpu.memory_space<vmem>>, vector<1000x256xf32>,
    return
  }
  func.func @transform_0(%arg0: i32) -> (i32, i32) {
    %c0_i32 = arith.constant 0 : i32
    %c0_i32_0 = arith.constant 0 : i32
    return %arg0, %c0_i32 : i32, i32
  }
  func.func @transform_1(%arg0: i32) -> (i32, i32) {
    %c0_i32 = arith.constant 0 : i32
    %c0_i32_0 = arith.constant 0 : i32
    %c0_i32_1 = arith.constant 0 : i32
    return %c0_i32, %c0_i32_0 : i32, i32
  }
  func.func @transform_2(%arg0: i32) -> (i32, i32) {
    %c0_i32 = arith.constant 0 : i32
    %c0_i32_0 = arith.constant 0 : i32
    %c0_i32_1 = arith.constant 0 : i32
    return %c0_i32, %c0_i32_0 : i32, i32
  }
  func.func @transform_3(%arg0: i32) -> (i32, i32) {
    %c0_i32 = arith.constant 0 : i32
    %c0_i32_0 = arith.constant 0 : i32
    return %arg0, %c0_i32 : i32, i32
  }
}

module attributes {stable_mosaic.version = 14 : i64} {
  func.func @_mm_out_body(%arg0: i32, %arg1: memref<1000x256xf32, #tpu.memory_space<vmem>>, %arg2: memref<256x256xf32, #tpu.memory_space<vmem>>, %arg3: memref<1x256xf32, #tpu.memory_space<vmem>>, %arg4: memref<1x256xf32, #tpu.memory_space<vmem>>, %arg5: memref<1000x256xf32, #tpu.memory_space<vmem>>) attributes {dimension_semantics = [#tpu.dimension_semantics<arbitrary>], iteration_bounds = array<i64: 10>, scalar_prefetch = 0 : i64, scratch_operands = 0 : i64, tpu.core_type = #tpu.core_type<tc>, window_params = [{transform_indices = @transform_0, window_bounds = array<i64: 1000, 256>}, {pipeline_mode = #tpu.pipeline_mode<synchronous>, transform_indices = @transform_1, window_bounds = array<i64: 256, 256>}, {pipeline_mode = #tpu.pipeline_mode<synchronous>, transform_indices = @transform_2, window_bounds = array<i64: 1, 256>}, {pipeline_mode = #tpu.pipeline_mode<synchronous>, transform_indices = @transform_3, window_bounds = array<i64: 1, 256>}, {transform_indices = @transform_4, window_bounds = array<i64: 1000, 256>}]} {
    %get3A = arith.constant 0 : index
    %get3A_0 = arith.constant 0 : index
    %get3A_1 = vector.load %arg2[%get3A, %get3A_0] : memref<256x256xf32, #tpu.memory_space<vmem>>, vector<256x256xf32>
    %get3A_2 = arith.constant 0 : index
    %get3A_3 = arith.constant 0 : index
    %get3A_4 = vector.load %arg3[%get3A_2, %get3A_3] : memref<1x256xf32, #tpu.memory_space<vmem>>, vector<1x256xf32>
    %dot_general3A = arith.constant dense<0.000000e+00> : vector<1x256xf32>
    %dot_general3A_5 = tpu.matmul %get3A_4, %get3A_1, %dot_general3A {dimension_numbers = #tpu.dot_dimension_numbers<[1], [0], [0], [1], [0, 0, 1, 1], [], []>, transpose_lhs_hint = false} : vector<1x256xf32>, vector<256x256xf32>, vector<1x256xf32> -> vector<1x256xf32>
    %get3A_6 = arith.constant 0 : index
    %get3A_7 = arith.constant 0 : index
    %get3A_8 = vector.load %arg4[%get3A_6, %get3A_7] : memref<1x256xf32, #tpu.memory_space<vmem>>, vector<1x256xf32>
    %add3A = arith.addf %dot_general3A_5, %get3A_8 : vector<1x256xf32>
    %get3A_9 = arith.constant 0 : index
    %get3A_10 = arith.constant 0 : index
    %get3A_11 = vector.load %arg1[%get3A_9, %get3A_10] : memref<1000x256xf32, #tpu.memory_space<vmem>>, vector<1000x256xf32>
    %dot_general3A_12 = arith.constant dense<0.000000e+00> : vector<1000x256xf32>
    %dot_general3A_13 = tpu.matmul %get3A_11, %get3A_1, %dot_general3A_12 {dimension_numbers = #tpu.dot_dimension_numbers<[1], [0], [0], [1], [0, 0, 1, 1], [], []>, transpose_lhs_hint = false} : vector<1000x256xf32>, vector<256x256xf32>, vector<1000x256xf32> -> vector<1000x256xf32>
    %add3A_14 = vector.broadcast %add3A : vector<1x256xf32> to vector<1000x256xf32>
    %add3A_15 = arith.addf %dot_general3A_13, %add3A_14 : vector<1000x256xf32>
    %swap3A = arith.constant 0 : index
    %swap3A_16 = arith.constant 0 : index
    %swap3A_17 = vector.load %arg5[%swap3A, %swap3A_16] : memref<1000x256xf32, #tpu.memory_space<vmem>>, vector<1000x256xf32>
    tpu.vector_store %arg5[%swap3A, %swap3A_16], %add3A_15 {strides = array<i32>} : memref<1000x256xf32, #tpu.memory_space<vmem>>, vector<1000x256xf32>,
    return
  }
  func.func @transform_0(%arg0: i32) -> (i32, i32) {
    %c0_i32 = arith.constant 0 : i32
    %c0_i32_0 = arith.constant 0 : i32
    return %arg0, %c0_i32 : i32, i32
  }
  func.func @transform_1(%arg0: i32) -> (i32, i32) {
    %c0_i32 = arith.constant 0 : i32
    %c0_i32_0 = arith.constant 0 : i32
    %c0_i32_1 = arith.constant 0 : i32
    return %c0_i32, %c0_i32_0 : i32, i32
  }
  func.func @transform_2(%arg0: i32) -> (i32, i32) {
    %c0_i32 = arith.constant 0 : i32
    %c0_i32_0 = arith.constant 0 : i32
    %c0_i32_1 = arith.constant 0 : i32
    return %c0_i32, %c0_i32_0 : i32, i32
  }
  func.func @transform_3(%arg0: i32) -> (i32, i32) {
    %c0_i32 = arith.constant 0 : i32
    %c0_i32_0 = arith.constant 0 : i32
    %c0_i32_1 = arith.constant 0 : i32
    return %c0_i32, %c0_i32_0 : i32, i32
  }
  func.func @transform_4(%arg0: i32) -> (i32, i32) {
    %c0_i32 = arith.constant 0 : i32
    %c0_i32_0 = arith.constant 0 : i32
    return %arg0, %c0_i32 : i32, i32
  }
}

module attributes {stable_mosaic.version = 14 : i64} {
  func.func @_dotsum2_body(%arg0: i32, %arg1: memref<1000x4x64xf32, #tpu.memory_space<vmem>>, %arg2: memref<4x1000x128xf32, #tpu.memory_space<vmem>>, %arg3: memref<4x64xf32, #tpu.memory_space<vmem>>, %arg4: memref<1xf32, #tpu.memory_space<smem>>, %arg5: memref<1x1xf32, #tpu.memory_space<smem>>) attributes {dimension_semantics = [#tpu.dimension_semantics<arbitrary>], iteration_bounds = array<i64: 40>, scalar_prefetch = 0 : i64, scratch_operands = 0 : i64, tpu.core_type = #tpu.core_type<tc>, window_params = [{transform_indices = @transform_0, window_bounds = array<i64: 1000, 4, 64>}, {transform_indices = @transform_1, window_bounds = array<i64: 4, 1000, 128>}, {pipeline_mode = #tpu.pipeline_mode<synchronous>, transform_indices = @transform_2, window_bounds = array<i64: 4, 64>}, {transform_indices = @transform_3, window_bounds = array<i64: 1>}, {transform_indices = @transform_4, window_bounds = array<i64: 1, 1>}]} {
    %eq3A = arith.constant 0 : i32
    %eq3A_0 = arith.cmpi eq, %arg0, %eq3A : i32
    %convert_element_type3A = arith.extui %eq3A_0 : i1 to i32
    %cond3A = arith.constant 0 : i32
    %cond3A_1 = arith.cmpi ne, %convert_element_type3A, %cond3A : i32
    scf.if %cond3A_1 {
      %swap3A_108 = arith.constant 0.000000e+00 : f32
      %swap3A_109 = arith.constant 0 : index
      %swap3A_110 = arith.constant 0 : index
      %swap3A_111 = memref.load %arg5[%swap3A_109, %swap3A_110] : memref<1x1xf32, #tpu.memory_space<smem>>
      memref.store %swap3A_108, %arg5[%swap3A_109, %swap3A_110] : memref<1x1xf32, #tpu.memory_space<smem>>
    } else {
    }
    %get3A = arith.constant 0 : index
    %get3A_2 = arith.constant 0 : index
    %get3A_3 = arith.constant 0 : index
    %get3A_4 = vector.load %arg1[%get3A, %get3A_2, %get3A_3] : memref<1000x4x64xf32, #tpu.memory_space<vmem>>, vector<1000x1x64xf32>
    %get3A_5 = vector.shape_cast %get3A_4 : vector<1000x1x64xf32> to vector<1000x64xf32>
    %get3A_6 = arith.constant 0 : index
    %get3A_7 = arith.constant 0 : index
    %get3A_8 = vector.load %arg3[%get3A_6, %get3A_7] : memref<4x64xf32, #tpu.memory_space<vmem>>, vector<1x64xf32>
    %get3A_9 = vector.shape_cast %get3A_8 : vector<1x64xf32> to vector<64xf32>
    %broadcast_in_dim3A = vector.shape_cast %get3A_9 : vector<64xf32> to vector<1x64xf32>
    %add3A = vector.broadcast %broadcast_in_dim3A : vector<1x64xf32> to vector<1000x64xf32>
    %add3A_10 = arith.addf %get3A_5, %add3A : vector<1000x64xf32>
    %get3A_11 = arith.constant 0 : index
    %get3A_12 = arith.constant 0 : index
    %get3A_13 = arith.constant 0 : index
    %get3A_14 = vector.load %arg2[%get3A_11, %get3A_12, %get3A_13] : memref<4x1000x128xf32, #tpu.memory_space<vmem>>, vector<1x1000x128xf32>
    %get3A_15 = vector.shape_cast %get3A_14 : vector<1x1000x128xf32> to vector<1000x128xf32>
    %slice3A = vector.extract_strided_slice %get3A_15 {offsets = [0, 64], sizes = [1000, 64], strides = [1, 1]} : vector<1000x128xf32> to vector<1000x64xf32>
    %mul3A = arith.mulf %add3A_10, %slice3A : vector<1000x64xf32>
    %reduce_sum3A = vector.shape_cast %mul3A : vector<1000x64xf32> to vector<1x1000x64xf32>
    %reduce_sum3A_16 = arith.constant dense<0.000000e+00> : vector<1xf32>
    %reduce_sum3A_17 = vector.multi_reduction <add>, %reduce_sum3A, %reduce_sum3A_16 [1, 2] : vector<1x1000x64xf32> to vector<1xf32>
    %reduce_sum3A_18 = vector.shape_cast %reduce_sum3A_17 : vector<1xf32> to vector<1x1x1xf32>
    %reduce_sum3A_19 = vector.extract %reduce_sum3A_18[0, 0, 0] : f32 from vector<1x1x1xf32>
    %add3A_20 = arith.constant 0.000000e+00 : f32
    %add3A_21 = arith.addf %add3A_20, %reduce_sum3A_19 : f32
    %get3A_22 = arith.constant 0 : index
    %get3A_23 = arith.constant 1 : index
    %get3A_24 = arith.constant 0 : index
    %get3A_25 = vector.load %arg1[%get3A_22, %get3A_23, %get3A_24] : memref<1000x4x64xf32, #tpu.memory_space<vmem>>, vector<1000x1x64xf32>
    %get3A_26 = vector.shape_cast %get3A_25 : vector<1000x1x64xf32> to vector<1000x64xf32>
    %get3A_27 = arith.constant 1 : index
    %get3A_28 = arith.constant 0 : index
    %get3A_29 = vector.load %arg3[%get3A_27, %get3A_28] : memref<4x64xf32, #tpu.memory_space<vmem>>, vector<1x64xf32>
    %get3A_30 = vector.shape_cast %get3A_29 : vector<1x64xf32> to vector<64xf32>
    %broadcast_in_dim3A_31 = vector.shape_cast %get3A_30 : vector<64xf32> to vector<1x64xf32>
    %add3A_32 = vector.broadcast %broadcast_in_dim3A_31 : vector<1x64xf32> to vector<1000x64xf32>
    %add3A_33 = arith.addf %get3A_26, %add3A_32 : vector<1000x64xf32>
    %get3A_34 = arith.constant 1 : index
    %get3A_35 = arith.constant 0 : index
    %get3A_36 = arith.constant 0 : index
    %get3A_37 = vector.load %arg2[%get3A_34, %get3A_35, %get3A_36] : memref<4x1000x128xf32, #tpu.memory_space<vmem>>, vector<1x1000x128xf32>
    %get3A_38 = vector.shape_cast %get3A_37 : vector<1x1000x128xf32> to vector<1000x128xf32>
    %slice3A_39 = vector.extract_strided_slice %get3A_38 {offsets = [0, 64], sizes = [1000, 64], strides = [1, 1]} : vector<1000x128xf32> to vector<1000x64xf32>
    %mul3A_40 = arith.mulf %add3A_33, %slice3A_39 : vector<1000x64xf32>
    %reduce_sum3A_41 = vector.shape_cast %mul3A_40 : vector<1000x64xf32> to vector<1x1000x64xf32>
    %reduce_sum3A_42 = arith.constant dense<0.000000e+00> : vector<1xf32>
    %reduce_sum3A_43 = vector.multi_reduction <add>, %reduce_sum3A_41, %reduce_sum3A_42 [1, 2] : vector<1x1000x64xf32> to vector<1xf32>
    %reduce_sum3A_44 = vector.shape_cast %reduce_sum3A_43 : vector<1xf32> to vector<1x1x1xf32>
    %reduce_sum3A_45 = vector.extract %reduce_sum3A_44[0, 0, 0] : f32 from vector<1x1x1xf32>
    %add3A_46 = arith.addf %add3A_21, %reduce_sum3A_45 : f32
    %get3A_47 = arith.constant 0 : index
    %get3A_48 = arith.constant 2 : index
    %get3A_49 = arith.constant 0 : index
    %get3A_50 = vector.load %arg1[%get3A_47, %get3A_48, %get3A_49] : memref<1000x4x64xf32, #tpu.memory_space<vmem>>, vector<1000x1x64xf32>
    %get3A_51 = vector.shape_cast %get3A_50 : vector<1000x1x64xf32> to vector<1000x64xf32>
    %get3A_52 = arith.constant 2 : index
    %get3A_53 = arith.constant 0 : index
    %get3A_54 = vector.load %arg3[%get3A_52, %get3A_53] : memref<4x64xf32, #tpu.memory_space<vmem>>, vector<1x64xf32>
    %get3A_55 = vector.shape_cast %get3A_54 : vector<1x64xf32> to vector<64xf32>
    %broadcast_in_dim3A_56 = vector.shape_cast %get3A_55 : vector<64xf32> to vector<1x64xf32>
    %add3A_57 = vector.broadcast %broadcast_in_dim3A_56 : vector<1x64xf32> to vector<1000x64xf32>
    %add3A_58 = arith.addf %get3A_51, %add3A_57 : vector<1000x64xf32>
    %get3A_59 = arith.constant 2 : index
    %get3A_60 = arith.constant 0 : index
    %get3A_61 = arith.constant 0 : index
    %get3A_62 = vector.load %arg2[%get3A_59, %get3A_60, %get3A_61] : memref<4x1000x128xf32, #tpu.memory_space<vmem>>, vector<1x1000x128xf32>
    %get3A_63 = vector.shape_cast %get3A_62 : vector<1x1000x128xf32> to vector<1000x128xf32>
    %slice3A_64 = vector.extract_strided_slice %get3A_63 {offsets = [0, 64], sizes = [1000, 64], strides = [1, 1]} : vector<1000x128xf32> to vector<1000x64xf32>
    %mul3A_65 = arith.mulf %add3A_58, %slice3A_64 : vector<1000x64xf32>
    %reduce_sum3A_66 = vector.shape_cast %mul3A_65 : vector<1000x64xf32> to vector<1x1000x64xf32>
    %reduce_sum3A_67 = arith.constant dense<0.000000e+00> : vector<1xf32>
    %reduce_sum3A_68 = vector.multi_reduction <add>, %reduce_sum3A_66, %reduce_sum3A_67 [1, 2] : vector<1x1000x64xf32> to vector<1xf32>
    %reduce_sum3A_69 = vector.shape_cast %reduce_sum3A_68 : vector<1xf32> to vector<1x1x1xf32>
    %reduce_sum3A_70 = vector.extract %reduce_sum3A_69[0, 0, 0] : f32 from vector<1x1x1xf32>
    %add3A_71 = arith.addf %add3A_46, %reduce_sum3A_70 : f32
    %get3A_72 = arith.constant 0 : index
    %get3A_73 = arith.constant 3 : index
    %get3A_74 = arith.constant 0 : index
    %get3A_75 = vector.load %arg1[%get3A_72, %get3A_73, %get3A_74] : memref<1000x4x64xf32, #tpu.memory_space<vmem>>, vector<1000x1x64xf32>
    %get3A_76 = vector.shape_cast %get3A_75 : vector<1000x1x64xf32> to vector<1000x64xf32>
    %get3A_77 = arith.constant 3 : index
    %get3A_78 = arith.constant 0 : index
    %get3A_79 = vector.load %arg3[%get3A_77, %get3A_78] : memref<4x64xf32, #tpu.memory_space<vmem>>, vector<1x64xf32>
    %get3A_80 = vector.shape_cast %get3A_79 : vector<1x64xf32> to vector<64xf32>
    %broadcast_in_dim3A_81 = vector.shape_cast %get3A_80 : vector<64xf32> to vector<1x64xf32>
    %add3A_82 = vector.broadcast %broadcast_in_dim3A_81 : vector<1x64xf32> to vector<1000x64xf32>
    %add3A_83 = arith.addf %get3A_76, %add3A_82 : vector<1000x64xf32>
    %get3A_84 = arith.constant 3 : index
    %get3A_85 = arith.constant 0 : index
    %get3A_86 = arith.constant 0 : index
    %get3A_87 = vector.load %arg2[%get3A_84, %get3A_85, %get3A_86] : memref<4x1000x128xf32, #tpu.memory_space<vmem>>, vector<1x1000x128xf32>
    %get3A_88 = vector.shape_cast %get3A_87 : vector<1x1000x128xf32> to vector<1000x128xf32>
    %slice3A_89 = vector.extract_strided_slice %get3A_88 {offsets = [0, 64], sizes = [1000, 64], strides = [1, 1]} : vector<1000x128xf32> to vector<1000x64xf32>
    %mul3A_90 = arith.mulf %add3A_83, %slice3A_89 : vector<1000x64xf32>
    %reduce_sum3A_91 = vector.shape_cast %mul3A_90 : vector<1000x64xf32> to vector<1x1000x64xf32>
    %reduce_sum3A_92 = arith.constant dense<0.000000e+00> : vector<1xf32>
    %reduce_sum3A_93 = vector.multi_reduction <add>, %reduce_sum3A_91, %reduce_sum3A_92 [1, 2] : vector<1x1000x64xf32> to vector<1xf32>
    %reduce_sum3A_94 = vector.shape_cast %reduce_sum3A_93 : vector<1xf32> to vector<1x1x1xf32>
    %reduce_sum3A_95 = vector.extract %reduce_sum3A_94[0, 0, 0] : f32 from vector<1x1x1xf32>
    %add3A_96 = arith.addf %add3A_71, %reduce_sum3A_95 : f32
    %get3A_97 = arith.constant 0 : index
    %get3A_98 = arith.constant 0 : index
    %get3A_99 = memref.load %arg5[%get3A_97, %get3A_98] : memref<1x1xf32, #tpu.memory_space<smem>>
    %add3A_100 = arith.addf %get3A_99, %add3A_96 : f32
    %swap3A = arith.constant 0 : index
    %swap3A_101 = arith.constant 0 : index
    %swap3A_102 = memref.load %arg5[%swap3A, %swap3A_101] : memref<1x1xf32, #tpu.memory_space<smem>>
    memref.store %add3A_100, %arg5[%swap3A, %swap3A_101] : memref<1x1xf32, #tpu.memory_space<smem>>
    %eq3A_103 = arith.constant 39 : i32
    %eq3A_104 = arith.cmpi eq, %arg0, %eq3A_103 : i32
    %convert_element_type3A_105 = arith.extui %eq3A_104 : i1 to i32
    %cond3A_106 = arith.constant 0 : i32
    %cond3A_107 = arith.cmpi ne, %convert_element_type3A_105, %cond3A_106 : i32
    scf.if %cond3A_107 {
      %get3A_108 = arith.constant 0 : index
      %get3A_109 = arith.constant 0 : index
      %get3A_110 = memref.load %arg5[%get3A_108, %get3A_109] : memref<1x1xf32, #tpu.memory_space<smem>>
      %get3A_111 = arith.constant 0 : index
      %get3A_112 = memref.load %arg4[%get3A_111] : memref<1xf32, #tpu.memory_space<smem>>
      %mul3A_113 = arith.mulf %get3A_110, %get3A_112 : f32
      %swap3A_114 = arith.constant 0 : index
      %swap3A_115 = arith.constant 0 : index
      %swap3A_116 = memref.load %arg5[%swap3A_114, %swap3A_115] : memref<1x1xf32, #tpu.memory_space<smem>>
      memref.store %mul3A_113, %arg5[%swap3A_114, %swap3A_115] : memref<1x1xf32, #tpu.memory_space<smem>>
    } else {
    }
    return
  }
  func.func @transform_0(%arg0: i32) -> (i32, i32, i32) {
    %add3A = arith.constant 10 : i32
    %add3A_0 = arith.addi %add3A, %arg0 : i32
    %c0_i32 = arith.constant 0 : i32
    %c0_i32_1 = arith.constant 0 : i32
    %c0_i32_2 = arith.constant 0 : i32
    return %add3A_0, %c0_i32, %c0_i32_1 : i32, i32, i32
  }
  func.func @transform_1(%arg0: i32) -> (i32, i32, i32) {
    %c0_i32 = arith.constant 0 : i32
    %c0_i32_0 = arith.constant 0 : i32
    %c0_i32_1 = arith.constant 0 : i32
    return %c0_i32, %arg0, %c0_i32_0 : i32, i32, i32
  }
  func.func @transform_2(%arg0: i32) -> (i32, i32) {
    %c0_i32 = arith.constant 0 : i32
    %c0_i32_0 = arith.constant 0 : i32
    %c0_i32_1 = arith.constant 0 : i32
    return %c0_i32, %c0_i32_0 : i32, i32
  }
  func.func @transform_3(%arg0: i32) -> i32 {
    %c0_i32 = arith.constant 0 : i32
    %c0_i32_0 = arith.constant 0 : i32
    return %c0_i32 : i32
  }
  func.func @transform_4(%arg0: i32) -> (i32, i32) {
    %c0_i32 = arith.constant 0 : i32
    %c0_i32_0 = arith.constant 0 : i32
    %c0_i32_1 = arith.constant 0 : i32
    return %c0_i32, %c0_i32_0 : i32, i32
  }
}

</mosaic_0001>

<sc_bundles>
// kernel: kernel.10.cloned.1.call-start
scs
__scs_entry_jumppad:
0x0: {  	(pc) =	sbr.rel $0x88, $3  }
0x1: {  	(tag) =	ssettag $0x0;
	lr =	simm.s32 $0x1  }
0x2: {  	[smem:$0x3F96] =	sst lr;
	_ =	strace $0xD0000000  }
0x3: {  	_ = 	snop  }
0x4: {  	_ = 	snop  }
0x5: {  	_ = 	snop  }
0x6: {  	_ = 	snop  }
0x7: {  	_ = 	snop  }
__scs_overlays_trampoline_lowered:
0x8: {  	[smem:$0x3FA5] =	sst s0  }
0x9: {  	[smem:$0x3FA6] =	sst s1  }
0xa: {  	[smem:$0x3FA7] =	sst s2  }
0xb: {  	[smem:$0x3FA8] =	sst s3  }
0xc: {  	[smem:$0x3FA9] =	sst s4  }
0xd: {  	[smem:$0x3FAA] =	sst s5  }
0xe: {  	[smem:$0x3FAB] =	sst s6  }
0xf: {  	[smem:$0x3FAC] =	sst s7  }
0x10: {  	[smem:$0x3FAD] =	sst s8  }
0x11: {  	[smem:$0x3FAE] =	sst s9;
	s0 =	simm.s32 @!p0 $0x0  }
0x12: {  	s1 =	sld [smem:$0x3F94];
	s0 =	simm.s32 @p0 $0x1  }
0x13: {  	[smem:$0x3FAF] =	sst s0;
	s0 =	simm.s32 @!p1 $0x0  }
0x14: {  	s2 =	sld [smem:$0x3F93];
	s0 =	simm.s32 @p1 $0x1  }
0x15: {  	[smem:$0x3FB0] =	sst s0;
	s0 =	simm.s32 @!p2 $0x0  }
0x16: {  	s3 =	sld [smem:$0x3FDB];
	s0 =	simm.s32 @p2 $0x1  }
0x17: {  	s4 =	simm.s32 $0x1BF5;
	[smem:$0x3FB2] =	sst s0  }
0x18: {  	s0 =	sld [smem:$0x3F95];
	_ =	swait.ge [sflag:s4], $0x0  }
0x19: {  	s7 =	sld [smem:$0x3F96]  }
0x1a: {  	s8 =	sadd.s32 $0xFFFFE003, lr  }
0x1b: {  	s9 =	sadd.s32 $0xFFFFFEF7, lr;
	s5 =	simm.s32 $0xFFFFFFFF;
	p2 =	slt.u32 s8, $0xFFFFF086  }
0x1c: {  	p1 =	slt.u32 s9, $0xF7A;
	s5 =	simm.s32 @!p2 $0x0  }
0x1d: {  	s5 =	simm.s32 @p1 $0x1;
	p0 =	seq.s32 s7, s2  }
0x1e: {  	s7 =	smul.u32 @!p0 $0xF7A, s2;
	p2 =	seq.s32 @!p0 s5, $0x0  }
0x1f: {  	s9 =	smul.u32 $0xF7A, s1;
	s8 =	simm.s32 @!p0 $0x1BF5;
	p2 =	por !p2, p0  }
0x20: {  	[sflag:s8] =	ssyncset.s32 @!p0 $0xFFFFF086;
	s6 =	sadd.s32 @!p0 s3, s7;
	s7 =	simm.s32 @!p0 $0x108  }
0x21: {  	s3 =	sadd.s32 s3, s9;
	s6 =	sadd.s32 @!p0 $0x88, s6;
	s7 =	simm.s32 @p2 $0x1082  }
0x22: {  	[simem:s7], [sflag:s8] =	dma.local @!p0 [hbm:s6], $0xF7A  }
0x23: {  	s9 =	sor.u32 $0xD0000000, s2;
	s6 =	simm.s32 $0x108;
	_ =	swait.ge @!p0 [sflag:s8], $0x0  }
0x24: {  	s3 =	sadd.s32 $0x88, s3;
	s6 =	simm.s32 @!p1 $0x1082;
	[sflag:s4] =	ssyncset.s32 $0xFFFFF086  }
0x25: {  	[simem:s6], [sflag:s4] =	dma.local [hbm:s3], $0xF7A  }
0x26: {  	[smem:$0x3F96] =	sst s1;
	(tag) =	ssettag s2;
	_ =	strace s9  }
0x27: {  	s1 =	sld [smem:$0x3FA6]  }
0x28: {  	s2 =	sld [smem:$0x3FA7]  }
0x29: {  	s4 =	sld [smem:$0x3FA9]  }
0x2a: {  	p0 =	seq.s32 s5, $0x0;
	s5 =	sld [smem:$0x3FAA]  }
0x2b: {  	s6 =	sld [smem:$0x3FAB]  }
0x2c: {  	s7 =	sld [smem:$0x3FAC]  }
0x2d: {  	s3 =	simm.s32 $0x108;
	s8 =	sld [smem:$0x3FAD]  }
0x2e: {  	s3 =	simm.s32 @!p0 $0x1082;
	s9 =	sld [smem:$0x3FAE]  }
0x2f: {  	lr =	sadd.s32 s0, s3;
	s0 =	sld [smem:$0x3FA5]  }
0x30: {  	s3 =	sld [smem:$0x3FA8]  }
0x31: {  	[smem:$0x3FB1] =	sst s10  }
0x32: {  	s10 =	sld [smem:$0x3FAF];
	_ =	sdelay $0x3  }
0x33: {  	p0 =	seq.s32 s10, $0x1;
	s10 =	sld [smem:$0x3FB1];
	_ =	sdelay $0x3  }
0x34: {  	[smem:$0x3FB1] =	sst s10  }
0x35: {  	s10 =	sld [smem:$0x3FB0];
	_ =	sdelay $0x3  }
0x36: {  	p1 =	seq.s32 s10, $0x1;
	s10 =	sld [smem:$0x3FB1];
	_ =	sdelay $0x3  }
0x37: {  	[smem:$0x3FB1] =	sst s10  }
0x38: {  	s10 =	sld [smem:$0x3FB2]  }
0x39: {  	_ = 	snop;
	(pc) =	sbr.ind lr, $3  }
0x3a: {  	_ = 	snop  }
0x3b: {  	_ = 	snop  }
0x3c: {  	p2 =	seq.s32 s10, $0x1;
	s10 =	sld [smem:$0x3FB1]  }
0x3d: {  	_ =	shalt  }
0x3e: {  	_ =	shalt  }
0x3f: {  	_ =	shalt  }
0x40: {  	_ =	shalt  }
0x41: {  	_ =	shalt  }
0x42: {  	_ =	shalt  }
0x43: {  	_ =	shalt  }
0x44: {  	_ =	shalt  }
0x45: {  	_ =	shalt  }
0x46: {  	_ =	shalt  }
0x47: {  	_ =	shalt  }
0x48: {  	_ =	shalt  }
0x49: {  	_ =	shalt  }
0x4a: {  	_ =	shalt  }
0x4b: {  	_ =	shalt  }
0x4c: {  	_ =	shalt  }
0x4d: {  	_ =	shalt  }
0x4e: {  	_ =	shalt  }
0x4f: {  	_ =	shalt  }
0x50: {  	_ =	shalt  }
0x51: {  	_ =	shalt  }
0x52: {  	_ =	shalt  }
0x53: {  	_ =	shalt  }
0x54: {  	_ =	shalt  }
0x55: {  	_ =	shalt  }
0x56: {  	_ =	shalt  }
0x57: {  	_ =	shalt  }
0x58: {  	_ =	shalt  }
0x59: {  	_ =	shalt  }
0x5a: {  	_ =	shalt  }
0x5b: {  	_ =	shalt  }
0x5c: {  	_ =	shalt  }
0x5d: {  	_ =	shalt  }
0x5e: {  	_ =	shalt  }
0x5f: {  	_ =	shalt  }
0x60: {  	_ =	shalt  }
0x61: {  	_ =	shalt  }
0x62: {  	_ =	shalt  }
0x63: {  	_ =	shalt  }
0x64: {  	_ =	shalt  }
0x65: {  	_ =	shalt  }
0x66: {  	_ =	shalt  }
0x67: {  	_ =	shalt  }
0x68: {  	_ =	shalt  }
0x69: {  	_ =	shalt  }
0x6a: {  	_ =	shalt  }
0x6b: {  	_ =	shalt  }
0x6c: {  	_ =	shalt  }
0x6d: {  	_ =	shalt  }
0x6e: {  	_ =	shalt  }
0x6f: {  	_ =	shalt  }
0x70: {  	_ =	shalt  }
0x71: {  	_ =	shalt  }
0x72: {  	_ =	shalt  }
0x73: {  	_ =	shalt  }
0x74: {  	_ =	shalt  }
0x75: {  	_ =	shalt  }
0x76: {  	_ =	shalt  }
0x77: {  	_ =	shalt  }
0x78: {  	_ =	shalt  }
0x79: {  	_ =	shalt  }
0x7a: {  	_ =	shalt  }
0x7b: {  	_ =	shalt  }
0x7c: {  	_ =	shalt  }
0x7d: {  	_ =	shalt  }
0x7e: {  	_ =	shalt  }
0x7f: {  	_ =	shalt  }
0x80: {  	_ =	shalt  }
0x81: {  	_ =	shalt  }
0x82: {  	_ =	shalt  }
0x83: {  	_ =	shalt  }
0x84: {  	_ =	shalt  }
0x85: {  	_ =	shalt  }
0x86: {  	_ =	shalt  }
0x87: {  	_ =	shalt  }
.Lfunc_end0:
.L_simem_size_0:
called_computation_lowered:
.L_overlay_start_0:
0x88: {  	s2 =	sld [smem:$0x3FD9]  }
0x89: {  	s3 =	sld [smem:$0x3FFE];
	_ =	sdelay $0x1  }
0x8a: {  	s1 =	srdreg.scid  }
0x8b: {  	s0 =	sand.u32 $0x1, s1  }
0x8c: {  	s17 =	sshll.u32 s0, $0xA;
	s2 =	sadd.s32 s3, s2  }
0x8d: {  	s2 =	sadd.s32 s2, s17  }
0x8e: {  	[smem:$0x3FBD] =	sst s2  }
0x8f: {  	_ = 	snop  }
0x90: {  	s2 =	sld [smem:$0x3FC8];
	(tm) =	ssettm $0x1  }
0x91: {  	s18 =	sld [smem:$0x3FFB];
	_ =	sdelay $0x3  }
0x92: {  	_ =	strace s18  }
0x93: {  	s3 =	sld [smem:$0x3FFC];
	_ =	sdelay $0x3  }
0x94: {  	_ =	strace s3  }
0x95: {  	s3 =	sld [smem:$0x3FFD];
	_ =	sdelay $0x3  }
0x96: {  	_ =	strace s3  }
0x97: {  	_ =	strace $0x8FFFFFFF  }
0x98: {  	s19 =	sld [smem:$0x3FDB];
	_ =	sdelay $0x1  }
0x99: {  	s4 =	simm.s32 $_scs_section_size  }
0x9a: {  	s5 =	simm.s32 $_size__tile_overlayer_lowered;
	s6 =	simm.s32 $_tile_overlayer_lowered  }
0x9b: {  	s22 =	simm.s32 $0x1BFF;
	s21 =	sshll.u32 s6, $0x1;
	s3 =	sadd.s32 s4, s19  }
0x9c: {  	s7 =	simm.s32 $0x0;
	s20 =	sshll.u32 s5, $0x1;
	s5 =	sadd.s32 s21, s3  }
0x9d: {  	[timem:s7], [sflag:s22] =	dma.local [hbm:s5], s20  }
0x9e: {  	_ =	swait.ge [sflag:s22], s20  }
0x9f: {  	s4 =	ssub.s32 $0x0, s20;
	[sflag:s22] =	ssyncset.done $0x0  }
0xa0: {  	[sflag:s22] =	ssyncadd.s32 s4;
	_ =	sdelay $0x1  }
0xa1: {  	s23 =	simm.s32 $0x1B8B  }
0xa2: {  	_ =	swait.ge [sflag:s23], $0x1  }
0xa3: {  	[sflag:s23] =	ssyncset.done $0x0  }
0xa4: {  	s25 =	simm.s32 $0x1B8E;
	s24 =	sld [smem:$0x3FFE];
	[sflag:s23] =	ssyncadd.s32 $0xFFFFFFFF  }
0xa5: {  	s26 =	simm.s32 $execute0_lowered;
	[smem:$0x3FD2] =	sst s25  }
0xa6: {  	s5 =	sshll.u32 s26, $0x1;
	_ =	strace $0x80000046;
	[dreg:$0x1] =	wrdreg $0xFFFFFFFF  }
0xa7: {  	s28 =	simm.s32 $_size_execute0_lowered;
	s3 =	sadd.s32 s3, s5;
	[dreg:$0x0] =	wrdreg $0x0  }
0xa8: {  	s5 =	sshll.u32 s28, $0x1;
	[dreg:$0x2] =	wrdreg s3  }
0xa9: {  	[dreg:$0x3] =	wrdreg s5  }
0xaa: {  	[dreg:$0x4] =	wrdreg $0xC0  }
0xab: {  	_ =	task [dreg:s7], $0x5FFFF  }
0xac: {  	[dreg:$0x1] =	wrdreg $0xFFFFFFFF  }
0xad: {  	[dreg:$0x0] =	wrdreg $0x60  }
0xae: {  	[dreg:$0x2] =	wrdreg s2  }
0xaf: {  	[dreg:$0x3] =	wrdreg s24  }
0xb0: {  	[dreg:$0x4] =	wrdreg $0x103380  }
0xb1: {  	[dreg:$0x5] =	wrdreg $0x134100  }
0xb2: {  	[dreg:$0x6] =	wrdreg $0xF7000  }
0xb3: {  	[dreg:$0x7] =	wrdreg $0x9  }
0xb4: {  	_ =	task.clear_ibuf [dreg:s7], $0x8FFFF;
	_ =	strace $0x90000046  }
0xb5: {  	s29 =	simm.s32 $0x9;
	_ =	strace $0x80000048  }
0xb6: {  	_ =	swait.ge [sflag:s29], $0x1  }
0xb7: {  	[sflag:s29] =	ssyncadd.s32 $0xFFFFFFFF  }
0xb8: {  	_ =	strace $0x90000048  }
0xb9: {  	_ =	sfence  }
0xba: {  	s30 =	sld [smem:$0x0];
	_ =	sdelay $0x2  }
0xbb: {  	s31 =	sshll.u32 s1, $0xD;
	s1 =	sshrl.u32 s1, $0x2  }
0xbc: {  	s3 =	sand.u32 $0x4000, s31;
	s1 =	sadd.s32 s1, s30  }
0xbd: {  	s0 =	sor.u32 s3, s0;
	s1 =	sshll.u32 s1, $0x11  }
0xbe: {  	s0 =	sor.u32 s1, s0  }
0xbf: {  	s0 =	sadd.s32 $0x8F2B, s0  }
0xc0: {  	[sflag:s0] =	ssyncadd.remote.s32 $0x1  }
0xc1: {  	_ =	sfence.sel $0xFFFF  }
0xc2: {  	[dreg:$0x0] =	wrdreg $0xFFFFFFFF;
	(pc) =	sbr.abs _section_cstart, $3  }
0xc3: {  	[dreg:$0x1] =	wrdreg $0xFFFFFFFF  }
0xc4: {  	_ =	task.clear_ibuf [dreg:s7], $0x2FFFF;
	_ =	strace $0x9FFFFFFF  }
0xc5: {  	(tm) =	ssettm $0x7FFFFFFF  }
tec
execute0_lowered:
.L_overlay_start_1:
0x0: {  	(tag) =	ssettag $0x1  }
0x1: {  	s0 =	rddreg [dreg:$0x1]  }
0x2: {  	s2 =	rddreg [dreg:$0x2]  }
0x3: {  	s3 =	rddreg [dreg:$0x3]  }
0x4: {  	s14 =	rddreg [dreg:$0x4]  }
0x5: {  	s6 =	simm.s32 $0x0;
	s11 =	stileid.u32;
	s4 =	srdreg.scid  }
0x6: {  	s22 =	simm.s32 $0x1;
	s28 =	simm.s32 $0xD400;
	s29 =	simm.s32 $0x500  }
0x7: {  	s31 =	simm.s32 $0xDE00;
	[smem:$0x7FF] =	sst s6;
	s1 =	smul.u32 $0x1390, s11  }
0x8: {  	s5 =	smul.u32 $0x30D8, s11;
	s4 =	sand.u32 $0x1, s4;
	s7 =	sshll.u32 s11, $0x1  }
0x9: {  	s21 =	smul.u32 $0xC38, s11;
	_ =	strace $0x80000047;
	s7 =	sor.u32 s4, s7  }
0xa: {  	s4 =	ssub.s32 $0x2, s4;
	s1 =	smin.u32 s1, $0x124F0;
	s8 =	smul.u32 $0x24A0, s7  }
0xb: {  	s5 =	smin.u32 s5, $0x2DC68;
	s7 =	smul.u32 $0x500, s7;
	s26 =	sshrl.u32 s4, $0x1  }
0xc: {  	s30 =	sadd.s32 $0xC38, s21;
	s14 =	sadd.s32 s21, s14;
	v0 =	vmov s21;
	s21 =	simm.s32 $0x0  }
0xd: {  	s9 =	sshrl.u32 s1, $0x3;
	s10 =	sshrl.u32 s5, $0x3;
	s4 =	ssub.s32 s4, s26  }
0xe: {  	s11 =	sadd.s32 s5, s2;
	s13 =	sadd.s32 s1, s3;
	s26 =	simm.s32 $0x2780  }
0xf: {  	s1 =	simm.s32 $0xED00;
	s5 =	simm.s32 $0xF200;
	s12 =	sadd.s32 s9, s0  }
0x10: {  	s10 =	sadd.s32 s10, s0;
	s8 =	smin.u32 s8, $0x46F40;
	s7 =	smin.u32 s7, $0x9740  }
0x11: {  	s20 =	smax.u32 s4, $0x1;
	s4 =	simm.s32 $0xE300;
	s8 =	sshrl.u32 s8, $0x3  }
0x12: {  	s7 =	sshrl.u32 s7, $0x3;
	s10 =	sadd.s32 $0x6E00, s10;
	s25 =	sadd.s32 s8, s0  }
0x13: {  	s12 =	sadd.s32 $0x4600, s12;
	s0 =	sadd.s32 s7, s0;
	s7 =	sadd.s32 $0x16400, s25  }
0x14: {  	s8 =	sadd.s32 $0xD000, s25;
	s9 =	sadd.s32 $0x24800, s25;
	s15 =	sadd.s32 $0x3200, s0  }
0x15: {  	s16 =	sadd.s32 $0x1F800, s0;
	s17 =	sadd.s32 $0x20B88, s0;
	s18 =	sadd.s32 $0x21F10, s0  }
0x16: {  	v2 =	vimm.s32 $0xFFFFFFFF;
	v3 =	vlaneseq.u32;
	v1 =	vmov s30;
	s19 =	sadd.s32 $0x23298, s0;
	s25 =	simm.s32 $0xA300;
	s0 =	simm.s32 $0xE800  }
.LBB2_1:
0x17: {  	s23 =	simm.s32 $0x3400  }
0x18: {  	[tilespmem:s23], [sflag:$0x1] =	stream.linear.gather [hbm4b:s7+s6], $0x24A0, $0x38;
	[tilespmem:$0x14798] =	vst v63  }
0x19: {  	_ =	swait.ge [sflag:s22], $0x24A0  }
0x1a: {  	[sflag:s22] =	ssyncset.done $0x0  }
0x1b: {  	s30 =	simm.s32 $0x5900;
	[sflag:s22] =	ssyncadd.s32 $0xFFFFDB60  }
0x1c: {  	[tilespmem:s30], [sflag:$0x1] =	stream.linear.gather [hbm4b:s8+s6], $0x24A0, $0x38;
	[tilespmem:$0x14798] =	vst v63  }
0x1d: {  	_ =	swait.ge [sflag:s22], $0x24A0  }
0x1e: {  	[sflag:s22] =	ssyncset.done $0x0  }
0x1f: {  	s23 =	simm.s32 $0x0;
	[sflag:s22] =	ssyncadd.s32 $0xFFFFDB60  }
0x20: {  	v4 =	vld [tilespmem:s23+$0x5900]  }
0x21: {  	s24 =	simm.s32 $0x40;
	v5 =	vld [tilespmem:s23+$0x3400]  }
.LBB2_2:
0x22: {  	p0 =	sne.s32 s24, $0x9240  }
.Ltmp0:
0x23: {  	_ = 	snop;
	(pc) =	sbr.rel @p0 .LBB2_2-.Ltmp0, $4  }
0x24: {  	_ = 	snop  }
0x25: {  	s30 =	sshra.s32 s24, $0x2;
	s24 =	sadd.s32 $0x40, s24;
	v6 =	vshll.u32 v4, $0x10  }
0x26: {  	v4 =	vld [tilespmem:s30+$0x5900];
	v6 =	vor.u32 v5, v6  }
0x27: {  	v5 =	vld [tilespmem:s30+$0x3400];
	[tilespmem:s23+$0x7E00] =	vst v6;
	s23 =	smov.u32 s30  }
0x28: {  	_ =	sdelay $0x2  }
0x29: {  	v4 =	vshll.u32 v4, $0x10  }
0x2a: {  	v4 =	vor.u32 v5, v4  }
0x2b: {  	s24 =	simm.s32 $0x7E00;
	[tilespmem:s23+$0x7E00] =	vst v4;
	s23 =	simm.s32 $0x0  }
0x2c: {  	[hbm4b:s9+s23] =	stream.linear.scatter [tilespmem:s24], [sflag:$0x1], $0x24A0, $0x38;
	[tilespmem:$0x14798] =	vst v63  }
0x2d: {  	_ =	swait.ge [sflag:s22], $0x24A0  }
0x2e: {  	[sflag:s22] =	ssyncset.done $0x0  }
0x2f: {  	[sflag:s22] =	ssyncadd.s32 $0xFFFFDB60  }
0x30: {  	[tilespmem:s25], [sflag:$0x1] =	stream.linear.gather [hbm4b:s10+s23], $0x30D8, $0x38;
	[tilespmem:$0x14798] =	vst v63  }
0x31: {  	_ =	swait.ge [sflag:s22], $0x30D8  }
0x32: {  	[sflag:s22] =	ssyncset.done $0x0  }
0x33: {  	[sflag:s22] =	ssyncadd.s32 $0xFFFFCF28  }
0x34: {  	[spmem:s11] =	stream.linear.scatter [tilespmem:s25], [sflag:$0x1], $0x30D8, $0x38;
	[tilespmem:$0x14798] =	vst v63  }
0x35: {  	_ =	swait.ge [sflag:s22], $0x30D8  }
0x36: {  	[sflag:s22] =	ssyncset.done $0x0  }
0x37: {  	[sflag:s22] =	ssyncadd.s32 $0xFFFFCF28  }
0x38: {  	[tilespmem:s25], [sflag:$0x1] =	stream.linear.gather [hbm4b:s12+s23], $0x1390, $0x38;
	[tilespmem:$0x14798] =	vst v63  }
0x39: {  	_ =	swait.ge [sflag:s22], $0x1390  }
0x3a: {  	[sflag:s22] =	ssyncset.done $0x0  }
0x3b: {  	[sflag:s22] =	ssyncadd.s32 $0xFFFFEC70  }
0x3c: {  	[spmem:s13] =	stream.linear.scatter [tilespmem:s25], [sflag:$0x1], $0x1390, $0x38;
	[tilespmem:$0x14798] =	vst v63  }
0x3d: {  	_ =	swait.ge [sflag:s22], $0x1390  }
0x3e: {  	[sflag:s22] =	ssyncset.done $0x0  }
0x3f: {  	[sflag:s22] =	ssyncadd.s32 $0xFFFFEC70  }
0x40: {  	s24 =	rddreg [dreg:$0x0]  }
0x41: {  	[tilespmem:s23], [sflag:$0x1] =	stream.linear.gather [hbm4b:s24+s23], $0x2780, $0x38;
	[tilespmem:$0x14798] =	vst v63  }
0x42: {  	_ =	swait.ge [sflag:s22], $0x2780  }
0x43: {  	[sflag:s22] =	ssyncset.done $0x0  }
0x44: {  	s30 =	simm.s32 $0x0;
	s24 =	simm.s32 $0x40;
	[sflag:s22] =	ssyncadd.s32 $0xFFFFD880  }
.LBB2_4:
0x45: {  	p0 =	sne.s32 s24, $0x30C0;
	[tilespmem:s30+$0x2780] =	vst v2;
	s30 =	smov.u32 s24;
	s24 =	sadd.s32 $0x40, s24  }
.Ltmp1:
0x46: {  	(pc) =	sbr.rel @p0 .LBB2_4-.Ltmp1, $2  }
0x47: {  	_ =	sdelay $0x2  }
0x48: {  	s30 =	sshra.s32 s30, $0x2  }
0x49: {  	[tilespmem:s30+$0x2780] =	vst v2  }
0x4a: {  	s24 =	simm.s32 $0x10;
	s30 =	simm.s32 $0x0;
	v4 =	vld [tilespmem:s23+$0x0]  }
.LBB2_6:
0x4b: {  	p0 =	sne.s32 s24, $0x2700;
	_ =	sdelay $0x3  }
0x4c: {  	(xrf1) =	vunique.msk.u32 $0xffff, v4;
	_ =	sdelay $0xc  }
0x4d: {  	vm0 =	vge.s32 v4, v0;
	vm1 =	vlt.s32 v4, v1  }
0x4e: {  	vm0 =	vmand vm0, vm1;
	_, v5, vm1 =	vpop (xrf1)  }
0x4f: {  	vm0 =	vmand vm1, vm0  }
0x50: {  	v4 =	vsub.s32 v4, v0;
	_ =	sdelay $0x1  }
.Ltmp2:
0x51: {  	(pc) =	sbr.rel @p0 .LBB2_6-.Ltmp2, $4  }
0x52: {  	_ = 	snop  }
0x53: {  	v5 =	vor.u32 s23, v3;
	s23 =	smov.u32 s24  }
0x54: {  	s30 =	sadd.s32 $0x10, s30;
	[tilespmem:v4+s26+$0x0] =	vst.idx.msk vm0, v5  }
0x55: {  	s24 =	sadd.s32 $0x10, s24;
	v4 =	vld [tilespmem:s30+$0x0]  }
0x56: {  	_ =	sdelay $0x3  }
0x57: {  	(xrf1) =	vunique.msk.u32 $0xffff, v4;
	_ =	sdelay $0xc  }
0x58: {  	vm0 =	vge.s32 v4, v0;
	vm1 =	vlt.s32 v4, v1  }
0x59: {  	vm0 =	vmand vm0, vm1;
	_, v5, vm15 =	vpop (xrf1)  }
0x5a: {  	vm0 =	vmand vm15, vm0  }
0x5b: {  	v4 =	vsub.s32 v4, v0;
	_ =	sdelay $0x3  }
0x5c: {  	v5 =	vor.u32 s23, v3  }
0x5d: {  	[tilespmem:v4+s26+$0x0] =	vst.idx.msk vm0, v5  }
0x5e: {  	[spmem:s14] =	stream.linear.scatter [tilespmem:s26], [sflag:$0x1], $0xC38, $0x38;
	[tilespmem:$0x14798] =	vst v63  }
0x5f: {  	_ =	swait.ge [sflag:s22], $0xC38  }
0x60: {  	[sflag:s22] =	ssyncset.done $0x0  }
0x61: {  	[sflag:s22] =	ssyncadd.s32 $0xFFFFF3C8  }
0x62: {  	s24 =	simm.s32 $0x0;
	[bflag:$0x0] =	sbarrier.arrive $0xFFFF  }
0x63: {  	[tilespmem:s28], [sflag:$0x1] =	stream.linear.gather [hbm4b:s15+s24], $0x500, $0x38;
	[tilespmem:$0x14798] =	vst v63  }
0x64: {  	_ =	swait.ge [sflag:s22], $0x500  }
0x65: {  	[sflag:s22] =	ssyncset.done $0x0  }
0x66: {  	[sflag:s22] =	ssyncadd.s32 $0xFFFFFB00  }
0x67: {  	s24 =	simm.s32 $0xD900;
	s30 =	rddreg [dreg:$0x4]  }
0x68: {  	[tilespmem:s24], [sflag:$0x1] =	stream.indirect.gather [spmem:s30], $0x1, s28, s29, $0xb8;
	[tilespmem:$0x14798] =	vst v63  }
0x69: {  	_ =	swait.ge [sflag:s22], $0x500  }
0x6a: {  	[sflag:s22] =	ssyncset.done $0x0  }
0x6b: {  	s23 =	simm.s32 $0x0;
	[sflag:s22] =	ssyncadd.s32 $0xFFFFFB00  }
0x6c: {  	v4 =	vld [tilespmem:s23+$0xD900]  }
0x6d: {  	s24 =	simm.s32 $0x40;
	v5 =	vld [tilespmem:s23+$0xD400]  }
.LBB2_8:
0x6e: {  	_ = 	snop  }
0x6f: {  	p0 =	sne.s32 s24, $0x13C0  }
.Ltmp3:
0x70: {  	_ = 	snop;
	(pc) =	sbr.rel @p0 .LBB2_8-.Ltmp3, $4  }
0x71: {  	vm0 =	vgt.s32 v4, $0x0  }
0x72: {  	s30 =	sshra.s32 s24, $0x2;
	v6 =	vnsel vm0, $0x0, v4  }
0x73: {  	v4 =	vld [tilespmem:s30+$0xD900];
	[tilespmem:s23+$0xE300] =	vst v5;
	v6 =	vshll.u32 v6, $0x3  }
0x74: {  	s24 =	sadd.s32 $0x40, s24;
	v5 =	vld [tilespmem:s30+$0xD400];
	[tilespmem:s23+$0xDE00] =	vst v6;
	s23 =	smov.u32 s30  }
0x75: {  	_ =	sdelay $0x2  }
0x76: {  	vm0 =	vgt.s32 v4, $0x0  }
0x77: {  	v4 =	vnsel vm0, $0x0, v4  }
0x78: {  	[tilespmem:s23+$0xE300] =	vst v5;
	v4 =	vshll.u32 v4, $0x3  }
0x79: {  	[tilespmem:s23+$0xDE00] =	vst v4  }
0x7a: {  	[tilespmem:s0], [sflag:$0x1] =	stream.indirect.gather [spmem:s3], $0x1, s31, s29, $0xb8;
	[tilespmem:$0x14798] =	vst v63  }
0x7b: {  	_ =	swait.ge [sflag:s22], $0x500  }
0x7c: {  	[sflag:s22] =	ssyncset.done $0x0  }
0x7d: {  	[sflag:s22] =	ssyncadd.s32 $0xFFFFFB00  }
0x7e: {  	[tilespmem:s1], [sflag:$0x1] =	stream.indirect.gather [spmem:s2], $0x1, s4, s29, $0xb8;
	[tilespmem:$0x14798] =	vst v63  }
0x7f: {  	_ =	swait.ge [sflag:s22], $0x500  }
0x80: {  	[sflag:s22] =	ssyncset.done $0x0  }
0x81: {  	s23 =	simm.s32 $0x0;
	[sflag:s22] =	ssyncadd.s32 $0xFFFFFB00  }
0x82: {  	v4 =	vld [tilespmem:s23+$0xE800]  }
0x83: {  	v5 =	vld [tilespmem:s23+$0xD900]  }
0x84: {  	s24 =	simm.s32 $0x40;
	v6 =	vld [tilespmem:s23+$0xED00]  }
.LBB2_10:
0x85: {  	p0 =	sne.s32 s24, $0x13C0  }
.Ltmp4:
0x86: {  	_ = 	snop;
	(pc) =	sbr.rel @p0 .LBB2_10-.Ltmp4, $4  }
0x87: {  	s30 =	sshra.s32 s24, $0x2  }
0x88: {  	v7 =	vmov v4;
	v4 =	vld [tilespmem:s30+$0xE800];
	vm0 =	vlt.s32 v5, $0x0  }
0x89: {  	v5 =	vld [tilespmem:s30+$0xD900];
	v7 =	vsel vm0, v6, v7  }
0x8a: {  	s24 =	sadd.s32 $0x40, s24;
	v6 =	vld [tilespmem:s30+$0xED00];
	[tilespmem:s23+$0xF200] =	vst v7;
	s23 =	smov.u32 s30  }
0x8b: {  	_ =	sdelay $0x2  }
0x8c: {  	vm0 =	vlt.s32 v5, $0x0  }
0x8d: {  	v4 =	vsel vm0, v6, v4  }
0x8e: {  	s30 =	simm.s32 $0x0;
	[tilespmem:s23+$0xF200] =	vst v4  }
0x8f: {  	[hbm4b:s16+s30] =	stream.linear.scatter [tilespmem:s5], [sflag:$0x1], $0x500, $0x38;
	[tilespmem:$0x14798] =	vst v63  }
0x90: {  	_ =	swait.ge [sflag:s22], $0x500  }
0x91: {  	[sflag:s22] =	ssyncset.done $0x0  }
0x92: {  	s23 =	simm.s32 $0x0;
	[sflag:s22] =	ssyncadd.s32 $0xFFFFFB00  }
0x93: {  	v4 =	vld [tilespmem:s23+$0xD900]  }
0x94: {  	v5 =	vld [tilespmem:s23+$0xD400];
	_ =	sdelay $0x1  }
0x95: {  	s24 =	simm.s32 $0x40  }
.LBB2_12:
0x96: {  	p0 =	sne.s32 s24, $0x13C0  }
.Ltmp5:
0x97: {  	s30 =	sshra.s32 s24, $0x2;
	s24 =	sadd.s32 $0x40, s24;
	vm0 =	vgt.s32 v4, $0x0;
	(pc) =	sbr.rel @p0 .LBB2_12-.Ltmp5, $4  }
0x98: {  	v6 =	vnsel vm0, $0x0, v4;
	v4 =	vld [tilespmem:s30+$0xD900];
	v7 =	vadd.s32 $0xC350, v5  }
0x99: {  	v5 =	vld [tilespmem:s30+$0xD400];
	v6 =	vshll.u32 v6, $0x3;
	[tilespmem:s23+$0xE300] =	vst v7  }
0x9a: {  	v6 =	vor.u32 $0x1, v6  }
0x9b: {  	[tilespmem:s23+$0xDE00] =	vst v6;
	s23 =	smov.u32 s30  }
0x9c: {  	_ = 	snop  }
0x9d: {  	vm0 =	vgt.s32 v4, $0x0  }
0x9e: {  	v4 =	vnsel vm0, $0x0, v4  }
0x9f: {  	v5 =	vadd.s32 $0xC350, v5;
	v4 =	vshll.u32 v4, $0x3  }
0xa0: {  	[tilespmem:s23+$0xE300] =	vst v5;
	v4 =	vor.u32 $0x1, v4  }
0xa1: {  	[tilespmem:s23+$0xDE00] =	vst v4  }
0xa2: {  	[tilespmem:s0], [sflag:$0x1] =	stream.indirect.gather [spmem:s3], $0x1, s31, s29, $0xb8;
	[tilespmem:$0x14798] =	vst v63  }
0xa3: {  	_ =	swait.ge [sflag:s22], $0x500  }
0xa4: {  	[sflag:s22] =	ssyncset.done $0x0  }
0xa5: {  	[sflag:s22] =	ssyncadd.s32 $0xFFFFFB00  }
0xa6: {  	[tilespmem:s1], [sflag:$0x1] =	stream.indirect.gather [spmem:s2], $0x1, s4, s29, $0xb8;
	[tilespmem:$0x14798] =	vst v63  }
0xa7: {  	_ =	swait.ge [sflag:s22], $0x500  }
0xa8: {  	[sflag:s22] =	ssyncset.done $0x0  }
0xa9: {  	s23 =	simm.s32 $0x0;
	[sflag:s22] =	ssyncadd.s32 $0xFFFFFB00  }
0xaa: {  	v4 =	vld [tilespmem:s23+$0xE800]  }
0xab: {  	v5 =	vld [tilespmem:s23+$0xD900]  }
0xac: {  	v6 =	vld [tilespmem:s23+$0xED00]  }
0xad: {  	s24 =	simm.s32 $0x40  }
.LBB2_14:
0xae: {  	p0 =	sne.s32 s24, $0x13C0  }
.Ltmp6:
0xaf: {  	s30 =	sshra.s32 s24, $0x2;
	v7 =	vmov v4;
	(pc) =	sbr.rel @p0 .LBB2_14-.Ltmp6, $4  }
0xb0: {  	s24 =	sadd.s32 $0x40, s24;
	v4 =	vld [tilespmem:s30+$0xE800];
	vm0 =	vlt.s32 v5, $0x0  }
0xb1: {  	v5 =	vld [tilespmem:s30+$0xD900];
	v7 =	vsel vm0, v6, v7  }
0xb2: {  	v6 =	vld [tilespmem:s30+$0xED00];
	v7 =	vadd.s32 $0x400, v7  }
0xb3: {  	[tilespmem:s23+$0xF200] =	vst v7;
	s23 =	smov.u32 s30  }
0xb4: {  	_ =	sdelay $0x1  }
0xb5: {  	vm0 =	vlt.s32 v5, $0x0  }
0xb6: {  	v4 =	vsel vm0, v6, v4  }
0xb7: {  	v4 =	vadd.s32 $0x400, v4  }
0xb8: {  	s30 =	simm.s32 $0x0;
	[tilespmem:s23+$0xF200] =	vst v4  }
0xb9: {  	[hbm4b:s17+s30] =	stream.linear.scatter [tilespmem:s5], [sflag:$0x1], $0x500, $0x38;
	[tilespmem:$0x14798] =	vst v63  }
0xba: {  	_ =	swait.ge [sflag:s22], $0x500  }
0xbb: {  	[sflag:s22] =	ssyncset.done $0x0  }
0xbc: {  	s23 =	simm.s32 $0x0;
	[sflag:s22] =	ssyncadd.s32 $0xFFFFFB00  }
0xbd: {  	v4 =	vld [tilespmem:s23+$0xD900]  }
0xbe: {  	v5 =	vld [tilespmem:s23+$0xD400];
	_ =	sdelay $0x1  }
0xbf: {  	s24 =	simm.s32 $0x40  }
.LBB2_16:
0xc0: {  	p0 =	sne.s32 s24, $0x13C0  }
.Ltmp7:
0xc1: {  	s30 =	sshra.s32 s24, $0x2;
	s24 =	sadd.s32 $0x40, s24;
	vm0 =	vgt.s32 v4, $0x0;
	(pc) =	sbr.rel @p0 .LBB2_16-.Ltmp7, $4  }
0xc2: {  	v6 =	vnsel vm0, $0x0, v4;
	v4 =	vld [tilespmem:s30+$0xD900];
	v7 =	vadd.s32 $0x186A0, v5  }
0xc3: {  	v5 =	vld [tilespmem:s30+$0xD400];
	v6 =	vshll.u32 v6, $0x3;
	[tilespmem:s23+$0xE300] =	vst v7  }
0xc4: {  	v6 =	vor.u32 $0x2, v6  }
0xc5: {  	[tilespmem:s23+$0xDE00] =	vst v6;
	s23 =	smov.u32 s30  }
0xc6: {  	_ = 	snop  }
0xc7: {  	vm0 =	vgt.s32 v4, $0x0  }
0xc8: {  	v4 =	vnsel vm0, $0x0, v4  }
0xc9: {  	v5 =	vadd.s32 $0x186A0, v5;
	v4 =	vshll.u32 v4, $0x3  }
0xca: {  	[tilespmem:s23+$0xE300] =	vst v5;
	v4 =	vor.u32 $0x2, v4  }
0xcb: {  	[tilespmem:s23+$0xDE00] =	vst v4  }
0xcc: {  	[tilespmem:s0], [sflag:$0x1] =	stream.indirect.gather [spmem:s3], $0x1, s31, s29, $0xb8;
	[tilespmem:$0x14798] =	vst v63  }
0xcd: {  	_ =	swait.ge [sflag:s22], $0x500  }
0xce: {  	[sflag:s22] =	ssyncset.done $0x0  }
0xcf: {  	[sflag:s22] =	ssyncadd.s32 $0xFFFFFB00  }
0xd0: {  	[tilespmem:s1], [sflag:$0x1] =	stream.indirect.gather [spmem:s2], $0x1, s4, s29, $0xb8;
	[tilespmem:$0x14798] =	vst v63  }
0xd1: {  	_ =	swait.ge [sflag:s22], $0x500  }
0xd2: {  	[sflag:s22] =	ssyncset.done $0x0  }
0xd3: {  	s23 =	simm.s32 $0x0;
	[sflag:s22] =	ssyncadd.s32 $0xFFFFFB00  }
0xd4: {  	v4 =	vld [tilespmem:s23+$0xE800]  }
0xd5: {  	v5 =	vld [tilespmem:s23+$0xD900]  }
0xd6: {  	v6 =	vld [tilespmem:s23+$0xED00]  }
0xd7: {  	s24 =	simm.s32 $0x40  }
.LBB2_18:
0xd8: {  	p0 =	sne.s32 s24, $0x13C0  }
.Ltmp8:
0xd9: {  	s30 =	sshra.s32 s24, $0x2;
	v7 =	vmov v4;
	(pc) =	sbr.rel @p0 .LBB2_18-.Ltmp8, $4  }
0xda: {  	s24 =	sadd.s32 $0x40, s24;
	v4 =	vld [tilespmem:s30+$0xE800];
	vm0 =	vlt.s32 v5, $0x0  }
0xdb: {  	v5 =	vld [tilespmem:s30+$0xD900];
	v7 =	vsel vm0, v6, v7  }
0xdc: {  	v6 =	vld [tilespmem:s30+$0xED00];
	v7 =	vadd.s32 $0x800, v7  }
0xdd: {  	[tilespmem:s23+$0xF200] =	vst v7;
	s23 =	smov.u32 s30  }
0xde: {  	_ =	sdelay $0x1  }
0xdf: {  	vm0 =	vlt.s32 v5, $0x0  }
0xe0: {  	v4 =	vsel vm0, v6, v4  }
0xe1: {  	v4 =	vadd.s32 $0x800, v4  }
0xe2: {  	s30 =	simm.s32 $0x0;
	[tilespmem:s23+$0xF200] =	vst v4  }
0xe3: {  	[hbm4b:s18+s30] =	stream.linear.scatter [tilespmem:s5], [sflag:$0x1], $0x500, $0x38;
	[tilespmem:$0x14798] =	vst v63  }
0xe4: {  	_ =	swait.ge [sflag:s22], $0x500  }
0xe5: {  	[sflag:s22] =	ssyncset.done $0x0  }
0xe6: {  	s23 =	simm.s32 $0x0;
	[sflag:s22] =	ssyncadd.s32 $0xFFFFFB00  }
0xe7: {  	v4 =	vld [tilespmem:s23+$0xD900]  }
0xe8: {  	v5 =	vld [tilespmem:s23+$0xD400];
	_ =	sdelay $0x1  }
0xe9: {  	s24 =	simm.s32 $0x40  }
.LBB2_20:
0xea: {  	p0 =	sne.s32 s24, $0x13C0  }
.Ltmp9:
0xeb: {  	s30 =	sshra.s32 s24, $0x2;
	s24 =	sadd.s32 $0x40, s24;
	vm0 =	vgt.s32 v4, $0x0;
	(pc) =	sbr.rel @p0 .LBB2_20-.Ltmp9, $4  }
0xec: {  	v6 =	vnsel vm0, $0x0, v4;
	v4 =	vld [tilespmem:s30+$0xD900];
	v7 =	vadd.s32 $0x249F0, v5  }
0xed: {  	v5 =	vld [tilespmem:s30+$0xD400];
	v6 =	vshll.u32 v6, $0x3;
	[tilespmem:s23+$0xE300] =	vst v7  }
0xee: {  	v6 =	vor.u32 $0x3, v6  }
0xef: {  	[tilespmem:s23+$0xDE00] =	vst v6;
	s23 =	smov.u32 s30  }
0xf0: {  	_ = 	snop  }
0xf1: {  	vm0 =	vgt.s32 v4, $0x0  }
0xf2: {  	v4 =	vnsel vm0, $0x0, v4  }
0xf3: {  	v5 =	vadd.s32 $0x249F0, v5;
	v4 =	vshll.u32 v4, $0x3  }
0xf4: {  	[tilespmem:s23+$0xE300] =	vst v5;
	v4 =	vor.u32 $0x3, v4  }
0xf5: {  	[tilespmem:s23+$0xDE00] =	vst v4  }
0xf6: {  	[tilespmem:s0], [sflag:$0x1] =	stream.indirect.gather [spmem:s3], $0x1, s31, s29, $0xb8;
	[tilespmem:$0x14798] =	vst v63  }
0xf7: {  	_ =	swait.ge [sflag:s22], $0x500  }
0xf8: {  	[sflag:s22] =	ssyncset.done $0x0  }
0xf9: {  	[sflag:s22] =	ssyncadd.s32 $0xFFFFFB00  }
0xfa: {  	[tilespmem:s1], [sflag:$0x1] =	stream.indirect.gather [spmem:s2], $0x1, s4, s29, $0xb8;
	[tilespmem:$0x14798] =	vst v63  }
0xfb: {  	_ =	swait.ge [sflag:s22], $0x500  }
0xfc: {  	[sflag:s22] =	ssyncset.done $0x0  }
0xfd: {  	s23 =	simm.s32 $0x0;
	[sflag:s22] =	ssyncadd.s32 $0xFFFFFB00  }
0xfe: {  	v4 =	vld [tilespmem:s23+$0xE800]  }
0xff: {  	v5 =	vld [tilespmem:s23+$0xD900]  }
0x100: {  	v6 =	vld [tilespmem:s23+$0xED00]  }
0x101: {  	s24 =	simm.s32 $0x40  }
.LBB2_22:
0x102: {  	p0 =	sne.s32 s24, $0x13C0  }
.Ltmp10:
0x103: {  	s30 =	sshra.s32 s24, $0x2;
	v7 =	vmov v4;
	(pc) =	sbr.rel @p0 .LBB2_22-.Ltmp10, $4  }
0x104: {  	s24 =	sadd.s32 $0x40, s24;
	v4 =	vld [tilespmem:s30+$0xE800];
	vm0 =	vlt.s32 v5, $0x0  }
0x105: {  	v5 =	vld [tilespmem:s30+$0xD900];
	v7 =	vsel vm0, v6, v7  }
0x106: {  	v6 =	vld [tilespmem:s30+$0xED00];
	v7 =	vadd.s32 $0xC00, v7  }
0x107: {  	[tilespmem:s23+$0xF200] =	vst v7;
	s23 =	smov.u32 s30  }
0x108: {  	_ =	sdelay $0x1  }
0x109: {  	vm0 =	vlt.s32 v5, $0x0  }
0x10a: {  	s21 =	sadd.s32 $0x1, s21;
	v4 =	vsel vm0, v6, v4  }
0x10b: {  	p0 =	sne.s32 s21, s20;
	v4 =	vadd.s32 $0xC00, v4  }
.Ltmp11:
0x10c: {  	[tilespmem:s23+$0xF200] =	vst v4;
	(pc) =	sbr.rel @p0 .LBB2_1-.Ltmp11, $4  }
0x10d: {  	[hbm4b:s19+s6] =	stream.linear.scatter [tilespmem:s5], [sflag:$0x1], $0x500, $0x38;
	[tilespmem:$0x14798] =	vst v63  }
0x10e: {  	_ =	swait.ge [sflag:s22], $0x500  }
0x10f: {  	[sflag:s22] =	ssyncset.done $0x0  }
0x110: {  	[sflag:s22] =	ssyncadd.s32 $0xFFFFFB00  }
0x111: {  	_ =	sfence.sel $0x180000  }
0x112: {  	[bflag:$0x0] =	sbarrier.arrive $0xFFFF  }
0x113: {  	_ =	strace $0x90000047  }
0x114: {  	s0 =	stileid.u32;
	[bflag:$0x2] =	sbarrier.arrive $0xFFFF  }
0x115: {  	p0 =	sne.s32 s0, $0x0;
	s0 =	rddreg [dreg:$0x5]  }
0x116: {  	s0 =	sadd.s32 @!p0 $0x100000, s0  }
0x117: {  	[sflag:s0] =	ssyncadd.tile.s32 @!p0 $0x1;
	_ =	shalt  }
.Lfunc_end2:
_tile_overlayer_lowered:
.L_overlay_start_2:
0x118: {  	(tag) =	ssettag $0x2  }
0x119: {  	s0 =	rddreg [dreg:$0x0];
	s2 =	stileid.u32  }
0x11a: {  	s1 =	rddreg [dreg:$0x1];
	p0 =	sne.s32 s2, $0x0  }
0x11b: {  	s3 =	rddreg [dreg:$0x2];
	[bflag:$0x3] =	sbarrier.arrive $0xFFFF;
	s2 =	simm.s32 @!p0 $0x1C01  }
0x11c: {  	[timem:s3], [sflag:s2] =	dma.local @!p0 [hbm:s0], s1  }
0x11d: {  	s0 =	simm.s32 @!p0 $0x1  }
0x11e: {  	_ =	swait.ge @!p0 [sflag:s0], s1  }
0x11f: {  	s1 =	ssub.s32 @!p0 $0x0, s1;
	[sflag:s0] =	ssyncset.done @!p0 $0x0  }
0x120: {  	[sflag:s0] =	ssyncadd.s32 @!p0 s1  }
0x121: {  	[bflag:$0x3] =	sbarrier.arrive $0xFFFF  }
0x122: {  	_ =	shalt  }

// kernel: kernel.13.cloned.1.call-start
scs
__scs_entry_jumppad:
0x0: {  	(pc) =	sbr.rel $0x88, $3  }
0x1: {  	(tag) =	ssettag $0x0;
	lr =	simm.s32 $0x1  }
0x2: {  	[smem:$0x3F96] =	sst lr;
	_ =	strace $0xD0000000  }
0x3: {  	_ = 	snop  }
0x4: {  	_ = 	snop  }
0x5: {  	_ = 	snop  }
0x6: {  	_ = 	snop  }
0x7: {  	_ = 	snop  }
__scs_overlays_trampoline_lowered:
0x8: {  	[smem:$0x3FA5] =	sst s0  }
0x9: {  	[smem:$0x3FA6] =	sst s1  }
0xa: {  	[smem:$0x3FA7] =	sst s2  }
0xb: {  	[smem:$0x3FA8] =	sst s3  }
0xc: {  	[smem:$0x3FA9] =	sst s4  }
0xd: {  	[smem:$0x3FAA] =	sst s5  }
0xe: {  	[smem:$0x3FAB] =	sst s6  }
0xf: {  	[smem:$0x3FAC] =	sst s7  }
0x10: {  	[smem:$0x3FAD] =	sst s8  }
0x11: {  	[smem:$0x3FAE] =	sst s9;
	s0 =	simm.s32 @!p0 $0x0  }
0x12: {  	s1 =	sld [smem:$0x3F94];
	s0 =	simm.s32 @p0 $0x1  }
0x13: {  	[smem:$0x3FAF] =	sst s0;
	s0 =	simm.s32 @!p1 $0x0  }
0x14: {  	s2 =	sld [smem:$0x3F93];
	s0 =	simm.s32 @p1 $0x1  }
0x15: {  	[smem:$0x3FB0] =	sst s0;
	s0 =	simm.s32 @!p2 $0x0  }
0x16: {  	s3 =	sld [smem:$0x3FDB];
	s0 =	simm.s32 @p2 $0x1  }
0x17: {  	s4 =	simm.s32 $0x1BF5;
	[smem:$0x3FB2] =	sst s0  }
0x18: {  	s0 =	sld [smem:$0x3F95];
	_ =	swait.ge [sflag:s4], $0x0  }
0x19: {  	s7 =	sld [smem:$0x3F96]  }
0x1a: {  	s8 =	sadd.s32 $0xFFFFE003, lr  }
0x1b: {  	s9 =	sadd.s32 $0xFFFFFEF7, lr;
	s5 =	simm.s32 $0xFFFFFFFF;
	p2 =	slt.u32 s8, $0xFFFFF086  }
0x1c: {  	p1 =	slt.u32 s9, $0xF7A;
	s5 =	simm.s32 @!p2 $0x0  }
0x1d: {  	s5 =	simm.s32 @p1 $0x1;
	p0 =	seq.s32 s7, s2  }
0x1e: {  	s7 =	smul.u32 @!p0 $0xF7A, s2;
	p2 =	seq.s32 @!p0 s5, $0x0  }
0x1f: {  	s9 =	smul.u32 $0xF7A, s1;
	s8 =	simm.s32 @!p0 $0x1BF5;
	p2 =	por !p2, p0  }
0x20: {  	[sflag:s8] =	ssyncset.s32 @!p0 $0xFFFFF086;
	s6 =	sadd.s32 @!p0 s3, s7;
	s7 =	simm.s32 @!p0 $0x108  }
0x21: {  	s3 =	sadd.s32 s3, s9;
	s6 =	sadd.s32 @!p0 $0x88, s6;
	s7 =	simm.s32 @p2 $0x1082  }
0x22: {  	[simem:s7], [sflag:s8] =	dma.local @!p0 [hbm:s6], $0xF7A  }
0x23: {  	s9 =	sor.u32 $0xD0000000, s2;
	s6 =	simm.s32 $0x108;
	_ =	swait.ge @!p0 [sflag:s8], $0x0  }
0x24: {  	s3 =	sadd.s32 $0x88, s3;
	s6 =	simm.s32 @!p1 $0x1082;
	[sflag:s4] =	ssyncset.s32 $0xFFFFF086  }
0x25: {  	[simem:s6], [sflag:s4] =	dma.local [hbm:s3], $0xF7A  }
0x26: {  	[smem:$0x3F96] =	sst s1;
	(tag) =	ssettag s2;
	_ =	strace s9  }
0x27: {  	s1 =	sld [smem:$0x3FA6]  }
0x28: {  	s2 =	sld [smem:$0x3FA7]  }
0x29: {  	s4 =	sld [smem:$0x3FA9]  }
0x2a: {  	p0 =	seq.s32 s5, $0x0;
	s5 =	sld [smem:$0x3FAA]  }
0x2b: {  	s6 =	sld [smem:$0x3FAB]  }
0x2c: {  	s7 =	sld [smem:$0x3FAC]  }
0x2d: {  	s3 =	simm.s32 $0x108;
	s8 =	sld [smem:$0x3FAD]  }
0x2e: {  	s3 =	simm.s32 @!p0 $0x1082;
	s9 =	sld [smem:$0x3FAE]  }
0x2f: {  	lr =	sadd.s32 s0, s3;
	s0 =	sld [smem:$0x3FA5]  }
0x30: {  	s3 =	sld [smem:$0x3FA8]  }
0x31: {  	[smem:$0x3FB1] =	sst s10  }
0x32: {  	s10 =	sld [smem:$0x3FAF];
	_ =	sdelay $0x3  }
0x33: {  	p0 =	seq.s32 s10, $0x1;
	s10 =	sld [smem:$0x3FB1];
	_ =	sdelay $0x3  }
0x34: {  	[smem:$0x3FB1] =	sst s10  }
0x35: {  	s10 =	sld [smem:$0x3FB0];
	_ =	sdelay $0x3  }
0x36: {  	p1 =	seq.s32 s10, $0x1;
	s10 =	sld [smem:$0x3FB1];
	_ =	sdelay $0x3  }
0x37: {  	[smem:$0x3FB1] =	sst s10  }
0x38: {  	s10 =	sld [smem:$0x3FB2]  }
0x39: {  	_ = 	snop;
	(pc) =	sbr.ind lr, $3  }
0x3a: {  	_ = 	snop  }
0x3b: {  	_ = 	snop  }
0x3c: {  	p2 =	seq.s32 s10, $0x1;
	s10 =	sld [smem:$0x3FB1]  }
0x3d: {  	_ =	shalt  }
0x3e: {  	_ =	shalt  }
0x3f: {  	_ =	shalt  }
0x40: {  	_ =	shalt  }
0x41: {  	_ =	shalt  }
0x42: {  	_ =	shalt  }
0x43: {  	_ =	shalt  }
0x44: {  	_ =	shalt  }
0x45: {  	_ =	shalt  }
0x46: {  	_ =	shalt  }
0x47: {  	_ =	shalt  }
0x48: {  	_ =	shalt  }
0x49: {  	_ =	shalt  }
0x4a: {  	_ =	shalt  }
0x4b: {  	_ =	shalt  }
0x4c: {  	_ =	shalt  }
0x4d: {  	_ =	shalt  }
0x4e: {  	_ =	shalt  }
0x4f: {  	_ =	shalt  }
0x50: {  	_ =	shalt  }
0x51: {  	_ =	shalt  }
0x52: {  	_ =	shalt  }
0x53: {  	_ =	shalt  }
0x54: {  	_ =	shalt  }
0x55: {  	_ =	shalt  }
0x56: {  	_ =	shalt  }
0x57: {  	_ =	shalt  }
0x58: {  	_ =	shalt  }
0x59: {  	_ =	shalt  }
0x5a: {  	_ =	shalt  }
0x5b: {  	_ =	shalt  }
0x5c: {  	_ =	shalt  }
0x5d: {  	_ =	shalt  }
0x5e: {  	_ =	shalt  }
0x5f: {  	_ =	shalt  }
0x60: {  	_ =	shalt  }
0x61: {  	_ =	shalt  }
0x62: {  	_ =	shalt  }
0x63: {  	_ =	shalt  }
0x64: {  	_ =	shalt  }
0x65: {  	_ =	shalt  }
0x66: {  	_ =	shalt  }
0x67: {  	_ =	shalt  }
0x68: {  	_ =	shalt  }
0x69: {  	_ =	shalt  }
0x6a: {  	_ =	shalt  }
0x6b: {  	_ =	shalt  }
0x6c: {  	_ =	shalt  }
0x6d: {  	_ =	shalt  }
0x6e: {  	_ =	shalt  }
0x6f: {  	_ =	shalt  }
0x70: {  	_ =	shalt  }
0x71: {  	_ =	shalt  }
0x72: {  	_ =	shalt  }
0x73: {  	_ =	shalt  }
0x74: {  	_ =	shalt  }
0x75: {  	_ =	shalt  }
0x76: {  	_ =	shalt  }
0x77: {  	_ =	shalt  }
0x78: {  	_ =	shalt  }
0x79: {  	_ =	shalt  }
0x7a: {  	_ =	shalt  }
0x7b: {  	_ =	shalt  }
0x7c: {  	_ =	shalt  }
0x7d: {  	_ =	shalt  }
0x7e: {  	_ =	shalt  }
0x7f: {  	_ =	shalt  }
0x80: {  	_ =	shalt  }
0x81: {  	_ =	shalt  }
0x82: {  	_ =	shalt  }
0x83: {  	_ =	shalt  }
0x84: {  	_ =	shalt  }
0x85: {  	_ =	shalt  }
0x86: {  	_ =	shalt  }
0x87: {  	_ =	shalt  }
.Lfunc_end0:
.L_simem_size_0:
called_computation.1_lowered:
.L_overlay_start_0:
0x88: {  	s2 =	sld [smem:$0x3FD9]  }
0x89: {  	s3 =	sld [smem:$0x3FFE];
	_ =	sdelay $0x1  }
0x8a: {  	s1 =	srdreg.scid  }
0x8b: {  	s0 =	sand.u32 $0x1, s1  }
0x8c: {  	s14 =	sshll.u32 s0, $0xA;
	s2 =	sadd.s32 s3, s2  }
0x8d: {  	s2 =	sadd.s32 s2, s14  }
0x8e: {  	[smem:$0x3FBD] =	sst s2  }
0x8f: {  	_ = 	snop  }
0x90: {  	s2 =	sld [smem:$0x3FD0];
	_ =	sdelay $0x2  }
0x91: {  	s4 =	simm.s32 $0xA;
	s5 =	simm.s32 $0x10;
	s15 =	sld [smem:$0x3FC5]  }
0x92: {  	[smem:s5], [sflag:s4] =	dma.local [hbm:s2], $0x1  }
0x93: {  	_ =	swait.eq [sflag:s4], $0x1  }
0x94: {  	[sflag:s4] =	ssyncset.done $0x0  }
0x95: {  	[sflag:s4] =	ssyncadd.s32 $0xFFFFFFFF  }
0x96: {  	s16 =	sld [smem:$0x10];
	(tm) =	ssettm $0x1  }
0x97: {  	s17 =	sld [smem:$0x3FFB];
	_ =	sdelay $0x3  }
0x98: {  	_ =	strace s17  }
0x99: {  	s4 =	sld [smem:$0x3FFC];
	_ =	sdelay $0x3  }
0x9a: {  	_ =	strace s4  }
0x9b: {  	s4 =	sld [smem:$0x3FFD];
	_ =	sdelay $0x3  }
0x9c: {  	_ =	strace s4  }
0x9d: {  	_ =	strace $0x8FFFFFFF  }
0x9e: {  	s18 =	sld [smem:$0x3FDB];
	_ =	sdelay $0x1  }
0x9f: {  	s19 =	simm.s32 $_scs_section_size  }
0xa0: {  	s6 =	simm.s32 $_size__tile_overlayer_lowered;
	s7 =	simm.s32 $_tile_overlayer_lowered  }
0xa1: {  	s22 =	simm.s32 $0x1BFF;
	s21 =	sshll.u32 s7, $0x1;
	s4 =	sadd.s32 s19, s18  }
0xa2: {  	s8 =	simm.s32 $0x0;
	s20 =	sshll.u32 s6, $0x1;
	s6 =	sadd.s32 s21, s4  }
0xa3: {  	[timem:s8], [sflag:s22] =	dma.local [hbm:s6], s20  }
0xa4: {  	_ =	swait.ge [sflag:s22], s20  }
0xa5: {  	s5 =	ssub.s32 $0x0, s20;
	[sflag:s22] =	ssyncset.done $0x0  }
0xa6: {  	[sflag:s22] =	ssyncadd.s32 s5;
	_ =	sdelay $0x1  }
0xa7: {  	s23 =	simm.s32 $0x1B8B  }
0xa8: {  	_ =	swait.ge [sflag:s23], $0x1  }
0xa9: {  	[sflag:s23] =	ssyncset.done $0x0  }
0xaa: {  	s25 =	simm.s32 $0x1B8E;
	s24 =	sld [smem:$0x3FFE];
	[sflag:s23] =	ssyncadd.s32 $0xFFFFFFFF  }
0xab: {  	s26 =	simm.s32 $execute0_lowered;
	[smem:$0x3FD2] =	sst s25  }
0xac: {  	s6 =	sshll.u32 s26, $0x1;
	_ =	strace $0x80000049;
	[dreg:$0x1] =	wrdreg $0xFFFFFFFF  }
0xad: {  	s28 =	simm.s32 $_size_execute0_lowered;
	s4 =	sadd.s32 s4, s6;
	[dreg:$0x0] =	wrdreg $0x0  }
0xae: {  	s6 =	sshll.u32 s28, $0x1;
	[dreg:$0x2] =	wrdreg s4  }
0xaf: {  	[dreg:$0x3] =	wrdreg s6  }
0xb0: {  	[dreg:$0x4] =	wrdreg $0xC0  }
0xb1: {  	_ =	task [dreg:s8], $0x5FFFF  }
0xb2: {  	[dreg:$0x1] =	wrdreg $0xFFFFFFFF  }
0xb3: {  	[dreg:$0x0] =	wrdreg $0x60  }
0xb4: {  	[dreg:$0x2] =	wrdreg s16  }
0xb5: {  	[dreg:$0x3] =	wrdreg s24  }
0xb6: {  	[dreg:$0x4] =	wrdreg s15  }
0xb7: {  	[dreg:$0x5] =	wrdreg $0x9  }
0xb8: {  	_ =	task.clear_ibuf [dreg:s8], $0x6FFFF;
	_ =	strace $0x90000049  }
0xb9: {  	s29 =	simm.s32 $0x9;
	_ =	strace $0x8000004B  }
0xba: {  	_ =	swait.ge [sflag:s29], $0x1  }
0xbb: {  	[sflag:s29] =	ssyncadd.s32 $0xFFFFFFFF  }
0xbc: {  	_ =	strace $0x9000004B  }
0xbd: {  	_ =	sfence  }
0xbe: {  	s30 =	sld [smem:$0x0];
	_ =	sdelay $0x2  }
0xbf: {  	s31 =	sshll.u32 s1, $0xD;
	s1 =	sshrl.u32 s1, $0x2  }
0xc0: {  	s3 =	sand.u32 $0x4000, s31;
	s1 =	sadd.s32 s1, s30  }
0xc1: {  	s0 =	sor.u32 s3, s0;
	s1 =	sshll.u32 s1, $0x11  }
0xc2: {  	s0 =	sor.u32 s1, s0  }
0xc3: {  	s0 =	sadd.s32 $0x8F2B, s0  }
0xc4: {  	[sflag:s0] =	ssyncadd.remote.s32 $0x1  }
0xc5: {  	_ =	sfence.sel $0xFFFF  }
0xc6: {  	[dreg:$0x0] =	wrdreg $0xFFFFFFFF;
	(pc) =	sbr.abs _section_cstart, $3  }
0xc7: {  	[dreg:$0x1] =	wrdreg $0xFFFFFFFF  }
0xc8: {  	_ =	task.clear_ibuf [dreg:s8], $0x2FFFF;
	_ =	strace $0x9FFFFFFF  }
0xc9: {  	(tm) =	ssettm $0x7FFFFFFF  }
tec
execute0_lowered:
.L_overlay_start_1:
0x0: {  	(tag) =	ssettag $0x1  }
0x1: {  	s0 =	rddreg [dreg:$0x0]  }
0x2: {  	s1 =	rddreg [dreg:$0x1]  }
0x3: {  	s2 =	rddreg [dreg:$0x2]  }
0x4: {  	s4 =	srdreg.scid;
	s3 =	stileid.u32  }
0x5: {  	s5 =	simm.s32 $0x0;
	s28 =	simm.s32 $0xE000;
	s29 =	simm.s32 $0xE800  }
0x6: {  	s30 =	simm.s32 $0xF000;
	s31 =	simm.s32 $0xF800;
	s6 =	sand.u32 $0x1, s4  }
0x7: {  	s13 =	sshll.u32 s3, $0x1;
	[smem:$0x7FF] =	sst s5;
	s4 =	sadd.s32 $0x2DC00, s1  }
0x8: {  	s5 =	sadd.s32 $0x1F800, s1;
	s9 =	sadd.s32 $0x4DC00, s1;
	s25 =	sadd.s32 $0x9BE00, s1  }
0x9: {  	s7 =	sor.u32 s6, s13;
	_ =	strace $0x8000004A;
	s10 =	ssub.s32 $0x2, s6  }
0xa: {  	s6 =	sadd.s32 $0x1D4600, s1;
	[dreg:$0xd] =	wrdreg s25;
	s8 =	smul.u32 $0x5000, s7  }
0xb: {  	s13 =	simm.s32 $0x9000;
	s25 =	simm.s32 $0xD000;
	s12 =	smul.u32 $0xA00, s7  }
0xc: {  	s1 =	simm.s32 $0x0;
	s11 =	sshrl.u32 s10, $0x1;
	s20 =	smul.u32 $0x500, s7  }
0xd: {  	p0 =	sgt.u32 s7, $0x1C;
	s10 =	ssub.s32 s10, s11;
	s8 =	sshrl.u32 s8, $0x3  }
0xe: {  	s15 =	sadd.s32 s0, s12;
	s16 =	sadd.s32 s9, s12;
	s24 =	smin.u32 s20, $0x9740  }
0xf: {  	s26 =	smax.u32 s10, $0x1;
	s10 =	simm.s32 $0x10000;
	[dreg:$0x4] =	wrdreg s15  }
0x10: {  	s12 =	simm.s32 $0x8800;
	s20 =	simm.s32 $0xA800;
	[dreg:$0x5] =	wrdreg s16  }
0x11: {  	s14 =	sadd.s32 $0x14000, s8;
	s19 =	sadd.s32 $0x28000, s8;
	[dreg:$0xc] =	wrdreg s24  }
0x12: {  	s8 =	sadd.s32 $0x3C000, s8;
	[dreg:$0xe] =	wrdreg s26;
	s17 =	sadd.s32 s0, s14  }
0x13: {  	s24 =	simm.s32 $0xC800;
	s18 =	sadd.s32 s9, s14;
	[dreg:$0x6] =	wrdreg s17  }
0x14: {  	s26 =	simm.s32 $0xD800;
	s21 =	sadd.s32 s0, s19;
	[dreg:$0x7] =	wrdreg s18  }
0x15: {  	s22 =	sadd.s32 s9, s19;
	s0 =	sadd.s32 s0, s8;
	[dreg:$0x8] =	wrdreg s21  }
0x16: {  	s23 =	sadd.s32 s9, s8;
	s19 =	simm.s32 $0x14000;
	[dreg:$0x9] =	wrdreg s22  }
0x17: {  	v2 =	vlaneseq.u32;
	s9 =	simm.s32 $0x80;
	s14 =	simm.s32 $0x9800;
	[dreg:$0xa] =	wrdreg s0  }
0x18: {  	vm0 =	vmmov $0xffff;
	v1 =	vshrl.u32 v2, $0x3;
	[dreg:$0xb] =	wrdreg s23;
	s18 =	simm.s32 $0x1;
	s17 =	simm.s32 $0xA000  }
0x19: {  	v0 =	vand.u32 $0x7, v2;
	v2 =	vor.u32 $0x8, v2;
	v1 =	vmul.u32 $0x8, v1;
	s21 =	simm.s32 $0xB000;
	s22 =	simm.s32 $0xB800;
	s23 =	simm.s32 $0xC000  }
.LBB2_1:
0x1a: {  	[dreg:$0xf] =	wrdreg s1  }
0x1b: {  	s0 =	simm.s32 $0x0;
	s3 =	rddreg [dreg:$0x4]  }
0x1c: {  	[tilespmem:s0], [sflag:$0x1] =	stream.linear.gather [hbm4b:s3+s0], $0x5000, $0x38;
	[tilespmem:$0x14080] =	vst v63  }
0x1d: {  	_ =	swait.ge [sflag:s18], $0x5000  }
0x1e: {  	[sflag:s18] =	ssyncset.done $0x0  }
0x1f: {  	s7 =	rddreg [dreg:$0x5];
	[sflag:s18] =	ssyncadd.s32 $0xFFFFB000  }
0x20: {  	[hbm4b:s7+s0] =	stream.linear.scatter [tilespmem:s0], [sflag:$0x1], $0x5000, $0x38;
	[tilespmem:$0x14080] =	vst v63  }
0x21: {  	_ =	swait.ge [sflag:s18], $0x5000  }
0x22: {  	[sflag:s18] =	ssyncset.done $0x0  }
0x23: {  	s8 =	rddreg [dreg:$0x6];
	[sflag:s18] =	ssyncadd.s32 $0xFFFFB000  }
0x24: {  	[tilespmem:s0], [sflag:$0x1] =	stream.linear.gather [hbm4b:s8+s0], $0x5000, $0x38;
	[tilespmem:$0x14080] =	vst v63  }
0x25: {  	_ =	swait.ge [sflag:s18], $0x5000  }
0x26: {  	[sflag:s18] =	ssyncset.done $0x0  }
0x27: {  	s11 =	rddreg [dreg:$0x7];
	[sflag:s18] =	ssyncadd.s32 $0xFFFFB000  }
0x28: {  	[hbm4b:s11+s0] =	stream.linear.scatter [tilespmem:s0], [sflag:$0x1], $0x5000, $0x38;
	[tilespmem:$0x14080] =	vst v63  }
0x29: {  	_ =	swait.ge [sflag:s18], $0x5000  }
0x2a: {  	[sflag:s18] =	ssyncset.done $0x0  }
0x2b: {  	s15 =	rddreg [dreg:$0x8];
	[sflag:s18] =	ssyncadd.s32 $0xFFFFB000  }
0x2c: {  	[tilespmem:s0], [sflag:$0x1] =	stream.linear.gather [hbm4b:s15+s0], $0x5000, $0x38;
	[tilespmem:$0x14080] =	vst v63  }
0x2d: {  	_ =	swait.ge [sflag:s18], $0x5000  }
0x2e: {  	[sflag:s18] =	ssyncset.done $0x0  }
0x2f: {  	s16 =	rddreg [dreg:$0x9];
	[sflag:s18] =	ssyncadd.s32 $0xFFFFB000  }
0x30: {  	[hbm4b:s16+s0] =	stream.linear.scatter [tilespmem:s0], [sflag:$0x1], $0x5000, $0x38;
	[tilespmem:$0x14080] =	vst v63  }
0x31: {  	_ =	swait.ge [sflag:s18], $0x5000  }
0x32: {  	[sflag:s18] =	ssyncset.done $0x0  }
0x33: {  	s0 =	simm.s32 @!p0 $0x0;
	s1 =	rddreg [dreg:$0xa];
	[sflag:s18] =	ssyncadd.s32 $0xFFFFB000  }
0x34: {  	[tilespmem:s0], [sflag:$0x1] =	stream.linear.gather @!p0 [hbm4b:s1+s0], $0x5000, $0x38;
	[tilespmem:$0x14080] =	vst v63  }
0x35: {  	s1 =	simm.s32 @!p0 $0x1  }
0x36: {  	_ =	swait.ge @!p0 [sflag:s1], $0x5000  }
0x37: {  	[sflag:s1] =	ssyncset.done @!p0 $0x0  }
0x38: {  	s3 =	rddreg [dreg:$0xb];
	[sflag:s1] =	ssyncadd.s32 @!p0 $0xFFFFB000  }
0x39: {  	[hbm4b:s3+s0] =	stream.linear.scatter @!p0 [tilespmem:s0], [sflag:$0x1], $0x5000, $0x38;
	[tilespmem:$0x14080] =	vst v63  }
0x3a: {  	_ =	swait.ge @!p0 [sflag:s1], $0x5000  }
0x3b: {  	[sflag:s1] =	ssyncset.done @!p0 $0x0  }
0x3c: {  	s0 =	simm.s32 $0x0;
	[sflag:s1] =	ssyncadd.s32 @!p0 $0xFFFFB000  }
.LBB2_2:
0x3d: {  	s1 =	sshll.u32 s0, $0x7;
	s3 =	rddreg [dreg:$0xc]  }
0x3e: {  	s1 =	sadd.s32 s3, s1  }
0x3f: {  	s7 =	sshrl.u32 s1, $0x3  }
0x40: {  	s8 =	simm.s32 $0x0;
	s7 =	sadd.s32 s5, s7  }
0x41: {  	[tilespmem:s19], [sflag:$0x1] =	stream.linear.gather [hbm4b:s7+s8], $0x80, $0x38;
	[tilespmem:$0x14080] =	vst v63  }
0x42: {  	_ =	swait.ge [sflag:s18], $0x80  }
0x43: {  	[sflag:s18] =	ssyncset.done $0x0  }
0x44: {  	[sflag:s18] =	ssyncadd.s32 $0xFFFFFF80  }
0x45: {  	v3 =	vld [tilespmem:$0x14000];
	_ =	sdelay $0x4  }
0x46: {  	v4 =	vshll.u32 v3, $0x1  }
0x47: {  	v3 =	vand.u32 $0x7, v3;
	v4 =	vand.u32 $0xFFFFFFF0, v4  }
0x48: {  	v3 =	vor.u32 v3, v4  }
0x49: {  	v4 =	vperm.xlane v3, v0;
	_ =	sdelay $0x1  }
0x4a: {  	v3 =	vperm.xlane v3, v2;
	v4 =	vadd.s32 v1, v4;
	_ =	sdelay $0x1  }
0x4b: {  	v3 =	vadd.s32 v1, v3;
	_ =	sdelay $0x2  }
0x4c: {  	[tilespmem:s8], [sflag:$0x1] =	stream.indirect_vreg.gather [hbm4b:s4+s8], $0x80, v4, vm0, $0xb8;
	[tilespmem:$0x14080] =	vst v63  }
0x4d: {  	s15 =	simm.s32 $0x800  }
0x4e: {  	[tilespmem:s15], [sflag:$0x1] =	stream.indirect_vreg.gather [hbm4b:s4+s8], $0x80, v3, vm0, $0xb8;
	[tilespmem:$0x14080] =	vst v63  }
0x4f: {  	v3 =	vld [tilespmem:$0x14010];
	_ =	sdelay $0x4  }
0x50: {  	v4 =	vshll.u32 v3, $0x1  }
0x51: {  	v3 =	vand.u32 $0x7, v3;
	v4 =	vand.u32 $0xFFFFFFF0, v4  }
0x52: {  	v3 =	vor.u32 v3, v4  }
0x53: {  	v4 =	vperm.xlane v3, v0;
	_ =	sdelay $0x1  }
0x54: {  	v3 =	vperm.xlane v3, v2;
	v4 =	vadd.s32 v1, v4;
	_ =	sdelay $0x1  }
0x55: {  	v3 =	vadd.s32 v1, v3;
	_ =	sdelay $0x1  }
0x56: {  	s16 =	simm.s32 $0x1000  }
0x57: {  	[tilespmem:s16], [sflag:$0x1] =	stream.indirect_vreg.gather [hbm4b:s4+s8], $0x80, v4, vm0, $0xb8;
	[tilespmem:$0x14080] =	vst v63  }
0x58: {  	s7 =	simm.s32 $0x1800  }
0x59: {  	[tilespmem:s7], [sflag:$0x1] =	stream.indirect_vreg.gather [hbm4b:s4+s8], $0x80, v3, vm0, $0xb8;
	[tilespmem:$0x14080] =	vst v63  }
0x5a: {  	v3 =	vld [tilespmem:$0x14020];
	_ =	sdelay $0x4  }
0x5b: {  	v4 =	vshll.u32 v3, $0x1  }
0x5c: {  	v3 =	vand.u32 $0x7, v3;
	v4 =	vand.u32 $0xFFFFFFF0, v4  }
0x5d: {  	v3 =	vor.u32 v3, v4  }
0x5e: {  	v4 =	vperm.xlane v3, v0;
	_ =	sdelay $0x1  }
0x5f: {  	v3 =	vperm.xlane v3, v2;
	v4 =	vadd.s32 v1, v4;
	_ =	sdelay $0x1  }
0x60: {  	v3 =	vadd.s32 v1, v3;
	_ =	sdelay $0x1  }
0x61: {  	s11 =	simm.s32 $0x2000  }
0x62: {  	[tilespmem:s11], [sflag:$0x1] =	stream.indirect_vreg.gather [hbm4b:s4+s8], $0x80, v4, vm0, $0xb8;
	[tilespmem:$0x14080] =	vst v63  }
0x63: {  	s15 =	simm.s32 $0x2800  }
0x64: {  	[tilespmem:s15], [sflag:$0x1] =	stream.indirect_vreg.gather [hbm4b:s4+s8], $0x80, v3, vm0, $0xb8;
	[tilespmem:$0x14080] =	vst v63  }
0x65: {  	v3 =	vld [tilespmem:$0x14030];
	_ =	sdelay $0x4  }
0x66: {  	v4 =	vshll.u32 v3, $0x1  }
0x67: {  	v3 =	vand.u32 $0x7, v3;
	v4 =	vand.u32 $0xFFFFFFF0, v4  }
0x68: {  	v3 =	vor.u32 v3, v4  }
0x69: {  	v4 =	vperm.xlane v3, v0;
	_ =	sdelay $0x1  }
0x6a: {  	v3 =	vperm.xlane v3, v2;
	v4 =	vadd.s32 v1, v4;
	_ =	sdelay $0x1  }
0x6b: {  	v3 =	vadd.s32 v1, v3;
	_ =	sdelay $0x1  }
0x6c: {  	s16 =	simm.s32 $0x3000  }
0x6d: {  	[tilespmem:s16], [sflag:$0x1] =	stream.indirect_vreg.gather [hbm4b:s4+s8], $0x80, v4, vm0, $0xb8;
	[tilespmem:$0x14080] =	vst v63  }
0x6e: {  	s7 =	simm.s32 $0x3800  }
0x6f: {  	[tilespmem:s7], [sflag:$0x1] =	stream.indirect_vreg.gather [hbm4b:s4+s8], $0x80, v3, vm0, $0xb8;
	[tilespmem:$0x14080] =	vst v63  }
0x70: {  	v3 =	vld [tilespmem:$0x14040];
	_ =	sdelay $0x4  }
0x71: {  	v4 =	vshll.u32 v3, $0x1  }
0x72: {  	v3 =	vand.u32 $0x7, v3;
	v4 =	vand.u32 $0xFFFFFFF0, v4  }
0x73: {  	v3 =	vor.u32 v3, v4  }
0x74: {  	v4 =	vperm.xlane v3, v0;
	_ =	sdelay $0x1  }
0x75: {  	v3 =	vperm.xlane v3, v2;
	v4 =	vadd.s32 v1, v4;
	_ =	sdelay $0x1  }
0x76: {  	v3 =	vadd.s32 v1, v3;
	_ =	sdelay $0x1  }
0x77: {  	s11 =	simm.s32 $0x4000  }
0x78: {  	[tilespmem:s11], [sflag:$0x1] =	stream.indirect_vreg.gather [hbm4b:s4+s8], $0x80, v4, vm0, $0xb8;
	[tilespmem:$0x14080] =	vst v63  }
0x79: {  	s15 =	simm.s32 $0x4800  }
0x7a: {  	[tilespmem:s15], [sflag:$0x1] =	stream.indirect_vreg.gather [hbm4b:s4+s8], $0x80, v3, vm0, $0xb8;
	[tilespmem:$0x14080] =	vst v63  }
0x7b: {  	v3 =	vld [tilespmem:$0x14050];
	_ =	sdelay $0x4  }
0x7c: {  	v4 =	vshll.u32 v3, $0x1  }
0x7d: {  	v3 =	vand.u32 $0x7, v3;
	v4 =	vand.u32 $0xFFFFFFF0, v4  }
0x7e: {  	v3 =	vor.u32 v3, v4  }
0x7f: {  	v4 =	vperm.xlane v3, v0;
	_ =	sdelay $0x1  }
0x80: {  	v3 =	vperm.xlane v3, v2;
	v4 =	vadd.s32 v1, v4;
	_ =	sdelay $0x1  }
0x81: {  	v3 =	vadd.s32 v1, v3;
	_ =	sdelay $0x1  }
0x82: {  	s16 =	simm.s32 $0x5000  }
0x83: {  	[tilespmem:s16], [sflag:$0x1] =	stream.indirect_vreg.gather [hbm4b:s4+s8], $0x80, v4, vm0, $0xb8;
	[tilespmem:$0x14080] =	vst v63  }
0x84: {  	s7 =	simm.s32 $0x5800  }
0x85: {  	[tilespmem:s7], [sflag:$0x1] =	stream.indirect_vreg.gather [hbm4b:s4+s8], $0x80, v3, vm0, $0xb8;
	[tilespmem:$0x14080] =	vst v63  }
0x86: {  	v3 =	vld [tilespmem:$0x14060];
	_ =	sdelay $0x4  }
0x87: {  	v4 =	vshll.u32 v3, $0x1  }
0x88: {  	v3 =	vand.u32 $0x7, v3;
	v4 =	vand.u32 $0xFFFFFFF0, v4  }
0x89: {  	v3 =	vor.u32 v3, v4  }
0x8a: {  	v4 =	vperm.xlane v3, v0;
	_ =	sdelay $0x1  }
0x8b: {  	v3 =	vperm.xlane v3, v2;
	v4 =	vadd.s32 v1, v4;
	_ =	sdelay $0x1  }
0x8c: {  	v3 =	vadd.s32 v1, v3;
	_ =	sdelay $0x1  }
0x8d: {  	s11 =	simm.s32 $0x6000  }
0x8e: {  	[tilespmem:s11], [sflag:$0x1] =	stream.indirect_vreg.gather [hbm4b:s4+s8], $0x80, v4, vm0, $0xb8;
	[tilespmem:$0x14080] =	vst v63  }
0x8f: {  	s15 =	simm.s32 $0x6800  }
0x90: {  	[tilespmem:s15], [sflag:$0x1] =	stream.indirect_vreg.gather [hbm4b:s4+s8], $0x80, v3, vm0, $0xb8;
	[tilespmem:$0x14080] =	vst v63  }
0x91: {  	v3 =	vld [tilespmem:$0x14070];
	_ =	sdelay $0x4  }
0x92: {  	v4 =	vshll.u32 v3, $0x1  }
0x93: {  	v3 =	vand.u32 $0x7, v3;
	v4 =	vand.u32 $0xFFFFFFF0, v4  }
0x94: {  	v3 =	vor.u32 v3, v4  }
0x95: {  	v4 =	vperm.xlane v3, v0;
	_ =	sdelay $0x1  }
0x96: {  	v3 =	vperm.xlane v3, v2;
	v4 =	vadd.s32 v1, v4;
	_ =	sdelay $0x1  }
0x97: {  	v3 =	vadd.s32 v1, v3;
	_ =	sdelay $0x1  }
0x98: {  	s16 =	simm.s32 $0x7000  }
0x99: {  	[tilespmem:s16], [sflag:$0x1] =	stream.indirect_vreg.gather [hbm4b:s4+s8], $0x80, v4, vm0, $0xb8;
	[tilespmem:$0x14080] =	vst v63  }
0x9a: {  	s7 =	simm.s32 $0x7800  }
0x9b: {  	[tilespmem:s7], [sflag:$0x1] =	stream.indirect_vreg.gather [hbm4b:s4+s8], $0x80, v3, vm0, $0xb8;
	[tilespmem:$0x14080] =	vst v63  }
0x9c: {  	_ =	swait.ge [sflag:s18], $0x8000  }
0x9d: {  	[sflag:s18] =	ssyncset.done $0x0  }
0x9e: {  	[sflag:s18] =	ssyncadd.s32 $0xFFFF8000  }
0x9f: {  	[tilespmem:s10], [sflag:$0x1] =	stream.indirect.gather [hbm4b:s2+s9], $0x80, s19, s9, $0xb8;
	[tilespmem:$0x14080] =	vst v63  }
0xa0: {  	_ =	swait.ge [sflag:s18], $0x4000  }
0xa1: {  	s11 =	sshll.u32 s1, $0x4;
	[sflag:s18] =	ssyncset.done $0x0  }
0xa2: {  	s7 =	sadd.s32 s6, s11;
	[sflag:s18] =	ssyncadd.s32 $0xFFFFC000  }
0xa3: {  	[hbm4b:s7+s8] =	stream.linear.scatter [tilespmem:s10], [sflag:$0x1], $0x4000, $0x38;
	[tilespmem:$0x14080] =	vst v63  }
0xa4: {  	s7 =	sadd.s32 $0x9C40, s1;
	_ =	swait.ge [sflag:s18], $0x4000  }
0xa5: {  	s15 =	sshrl.u32 s7, $0x3;
	[sflag:s18] =	ssyncset.done $0x0  }
0xa6: {  	s15 =	sadd.s32 s5, s15;
	[sflag:s18] =	ssyncadd.s32 $0xFFFFC000  }
0xa7: {  	[tilespmem:s19], [sflag:$0x1] =	stream.linear.gather [hbm4b:s15+s8], $0x80, $0x38;
	[tilespmem:$0x14080] =	vst v63  }
0xa8: {  	_ =	swait.ge [sflag:s18], $0x80  }
0xa9: {  	[sflag:s18] =	ssyncset.done $0x0  }
0xaa: {  	[sflag:s18] =	ssyncadd.s32 $0xFFFFFF80  }
0xab: {  	v3 =	vld [tilespmem:$0x14000];
	_ =	sdelay $0x4  }
0xac: {  	v4 =	vshll.u32 v3, $0x1  }
0xad: {  	v3 =	vand.u32 $0x7, v3;
	v4 =	vand.u32 $0xFFFFFFF0, v4  }
0xae: {  	v3 =	vor.u32 v3, v4  }
0xaf: {  	v4 =	vperm.xlane v3, v0;
	_ =	sdelay $0x1  }
0xb0: {  	v3 =	vperm.xlane v3, v2;
	v4 =	vadd.s32 v1, v4;
	_ =	sdelay $0x1  }
0xb1: {  	v3 =	vadd.s32 v1, v3;
	_ =	sdelay $0x1  }
0xb2: {  	s15 =	simm.s32 $0x8000  }
0xb3: {  	[tilespmem:s15], [sflag:$0x1] =	stream.indirect_vreg.gather [hbm4b:s4+s8], $0x80, v4, vm0, $0xb8;
	[tilespmem:$0x14080] =	vst v63  }
0xb4: {  	_ = 	snop  }
0xb5: {  	[tilespmem:s12], [sflag:$0x1] =	stream.indirect_vreg.gather [hbm4b:s4+s8], $0x80, v3, vm0, $0xb8;
	[tilespmem:$0x14080] =	vst v63  }
0xb6: {  	v3 =	vld [tilespmem:$0x14010];
	_ =	sdelay $0x4  }
0xb7: {  	v4 =	vshll.u32 v3, $0x1  }
0xb8: {  	v3 =	vand.u32 $0x7, v3;
	v4 =	vand.u32 $0xFFFFFFF0, v4  }
0xb9: {  	v3 =	vor.u32 v3, v4  }
0xba: {  	v4 =	vperm.xlane v3, v0;
	_ =	sdelay $0x1  }
0xbb: {  	v3 =	vperm.xlane v3, v2;
	v4 =	vadd.s32 v1, v4;
	_ =	sdelay $0x1  }
0xbc: {  	v3 =	vadd.s32 v1, v3;
	_ =	sdelay $0x2  }
0xbd: {  	[tilespmem:s13], [sflag:$0x1] =	stream.indirect_vreg.gather [hbm4b:s4+s8], $0x80, v4, vm0, $0xb8;
	[tilespmem:$0x14080] =	vst v63  }
0xbe: {  	_ = 	snop  }
0xbf: {  	[tilespmem:s14], [sflag:$0x1] =	stream.indirect_vreg.gather [hbm4b:s4+s8], $0x80, v3, vm0, $0xb8;
	[tilespmem:$0x14080] =	vst v63  }
0xc0: {  	v3 =	vld [tilespmem:$0x14020];
	_ =	sdelay $0x4  }
0xc1: {  	v4 =	vshll.u32 v3, $0x1  }
0xc2: {  	v3 =	vand.u32 $0x7, v3;
	v4 =	vand.u32 $0xFFFFFFF0, v4  }
0xc3: {  	v3 =	vor.u32 v3, v4  }
0xc4: {  	v4 =	vperm.xlane v3, v0;
	_ =	sdelay $0x1  }
0xc5: {  	v3 =	vperm.xlane v3, v2;
	v4 =	vadd.s32 v1, v4;
	_ =	sdelay $0x1  }
0xc6: {  	v3 =	vadd.s32 v1, v3;
	_ =	sdelay $0x2  }
0xc7: {  	[tilespmem:s17], [sflag:$0x1] =	stream.indirect_vreg.gather [hbm4b:s4+s8], $0x80, v4, vm0, $0xb8;
	[tilespmem:$0x14080] =	vst v63  }
0xc8: {  	_ = 	snop  }
0xc9: {  	[tilespmem:s20], [sflag:$0x1] =	stream.indirect_vreg.gather [hbm4b:s4+s8], $0x80, v3, vm0, $0xb8;
	[tilespmem:$0x14080] =	vst v63  }
0xca: {  	v3 =	vld [tilespmem:$0x14030];
	_ =	sdelay $0x4  }
0xcb: {  	v4 =	vshll.u32 v3, $0x1  }
0xcc: {  	v3 =	vand.u32 $0x7, v3;
	v4 =	vand.u32 $0xFFFFFFF0, v4  }
0xcd: {  	v3 =	vor.u32 v3, v4  }
0xce: {  	v4 =	vperm.xlane v3, v0;
	_ =	sdelay $0x1  }
0xcf: {  	v3 =	vperm.xlane v3, v2;
	v4 =	vadd.s32 v1, v4;
	_ =	sdelay $0x1  }
0xd0: {  	v3 =	vadd.s32 v1, v3;
	_ =	sdelay $0x2  }
0xd1: {  	[tilespmem:s21], [sflag:$0x1] =	stream.indirect_vreg.gather [hbm4b:s4+s8], $0x80, v4, vm0, $0xb8;
	[tilespmem:$0x14080] =	vst v63  }
0xd2: {  	_ = 	snop  }
0xd3: {  	[tilespmem:s22], [sflag:$0x1] =	stream.indirect_vreg.gather [hbm4b:s4+s8], $0x80, v3, vm0, $0xb8;
	[tilespmem:$0x14080] =	vst v63  }
0xd4: {  	v3 =	vld [tilespmem:$0x14040];
	_ =	sdelay $0x4  }
0xd5: {  	v4 =	vshll.u32 v3, $0x1  }
0xd6: {  	v3 =	vand.u32 $0x7, v3;
	v4 =	vand.u32 $0xFFFFFFF0, v4  }
0xd7: {  	v3 =	vor.u32 v3, v4  }
0xd8: {  	v4 =	vperm.xlane v3, v0;
	_ =	sdelay $0x1  }
0xd9: {  	v3 =	vperm.xlane v3, v2;
	v4 =	vadd.s32 v1, v4;
	_ =	sdelay $0x1  }
0xda: {  	v3 =	vadd.s32 v1, v3;
	_ =	sdelay $0x2  }
0xdb: {  	[tilespmem:s23], [sflag:$0x1] =	stream.indirect_vreg.gather [hbm4b:s4+s8], $0x80, v4, vm0, $0xb8;
	[tilespmem:$0x14080] =	vst v63  }
0xdc: {  	_ = 	snop  }
0xdd: {  	[tilespmem:s24], [sflag:$0x1] =	stream.indirect_vreg.gather [hbm4b:s4+s8], $0x80, v3, vm0, $0xb8;
	[tilespmem:$0x14080] =	vst v63  }
0xde: {  	v3 =	vld [tilespmem:$0x14050];
	_ =	sdelay $0x4  }
0xdf: {  	v4 =	vshll.u32 v3, $0x1  }
0xe0: {  	v3 =	vand.u32 $0x7, v3;
	v4 =	vand.u32 $0xFFFFFFF0, v4  }
0xe1: {  	v3 =	vor.u32 v3, v4  }
0xe2: {  	v4 =	vperm.xlane v3, v0;
	_ =	sdelay $0x1  }
0xe3: {  	v3 =	vperm.xlane v3, v2;
	v4 =	vadd.s32 v1, v4;
	_ =	sdelay $0x1  }
0xe4: {  	v3 =	vadd.s32 v1, v3;
	_ =	sdelay $0x2  }
0xe5: {  	[tilespmem:s25], [sflag:$0x1] =	stream.indirect_vreg.gather [hbm4b:s4+s8], $0x80, v4, vm0, $0xb8;
	[tilespmem:$0x14080] =	vst v63  }
0xe6: {  	_ = 	snop  }
0xe7: {  	[tilespmem:s26], [sflag:$0x1] =	stream.indirect_vreg.gather [hbm4b:s4+s8], $0x80, v3, vm0, $0xb8;
	[tilespmem:$0x14080] =	vst v63  }
0xe8: {  	v3 =	vld [tilespmem:$0x14060];
	_ =	sdelay $0x4  }
0xe9: {  	v4 =	vshll.u32 v3, $0x1  }
0xea: {  	v3 =	vand.u32 $0x7, v3;
	v4 =	vand.u32 $0xFFFFFFF0, v4  }
0xeb: {  	v3 =	vor.u32 v3, v4  }
0xec: {  	v4 =	vperm.xlane v3, v0;
	_ =	sdelay $0x1  }
0xed: {  	v3 =	vperm.xlane v3, v2;
	v4 =	vadd.s32 v1, v4;
	_ =	sdelay $0x1  }
0xee: {  	v3 =	vadd.s32 v1, v3;
	_ =	sdelay $0x2  }
0xef: {  	[tilespmem:s28], [sflag:$0x1] =	stream.indirect_vreg.gather [hbm4b:s4+s8], $0x80, v4, vm0, $0xb8;
	[tilespmem:$0x14080] =	vst v63  }
0xf0: {  	_ = 	snop  }
0xf1: {  	[tilespmem:s29], [sflag:$0x1] =	stream.indirect_vreg.gather [hbm4b:s4+s8], $0x80, v3, vm0, $0xb8;
	[tilespmem:$0x14080] =	vst v63  }
0xf2: {  	v3 =	vld [tilespmem:$0x14070];
	_ =	sdelay $0x4  }
0xf3: {  	v4 =	vshll.u32 v3, $0x1  }
0xf4: {  	v3 =	vand.u32 $0x7, v3;
	v4 =	vand.u32 $0xFFFFFFF0, v4  }
0xf5: {  	v3 =	vor.u32 v3, v4  }
0xf6: {  	v4 =	vperm.xlane v3, v0;
	_ =	sdelay $0x1  }
0xf7: {  	v3 =	vperm.xlane v3, v2;
	v4 =	vadd.s32 v1, v4;
	_ =	sdelay $0x1  }
0xf8: {  	v3 =	vadd.s32 v1, v3;
	_ =	sdelay $0x2  }
0xf9: {  	[tilespmem:s30], [sflag:$0x1] =	stream.indirect_vreg.gather [hbm4b:s4+s8], $0x80, v4, vm0, $0xb8;
	[tilespmem:$0x14080] =	vst v63  }
0xfa: {  	_ = 	snop  }
0xfb: {  	[tilespmem:s31], [sflag:$0x1] =	stream.indirect_vreg.gather [hbm4b:s4+s8], $0x80, v3, vm0, $0xb8;
	[tilespmem:$0x14080] =	vst v63  }
0xfc: {  	_ =	swait.ge [sflag:s18], $0x8000  }
0xfd: {  	s16 =	sand.u32 $0x7800, s8;
	s8 =	sand.u32 $0x380, s8;
	[sflag:s18] =	ssyncset.done $0x0  }
0xfe: {  	s8 =	sor.u32 s8, s16;
	[sflag:s18] =	ssyncadd.s32 $0xFFFF8000  }
0xff: {  	v10 =	vld [tilespmem:s8+$0x8000]  }
0x100: {  	v11 =	vld [tilespmem:s8+$0x8010]  }
0x101: {  	v12 =	vld [tilespmem:s8+$0x8020]  }
0x102: {  	v13 =	vld [tilespmem:s8+$0x8030]  }
0x103: {  	v14 =	vld [tilespmem:s8+$0x8040]  }
0x104: {  	v15 =	vld [tilespmem:s8+$0x8050]  }
0x105: {  	v16 =	vld [tilespmem:s8+$0x8060]  }
0x106: {  	v17 =	vld [tilespmem:s8+$0x8070]  }
0x107: {  	v18 =	vld [tilespmem:s8+$0x8400]  }
0x108: {  	v9 =	vld [tilespmem:s8+$0x8410]  }
0x109: {  	v8 =	vld [tilespmem:s8+$0x8420]  }
0x10a: {  	v7 =	vld [tilespmem:s8+$0x8430]  }
0x10b: {  	v6 =	vld [tilespmem:s8+$0x8440]  }
0x10c: {  	v5 =	vld [tilespmem:s8+$0x8450]  }
0x10d: {  	v4 =	vld [tilespmem:s8+$0x8460]  }
0x10e: {  	v3 =	vld [tilespmem:s8+$0x8470]  }
0x10f: {  	v19 =	vld [tilespmem:s8+$0x0]  }
0x110: {  	v20 =	vld [tilespmem:s8+$0x10]  }
0x111: {  	v21 =	vld [tilespmem:s8+$0x20]  }
0x112: {  	v22 =	vld [tilespmem:s8+$0x30]  }
0x113: {  	v23 =	vld [tilespmem:s8+$0x40]  }
0x114: {  	v10 =	vadd.f32 v10, v19;
	v19 =	vld [tilespmem:s8+$0x50]  }
0x115: {  	v61 =	vld [tilespmem:s8+$0x60];
	v11 =	vadd.f32 v11, v20  }
0x116: {  	v62 =	vld [tilespmem:s8+$0x70];
	[tilespmem:s8+$0x0] =	vst v10;
	v10 =	vadd.f32 v12, v21  }
0x117: {  	v63 =	vld [tilespmem:s8+$0x400];
	[tilespmem:s8+$0x10] =	vst v11;
	v11 =	vadd.f32 v13, v22  }
0x118: {  	v13 =	vld [tilespmem:s8+$0x410];
	[tilespmem:s8+$0x20] =	vst v10;
	v10 =	vadd.f32 v14, v23  }
0x119: {  	v12 =	vld [tilespmem:s8+$0x420];
	[tilespmem:s8+$0x30] =	vst v11;
	v11 =	vadd.f32 v15, v19  }
0x11a: {  	v14 =	vadd.f32 v16, v61;
	[tilespmem:s8+$0x40] =	vst v10;
	v10 =	vld [tilespmem:s8+$0x430]  }
0x11b: {  	v16 =	vadd.f32 v17, v62;
	[tilespmem:s8+$0x50] =	vst v11;
	v11 =	vld [tilespmem:s8+$0x440]  }
0x11c: {  	s15 =	simm.s32 $0x80;
	s16 =	simm.s32 $0x100;
	v15 =	vadd.f32 v18, v63;
	[tilespmem:s8+$0x60] =	vst v14;
	v14 =	vld [tilespmem:s8+$0x450]  }
.LBB2_3:
0x11d: {  	s3 =	sand.u32 $0x7800, s16;
	s11 =	sand.u32 $0x380, s15;
	p1 =	sne.s32 s16, $0x7F00;
	[tilespmem:s8+$0x70] =	vst v16;
	v9 =	vadd.f32 v9, v13;
	v13 =	vld [tilespmem:s8+$0x460]  }
0x11e: {  	s3 =	sor.u32 s11, s3;
	[tilespmem:s8+$0x400] =	vst v15;
	v8 =	vadd.f32 v8, v12;
	v12 =	vld [tilespmem:s8+$0x470]  }
0x11f: {  	v15 =	vld [tilespmem:s3+$0x8000];
	[tilespmem:s8+$0x410] =	vst v9;
	v7 =	vadd.f32 v7, v10  }
0x120: {  	v10 =	vld [tilespmem:s3+$0x8010];
	[tilespmem:s8+$0x420] =	vst v8;
	v6 =	vadd.f32 v6, v11  }
0x121: {  	v11 =	vld [tilespmem:s3+$0x8020];
	[tilespmem:s8+$0x430] =	vst v7;
	v5 =	vadd.f32 v5, v14  }
0x122: {  	v14 =	vld [tilespmem:s3+$0x8030];
	[tilespmem:s8+$0x440] =	vst v6;
	v4 =	vadd.f32 v4, v13  }
0x123: {  	v13 =	vld [tilespmem:s3+$0x8040];
	[tilespmem:s8+$0x450] =	vst v5;
	v3 =	vadd.f32 v3, v12  }
0x124: {  	v12 =	vld [tilespmem:s3+$0x8050];
	[tilespmem:s8+$0x460] =	vst v4  }
0x125: {  	v16 =	vld [tilespmem:s3+$0x8060];
	[tilespmem:s8+$0x470] =	vst v3;
	s8 =	smov.u32 s3  }
0x126: {  	v17 =	vld [tilespmem:s8+$0x8070]  }
0x127: {  	v18 =	vld [tilespmem:s8+$0x8400]  }
0x128: {  	v9 =	vld [tilespmem:s8+$0x8410]  }
0x129: {  	v8 =	vld [tilespmem:s8+$0x8420]  }
0x12a: {  	v7 =	vld [tilespmem:s8+$0x8430]  }
0x12b: {  	v6 =	vld [tilespmem:s8+$0x8440]  }
0x12c: {  	v5 =	vld [tilespmem:s8+$0x8450]  }
0x12d: {  	v4 =	vld [tilespmem:s8+$0x8460]  }
0x12e: {  	v3 =	vld [tilespmem:s8+$0x8470]  }
0x12f: {  	v19 =	vld [tilespmem:s8+$0x0]  }
0x130: {  	v20 =	vld [tilespmem:s8+$0x10]  }
0x131: {  	v21 =	vld [tilespmem:s8+$0x20]  }
0x132: {  	v22 =	vld [tilespmem:s8+$0x30]  }
0x133: {  	v23 =	vld [tilespmem:s8+$0x40]  }
0x134: {  	v15 =	vadd.f32 v15, v19;
	v19 =	vld [tilespmem:s8+$0x50]  }
0x135: {  	v10 =	vadd.f32 v10, v20;
	v20 =	vld [tilespmem:s8+$0x60]  }
0x136: {  	[tilespmem:s8+$0x0] =	vst v15;
	v11 =	vadd.f32 v11, v21;
	v15 =	vld [tilespmem:s8+$0x70]  }
0x137: {  	[tilespmem:s8+$0x10] =	vst v10;
	v10 =	vadd.f32 v14, v22;
	v14 =	vld [tilespmem:s8+$0x400]  }
.Ltmp0:
0x138: {  	[tilespmem:s8+$0x20] =	vst v11;
	v11 =	vadd.f32 v13, v23;
	v13 =	vld [tilespmem:s8+$0x410];
	(pc) =	sbr.rel @p1 .LBB2_3-.Ltmp0, $4  }
0x139: {  	[tilespmem:s8+$0x30] =	vst v10;
	v19 =	vadd.f32 v12, v19;
	v12 =	vld [tilespmem:s8+$0x420]  }
0x13a: {  	[tilespmem:s8+$0x40] =	vst v11;
	v20 =	vadd.f32 v16, v20;
	v10 =	vld [tilespmem:s8+$0x430]  }
0x13b: {  	[tilespmem:s8+$0x50] =	vst v19;
	v16 =	vadd.f32 v17, v15;
	v11 =	vld [tilespmem:s8+$0x440]  }
0x13c: {  	s15 =	sadd.s32 $0x80, s15;
	s16 =	sadd.s32 $0x100, s16;
	[tilespmem:s8+$0x60] =	vst v20;
	v15 =	vadd.f32 v18, v14;
	v14 =	vld [tilespmem:s8+$0x450]  }
0x13d: {  	[tilespmem:s8+$0x70] =	vst v16;
	v9 =	vadd.f32 v9, v13;
	v13 =	vld [tilespmem:s8+$0x460]  }
0x13e: {  	[tilespmem:s8+$0x400] =	vst v15;
	v8 =	vadd.f32 v8, v12;
	v12 =	vld [tilespmem:s8+$0x470]  }
0x13f: {  	[tilespmem:s8+$0x410] =	vst v9;
	v7 =	vadd.f32 v7, v10  }
0x140: {  	[tilespmem:s8+$0x420] =	vst v8;
	v6 =	vadd.f32 v6, v11  }
0x141: {  	[tilespmem:s8+$0x430] =	vst v7;
	v5 =	vadd.f32 v5, v14  }
0x142: {  	[tilespmem:s8+$0x440] =	vst v6;
	v4 =	vadd.f32 v4, v13  }
0x143: {  	[tilespmem:s8+$0x450] =	vst v5;
	v3 =	vadd.f32 v3, v12  }
0x144: {  	[tilespmem:s8+$0x460] =	vst v4  }
0x145: {  	[tilespmem:s8+$0x470] =	vst v3  }
0x146: {  	[tilespmem:s10], [sflag:$0x1] =	stream.indirect.gather [hbm4b:s2+s9], $0x80, s19, s9, $0xb8;
	[tilespmem:$0x14080] =	vst v63  }
0x147: {  	_ =	swait.ge [sflag:s18], $0x4000  }
0x148: {  	s3 =	sshll.u32 s7, $0x4;
	[sflag:s18] =	ssyncset.done $0x0  }
0x149: {  	s3 =	sadd.s32 s6, s3;
	s8 =	simm.s32 $0x0;
	[sflag:s18] =	ssyncadd.s32 $0xFFFFC000  }
0x14a: {  	[hbm4b:s3+s8] =	stream.linear.scatter [tilespmem:s10], [sflag:$0x1], $0x4000, $0x38;
	[tilespmem:$0x14080] =	vst v63  }
0x14b: {  	s7 =	sadd.s32 $0x13880, s1;
	_ =	swait.ge [sflag:s18], $0x4000  }
0x14c: {  	s11 =	sshrl.u32 s7, $0x3;
	[sflag:s18] =	ssyncset.done $0x0  }
0x14d: {  	s3 =	sadd.s32 s5, s11;
	[sflag:s18] =	ssyncadd.s32 $0xFFFFC000  }
0x14e: {  	[tilespmem:s19], [sflag:$0x1] =	stream.linear.gather [hbm4b:s3+s8], $0x80, $0x38;
	[tilespmem:$0x14080] =	vst v63  }
0x14f: {  	_ =	swait.ge [sflag:s18], $0x80  }
0x150: {  	[sflag:s18] =	ssyncset.done $0x0  }
0x151: {  	[sflag:s18] =	ssyncadd.s32 $0xFFFFFF80  }
0x152: {  	v3 =	vld [tilespmem:$0x14000];
	_ =	sdelay $0x4  }
0x153: {  	v4 =	vshll.u32 v3, $0x1  }
0x154: {  	v3 =	vand.u32 $0x7, v3;
	v4 =	vand.u32 $0xFFFFFFF0, v4  }
0x155: {  	v3 =	vor.u32 v3, v4  }
0x156: {  	v4 =	vperm.xlane v3, v0;
	_ =	sdelay $0x1  }
0x157: {  	v3 =	vperm.xlane v3, v2;
	v4 =	vadd.s32 v1, v4;
	_ =	sdelay $0x1  }
0x158: {  	v3 =	vadd.s32 v1, v3;
	_ =	sdelay $0x1  }
0x159: {  	s15 =	simm.s32 $0x8000  }
0x15a: {  	[tilespmem:s15], [sflag:$0x1] =	stream.indirect_vreg.gather [hbm4b:s4+s8], $0x80, v4, vm0, $0xb8;
	[tilespmem:$0x14080] =	vst v63  }
0x15b: {  	_ = 	snop  }
0x15c: {  	[tilespmem:s12], [sflag:$0x1] =	stream.indirect_vreg.gather [hbm4b:s4+s8], $0x80, v3, vm0, $0xb8;
	[tilespmem:$0x14080] =	vst v63  }
0x15d: {  	v3 =	vld [tilespmem:$0x14010];
	_ =	sdelay $0x4  }
0x15e: {  	v4 =	vshll.u32 v3, $0x1  }
0x15f: {  	v3 =	vand.u32 $0x7, v3;
	v4 =	vand.u32 $0xFFFFFFF0, v4  }
0x160: {  	v3 =	vor.u32 v3, v4  }
0x161: {  	v4 =	vperm.xlane v3, v0;
	_ =	sdelay $0x1  }
0x162: {  	v3 =	vperm.xlane v3, v2;
	v4 =	vadd.s32 v1, v4;
	_ =	sdelay $0x1  }
0x163: {  	v3 =	vadd.s32 v1, v3;
	_ =	sdelay $0x2  }
0x164: {  	[tilespmem:s13], [sflag:$0x1] =	stream.indirect_vreg.gather [hbm4b:s4+s8], $0x80, v4, vm0, $0xb8;
	[tilespmem:$0x14080] =	vst v63  }
0x165: {  	_ = 	snop  }
0x166: {  	[tilespmem:s14], [sflag:$0x1] =	stream.indirect_vreg.gather [hbm4b:s4+s8], $0x80, v3, vm0, $0xb8;
	[tilespmem:$0x14080] =	vst v63  }
0x167: {  	v3 =	vld [tilespmem:$0x14020];
	_ =	sdelay $0x4  }
0x168: {  	v4 =	vshll.u32 v3, $0x1  }
0x169: {  	v3 =	vand.u32 $0x7, v3;
	v4 =	vand.u32 $0xFFFFFFF0, v4  }
0x16a: {  	v3 =	vor.u32 v3, v4  }
0x16b: {  	v4 =	vperm.xlane v3, v0;
	_ =	sdelay $0x1  }
0x16c: {  	v3 =	vperm.xlane v3, v2;
	v4 =	vadd.s32 v1, v4;
	_ =	sdelay $0x1  }
0x16d: {  	v3 =	vadd.s32 v1, v3;
	_ =	sdelay $0x2  }
0x16e: {  	[tilespmem:s17], [sflag:$0x1] =	stream.indirect_vreg.gather [hbm4b:s4+s8], $0x80, v4, vm0, $0xb8;
	[tilespmem:$0x14080] =	vst v63  }
0x16f: {  	_ = 	snop  }
0x170: {  	[tilespmem:s20], [sflag:$0x1] =	stream.indirect_vreg.gather [hbm4b:s4+s8], $0x80, v3, vm0, $0xb8;
	[tilespmem:$0x14080] =	vst v63  }
0x171: {  	v3 =	vld [tilespmem:$0x14030];
	_ =	sdelay $0x4  }
0x172: {  	v4 =	vshll.u32 v3, $0x1  }
0x173: {  	v3 =	vand.u32 $0x7, v3;
	v4 =	vand.u32 $0xFFFFFFF0, v4  }
0x174: {  	v3 =	vor.u32 v3, v4  }
0x175: {  	v4 =	vperm.xlane v3, v0;
	_ =	sdelay $0x1  }
0x176: {  	v3 =	vperm.xlane v3, v2;
	v4 =	vadd.s32 v1, v4;
	_ =	sdelay $0x1  }
0x177: {  	v3 =	vadd.s32 v1, v3;
	_ =	sdelay $0x2  }
0x178: {  	[tilespmem:s21], [sflag:$0x1] =	stream.indirect_vreg.gather [hbm4b:s4+s8], $0x80, v4, vm0, $0xb8;
	[tilespmem:$0x14080] =	vst v63  }
0x179: {  	_ = 	snop  }
0x17a: {  	[tilespmem:s22], [sflag:$0x1] =	stream.indirect_vreg.gather [hbm4b:s4+s8], $0x80, v3, vm0, $0xb8;
	[tilespmem:$0x14080] =	vst v63  }
0x17b: {  	v3 =	vld [tilespmem:$0x14040];
	_ =	sdelay $0x4  }
0x17c: {  	v4 =	vshll.u32 v3, $0x1  }
0x17d: {  	v3 =	vand.u32 $0x7, v3;
	v4 =	vand.u32 $0xFFFFFFF0, v4  }
0x17e: {  	v3 =	vor.u32 v3, v4  }
0x17f: {  	v4 =	vperm.xlane v3, v0;
	_ =	sdelay $0x1  }
0x180: {  	v3 =	vperm.xlane v3, v2;
	v4 =	vadd.s32 v1, v4;
	_ =	sdelay $0x1  }
0x181: {  	v3 =	vadd.s32 v1, v3;
	_ =	sdelay $0x2  }
0x182: {  	[tilespmem:s23], [sflag:$0x1] =	stream.indirect_vreg.gather [hbm4b:s4+s8], $0x80, v4, vm0, $0xb8;
	[tilespmem:$0x14080] =	vst v63  }
0x183: {  	_ = 	snop  }
0x184: {  	[tilespmem:s24], [sflag:$0x1] =	stream.indirect_vreg.gather [hbm4b:s4+s8], $0x80, v3, vm0, $0xb8;
	[tilespmem:$0x14080] =	vst v63  }
0x185: {  	v3 =	vld [tilespmem:$0x14050];
	_ =	sdelay $0x4  }
0x186: {  	v4 =	vshll.u32 v3, $0x1  }
0x187: {  	v3 =	vand.u32 $0x7, v3;
	v4 =	vand.u32 $0xFFFFFFF0, v4  }
0x188: {  	v3 =	vor.u32 v3, v4  }
0x189: {  	v4 =	vperm.xlane v3, v0;
	_ =	sdelay $0x1  }
0x18a: {  	v3 =	vperm.xlane v3, v2;
	v4 =	vadd.s32 v1, v4;
	_ =	sdelay $0x1  }
0x18b: {  	v3 =	vadd.s32 v1, v3;
	_ =	sdelay $0x2  }
0x18c: {  	[tilespmem:s25], [sflag:$0x1] =	stream.indirect_vreg.gather [hbm4b:s4+s8], $0x80, v4, vm0, $0xb8;
	[tilespmem:$0x14080] =	vst v63  }
0x18d: {  	_ = 	snop  }
0x18e: {  	[tilespmem:s26], [sflag:$0x1] =	stream.indirect_vreg.gather [hbm4b:s4+s8], $0x80, v3, vm0, $0xb8;
	[tilespmem:$0x14080] =	vst v63  }
0x18f: {  	v3 =	vld [tilespmem:$0x14060];
	_ =	sdelay $0x4  }
0x190: {  	v4 =	vshll.u32 v3, $0x1  }
0x191: {  	v3 =	vand.u32 $0x7, v3;
	v4 =	vand.u32 $0xFFFFFFF0, v4  }
0x192: {  	v3 =	vor.u32 v3, v4  }
0x193: {  	v4 =	vperm.xlane v3, v0;
	_ =	sdelay $0x1  }
0x194: {  	v3 =	vperm.xlane v3, v2;
	v4 =	vadd.s32 v1, v4;
	_ =	sdelay $0x1  }
0x195: {  	v3 =	vadd.s32 v1, v3;
	_ =	sdelay $0x2  }
0x196: {  	[tilespmem:s28], [sflag:$0x1] =	stream.indirect_vreg.gather [hbm4b:s4+s8], $0x80, v4, vm0, $0xb8;
	[tilespmem:$0x14080] =	vst v63  }
0x197: {  	_ = 	snop  }
0x198: {  	[tilespmem:s29], [sflag:$0x1] =	stream.indirect_vreg.gather [hbm4b:s4+s8], $0x80, v3, vm0, $0xb8;
	[tilespmem:$0x14080] =	vst v63  }
0x199: {  	v3 =	vld [tilespmem:$0x14070];
	_ =	sdelay $0x4  }
0x19a: {  	v4 =	vshll.u32 v3, $0x1  }
0x19b: {  	v3 =	vand.u32 $0x7, v3;
	v4 =	vand.u32 $0xFFFFFFF0, v4  }
0x19c: {  	v3 =	vor.u32 v3, v4  }
0x19d: {  	v4 =	vperm.xlane v3, v0;
	_ =	sdelay $0x1  }
0x19e: {  	v3 =	vperm.xlane v3, v2;
	v4 =	vadd.s32 v1, v4;
	_ =	sdelay $0x1  }
0x19f: {  	v3 =	vadd.s32 v1, v3;
	_ =	sdelay $0x2  }
0x1a0: {  	[tilespmem:s30], [sflag:$0x1] =	stream.indirect_vreg.gather [hbm4b:s4+s8], $0x80, v4, vm0, $0xb8;
	[tilespmem:$0x14080] =	vst v63  }
0x1a1: {  	_ = 	snop  }
0x1a2: {  	[tilespmem:s31], [sflag:$0x1] =	stream.indirect_vreg.gather [hbm4b:s4+s8], $0x80, v3, vm0, $0xb8;
	[tilespmem:$0x14080] =	vst v63  }
0x1a3: {  	_ =	swait.ge [sflag:s18], $0x8000  }
0x1a4: {  	s16 =	sand.u32 $0x7800, s8;
	s8 =	sand.u32 $0x380, s8;
	[sflag:s18] =	ssyncset.done $0x0  }
0x1a5: {  	s8 =	sor.u32 s8, s16;
	[sflag:s18] =	ssyncadd.s32 $0xFFFF8000  }
0x1a6: {  	v10 =	vld [tilespmem:s8+$0x8000]  }
0x1a7: {  	v11 =	vld [tilespmem:s8+$0x8010]  }
0x1a8: {  	v12 =	vld [tilespmem:s8+$0x8020]  }
0x1a9: {  	v13 =	vld [tilespmem:s8+$0x8030]  }
0x1aa: {  	v14 =	vld [tilespmem:s8+$0x8040]  }
0x1ab: {  	v15 =	vld [tilespmem:s8+$0x8050]  }
0x1ac: {  	v16 =	vld [tilespmem:s8+$0x8060]  }
0x1ad: {  	v17 =	vld [tilespmem:s8+$0x8070]  }
0x1ae: {  	v18 =	vld [tilespmem:s8+$0x8400]  }
0x1af: {  	v9 =	vld [tilespmem:s8+$0x8410]  }
0x1b0: {  	v8 =	vld [tilespmem:s8+$0x8420]  }
0x1b1: {  	v7 =	vld [tilespmem:s8+$0x8430]  }
0x1b2: {  	v6 =	vld [tilespmem:s8+$0x8440]  }
0x1b3: {  	v5 =	vld [tilespmem:s8+$0x8450]  }
0x1b4: {  	v4 =	vld [tilespmem:s8+$0x8460]  }
0x1b5: {  	v3 =	vld [tilespmem:s8+$0x8470]  }
0x1b6: {  	v19 =	vld [tilespmem:s8+$0x0]  }
0x1b7: {  	v20 =	vld [tilespmem:s8+$0x10]  }
0x1b8: {  	v21 =	vld [tilespmem:s8+$0x20]  }
0x1b9: {  	v22 =	vld [tilespmem:s8+$0x30]  }
0x1ba: {  	v23 =	vld [tilespmem:s8+$0x40]  }
0x1bb: {  	v10 =	vadd.f32 v10, v19;
	v19 =	vld [tilespmem:s8+$0x50]  }
0x1bc: {  	v61 =	vld [tilespmem:s8+$0x60];
	v11 =	vadd.f32 v11, v20  }
0x1bd: {  	v62 =	vld [tilespmem:s8+$0x70];
	[tilespmem:s8+$0x0] =	vst v10;
	v10 =	vadd.f32 v12, v21  }
0x1be: {  	v63 =	vld [tilespmem:s8+$0x400];
	[tilespmem:s8+$0x10] =	vst v11;
	v11 =	vadd.f32 v13, v22  }
0x1bf: {  	v13 =	vld [tilespmem:s8+$0x410];
	[tilespmem:s8+$0x20] =	vst v10;
	v10 =	vadd.f32 v14, v23  }
0x1c0: {  	v12 =	vld [tilespmem:s8+$0x420];
	[tilespmem:s8+$0x30] =	vst v11;
	v11 =	vadd.f32 v15, v19  }
0x1c1: {  	v14 =	vadd.f32 v16, v61;
	[tilespmem:s8+$0x40] =	vst v10;
	v10 =	vld [tilespmem:s8+$0x430]  }
0x1c2: {  	v16 =	vadd.f32 v17, v62;
	[tilespmem:s8+$0x50] =	vst v11;
	v11 =	vld [tilespmem:s8+$0x440]  }
0x1c3: {  	s15 =	simm.s32 $0x80;
	s16 =	simm.s32 $0x100;
	v15 =	vadd.f32 v18, v63;
	[tilespmem:s8+$0x60] =	vst v14;
	v14 =	vld [tilespmem:s8+$0x450]  }
.LBB2_5:
0x1c4: {  	s3 =	sand.u32 $0x7800, s16;
	s11 =	sand.u32 $0x380, s15;
	p1 =	sne.s32 s16, $0x7F00;
	[tilespmem:s8+$0x70] =	vst v16;
	v9 =	vadd.f32 v9, v13;
	v13 =	vld [tilespmem:s8+$0x460]  }
0x1c5: {  	s3 =	sor.u32 s11, s3;
	[tilespmem:s8+$0x400] =	vst v15;
	v8 =	vadd.f32 v8, v12;
	v12 =	vld [tilespmem:s8+$0x470]  }
0x1c6: {  	v15 =	vld [tilespmem:s3+$0x8000];
	[tilespmem:s8+$0x410] =	vst v9;
	v7 =	vadd.f32 v7, v10  }
0x1c7: {  	v10 =	vld [tilespmem:s3+$0x8010];
	[tilespmem:s8+$0x420] =	vst v8;
	v6 =	vadd.f32 v6, v11  }
0x1c8: {  	v11 =	vld [tilespmem:s3+$0x8020];
	[tilespmem:s8+$0x430] =	vst v7;
	v5 =	vadd.f32 v5, v14  }
0x1c9: {  	v14 =	vld [tilespmem:s3+$0x8030];
	[tilespmem:s8+$0x440] =	vst v6;
	v4 =	vadd.f32 v4, v13  }
0x1ca: {  	v13 =	vld [tilespmem:s3+$0x8040];
	[tilespmem:s8+$0x450] =	vst v5;
	v3 =	vadd.f32 v3, v12  }
0x1cb: {  	v12 =	vld [tilespmem:s3+$0x8050];
	[tilespmem:s8+$0x460] =	vst v4  }
0x1cc: {  	v16 =	vld [tilespmem:s3+$0x8060];
	[tilespmem:s8+$0x470] =	vst v3;
	s8 =	smov.u32 s3  }
0x1cd: {  	v17 =	vld [tilespmem:s8+$0x8070]  }
0x1ce: {  	v18 =	vld [tilespmem:s8+$0x8400]  }
0x1cf: {  	v9 =	vld [tilespmem:s8+$0x8410]  }
0x1d0: {  	v8 =	vld [tilespmem:s8+$0x8420]  }
0x1d1: {  	v7 =	vld [tilespmem:s8+$0x8430]  }
0x1d2: {  	v6 =	vld [tilespmem:s8+$0x8440]  }
0x1d3: {  	v5 =	vld [tilespmem:s8+$0x8450]  }
0x1d4: {  	v4 =	vld [tilespmem:s8+$0x8460]  }
0x1d5: {  	v3 =	vld [tilespmem:s8+$0x8470]  }
0x1d6: {  	v19 =	vld [tilespmem:s8+$0x0]  }
0x1d7: {  	v20 =	vld [tilespmem:s8+$0x10]  }
0x1d8: {  	v21 =	vld [tilespmem:s8+$0x20]  }
0x1d9: {  	v22 =	vld [tilespmem:s8+$0x30]  }
0x1da: {  	v23 =	vld [tilespmem:s8+$0x40]  }
0x1db: {  	v15 =	vadd.f32 v15, v19;
	v19 =	vld [tilespmem:s8+$0x50]  }
0x1dc: {  	v10 =	vadd.f32 v10, v20;
	v20 =	vld [tilespmem:s8+$0x60]  }
0x1dd: {  	[tilespmem:s8+$0x0] =	vst v15;
	v11 =	vadd.f32 v11, v21;
	v15 =	vld [tilespmem:s8+$0x70]  }
0x1de: {  	[tilespmem:s8+$0x10] =	vst v10;
	v10 =	vadd.f32 v14, v22;
	v14 =	vld [tilespmem:s8+$0x400]  }
.Ltmp1:
0x1df: {  	[tilespmem:s8+$0x20] =	vst v11;
	v11 =	vadd.f32 v13, v23;
	v13 =	vld [tilespmem:s8+$0x410];
	(pc) =	sbr.rel @p1 .LBB2_5-.Ltmp1, $4  }
0x1e0: {  	[tilespmem:s8+$0x30] =	vst v10;
	v19 =	vadd.f32 v12, v19;
	v12 =	vld [tilespmem:s8+$0x420]  }
0x1e1: {  	[tilespmem:s8+$0x40] =	vst v11;
	v20 =	vadd.f32 v16, v20;
	v10 =	vld [tilespmem:s8+$0x430]  }
0x1e2: {  	[tilespmem:s8+$0x50] =	vst v19;
	v16 =	vadd.f32 v17, v15;
	v11 =	vld [tilespmem:s8+$0x440]  }
0x1e3: {  	s15 =	sadd.s32 $0x80, s15;
	s16 =	sadd.s32 $0x100, s16;
	[tilespmem:s8+$0x60] =	vst v20;
	v15 =	vadd.f32 v18, v14;
	v14 =	vld [tilespmem:s8+$0x450]  }
0x1e4: {  	[tilespmem:s8+$0x70] =	vst v16;
	v9 =	vadd.f32 v9, v13;
	v13 =	vld [tilespmem:s8+$0x460]  }
0x1e5: {  	[tilespmem:s8+$0x400] =	vst v15;
	v8 =	vadd.f32 v8, v12;
	v12 =	vld [tilespmem:s8+$0x470]  }
0x1e6: {  	[tilespmem:s8+$0x410] =	vst v9;
	v7 =	vadd.f32 v7, v10  }
0x1e7: {  	[tilespmem:s8+$0x420] =	vst v8;
	v6 =	vadd.f32 v6, v11  }
0x1e8: {  	[tilespmem:s8+$0x430] =	vst v7;
	v5 =	vadd.f32 v5, v14  }
0x1e9: {  	[tilespmem:s8+$0x440] =	vst v6;
	v4 =	vadd.f32 v4, v13  }
0x1ea: {  	[tilespmem:s8+$0x450] =	vst v5;
	v3 =	vadd.f32 v3, v12  }
0x1eb: {  	[tilespmem:s8+$0x460] =	vst v4  }
0x1ec: {  	[tilespmem:s8+$0x470] =	vst v3  }
0x1ed: {  	[tilespmem:s10], [sflag:$0x1] =	stream.indirect.gather [hbm4b:s2+s9], $0x80, s19, s9, $0xb8;
	[tilespmem:$0x14080] =	vst v63  }
0x1ee: {  	_ =	swait.ge [sflag:s18], $0x4000  }
0x1ef: {  	s3 =	sshll.u32 s7, $0x4;
	[sflag:s18] =	ssyncset.done $0x0  }
0x1f0: {  	s3 =	sadd.s32 s6, s3;
	s8 =	simm.s32 $0x0;
	[sflag:s18] =	ssyncadd.s32 $0xFFFFC000  }
0x1f1: {  	[hbm4b:s3+s8] =	stream.linear.scatter [tilespmem:s10], [sflag:$0x1], $0x4000, $0x38;
	[tilespmem:$0x14080] =	vst v63  }
0x1f2: {  	s7 =	sadd.s32 $0x1D4C0, s1;
	_ =	swait.ge [sflag:s18], $0x4000  }
0x1f3: {  	s11 =	sshrl.u32 s7, $0x3;
	[sflag:s18] =	ssyncset.done $0x0  }
0x1f4: {  	s3 =	sadd.s32 s5, s11;
	[sflag:s18] =	ssyncadd.s32 $0xFFFFC000  }
0x1f5: {  	[tilespmem:s19], [sflag:$0x1] =	stream.linear.gather [hbm4b:s3+s8], $0x80, $0x38;
	[tilespmem:$0x14080] =	vst v63  }
0x1f6: {  	_ =	swait.ge [sflag:s18], $0x80  }
0x1f7: {  	[sflag:s18] =	ssyncset.done $0x0  }
0x1f8: {  	[sflag:s18] =	ssyncadd.s32 $0xFFFFFF80  }
0x1f9: {  	v3 =	vld [tilespmem:$0x14000];
	_ =	sdelay $0x4  }
0x1fa: {  	v4 =	vshll.u32 v3, $0x1  }
0x1fb: {  	v3 =	vand.u32 $0x7, v3;
	v4 =	vand.u32 $0xFFFFFFF0, v4  }
0x1fc: {  	v3 =	vor.u32 v3, v4  }
0x1fd: {  	v4 =	vperm.xlane v3, v0;
	_ =	sdelay $0x1  }
0x1fe: {  	v3 =	vperm.xlane v3, v2;
	v4 =	vadd.s32 v1, v4;
	_ =	sdelay $0x1  }
0x1ff: {  	v3 =	vadd.s32 v1, v3;
	_ =	sdelay $0x1  }
0x200: {  	s15 =	simm.s32 $0x8000  }
0x201: {  	[tilespmem:s15], [sflag:$0x1] =	stream.indirect_vreg.gather [hbm4b:s4+s8], $0x80, v4, vm0, $0xb8;
	[tilespmem:$0x14080] =	vst v63  }
0x202: {  	_ = 	snop  }
0x203: {  	[tilespmem:s12], [sflag:$0x1] =	stream.indirect_vreg.gather [hbm4b:s4+s8], $0x80, v3, vm0, $0xb8;
	[tilespmem:$0x14080] =	vst v63  }
0x204: {  	v3 =	vld [tilespmem:$0x14010];
	_ =	sdelay $0x4  }
0x205: {  	v4 =	vshll.u32 v3, $0x1  }
0x206: {  	v3 =	vand.u32 $0x7, v3;
	v4 =	vand.u32 $0xFFFFFFF0, v4  }
0x207: {  	v3 =	vor.u32 v3, v4  }
0x208: {  	v4 =	vperm.xlane v3, v0;
	_ =	sdelay $0x1  }
0x209: {  	v3 =	vperm.xlane v3, v2;
	v4 =	vadd.s32 v1, v4;
	_ =	sdelay $0x1  }
0x20a: {  	v3 =	vadd.s32 v1, v3;
	_ =	sdelay $0x2  }
0x20b: {  	[tilespmem:s13], [sflag:$0x1] =	stream.indirect_vreg.gather [hbm4b:s4+s8], $0x80, v4, vm0, $0xb8;
	[tilespmem:$0x14080] =	vst v63  }
0x20c: {  	_ = 	snop  }
0x20d: {  	[tilespmem:s14], [sflag:$0x1] =	stream.indirect_vreg.gather [hbm4b:s4+s8], $0x80, v3, vm0, $0xb8;
	[tilespmem:$0x14080] =	vst v63  }
0x20e: {  	v3 =	vld [tilespmem:$0x14020];
	_ =	sdelay $0x4  }
0x20f: {  	v4 =	vshll.u32 v3, $0x1  }
0x210: {  	v3 =	vand.u32 $0x7, v3;
	v4 =	vand.u32 $0xFFFFFFF0, v4  }
0x211: {  	v3 =	vor.u32 v3, v4  }
0x212: {  	v4 =	vperm.xlane v3, v0;
	_ =	sdelay $0x1  }
0x213: {  	v3 =	vperm.xlane v3, v2;
	v4 =	vadd.s32 v1, v4;
	_ =	sdelay $0x1  }
0x214: {  	v3 =	vadd.s32 v1, v3;
	_ =	sdelay $0x2  }
0x215: {  	[tilespmem:s17], [sflag:$0x1] =	stream.indirect_vreg.gather [hbm4b:s4+s8], $0x80, v4, vm0, $0xb8;
	[tilespmem:$0x14080] =	vst v63  }
0x216: {  	_ = 	snop  }
0x217: {  	[tilespmem:s20], [sflag:$0x1] =	stream.indirect_vreg.gather [hbm4b:s4+s8], $0x80, v3, vm0, $0xb8;
	[tilespmem:$0x14080] =	vst v63  }
0x218: {  	v3 =	vld [tilespmem:$0x14030];
	_ =	sdelay $0x4  }
0x219: {  	v4 =	vshll.u32 v3, $0x1  }
0x21a: {  	v3 =	vand.u32 $0x7, v3;
	v4 =	vand.u32 $0xFFFFFFF0, v4  }
0x21b: {  	v3 =	vor.u32 v3, v4  }
0x21c: {  	v4 =	vperm.xlane v3, v0;
	_ =	sdelay $0x1  }
0x21d: {  	v3 =	vperm.xlane v3, v2;
	v4 =	vadd.s32 v1, v4;
	_ =	sdelay $0x1  }
0x21e: {  	v3 =	vadd.s32 v1, v3;
	_ =	sdelay $0x2  }
0x21f: {  	[tilespmem:s21], [sflag:$0x1] =	stream.indirect_vreg.gather [hbm4b:s4+s8], $0x80, v4, vm0, $0xb8;
	[tilespmem:$0x14080] =	vst v63  }
0x220: {  	_ = 	snop  }
0x221: {  	[tilespmem:s22], [sflag:$0x1] =	stream.indirect_vreg.gather [hbm4b:s4+s8], $0x80, v3, vm0, $0xb8;
	[tilespmem:$0x14080] =	vst v63  }
0x222: {  	v3 =	vld [tilespmem:$0x14040];
	_ =	sdelay $0x4  }
0x223: {  	v4 =	vshll.u32 v3, $0x1  }
0x224: {  	v3 =	vand.u32 $0x7, v3;
	v4 =	vand.u32 $0xFFFFFFF0, v4  }
0x225: {  	v3 =	vor.u32 v3, v4  }
0x226: {  	v4 =	vperm.xlane v3, v0;
	_ =	sdelay $0x1  }
0x227: {  	v3 =	vperm.xlane v3, v2;
	v4 =	vadd.s32 v1, v4;
	_ =	sdelay $0x1  }
0x228: {  	v3 =	vadd.s32 v1, v3;
	_ =	sdelay $0x2  }
0x229: {  	[tilespmem:s23], [sflag:$0x1] =	stream.indirect_vreg.gather [hbm4b:s4+s8], $0x80, v4, vm0, $0xb8;
	[tilespmem:$0x14080] =	vst v63  }
0x22a: {  	_ = 	snop  }
0x22b: {  	[tilespmem:s24], [sflag:$0x1] =	stream.indirect_vreg.gather [hbm4b:s4+s8], $0x80, v3, vm0, $0xb8;
	[tilespmem:$0x14080] =	vst v63  }
0x22c: {  	v3 =	vld [tilespmem:$0x14050];
	_ =	sdelay $0x4  }
0x22d: {  	v4 =	vshll.u32 v3, $0x1  }
0x22e: {  	v3 =	vand.u32 $0x7, v3;
	v4 =	vand.u32 $0xFFFFFFF0, v4  }
0x22f: {  	v3 =	vor.u32 v3, v4  }
0x230: {  	v4 =	vperm.xlane v3, v0;
	_ =	sdelay $0x1  }
0x231: {  	v3 =	vperm.xlane v3, v2;
	v4 =	vadd.s32 v1, v4;
	_ =	sdelay $0x1  }
0x232: {  	v3 =	vadd.s32 v1, v3;
	_ =	sdelay $0x2  }
0x233: {  	[tilespmem:s25], [sflag:$0x1] =	stream.indirect_vreg.gather [hbm4b:s4+s8], $0x80, v4, vm0, $0xb8;
	[tilespmem:$0x14080] =	vst v63  }
0x234: {  	_ = 	snop  }
0x235: {  	[tilespmem:s26], [sflag:$0x1] =	stream.indirect_vreg.gather [hbm4b:s4+s8], $0x80, v3, vm0, $0xb8;
	[tilespmem:$0x14080] =	vst v63  }
0x236: {  	v3 =	vld [tilespmem:$0x14060];
	_ =	sdelay $0x4  }
0x237: {  	v4 =	vshll.u32 v3, $0x1  }
0x238: {  	v3 =	vand.u32 $0x7, v3;
	v4 =	vand.u32 $0xFFFFFFF0, v4  }
0x239: {  	v3 =	vor.u32 v3, v4  }
0x23a: {  	v4 =	vperm.xlane v3, v0;
	_ =	sdelay $0x1  }
0x23b: {  	v3 =	vperm.xlane v3, v2;
	v4 =	vadd.s32 v1, v4;
	_ =	sdelay $0x1  }
0x23c: {  	v3 =	vadd.s32 v1, v3;
	_ =	sdelay $0x2  }
0x23d: {  	[tilespmem:s28], [sflag:$0x1] =	stream.indirect_vreg.gather [hbm4b:s4+s8], $0x80, v4, vm0, $0xb8;
	[tilespmem:$0x14080] =	vst v63  }
0x23e: {  	_ = 	snop  }
0x23f: {  	[tilespmem:s29], [sflag:$0x1] =	stream.indirect_vreg.gather [hbm4b:s4+s8], $0x80, v3, vm0, $0xb8;
	[tilespmem:$0x14080] =	vst v63  }
0x240: {  	v3 =	vld [tilespmem:$0x14070];
	_ =	sdelay $0x4  }
0x241: {  	v4 =	vshll.u32 v3, $0x1  }
0x242: {  	v3 =	vand.u32 $0x7, v3;
	v4 =	vand.u32 $0xFFFFFFF0, v4  }
0x243: {  	v3 =	vor.u32 v3, v4  }
0x244: {  	v4 =	vperm.xlane v3, v0;
	_ =	sdelay $0x1  }
0x245: {  	v3 =	vperm.xlane v3, v2;
	v4 =	vadd.s32 v1, v4;
	_ =	sdelay $0x1  }
0x246: {  	v3 =	vadd.s32 v1, v3;
	_ =	sdelay $0x2  }
0x247: {  	[tilespmem:s30], [sflag:$0x1] =	stream.indirect_vreg.gather [hbm4b:s4+s8], $0x80, v4, vm0, $0xb8;
	[tilespmem:$0x14080] =	vst v63  }
0x248: {  	_ = 	snop  }
0x249: {  	[tilespmem:s31], [sflag:$0x1] =	stream.indirect_vreg.gather [hbm4b:s4+s8], $0x80, v3, vm0, $0xb8;
	[tilespmem:$0x14080] =	vst v63  }
0x24a: {  	_ =	swait.ge [sflag:s18], $0x8000  }
0x24b: {  	s16 =	sand.u32 $0x7800, s8;
	s8 =	sand.u32 $0x380, s8;
	[sflag:s18] =	ssyncset.done $0x0  }
0x24c: {  	s8 =	sor.u32 s8, s16;
	[sflag:s18] =	ssyncadd.s32 $0xFFFF8000  }
0x24d: {  	v10 =	vld [tilespmem:s8+$0x8000]  }
0x24e: {  	v11 =	vld [tilespmem:s8+$0x8010]  }
0x24f: {  	v12 =	vld [tilespmem:s8+$0x8020]  }
0x250: {  	v13 =	vld [tilespmem:s8+$0x8030]  }
0x251: {  	v14 =	vld [tilespmem:s8+$0x8040]  }
0x252: {  	v15 =	vld [tilespmem:s8+$0x8050]  }
0x253: {  	v16 =	vld [tilespmem:s8+$0x8060]  }
0x254: {  	v17 =	vld [tilespmem:s8+$0x8070]  }
0x255: {  	v18 =	vld [tilespmem:s8+$0x8400]  }
0x256: {  	v9 =	vld [tilespmem:s8+$0x8410]  }
0x257: {  	v8 =	vld [tilespmem:s8+$0x8420]  }
0x258: {  	v7 =	vld [tilespmem:s8+$0x8430]  }
0x259: {  	v6 =	vld [tilespmem:s8+$0x8440]  }
0x25a: {  	v5 =	vld [tilespmem:s8+$0x8450]  }
0x25b: {  	v4 =	vld [tilespmem:s8+$0x8460]  }
0x25c: {  	v3 =	vld [tilespmem:s8+$0x8470]  }
0x25d: {  	v19 =	vld [tilespmem:s8+$0x0]  }
0x25e: {  	v20 =	vld [tilespmem:s8+$0x10]  }
0x25f: {  	v21 =	vld [tilespmem:s8+$0x20]  }
0x260: {  	v22 =	vld [tilespmem:s8+$0x30]  }
0x261: {  	v23 =	vld [tilespmem:s8+$0x40]  }
0x262: {  	v10 =	vadd.f32 v10, v19;
	v19 =	vld [tilespmem:s8+$0x50]  }
0x263: {  	v61 =	vld [tilespmem:s8+$0x60];
	v11 =	vadd.f32 v11, v20  }
0x264: {  	v62 =	vld [tilespmem:s8+$0x70];
	[tilespmem:s8+$0x0] =	vst v10;
	v10 =	vadd.f32 v12, v21  }
0x265: {  	v63 =	vld [tilespmem:s8+$0x400];
	[tilespmem:s8+$0x10] =	vst v11;
	v11 =	vadd.f32 v13, v22  }
0x266: {  	v13 =	vld [tilespmem:s8+$0x410];
	[tilespmem:s8+$0x20] =	vst v10;
	v10 =	vadd.f32 v14, v23  }
0x267: {  	v12 =	vld [tilespmem:s8+$0x420];
	[tilespmem:s8+$0x30] =	vst v11;
	v11 =	vadd.f32 v15, v19  }
0x268: {  	v14 =	vadd.f32 v16, v61;
	[tilespmem:s8+$0x40] =	vst v10;
	v10 =	vld [tilespmem:s8+$0x430]  }
0x269: {  	v16 =	vadd.f32 v17, v62;
	[tilespmem:s8+$0x50] =	vst v11;
	v11 =	vld [tilespmem:s8+$0x440]  }
0x26a: {  	s15 =	simm.s32 $0x80;
	s16 =	simm.s32 $0x100;
	v15 =	vadd.f32 v18, v63;
	[tilespmem:s8+$0x60] =	vst v14;
	v14 =	vld [tilespmem:s8+$0x450]  }
.LBB2_7:
0x26b: {  	s3 =	sand.u32 $0x7800, s16;
	s11 =	sand.u32 $0x380, s15;
	p1 =	sne.s32 s16, $0x7F00;
	[tilespmem:s8+$0x70] =	vst v16;
	v9 =	vadd.f32 v9, v13;
	v13 =	vld [tilespmem:s8+$0x460]  }
0x26c: {  	s3 =	sor.u32 s11, s3;
	[tilespmem:s8+$0x400] =	vst v15;
	v8 =	vadd.f32 v8, v12;
	v12 =	vld [tilespmem:s8+$0x470]  }
0x26d: {  	v15 =	vld [tilespmem:s3+$0x8000];
	[tilespmem:s8+$0x410] =	vst v9;
	v7 =	vadd.f32 v7, v10  }
0x26e: {  	v10 =	vld [tilespmem:s3+$0x8010];
	[tilespmem:s8+$0x420] =	vst v8;
	v6 =	vadd.f32 v6, v11  }
0x26f: {  	v11 =	vld [tilespmem:s3+$0x8020];
	[tilespmem:s8+$0x430] =	vst v7;
	v5 =	vadd.f32 v5, v14  }
0x270: {  	v14 =	vld [tilespmem:s3+$0x8030];
	[tilespmem:s8+$0x440] =	vst v6;
	v4 =	vadd.f32 v4, v13  }
0x271: {  	v13 =	vld [tilespmem:s3+$0x8040];
	[tilespmem:s8+$0x450] =	vst v5;
	v3 =	vadd.f32 v3, v12  }
0x272: {  	v12 =	vld [tilespmem:s3+$0x8050];
	[tilespmem:s8+$0x460] =	vst v4  }
0x273: {  	v16 =	vld [tilespmem:s3+$0x8060];
	[tilespmem:s8+$0x470] =	vst v3;
	s8 =	smov.u32 s3  }
0x274: {  	v17 =	vld [tilespmem:s8+$0x8070]  }
0x275: {  	v18 =	vld [tilespmem:s8+$0x8400]  }
0x276: {  	v9 =	vld [tilespmem:s8+$0x8410]  }
0x277: {  	v8 =	vld [tilespmem:s8+$0x8420]  }
0x278: {  	v7 =	vld [tilespmem:s8+$0x8430]  }
0x279: {  	v6 =	vld [tilespmem:s8+$0x8440]  }
0x27a: {  	v5 =	vld [tilespmem:s8+$0x8450]  }
0x27b: {  	v4 =	vld [tilespmem:s8+$0x8460]  }
0x27c: {  	v3 =	vld [tilespmem:s8+$0x8470]  }
0x27d: {  	v19 =	vld [tilespmem:s8+$0x0]  }
0x27e: {  	v20 =	vld [tilespmem:s8+$0x10]  }
0x27f: {  	v21 =	vld [tilespmem:s8+$0x20]  }
0x280: {  	v22 =	vld [tilespmem:s8+$0x30]  }
0x281: {  	v23 =	vld [tilespmem:s8+$0x40]  }
0x282: {  	v15 =	vadd.f32 v15, v19;
	v19 =	vld [tilespmem:s8+$0x50]  }
0x283: {  	v10 =	vadd.f32 v10, v20;
	v20 =	vld [tilespmem:s8+$0x60]  }
0x284: {  	[tilespmem:s8+$0x0] =	vst v15;
	v11 =	vadd.f32 v11, v21;
	v15 =	vld [tilespmem:s8+$0x70]  }
0x285: {  	[tilespmem:s8+$0x10] =	vst v10;
	v10 =	vadd.f32 v14, v22;
	v14 =	vld [tilespmem:s8+$0x400]  }
.Ltmp2:
0x286: {  	[tilespmem:s8+$0x20] =	vst v11;
	v11 =	vadd.f32 v13, v23;
	v13 =	vld [tilespmem:s8+$0x410];
	(pc) =	sbr.rel @p1 .LBB2_7-.Ltmp2, $4  }
0x287: {  	[tilespmem:s8+$0x30] =	vst v10;
	v19 =	vadd.f32 v12, v19;
	v12 =	vld [tilespmem:s8+$0x420]  }
0x288: {  	[tilespmem:s8+$0x40] =	vst v11;
	v20 =	vadd.f32 v16, v20;
	v10 =	vld [tilespmem:s8+$0x430]  }
0x289: {  	[tilespmem:s8+$0x50] =	vst v19;
	v16 =	vadd.f32 v17, v15;
	v11 =	vld [tilespmem:s8+$0x440]  }
0x28a: {  	s15 =	sadd.s32 $0x80, s15;
	s16 =	sadd.s32 $0x100, s16;
	[tilespmem:s8+$0x60] =	vst v20;
	v15 =	vadd.f32 v18, v14;
	v14 =	vld [tilespmem:s8+$0x450]  }
0x28b: {  	[tilespmem:s8+$0x70] =	vst v16;
	v9 =	vadd.f32 v9, v13;
	v62 =	vld [tilespmem:s8+$0x460]  }
0x28c: {  	v63 =	vld [tilespmem:s8+$0x470];
	[tilespmem:s8+$0x400] =	vst v15;
	v8 =	vadd.f32 v8, v12  }
0x28d: {  	[tilespmem:s8+$0x410] =	vst v9;
	v7 =	vadd.f32 v7, v10  }
0x28e: {  	[tilespmem:s8+$0x420] =	vst v8;
	v6 =	vadd.f32 v6, v11  }
0x28f: {  	[tilespmem:s8+$0x430] =	vst v7;
	v5 =	vadd.f32 v5, v14  }
0x290: {  	[tilespmem:s8+$0x440] =	vst v6;
	v4 =	vadd.f32 v4, v62  }
0x291: {  	v3 =	vadd.f32 v3, v63;
	[tilespmem:s8+$0x450] =	vst v5  }
0x292: {  	[tilespmem:s8+$0x460] =	vst v4  }
0x293: {  	[tilespmem:s8+$0x470] =	vst v3  }
0x294: {  	[tilespmem:s10], [sflag:$0x1] =	stream.indirect.gather [hbm4b:s2+s9], $0x80, s19, s9, $0xb8;
	[tilespmem:$0x14080] =	vst v63  }
0x295: {  	_ =	swait.ge [sflag:s18], $0x4000  }
0x296: {  	s3 =	sshll.u32 s7, $0x4;
	[sflag:s18] =	ssyncset.done $0x0  }
0x297: {  	s15 =	simm.s32 $0x0;
	s3 =	sadd.s32 s6, s3;
	[sflag:s18] =	ssyncadd.s32 $0xFFFFC000  }
0x298: {  	[hbm4b:s3+s15] =	stream.linear.scatter [tilespmem:s10], [sflag:$0x1], $0x4000, $0x38;
	[tilespmem:$0x14080] =	vst v63  }
0x299: {  	s1 =	sshll.u32 s1, $0x5;
	s0 =	sadd.s32 $0x1, s0;
	_ =	swait.ge [sflag:s18], $0x4000  }
0x29a: {  	p1 =	sne.s32 s0, $0xA;
	[sflag:s18] =	ssyncset.done $0x0;
	s16 =	rddreg [dreg:$0xd]  }
.Ltmp3:
0x29b: {  	[sflag:s18] =	ssyncadd.s32 $0xFFFFC000;
	s1 =	sadd.s32 s1, s16;
	(pc) =	sbr.rel @p1 .LBB2_2-.Ltmp3, $4  }
0x29c: {  	[hbm4b:s1+s15] =	stream.linear.scatter [tilespmem:s15], [sflag:$0x1], $0x8000, $0x38;
	[tilespmem:$0x14080] =	vst v63  }
0x29d: {  	_ =	swait.ge [sflag:s18], $0x8000  }
0x29e: {  	[sflag:s18] =	ssyncset.done $0x0  }
0x29f: {  	[sflag:s18] =	ssyncadd.s32 $0xFFFF8000  }
0x2a0: {  	s1 =	rddreg [dreg:$0xf]  }
0x2a1: {  	s0 =	rddreg [dreg:$0xe];
	s1 =	sadd.s32 $0x1, s1  }
0x2a2: {  	p1 =	sne.s32 s1, s0  }
.Ltmp4:
0x2a3: {  	_ = 	snop;
	(pc) =	sbr.rel @p1 .LBB2_1-.Ltmp4, $1  }
0x2a4: {  	_ =	sdelay $0x3  }
0x2a5: {  	_ =	sfence.sel $0x180000  }
0x2a6: {  	[bflag:$0x0] =	sbarrier.arrive $0xFFFF  }
0x2a7: {  	_ =	strace $0x9000004A  }
0x2a8: {  	s0 =	stileid.u32;
	[bflag:$0x2] =	sbarrier.arrive $0xFFFF  }
0x2a9: {  	p0 =	sne.s32 s0, $0x0;
	s0 =	rddreg [dreg:$0x3]  }
0x2aa: {  	s0 =	sadd.s32 @!p0 $0x100000, s0  }
0x2ab: {  	[sflag:s0] =	ssyncadd.tile.s32 @!p0 $0x1;
	_ =	shalt  }
.Lfunc_end2:
_tile_overlayer_lowered:
.L_overlay_start_2:
0x2ac: {  	(tag) =	ssettag $0x2  }
0x2ad: {  	s0 =	rddreg [dreg:$0x0];
	s2 =	stileid.u32  }
0x2ae: {  	s1 =	rddreg [dreg:$0x1];
	p0 =	sne.s32 s2, $0x0  }
0x2af: {  	s3 =	rddreg [dreg:$0x2];
	[bflag:$0x3] =	sbarrier.arrive $0xFFFF;
	s2 =	simm.s32 @!p0 $0x1C01  }
0x2b0: {  	[timem:s3], [sflag:s2] =	dma.local @!p0 [hbm:s0], s1  }
0x2b1: {  	s0 =	simm.s32 @!p0 $0x1  }
0x2b2: {  	_ =	swait.ge @!p0 [sflag:s0], s1  }
0x2b3: {  	s1 =	ssub.s32 @!p0 $0x0, s1;
	[sflag:s0] =	ssyncset.done @!p0 $0x0  }
0x2b4: {  	[sflag:s0] =	ssyncadd.s32 @!p0 s1  }
0x2b5: {  	[bflag:$0x3] =	sbarrier.arrive $0xFFFF  }
0x2b6: {  	_ =	shalt  }

// kernel: kernel.16.cloned.1.call-start
scs
__scs_entry_jumppad:
0x0: {  	(pc) =	sbr.rel $0x88, $3  }
0x1: {  	(tag) =	ssettag $0x0;
	lr =	simm.s32 $0x1  }
0x2: {  	[smem:$0x3F96] =	sst lr;
	_ =	strace $0xD0000000  }
0x3: {  	_ = 	snop  }
0x4: {  	_ = 	snop  }
0x5: {  	_ = 	snop  }
0x6: {  	_ = 	snop  }
0x7: {  	_ = 	snop  }
__scs_overlays_trampoline_lowered:
0x8: {  	[smem:$0x3FA5] =	sst s0  }
0x9: {  	[smem:$0x3FA6] =	sst s1  }
0xa: {  	[smem:$0x3FA7] =	sst s2  }
0xb: {  	[smem:$0x3FA8] =	sst s3  }
0xc: {  	[smem:$0x3FA9] =	sst s4  }
0xd: {  	[smem:$0x3FAA] =	sst s5  }
0xe: {  	[smem:$0x3FAB] =	sst s6  }
0xf: {  	[smem:$0x3FAC] =	sst s7  }
0x10: {  	[smem:$0x3FAD] =	sst s8  }
0x11: {  	[smem:$0x3FAE] =	sst s9;
	s0 =	simm.s32 @!p0 $0x0  }
0x12: {  	s1 =	sld [smem:$0x3F94];
	s0 =	simm.s32 @p0 $0x1  }
0x13: {  	[smem:$0x3FAF] =	sst s0;
	s0 =	simm.s32 @!p1 $0x0  }
0x14: {  	s2 =	sld [smem:$0x3F93];
	s0 =	simm.s32 @p1 $0x1  }
0x15: {  	[smem:$0x3FB0] =	sst s0;
	s0 =	simm.s32 @!p2 $0x0  }
0x16: {  	s3 =	sld [smem:$0x3FDB];
	s0 =	simm.s32 @p2 $0x1  }
0x17: {  	s4 =	simm.s32 $0x1BF5;
	[smem:$0x3FB2] =	sst s0  }
0x18: {  	s0 =	sld [smem:$0x3F95];
	_ =	swait.ge [sflag:s4], $0x0  }
0x19: {  	s7 =	sld [smem:$0x3F96]  }
0x1a: {  	s8 =	sadd.s32 $0xFFFFE003, lr  }
0x1b: {  	s9 =	sadd.s32 $0xFFFFFEF7, lr;
	s5 =	simm.s32 $0xFFFFFFFF;
	p2 =	slt.u32 s8, $0xFFFFF086  }
0x1c: {  	p1 =	slt.u32 s9, $0xF7A;
	s5 =	simm.s32 @!p2 $0x0  }
0x1d: {  	s5 =	simm.s32 @p1 $0x1;
	p0 =	seq.s32 s7, s2  }
0x1e: {  	s7 =	smul.u32 @!p0 $0xF7A, s2;
	p2 =	seq.s32 @!p0 s5, $0x0  }
0x1f: {  	s9 =	smul.u32 $0xF7A, s1;
	s8 =	simm.s32 @!p0 $0x1BF5;
	p2 =	por !p2, p0  }
0x20: {  	[sflag:s8] =	ssyncset.s32 @!p0 $0xFFFFF086;
	s6 =	sadd.s32 @!p0 s3, s7;
	s7 =	simm.s32 @!p0 $0x108  }
0x21: {  	s3 =	sadd.s32 s3, s9;
	s6 =	sadd.s32 @!p0 $0x88, s6;
	s7 =	simm.s32 @p2 $0x1082  }
0x22: {  	[simem:s7], [sflag:s8] =	dma.local @!p0 [hbm:s6], $0xF7A  }
0x23: {  	s9 =	sor.u32 $0xD0000000, s2;
	s6 =	simm.s32 $0x108;
	_ =	swait.ge @!p0 [sflag:s8], $0x0  }
0x24: {  	s3 =	sadd.s32 $0x88, s3;
	s6 =	simm.s32 @!p1 $0x1082;
	[sflag:s4] =	ssyncset.s32 $0xFFFFF086  }
0x25: {  	[simem:s6], [sflag:s4] =	dma.local [hbm:s3], $0xF7A  }
0x26: {  	[smem:$0x3F96] =	sst s1;
	(tag) =	ssettag s2;
	_ =	strace s9  }
0x27: {  	s1 =	sld [smem:$0x3FA6]  }
0x28: {  	s2 =	sld [smem:$0x3FA7]  }
0x29: {  	s4 =	sld [smem:$0x3FA9]  }
0x2a: {  	p0 =	seq.s32 s5, $0x0;
	s5 =	sld [smem:$0x3FAA]  }
0x2b: {  	s6 =	sld [smem:$0x3FAB]  }
0x2c: {  	s7 =	sld [smem:$0x3FAC]  }
0x2d: {  	s3 =	simm.s32 $0x108;
	s8 =	sld [smem:$0x3FAD]  }
0x2e: {  	s3 =	simm.s32 @!p0 $0x1082;
	s9 =	sld [smem:$0x3FAE]  }
0x2f: {  	lr =	sadd.s32 s0, s3;
	s0 =	sld [smem:$0x3FA5]  }
0x30: {  	s3 =	sld [smem:$0x3FA8]  }
0x31: {  	[smem:$0x3FB1] =	sst s10  }
0x32: {  	s10 =	sld [smem:$0x3FAF];
	_ =	sdelay $0x3  }
0x33: {  	p0 =	seq.s32 s10, $0x1;
	s10 =	sld [smem:$0x3FB1];
	_ =	sdelay $0x3  }
0x34: {  	[smem:$0x3FB1] =	sst s10  }
0x35: {  	s10 =	sld [smem:$0x3FB0];
	_ =	sdelay $0x3  }
0x36: {  	p1 =	seq.s32 s10, $0x1;
	s10 =	sld [smem:$0x3FB1];
	_ =	sdelay $0x3  }
0x37: {  	[smem:$0x3FB1] =	sst s10  }
0x38: {  	s10 =	sld [smem:$0x3FB2]  }
0x39: {  	_ = 	snop;
	(pc) =	sbr.ind lr, $3  }
0x3a: {  	_ = 	snop  }
0x3b: {  	_ = 	snop  }
0x3c: {  	p2 =	seq.s32 s10, $0x1;
	s10 =	sld [smem:$0x3FB1]  }
0x3d: {  	_ =	shalt  }
0x3e: {  	_ =	shalt  }
0x3f: {  	_ =	shalt  }
0x40: {  	_ =	shalt  }
0x41: {  	_ =	shalt  }
0x42: {  	_ =	shalt  }
0x43: {  	_ =	shalt  }
0x44: {  	_ =	shalt  }
0x45: {  	_ =	shalt  }
0x46: {  	_ =	shalt  }
0x47: {  	_ =	shalt  }
0x48: {  	_ =	shalt  }
0x49: {  	_ =	shalt  }
0x4a: {  	_ =	shalt  }
0x4b: {  	_ =	shalt  }
0x4c: {  	_ =	shalt  }
0x4d: {  	_ =	shalt  }
0x4e: {  	_ =	shalt  }
0x4f: {  	_ =	shalt  }
0x50: {  	_ =	shalt  }
0x51: {  	_ =	shalt  }
0x52: {  	_ =	shalt  }
0x53: {  	_ =	shalt  }
0x54: {  	_ =	shalt  }
0x55: {  	_ =	shalt  }
0x56: {  	_ =	shalt  }
0x57: {  	_ =	shalt  }
0x58: {  	_ =	shalt  }
0x59: {  	_ =	shalt  }
0x5a: {  	_ =	shalt  }
0x5b: {  	_ =	shalt  }
0x5c: {  	_ =	shalt  }
0x5d: {  	_ =	shalt  }
0x5e: {  	_ =	shalt  }
0x5f: {  	_ =	shalt  }
0x60: {  	_ =	shalt  }
0x61: {  	_ =	shalt  }
0x62: {  	_ =	shalt  }
0x63: {  	_ =	shalt  }
0x64: {  	_ =	shalt  }
0x65: {  	_ =	shalt  }
0x66: {  	_ =	shalt  }
0x67: {  	_ =	shalt  }
0x68: {  	_ =	shalt  }
0x69: {  	_ =	shalt  }
0x6a: {  	_ =	shalt  }
0x6b: {  	_ =	shalt  }
0x6c: {  	_ =	shalt  }
0x6d: {  	_ =	shalt  }
0x6e: {  	_ =	shalt  }
0x6f: {  	_ =	shalt  }
0x70: {  	_ =	shalt  }
0x71: {  	_ =	shalt  }
0x72: {  	_ =	shalt  }
0x73: {  	_ =	shalt  }
0x74: {  	_ =	shalt  }
0x75: {  	_ =	shalt  }
0x76: {  	_ =	shalt  }
0x77: {  	_ =	shalt  }
0x78: {  	_ =	shalt  }
0x79: {  	_ =	shalt  }
0x7a: {  	_ =	shalt  }
0x7b: {  	_ =	shalt  }
0x7c: {  	_ =	shalt  }
0x7d: {  	_ =	shalt  }
0x7e: {  	_ =	shalt  }
0x7f: {  	_ =	shalt  }
0x80: {  	_ =	shalt  }
0x81: {  	_ =	shalt  }
0x82: {  	_ =	shalt  }
0x83: {  	_ =	shalt  }
0x84: {  	_ =	shalt  }
0x85: {  	_ =	shalt  }
0x86: {  	_ =	shalt  }
0x87: {  	_ =	shalt  }
.Lfunc_end0:
.L_simem_size_0:
called_computation.2_lowered:
.L_overlay_start_0:
0x88: {  	s2 =	sld [smem:$0x3FD9]  }
0x89: {  	s3 =	sld [smem:$0x3FFE];
	_ =	sdelay $0x1  }
0x8a: {  	s1 =	srdreg.scid  }
0x8b: {  	s0 =	sand.u32 $0x1, s1  }
0x8c: {  	s16 =	sshll.u32 s0, $0xA;
	s2 =	sadd.s32 s3, s2  }
0x8d: {  	s2 =	sadd.s32 s2, s16  }
0x8e: {  	[smem:$0x3FBD] =	sst s2  }
0x8f: {  	_ = 	snop  }
0x90: {  	(tm) =	ssettm $0x1  }
0x91: {  	s17 =	sld [smem:$0x3FFB];
	_ =	sdelay $0x3  }
0x92: {  	_ =	strace s17  }
0x93: {  	s2 =	sld [smem:$0x3FFC];
	_ =	sdelay $0x3  }
0x94: {  	_ =	strace s2  }
0x95: {  	s2 =	sld [smem:$0x3FFD];
	_ =	sdelay $0x3  }
0x96: {  	_ =	strace s2  }
0x97: {  	_ =	strace $0x8FFFFFFF  }
0x98: {  	s18 =	sld [smem:$0x3FDB];
	_ =	sdelay $0x1  }
0x99: {  	s19 =	simm.s32 $_scs_section_size  }
0x9a: {  	s4 =	simm.s32 $_size__tile_overlayer_lowered;
	s5 =	simm.s32 $_tile_overlayer_lowered  }
0x9b: {  	s22 =	simm.s32 $0x1BFF;
	s21 =	sshll.u32 s5, $0x1;
	s2 =	sadd.s32 s19, s18  }
0x9c: {  	s6 =	simm.s32 $0x0;
	s20 =	sshll.u32 s4, $0x1;
	s4 =	sadd.s32 s21, s2  }
0x9d: {  	[timem:s6], [sflag:s22] =	dma.local [hbm:s4], s20  }
0x9e: {  	_ =	swait.ge [sflag:s22], s20  }
0x9f: {  	s3 =	ssub.s32 $0x0, s20;
	[sflag:s22] =	ssyncset.done $0x0  }
0xa0: {  	[sflag:s22] =	ssyncadd.s32 s3;
	_ =	sdelay $0x1  }
0xa1: {  	s23 =	simm.s32 $0x1B8B  }
0xa2: {  	_ =	swait.ge [sflag:s23], $0x1  }
0xa3: {  	[sflag:s23] =	ssyncset.done $0x0  }
0xa4: {  	s25 =	simm.s32 $0x1B8E;
	s24 =	sld [smem:$0x3FFE];
	[sflag:s23] =	ssyncadd.s32 $0xFFFFFFFF  }
0xa5: {  	s26 =	simm.s32 $execute0_lowered;
	[smem:$0x3FD2] =	sst s25  }
0xa6: {  	s4 =	sshll.u32 s26, $0x1;
	_ =	strace $0x8000004C;
	[dreg:$0x1] =	wrdreg $0xFFFFFFFF  }
0xa7: {  	s28 =	simm.s32 $_size_execute0_lowered;
	s2 =	sadd.s32 s2, s4;
	[dreg:$0x0] =	wrdreg $0x0  }
0xa8: {  	s4 =	sshll.u32 s28, $0x1;
	[dreg:$0x2] =	wrdreg s2  }
0xa9: {  	[dreg:$0x3] =	wrdreg s4  }
0xaa: {  	[dreg:$0x4] =	wrdreg $0xC0  }
0xab: {  	_ =	task [dreg:s6], $0x5FFFF  }
0xac: {  	[dreg:$0x1] =	wrdreg $0xFFFFFFFF  }
0xad: {  	[dreg:$0x0] =	wrdreg $0x60  }
0xae: {  	[dreg:$0x2] =	wrdreg s24  }
0xaf: {  	[dreg:$0x3] =	wrdreg $0x1A5800  }
0xb0: {  	[dreg:$0x4] =	wrdreg $0x1B5D00  }
0xb1: {  	[dreg:$0x5] =	wrdreg $0x9  }
0xb2: {  	_ =	task.clear_ibuf [dreg:s6], $0x6FFFF;
	_ =	strace $0x9000004C  }
0xb3: {  	s29 =	simm.s32 $0x9;
	_ =	strace $0x8000004E  }
0xb4: {  	_ =	swait.ge [sflag:s29], $0x1  }
0xb5: {  	[sflag:s29] =	ssyncadd.s32 $0xFFFFFFFF  }
0xb6: {  	_ =	strace $0x9000004E  }
0xb7: {  	_ =	sfence  }
0xb8: {  	s30 =	sld [smem:$0x0];
	_ =	sdelay $0x2  }
0xb9: {  	s31 =	sshll.u32 s1, $0xD;
	s1 =	sshrl.u32 s1, $0x2  }
0xba: {  	s3 =	sand.u32 $0x4000, s31;
	s1 =	sadd.s32 s1, s30  }
0xbb: {  	s0 =	sor.u32 s3, s0;
	s1 =	sshll.u32 s1, $0x11  }
0xbc: {  	s0 =	sor.u32 s1, s0  }
0xbd: {  	s0 =	sadd.s32 $0x8F2B, s0  }
0xbe: {  	[sflag:s0] =	ssyncadd.remote.s32 $0x1  }
0xbf: {  	_ =	sfence.sel $0xFFFF  }
0xc0: {  	[dreg:$0x0] =	wrdreg $0xFFFFFFFF;
	(pc) =	sbr.abs _section_cstart, $3  }
0xc1: {  	[dreg:$0x1] =	wrdreg $0xFFFFFFFF  }
0xc2: {  	_ =	task.clear_ibuf [dreg:s6], $0x2FFFF;
	_ =	strace $0x9FFFFFFF  }
0xc3: {  	(tm) =	ssettm $0x7FFFFFFF  }
tec
execute0_lowered:
.L_overlay_start_1:
0x0: {  	(tag) =	ssettag $0x1  }
0x1: {  	s0 =	rddreg [dreg:$0x0]  }
0x2: {  	s2 =	rddreg [dreg:$0x1]  }
0x3: {  	s11 =	rddreg [dreg:$0x2]  }
0x4: {  	s4 =	simm.s32 $0x0;
	s3 =	stileid.u32;
	s5 =	srdreg.scid  }
0x5: {  	s13 =	simm.s32 $0x2;
	s15 =	simm.s32 $0x7B00;
	s16 =	simm.s32 $0x7B80  }
0x6: {  	s17 =	simm.s32 $0x5A00;
	s18 =	simm.s32 $0x1;
	s19 =	simm.s32 $0x18580  }
0x7: {  	s20 =	simm.s32 $0x18D80;
	s21 =	simm.s32 $0x19580;
	s22 =	simm.s32 $0x19D80  }
0x8: {  	s23 =	simm.s32 $0x7D80;
	[smem:$0x7FF] =	sst s4;
	s1 =	smul.u32 $0x4940, s3  }
0x9: {  	v0 =	vlaneseq.u32;
	v4 =	vimm.f32 $0.0e+00;
	vm0 =	vmmov $0xffff;
	s5 =	sand.u32 $0x1, s5;
	s29 =	smul.u32 $0x4140, s3;
	s7 =	sadd.s32 $0x445600, s0  }
0xa: {  	v2 =	vand.u32 $0x7, v0;
	v5 =	vshrl.u32 v0, $0x3;
	s31 =	sshll.u32 s3, $0x4;
	v6 =	vor.u32 $0x8, v0;
	s14 =	smov.u32 s11;
	_ =	strace $0x8000004D  }
0xb: {  	v7 =	vor.u32 $0x10, v0;
	v8 =	vor.u32 $0x20, v0;
	v9 =	vor.u32 $0x30, v0;
	s9 =	ssub.s32 $0x2, s5;
	s11 =	sadd.s32 s31, s11;
	s6 =	sshrl.u32 s1, $0x3  }
.Ltmp0:
0xc: {  	v10 =	vor.u32 $0x40, v0;
	v11 =	vor.u32 $0x50, v0;
	v12 =	vor.u32 $0x60, v0;
	s1 =	ssub.s32 $0x493E0, s1;
	s10 =	sshrl.u32 s9, $0x1;
	(pc) =	sbr.rel .LBB2_1-.Ltmp0, $4  }
0xd: {  	v13 =	vor.u32 $0x70, v0;
	v14 =	vor.u32 $0x80, v0;
	v15 =	vor.u32 $0x90, v0;
	s8 =	sadd.s32 s6, s0;
	s1 =	smin.u32 s1, $0x4940;
	s6 =	sadd.s32 $0x4DC00, s0  }
0xe: {  	v16 =	vor.u32 $0xA0, v0;
	v17 =	vor.u32 $0xB0, v0;
	v18 =	vor.u32 $0xC0, v0;
	s30 =	ssub.s32 s9, s10;
	s9 =	sshll.u32 s3, $0x8;
	s8 =	sadd.s32 $0x24800, s8  }
0xf: {  	v19 =	vor.u32 $0xD0, v0;
	v20 =	vor.u32 $0xE0, v0;
	v1 =	vmov s1;
	s1 =	sshrl.u32 s29, $0x2;
	s0 =	smax.u32 s30, $0x1;
	[dreg:$0x4] =	wrdreg s8  }
0x10: {  	v21 =	vor.u32 $0xF0, v0;
	v3 =	vmul.u32 $0x10000, v2;
	v5 =	vmul.u32 $0x8, v5;
	s10 =	sadd.s32 s1, s2;
	[dreg:$0x5] =	wrdreg s0;
	s1 =	simm.s32 $0x0  }
.LBB2_23:
0x11: {  	s1 =	rddreg [dreg:$0x6]  }
0x12: {  	s0 =	rddreg [dreg:$0x5];
	s1 =	sadd.s32 $0x1, s1  }
0x13: {  	p0 =	sne.s32 s1, s0  }
.Ltmp1:
0x14: {  	_ = 	snop;
	(pc) =	sbr.rel @!p0 .LBB2_24-.Ltmp1, $1  }
0x15: {  	_ =	sdelay $0x3  }
.LBB2_1:
0x16: {  	[dreg:$0x6] =	wrdreg s1  }
.Ltmp2:
0x17: {  	s0 =	rddreg [dreg:$0x4];
	(pc) =	sbr.rel .LBB2_2-.Ltmp2, $4  }
0x18: {  	[tilespmem:s4], [sflag:$0x2] =	stream.linear.gather [hbm4b:s0+s4], $0x4940, $0x38;
	[tilespmem:$0x1B5E0] =	vst v63  }
0x19: {  	_ =	swait.ge [sflag:s13], $0x4940  }
0x1a: {  	[sflag:s13] =	ssyncset.done $0x0  }
0x1b: {  	s25 =	simm.s32 $0x0;
	[sflag:s13] =	ssyncadd.s32 $0xFFFFB6C0  }
.LBB2_22:
0x1c: {  	s25 =	sadd.s32 $0x1, s25  }
0x1d: {  	p0 =	sne.s32 s25, $0xD  }
.Ltmp3:
0x1e: {  	_ = 	snop;
	(pc) =	sbr.rel @!p0 .LBB2_23-.Ltmp3, $1  }
0x1f: {  	_ =	sdelay $0x3  }
.LBB2_2:
0x20: {  	s0 =	sand.u32 $0x1, s25  }
0x21: {  	p0 =	sne.s32 s0, s5  }
.Ltmp4:
0x22: {  	_ = 	snop;
	(pc) =	sbr.rel @p0 .LBB2_22-.Ltmp4, $1  }
0x23: {  	_ =	sdelay $0x3  }
0x24: {  	s0 =	simm.s32 $0x0  }
0x25: {  	v23 =	vld [tilespmem:s0+$0x0];
	_ =	sdelay $0x4  }
0x26: {  	v22 =	vmov s25;
	v24 =	vor.u32 s0, v0;
	v25 =	vshrl.u32 v23, $0x1C  }
0x27: {  	vm1 =	vlt.u32 v24, v1;
	vm2 =	veq.s32 v25, v22  }
0x28: {  	vm1 =	vmand vm1, vm2  }
0x29: {  	v63 =	vmpcnt.ones.xlane vm1;
	_ =	sdelay $0x1  }
0x2a: {  	v24 =	vxor.u32 $0x80000000, v63  }
0x2b: {  	(xrf0) =	vmax.scan.msk.u32 $0xffff, v24;
	_ =	sdelay $0x5  }
0x2c: {  	v24, _, _ =	vpop (xrf0)  }
0x2d: {  	(v2sf) =	vpush v24, $0xF  }
0x2e: {  	s1 =	simm.s32 $0x10;
	[tilespmem:s0+$0x4980] =	vst.msk vm1, v23  }
0x2f: {  	s8 =	simm.s32 $0x20;
	s12 =	simm.s32 $0x10;
	v23 =	vld [tilespmem:s1+$0x0]  }
.LBB2_4:
0x30: {  	p0 =	sne.s32 s8, $0x4930;
	_ =	sdelay $0x3  }
0x31: {  	v24 =	vor.u32 s1, v0;
	s1 =	smov.u32 s8;
	v25 =	vshrl.u32 v23, $0x1C  }
0x32: {  	vm1 =	vlt.u32 v24, v1;
	vm2 =	veq.s32 v25, v22  }
0x33: {  	vm1 =	vmand vm1, vm2  }
0x34: {  	v24 =	vmpcnt.ones.xlane vm1;
	_ =	sdelay $0x1  }
0x35: {  	v24 =	vxor.u32 $0x80000000, v24  }
0x36: {  	(xrf0) =	vmax.scan.msk.u32 $0xffff, v24;
	_ =	sdelay $0x1  }
0x37: {  	s24 =	spop (v2sf)  }
0x38: {  	s0 =	sadd.s32 s24, s0  }
0x39: {  	s0 =	sadd.s32 $0x80000000, s0  }
.Ltmp5:
0x3a: {  	p1 =	slt.s32 s0, $0x1000;
	(pc) =	sbr.rel @p0 .LBB2_4-.Ltmp5, $4  }
0x3b: {  	v24, _, _ =	vpop (xrf0);
	s0 =	simm.s32 @!p1 $0x1000  }
0x3c: {  	[tilespmem:s0+$0x4980] =	vst.msk vm1, v23;
	(v2sf) =	vpush v24, $0xF  }
0x3d: {  	s12 =	sadd.s32 $0x10, s12  }
0x3e: {  	s8 =	sadd.s32 $0x10, s8;
	v23 =	vld [tilespmem:s12+$0x0]  }
0x3f: {  	_ =	sdelay $0x3  }
0x40: {  	v24 =	vor.u32 s1, v0;
	v25 =	vshrl.u32 v23, $0x1C  }
0x41: {  	vm1 =	vlt.u32 v24, v1;
	vm2 =	veq.s32 v25, v22  }
0x42: {  	vm1 =	vmand vm1, vm2  }
0x43: {  	v22 =	vmpcnt.ones.xlane vm1;
	_ =	sdelay $0x1  }
0x44: {  	v22 =	vxor.u32 $0x80000000, v22  }
0x45: {  	(xrf0) =	vmax.scan.msk.u32 $0xffff, v22;
	_ =	sdelay $0x5  }
0x46: {  	v22, _, _ =	vpop (xrf0)  }
0x47: {  	(v2sf) =	vpush v22, $0xF;
	_ =	sdelay $0xa  }
0x48: {  	s26 =	spop (v2sf)  }
0x49: {  	s0 =	sadd.s32 s26, s0  }
0x4a: {  	s0 =	sadd.s32 $0x80000000, s0  }
0x4b: {  	p0 =	slt.s32 s0, $0x1000  }
0x4c: {  	s0 =	simm.s32 @!p0 $0x1000;
	s29 =	spop (v2sf)  }
0x4d: {  	s1 =	sadd.s32 s29, s0  }
0x4e: {  	s1 =	sadd.s32 $0x80000000, s1  }
0x4f: {  	p0 =	slt.s32 s1, $0x1000  }
0x50: {  	s1 =	simm.s32 @!p0 $0x1000  }
0x51: {  	[tilespmem:s0+$0x4980] =	vst.msk vm1, v23;
	v22 =	vmov s1  }
0x52: {  	s30 =	simm.s32 $0x4980;
	[tilespmem:$0x7B00] =	vst v22  }
0x53: {  	[spmem:s10] =	stream.linear.scatter [tilespmem:s30], [sflag:$0x2], $0x1050, $0x38;
	[tilespmem:$0x1B5E0] =	vst v63  }
0x54: {  	_ =	swait.ge [sflag:s13], $0x1050  }
0x55: {  	[sflag:s13] =	ssyncset.done $0x0  }
0x56: {  	[sflag:s13] =	ssyncadd.s32 $0xFFFFEFB0  }
0x57: {  	[spmem:s11] =	stream.linear.scatter [tilespmem:s15], [sflag:$0x2], $0x10, $0x38;
	[tilespmem:$0x1B5E0] =	vst v63  }
0x58: {  	_ =	swait.ge [sflag:s13], $0x10  }
0x59: {  	[sflag:s13] =	ssyncset.done $0x0  }
0x5a: {  	[sflag:s13] =	ssyncadd.s32 $0xFFFFFFF0  }
.Ltmp6:
0x5b: {  	s31 =	sshll.u32 s25, $0xC;
	[bflag:$0x0] =	sbarrier.arrive $0xFFFF;
	(pc) =	sbr.rel .LBB2_6-.Ltmp6, $4  }
0x5c: {  	[tilespmem:s16], [sflag:$0x2] =	stream.linear.gather [spmem:s14], $0x100, $0x38;
	[tilespmem:$0x1B5E0] =	vst v63  }
0x5d: {  	s26 =	sor.u32 s9, s31;
	_ =	swait.ge [sflag:s13], $0x100  }
0x5e: {  	s0 =	sadd.s32 $0x100, s26;
	[sflag:s13] =	ssyncset.done $0x0  }
0x5f: {  	s28 =	simm.s32 $0x0;
	v23 =	vmov s0;
	s0 =	simm.s32 $0x0;
	v22 =	vmov s26;
	[sflag:s13] =	ssyncadd.s32 $0xFFFFFF00  }
.LBB2_8:
0x60: {  	s12 =	simm.s32 $0x0;
	s8 =	smov.u32 s28  }
.LBB2_12:
0x61: {  	s12 =	sadd.s32 @p0 $0x10, s12  }
0x62: {  	s1 =	smov.u32 @p0 s12  }
0x63: {  	v26 =	vshrl.u32 v24, $0x10;
	v27 =	vor.u32 s1, v0  }
0x64: {  	vm2 =	vge.u32 v26, v22;
	vm1 =	vlt.s32 v27, v25  }
0x65: {  	vm1 =	vmand vm1, vm2;
	vm2 =	vlt.u32 v26, v23  }
0x66: {  	vm1 =	vmand vm2, vm1  }
0x67: {  	v63 =	vmpcnt.ones.xlane vm1;
	_ =	sdelay $0x1  }
0x68: {  	v25 =	vxor.u32 $0x80000000, v63  }
0x69: {  	(xrf0) =	vmax.scan.msk.u32 $0xffff, v25;
	_ =	sdelay $0x5  }
0x6a: {  	v25, _, _ =	vpop (xrf0)  }
0x6b: {  	(v2sf) =	vpush v25, $0xF;
	_ =	sdelay $0x8  }
0x6c: {  	s1 =	spop @p0 (v2sf)  }
0x6d: {  	s1 =	sadd.s32 @p0 s1, s8  }
0x6e: {  	s1 =	sadd.s32 @p0 $0x80000000, s1  }
0x6f: {  	p1 =	slt.s32 @p0 s1, $0x1000  }
0x70: {  	p1 =	por !p1, !p0  }
0x71: {  	s1 =	simm.s32 @p1 $0x1000  }
0x72: {  	s28 =	smov.u32 @p0 s1;
	s31 =	spop (v2sf)  }
0x73: {  	s1 =	sadd.s32 s31, s28  }
0x74: {  	[tilespmem:s28+$0x6A80] =	vst.msk vm1, v24;
	s28 =	sadd.s32 $0x80000000, s1  }
0x75: {  	p0 =	slt.s32 s28, $0x1000  }
0x76: {  	s28 =	simm.s32 @!p0 $0x1000  }
.LBB2_13:
0x77: {  	s0 =	sadd.s32 $0x1, s0  }
0x78: {  	p0 =	sne.s32 s0, $0x10  }
.Ltmp7:
0x79: {  	_ = 	snop;
	(pc) =	sbr.rel @!p0 .LBB2_14-.Ltmp7, $1  }
0x7a: {  	_ =	sdelay $0x3  }
.LBB2_6:
0x7b: {  	s1 =	smul.u32 $0x4140, s0;
	_ =	sdelay $0x1  }
0x7c: {  	s1 =	sshra.s32 s1, $0x2  }
0x7d: {  	s1 =	sadd.s32 s1, s2  }
0x7e: {  	[tilespmem:s17], [sflag:$0x2] =	stream.linear.gather [spmem:s1], $0x1050, $0x38;
	[tilespmem:$0x1B5E0] =	vst v63  }
0x7f: {  	_ =	swait.ge [sflag:s13], $0x1050  }
0x80: {  	s30 =	sshll.u32 s0, $0x4;
	[sflag:s13] =	ssyncset.done $0x0  }
0x81: {  	s1 =	sand.u32 $0x3FFFFFF0, s30;
	[sflag:s13] =	ssyncadd.s32 $0xFFFFEFB0  }
0x82: {  	v24 =	vld [tilespmem:s1+$0x7B80];
	_ =	sdelay $0x4  }
0x83: {  	v24 =	vxor.u32 $0x80000000, v24  }
0x84: {  	(xrf0) =	vmax.scan.msk.u32 $0xffff, v24;
	_ =	sdelay $0x5  }
0x85: {  	v24, _, _ =	vpop (xrf0)  }
0x86: {  	(v2sf) =	vpush v24, $0xF;
	_ =	sdelay $0xe  }
0x87: {  	s1 =	spop (v2sf)  }
0x88: {  	s8 =	sadd.s32 $0x8000000F, s1  }
0x89: {  	s12 =	sand.u32 $0xF, s8  }
0x8a: {  	s31 =	sshra.s32 s8, $0x1F;
	p1 =	slt.s32 s8, $0x1;
	p0 =	sne.s32 s12, $0x0  }
0x8b: {  	s12 =	sshrl.u32 s31, $0x1C;
	p0 =	por !p1, !p0  }
0x8c: {  	s8 =	sadd.s32 s12, s8;
	s12 =	simm.s32 $0x1;
	p0 =	por !p0, !p0  }
0x8d: {  	s8 =	sshra.s32 s8, $0x4;
	s12 =	simm.s32 @!p0 $0x0  }
0x8e: {  	s8 =	ssub.s32 s8, s12  }
0x8f: {  	p0 =	slt.s32 s8, $0x1  }
.Ltmp8:
0x90: {  	_ = 	snop;
	(pc) =	sbr.rel @p0 .LBB2_13-.Ltmp8, $1  }
0x91: {  	_ =	sdelay $0x3  }
0x92: {  	p1 =	sne.s32 s8, $0x1  }
.Ltmp9:
0x93: {  	_ = 	snop;
	(pc) =	sbr.rel @!p1 .LBB2_8-.Ltmp9, $4  }
0x94: {  	s12 =	simm.s32 $0x5A00  }
0x95: {  	v24 =	vld [tilespmem:s12+$0x0]  }
0x96: {  	s1 =	sxor.u32 $0x80000000, s1  }
0x97: {  	s8 =	sadd.s32 $0xFFFFFFFF, s8;
	p0 =	por $0x0, $0x0;
	v25 =	vmov s1;
	s1 =	simm.s32 $0x0  }
0x98: {  	_ =	sdelay $0x1  }
0x99: {  	v27 =	vor.u32 s1, v0;
	v26 =	vshrl.u32 v24, $0x10  }
0x9a: {  	vm1 =	vlt.s32 v27, v25;
	vm2 =	vge.u32 v26, v22  }
0x9b: {  	vm1 =	vmand vm1, vm2;
	vm2 =	vlt.u32 v26, v23  }
0x9c: {  	vm1 =	vmand vm2, vm1  }
0x9d: {  	v26 =	vmpcnt.ones.xlane vm1;
	_ =	sdelay $0x1  }
0x9e: {  	v26 =	vxor.u32 $0x80000000, v26  }
0x9f: {  	(xrf0) =	vmax.scan.msk.u32 $0xffff, v26;
	_ =	sdelay $0x2  }
0xa0: {  	p1 =	sne.s32 s8, $0x1  }
.Ltmp10:
0xa1: {  	_ = 	snop;
	(pc) =	sbr.rel @!p1 .LBB2_10-.Ltmp10, $4  }
0xa2: {  	s24 =	simm.s32 $0x5A10;
	[tilespmem:s28+$0x6A80] =	vst.msk vm1, v24  }
0xa3: {  	v24 =	vld [tilespmem:s24+$0x0];
	v26, _, _ =	vpop (xrf0)  }
0xa4: {  	s29 =	sadd.s32 $0xFFFFFFFF, s8;
	(v2sf) =	vpush v26, $0xF  }
0xa5: {  	p0 =	por $0x1, $0x1;
	s12 =	simm.s32 $0x0;
	s8 =	smov.u32 s28  }
.LBB2_11:
0xa6: {  	p1 =	sne.s32 s29, $0x1;
	_ =	sdelay $0x2  }
0xa7: {  	s12 =	sadd.s32 $0x10, s12  }
0xa8: {  	v26 =	vshrl.u32 v24, $0x10;
	v27 =	vor.u32 s12, v0  }
0xa9: {  	vm2 =	vge.u32 v26, v22;
	vm1 =	vlt.s32 v27, v25  }
0xaa: {  	vm1 =	vmand vm1, vm2;
	vm2 =	vlt.u32 v26, v23  }
0xab: {  	vm1 =	vmand vm2, vm1  }
0xac: {  	v26 =	vmpcnt.ones.xlane vm1;
	_ =	sdelay $0x1  }
0xad: {  	v26 =	vxor.u32 $0x80000000, v26  }
0xae: {  	(xrf0) =	vmax.scan.msk.u32 $0xffff, v26;
	_ =	sdelay $0x1  }
0xaf: {  	s30 =	spop (v2sf)  }
0xb0: {  	s8 =	sadd.s32 s30, s8  }
.Ltmp11:
0xb1: {  	s8 =	sadd.s32 $0x80000000, s8;
	(pc) =	sbr.rel @p1 .LBB2_11-.Ltmp11, $4  }
0xb2: {  	p2 =	slt.s32 s8, $0x1000  }
0xb3: {  	v26, _, _ =	vpop (xrf0);
	s8 =	simm.s32 @!p2 $0x1000  }
0xb4: {  	s24 =	sadd.s32 $0x10, s24;
	[tilespmem:s8+$0x6A80] =	vst.msk vm1, v24;
	(v2sf) =	vpush v26, $0xF  }
0xb5: {  	s29 =	sadd.s32 $0xFFFFFFFF, s29;
	v24 =	vld [tilespmem:s24+$0x0]  }
.Ltmp12:
0xb6: {  	_ = 	snop;
	(pc) =	sbr.rel .LBB2_12-.Ltmp12, $1  }
0xb7: {  	_ =	sdelay $0x3  }
.LBB2_10:
.Ltmp13:
0xb8: {  	(pc) =	sbr.rel .LBB2_12-.Ltmp13, $2  }
0xb9: {  	_ =	sdelay $0x2  }
0xba: {  	s12 =	simm.s32 $0x0;
	s8 =	smov.u32 s28  }
.LBB2_14:
0xbb: {  	s0 =	sand.u32 $0xF, s28  }
0xbc: {  	s1 =	sshra.s32 s28, $0x1F;
	p0 =	slt.s32 s28, $0x1;
	p1 =	sne.s32 s0, $0x0  }
0xbd: {  	s29 =	sshrl.u32 s1, $0x1C;
	p0 =	por !p0, !p1  }
0xbe: {  	s1 =	simm.s32 $0x1;
	s0 =	sadd.s32 s29, s28;
	p0 =	por !p0, !p0  }
0xbf: {  	s0 =	sshrl.u32 s0, $0x4;
	s1 =	simm.s32 @!p0 $0x0  }
0xc0: {  	s0 =	ssub.s32 s0, s1  }
0xc1: {  	s0 =	sshll.u32 s0, $0x4  }
0xc2: {  	v24 =	vld [tilespmem:s0+$0x6A80]  }
0xc3: {  	v25 =	vld [tilespmem:s0+$0x6A90]  }
0xc4: {  	v26 =	vld [tilespmem:s0+$0x6AA0]  }
0xc5: {  	v23 =	vshll.u32 v23, $0x10;
	v27 =	vor.u32 s0, v0;
	s30 =	sadd.s32 $0x10, s0  }
0xc6: {  	v23 =	vor.u32 v3, v23;
	s31 =	sadd.s32 $0x20, s0;
	vm1 =	vlt.s32 v27, s28;
	v61 =	vor.u32 s30, v0  }
0xc7: {  	v62 =	vor.u32 s31, v0;
	v24 =	vsel vm1, v24, v23;
	vm1 =	vlt.s32 v61, s28  }
0xc8: {  	[tilespmem:s0+$0x6A80] =	vst v24;
	v63 =	vsel vm1, v25, v23;
	vm1 =	vlt.s32 v62, s28  }
0xc9: {  	[tilespmem:s0+$0x6A90] =	vst v63;
	v23 =	vsel vm1, v26, v23  }
0xca: {  	s1 =	simm.s32 $0x40;
	[tilespmem:s0+$0x6AA0] =	vst v23;
	s0 =	simm.s32 $0x0  }
.LBB2_15:
0xcb: {  	p0 =	sne.s32 s1, $0x41FC0;
	[tilespmem:s0+$0x7D80] =	vst v4;
	s0 =	smov.u32 s1;
	s1 =	sadd.s32 $0x40, s1  }
.Ltmp14:
0xcc: {  	(pc) =	sbr.rel @p0 .LBB2_15-.Ltmp14, $2  }
0xcd: {  	_ =	sdelay $0x2  }
0xce: {  	s0 =	sshra.s32 s0, $0x2  }
0xcf: {  	s1 =	sadd.s32 $0x1F, s28  }
0xd0: {  	s8 =	sand.u32 $0x1F, s1  }
0xd1: {  	p0 =	slt.s32 s28, $0xFFFFFFE2;
	s31 =	sshra.s32 s1, $0x1F;
	p1 =	sne.s32 s8, $0x0  }
0xd2: {  	s8 =	sshrl.u32 s31, $0x1B;
	p0 =	por !p0, !p1  }
0xd3: {  	s1 =	sadd.s32 s8, s1;
	s8 =	simm.s32 $0x1;
	p0 =	por !p0, !p0  }
0xd4: {  	s1 =	sshra.s32 s1, $0x5;
	s8 =	simm.s32 @!p0 $0x0  }
0xd5: {  	s28 =	ssub.s32 s1, s8  }
0xd6: {  	p0 =	sgt.s32 s28, $0x0  }
.Ltmp15:
0xd7: {  	_ = 	snop;
	(pc) =	sbr.rel @!p0 .LBB2_17-.Ltmp15, $2  }
0xd8: {  	_ =	sdelay $0x2  }
0xd9: {  	[tilespmem:s0+$0x7D80] =	vst v4;
	s29 =	simm.s32 $0x0;
	s30 =	simm.s32 $0x0  }
.LBB2_25:
0xda: {  	s0 =	sshll.u32 s30, $0x7  }
0xdb: {  	s0 =	sshra.s32 s0, $0x2  }
0xdc: {  	v23 =	vld [tilespmem:s0+$0x6A80];
	_ =	sdelay $0x4  }
0xdd: {  	v24 =	vand.u32 $0xFFFF, v23  }
0xde: {  	[tilespmem:$0x7C80] =	vst v24  }
0xdf: {  	v24 =	vld [tilespmem:$0x7C80];
	_ =	sdelay $0x3  }
0xe0: {  	v23 =	vshrl.u32 v23, $0x10  }
0xe1: {  	v23 =	vsub.s32 v23, v22;
	v25 =	vshll.u32 v24, $0x1  }
0xe2: {  	[tilespmem:$0x7D00] =	vst v23;
	v23 =	vand.u32 $0x7, v24;
	v24 =	vand.u32 $0xFFFFFFF0, v25  }
0xe3: {  	v25 =	vld [tilespmem:s0+$0x6A90];
	v23 =	vor.u32 v23, v24  }
0xe4: {  	v24 =	vperm.xlane v23, v2;
	_ =	sdelay $0x1  }
0xe5: {  	v23 =	vperm.xlane v23, v6;
	v24 =	vadd.s32 v5, v24;
	_ =	sdelay $0x1  }
0xe6: {  	v23 =	vadd.s32 v5, v23;
	v26 =	vand.u32 $0xFFFF, v25;
	v25 =	vshrl.u32 v25, $0x10  }
0xe7: {  	[tilespmem:$0x7C90] =	vst v26;
	v25 =	vsub.s32 v25, v22  }
0xe8: {  	[tilespmem:$0x7D10] =	vst v25  }
0xe9: {  	[tilespmem:s19], [sflag:$0x1] =	stream.indirect_vreg.gather [hbm4b:s6+s29], $0x80, v24, vm0, $0xb8;
	[tilespmem:$0x1B5E0] =	vst v63  }
0xea: {  	_ = 	snop  }
0xeb: {  	[tilespmem:s20], [sflag:$0x1] =	stream.indirect_vreg.gather [hbm4b:s6+s29], $0x80, v23, vm0, $0xb8;
	[tilespmem:$0x1B5E0] =	vst v63  }
0xec: {  	v23 =	vld [tilespmem:$0x7C90];
	_ =	sdelay $0x4  }
0xed: {  	v24 =	vshll.u32 v23, $0x1  }
0xee: {  	v23 =	vand.u32 $0x7, v23;
	v24 =	vand.u32 $0xFFFFFFF0, v24  }
0xef: {  	v23 =	vor.u32 v23, v24  }
0xf0: {  	v24 =	vperm.xlane v23, v2;
	_ =	sdelay $0x1  }
0xf1: {  	v23 =	vperm.xlane v23, v6;
	v24 =	vadd.s32 v5, v24;
	_ =	sdelay $0x1  }
0xf2: {  	v23 =	vadd.s32 v5, v23;
	_ =	sdelay $0x2  }
0xf3: {  	[tilespmem:s21], [sflag:$0x1] =	stream.indirect_vreg.gather [hbm4b:s6+s29], $0x80, v24, vm0, $0xb8;
	[tilespmem:$0x1B5E0] =	vst v63  }
0xf4: {  	_ = 	snop  }
0xf5: {  	[tilespmem:s22], [sflag:$0x1] =	stream.indirect_vreg.gather [hbm4b:s6+s29], $0x80, v23, vm0, $0xb8;
	[tilespmem:$0x1B5E0] =	vst v63  }
0xf6: {  	_ =	swait.ge [sflag:s18], $0x2000  }
0xf7: {  	s12 =	sand.u32 $0x40, s29;
	[sflag:s18] =	ssyncset.done $0x0  }
0xf8: {  	s0 =	sshrl.u32 s12, $0x2;
	[sflag:s18] =	ssyncadd.s32 $0xFFFFE000  }
0xf9: {  	v23 =	vld [tilespmem:s0+$0x7D00];
	_ =	sdelay $0x3  }
0xfa: {  	v24 =	vmov s29  }
0xfb: {  	v23 =	vperm.xlane v23, v24  }
0xfc: {  	s24 =	sand.u32 $0x1800, s29;
	s1 =	sand.u32 $0x380, s29  }
0xfd: {  	s0 =	sor.u32 s1, s24;
	v23 =	vshll.u32 v23, $0x8  }
0xfe: {  	v24 =	vld [tilespmem:s0+$0x18580];
	v25 =	vor.u32 v0, v23;
	_ =	sdelay $0x4  }
0xff: {  	s1 =	sadd.s32 $0x18580, s0;
	[tilespmem:v25+s23+$0x0] =	vst.idx.add.f32.msk $0xffff, v24  }
0x100: {  	v25 =	vor.u32 v7, v23;
	v24 =	vld [tilespmem:s1+$0x10];
	_ =	sdelay $0x4  }
0x101: {  	[tilespmem:v25+s23+$0x0] =	vst.idx.add.f32.msk $0xffff, v24  }
0x102: {  	v25 =	vor.u32 v8, v23;
	v24 =	vld [tilespmem:s1+$0x20];
	_ =	sdelay $0x4  }
0x103: {  	[tilespmem:v25+s23+$0x0] =	vst.idx.add.f32.msk $0xffff, v24  }
0x104: {  	v25 =	vor.u32 v9, v23;
	v24 =	vld [tilespmem:s1+$0x30];
	_ =	sdelay $0x4  }
0x105: {  	[tilespmem:v25+s23+$0x0] =	vst.idx.add.f32.msk $0xffff, v24  }
0x106: {  	v25 =	vor.u32 v10, v23;
	v24 =	vld [tilespmem:s1+$0x40];
	_ =	sdelay $0x4  }
0x107: {  	[tilespmem:v25+s23+$0x0] =	vst.idx.add.f32.msk $0xffff, v24  }
0x108: {  	v25 =	vor.u32 v11, v23;
	v24 =	vld [tilespmem:s1+$0x50];
	_ =	sdelay $0x4  }
0x109: {  	[tilespmem:v25+s23+$0x0] =	vst.idx.add.f32.msk $0xffff, v24  }
0x10a: {  	v25 =	vor.u32 v12, v23;
	v24 =	vld [tilespmem:s1+$0x60];
	_ =	sdelay $0x4  }
0x10b: {  	[tilespmem:v25+s23+$0x0] =	vst.idx.add.f32.msk $0xffff, v24  }
0x10c: {  	v25 =	vor.u32 v13, v23;
	v24 =	vld [tilespmem:s1+$0x70];
	_ =	sdelay $0x4  }
0x10d: {  	[tilespmem:v25+s23+$0x0] =	vst.idx.add.f32.msk $0xffff, v24  }
0x10e: {  	v25 =	vor.u32 v14, v23;
	v24 =	vld [tilespmem:s1+$0x400];
	_ =	sdelay $0x4  }
0x10f: {  	[tilespmem:v25+s23+$0x0] =	vst.idx.add.f32.msk $0xffff, v24  }
0x110: {  	v25 =	vor.u32 v15, v23;
	v24 =	vld [tilespmem:s1+$0x410];
	_ =	sdelay $0x4  }
0x111: {  	[tilespmem:v25+s23+$0x0] =	vst.idx.add.f32.msk $0xffff, v24  }
0x112: {  	v25 =	vor.u32 v16, v23;
	v24 =	vld [tilespmem:s1+$0x420];
	_ =	sdelay $0x4  }
0x113: {  	[tilespmem:v25+s23+$0x0] =	vst.idx.add.f32.msk $0xffff, v24  }
0x114: {  	v25 =	vor.u32 v17, v23;
	v24 =	vld [tilespmem:s1+$0x430];
	_ =	sdelay $0x4  }
0x115: {  	[tilespmem:v25+s23+$0x0] =	vst.idx.add.f32.msk $0xffff, v24  }
0x116: {  	v25 =	vor.u32 v18, v23;
	v24 =	vld [tilespmem:s1+$0x440];
	_ =	sdelay $0x4  }
0x117: {  	[tilespmem:v25+s23+$0x0] =	vst.idx.add.f32.msk $0xffff, v24  }
0x118: {  	v25 =	vor.u32 v19, v23;
	v24 =	vld [tilespmem:s1+$0x450];
	_ =	sdelay $0x4  }
0x119: {  	[tilespmem:v25+s23+$0x0] =	vst.idx.add.f32.msk $0xffff, v24  }
0x11a: {  	v25 =	vor.u32 v20, v23;
	v24 =	vld [tilespmem:s1+$0x460];
	_ =	sdelay $0x4  }
0x11b: {  	[tilespmem:v25+s23+$0x0] =	vst.idx.add.f32.msk $0xffff, v24  }
0x11c: {  	v23 =	vor.u32 v21, v23;
	v24 =	vld [tilespmem:s1+$0x470];
	_ =	sdelay $0x2  }
0x11d: {  	s31 =	simm.s32 $0x1;
	s8 =	simm.s32 $0x0;
	s12 =	simm.s32 $0x4  }
0x11e: {  	s24 =	sand.u32 $0x40, s12;
	s0 =	simm.s32 $0x2;
	s1 =	simm.s32 $0x0  }
.LBB2_26:
0x11f: {  	s24 =	sshrl.u32 s24, $0x2;
	[tilespmem:v23+s23+$0x0] =	vst.idx.add.f32.msk $0xffff, v24;
	s1 =	sadd.s32 $0x80, s1;
	s8 =	sadd.s32 $0x100, s8  }
0x120: {  	p0 =	sne.s32 s0, $0x1F;
	v23 =	vld [tilespmem:s24+$0x7D00];
	s24 =	smov.u32 s0;
	s0 =	sadd.s32 $0x1, s0  }
0x121: {  	_ =	sdelay $0x2  }
0x122: {  	v24 =	vmov s31;
	s31 =	smov.u32 s24  }
0x123: {  	v23 =	vperm.xlane v23, v24  }
0x124: {  	s3 =	sand.u32 $0x380, s1;
	s24 =	sand.u32 $0x1800, s8  }
0x125: {  	s3 =	sor.u32 s3, s24;
	v23 =	vshll.u32 v23, $0x8  }
0x126: {  	v24 =	vld [tilespmem:s3+$0x18580];
	v25 =	vor.u32 v0, v23;
	_ =	sdelay $0x4  }
0x127: {  	s24 =	sadd.s32 $0x18580, s3;
	[tilespmem:v25+s23+$0x0] =	vst.idx.add.f32.msk $0xffff, v24  }
0x128: {  	v25 =	vor.u32 v7, v23;
	v24 =	vld [tilespmem:s24+$0x10];
	_ =	sdelay $0x4  }
0x129: {  	[tilespmem:v25+s23+$0x0] =	vst.idx.add.f32.msk $0xffff, v24  }
0x12a: {  	v25 =	vor.u32 v8, v23;
	v24 =	vld [tilespmem:s24+$0x20];
	_ =	sdelay $0x4  }
0x12b: {  	[tilespmem:v25+s23+$0x0] =	vst.idx.add.f32.msk $0xffff, v24  }
0x12c: {  	v25 =	vor.u32 v9, v23;
	v24 =	vld [tilespmem:s24+$0x30];
	_ =	sdelay $0x4  }
0x12d: {  	[tilespmem:v25+s23+$0x0] =	vst.idx.add.f32.msk $0xffff, v24  }
0x12e: {  	v25 =	vor.u32 v10, v23;
	v24 =	vld [tilespmem:s24+$0x40];
	_ =	sdelay $0x4  }
0x12f: {  	[tilespmem:v25+s23+$0x0] =	vst.idx.add.f32.msk $0xffff, v24  }
0x130: {  	v25 =	vor.u32 v11, v23;
	v24 =	vld [tilespmem:s24+$0x50];
	_ =	sdelay $0x4  }
0x131: {  	[tilespmem:v25+s23+$0x0] =	vst.idx.add.f32.msk $0xffff, v24  }
0x132: {  	v25 =	vor.u32 v12, v23;
	v24 =	vld [tilespmem:s24+$0x60];
	_ =	sdelay $0x4  }
0x133: {  	[tilespmem:v25+s23+$0x0] =	vst.idx.add.f32.msk $0xffff, v24  }
0x134: {  	v25 =	vor.u32 v13, v23;
	v24 =	vld [tilespmem:s24+$0x70];
	_ =	sdelay $0x4  }
0x135: {  	[tilespmem:v25+s23+$0x0] =	vst.idx.add.f32.msk $0xffff, v24  }
0x136: {  	v25 =	vor.u32 v14, v23;
	v24 =	vld [tilespmem:s24+$0x400];
	_ =	sdelay $0x4  }
0x137: {  	[tilespmem:v25+s23+$0x0] =	vst.idx.add.f32.msk $0xffff, v24  }
0x138: {  	v25 =	vor.u32 v15, v23;
	v24 =	vld [tilespmem:s24+$0x410];
	_ =	sdelay $0x4  }
0x139: {  	[tilespmem:v25+s23+$0x0] =	vst.idx.add.f32.msk $0xffff, v24  }
0x13a: {  	v25 =	vor.u32 v16, v23;
	v24 =	vld [tilespmem:s24+$0x420];
	_ =	sdelay $0x4  }
0x13b: {  	[tilespmem:v25+s23+$0x0] =	vst.idx.add.f32.msk $0xffff, v24  }
0x13c: {  	v25 =	vor.u32 v17, v23;
	v24 =	vld [tilespmem:s24+$0x430];
	_ =	sdelay $0x4  }
0x13d: {  	[tilespmem:v25+s23+$0x0] =	vst.idx.add.f32.msk $0xffff, v24  }
0x13e: {  	v25 =	vor.u32 v18, v23;
	v24 =	vld [tilespmem:s24+$0x440];
	_ =	sdelay $0x4  }
0x13f: {  	[tilespmem:v25+s23+$0x0] =	vst.idx.add.f32.msk $0xffff, v24  }
0x140: {  	v25 =	vor.u32 v19, v23;
	v24 =	vld [tilespmem:s24+$0x450];
	_ =	sdelay $0x4  }
0x141: {  	[tilespmem:v25+s23+$0x0] =	vst.idx.add.f32.msk $0xffff, v24  }
0x142: {  	v25 =	vor.u32 v20, v23;
	v24 =	vld [tilespmem:s24+$0x460];
	_ =	sdelay $0x4  }
0x143: {  	[tilespmem:v25+s23+$0x0] =	vst.idx.add.f32.msk $0xffff, v24  }
.Ltmp16:
0x144: {  	v23 =	vor.u32 v21, v23;
	v24 =	vld [tilespmem:s24+$0x470];
	(pc) =	sbr.rel @p0 .LBB2_26-.Ltmp16, $3  }
0x145: {  	_ =	sdelay $0x1  }
0x146: {  	s12 =	sadd.s32 $0x4, s12  }
0x147: {  	s24 =	sand.u32 $0x40, s12  }
0x148: {  	_ =	sdelay $0x3  }
0x149: {  	s0 =	sshrl.u32 s24, $0x2;
	[tilespmem:v23+s23+$0x0] =	vst.idx.add.f32.msk $0xffff, v24  }
0x14a: {  	v23 =	vld [tilespmem:s0+$0x7D00];
	_ =	sdelay $0x3  }
0x14b: {  	v48 =	vmov s31  }
0x14c: {  	s24 =	sadd.s32 $0x80, s1;
	s31 =	sadd.s32 $0x100, s8;
	v23 =	vperm.xlane v23, v48  }
0x14d: {  	s1 =	sand.u32 $0x1800, s31;
	s0 =	sand.u32 $0x380, s24  }
0x14e: {  	s0 =	sor.u32 s0, s1;
	v23 =	vshll.u32 v23, $0x8  }
0x14f: {  	v49 =	vld [tilespmem:s0+$0x18580];
	v25 =	vor.u32 v0, v23;
	_ =	sdelay $0x4  }
0x150: {  	s0 =	sadd.s32 $0x18580, s0;
	[tilespmem:v25+s23+$0x0] =	vst.idx.add.f32.msk $0xffff, v49  }
0x151: {  	v50 =	vor.u32 v7, v23;
	v24 =	vld [tilespmem:s0+$0x10];
	_ =	sdelay $0x4  }
0x152: {  	[tilespmem:v50+s23+$0x0] =	vst.idx.add.f32.msk $0xffff, v24  }
0x153: {  	v51 =	vor.u32 v8, v23;
	v24 =	vld [tilespmem:s0+$0x20];
	_ =	sdelay $0x4  }
0x154: {  	[tilespmem:v51+s23+$0x0] =	vst.idx.add.f32.msk $0xffff, v24  }
0x155: {  	v52 =	vor.u32 v9, v23;
	v24 =	vld [tilespmem:s0+$0x30];
	_ =	sdelay $0x4  }
0x156: {  	[tilespmem:v52+s23+$0x0] =	vst.idx.add.f32.msk $0xffff, v24  }
0x157: {  	v53 =	vor.u32 v10, v23;
	v24 =	vld [tilespmem:s0+$0x40];
	_ =	sdelay $0x4  }
0x158: {  	[tilespmem:v53+s23+$0x0] =	vst.idx.add.f32.msk $0xffff, v24  }
0x159: {  	v54 =	vor.u32 v11, v23;
	v24 =	vld [tilespmem:s0+$0x50];
	_ =	sdelay $0x4  }
0x15a: {  	[tilespmem:v54+s23+$0x0] =	vst.idx.add.f32.msk $0xffff, v24  }
0x15b: {  	v55 =	vor.u32 v12, v23;
	v24 =	vld [tilespmem:s0+$0x60];
	_ =	sdelay $0x4  }
0x15c: {  	[tilespmem:v55+s23+$0x0] =	vst.idx.add.f32.msk $0xffff, v24  }
0x15d: {  	v56 =	vor.u32 v13, v23;
	v24 =	vld [tilespmem:s0+$0x70];
	_ =	sdelay $0x4  }
0x15e: {  	[tilespmem:v56+s23+$0x0] =	vst.idx.add.f32.msk $0xffff, v24  }
0x15f: {  	v57 =	vor.u32 v14, v23;
	v24 =	vld [tilespmem:s0+$0x400];
	_ =	sdelay $0x4  }
0x160: {  	[tilespmem:v57+s23+$0x0] =	vst.idx.add.f32.msk $0xffff, v24  }
0x161: {  	v58 =	vor.u32 v15, v23;
	v24 =	vld [tilespmem:s0+$0x410];
	_ =	sdelay $0x4  }
0x162: {  	[tilespmem:v58+s23+$0x0] =	vst.idx.add.f32.msk $0xffff, v24  }
0x163: {  	v59 =	vor.u32 v16, v23;
	v24 =	vld [tilespmem:s0+$0x420];
	_ =	sdelay $0x4  }
0x164: {  	[tilespmem:v59+s23+$0x0] =	vst.idx.add.f32.msk $0xffff, v24  }
0x165: {  	v60 =	vor.u32 v17, v23;
	v24 =	vld [tilespmem:s0+$0x430];
	_ =	sdelay $0x4  }
0x166: {  	[tilespmem:v60+s23+$0x0] =	vst.idx.add.f32.msk $0xffff, v24  }
0x167: {  	v61 =	vor.u32 v18, v23;
	v24 =	vld [tilespmem:s0+$0x440];
	_ =	sdelay $0x4  }
0x168: {  	[tilespmem:v61+s23+$0x0] =	vst.idx.add.f32.msk $0xffff, v24  }
0x169: {  	v62 =	vor.u32 v19, v23;
	v24 =	vld [tilespmem:s0+$0x450];
	_ =	sdelay $0x4  }
0x16a: {  	[tilespmem:v62+s23+$0x0] =	vst.idx.add.f32.msk $0xffff, v24  }
0x16b: {  	v63 =	vor.u32 v20, v23;
	v24 =	vld [tilespmem:s0+$0x460];
	_ =	sdelay $0x4  }
0x16c: {  	s30 =	sadd.s32 $0x1, s30;
	[tilespmem:v63+s23+$0x0] =	vst.idx.add.f32.msk $0xffff, v24  }
0x16d: {  	p0 =	seq.s32 s30, s28;
	v23 =	vor.u32 v21, v23;
	v24 =	vld [tilespmem:s0+$0x470]  }
.Ltmp17:
0x16e: {  	_ = 	snop;
	(pc) =	sbr.rel @!p0 .LBB2_25-.Ltmp17, $2  }
0x16f: {  	_ =	sdelay $0x2  }
0x170: {  	[tilespmem:v23+s23+$0x0] =	vst.idx.add.f32.msk $0xffff, v24  }
.LBB2_17:
0x171: {  	s0 =	sshll.u32 s26, $0x5;
	s28 =	simm.s32 $0x0  }
0x172: {  	s29 =	simm.s32 $0x7E00;
	s30 =	simm.s32 $0x0;
	s26 =	sadd.s32 s7, s0  }
.LBB2_18:
0x173: {  	v22 =	vld [tilespmem:s29+$0xFFFFFF80];
	_ =	sdelay $0x2  }
0x174: {  	s0 =	sand.u32 $0x1800, s28;
	s1 =	sand.u32 $0x380, s28  }
0x175: {  	s0 =	sor.u32 s1, s0  }
0x176: {  	[tilespmem:s0+$0x18580] =	vst v22  }
0x177: {  	v22 =	vld [tilespmem:s29+$0xFFFFFF90];
	_ =	sdelay $0x3  }
0x178: {  	s0 =	sadd.s32 $0x18580, s0  }
0x179: {  	[tilespmem:s0+$0x10] =	vst v22  }
0x17a: {  	v22 =	vld [tilespmem:s29+$0xFFFFFFA0];
	_ =	sdelay $0x4  }
0x17b: {  	[tilespmem:s0+$0x20] =	vst v22  }
0x17c: {  	v22 =	vld [tilespmem:s29+$0xFFFFFFB0];
	_ =	sdelay $0x4  }
0x17d: {  	[tilespmem:s0+$0x30] =	vst v22  }
0x17e: {  	v22 =	vld [tilespmem:s29+$0xFFFFFFC0];
	_ =	sdelay $0x4  }
0x17f: {  	[tilespmem:s0+$0x40] =	vst v22  }
0x180: {  	v22 =	vld [tilespmem:s29+$0xFFFFFFD0];
	_ =	sdelay $0x4  }
0x181: {  	[tilespmem:s0+$0x50] =	vst v22  }
0x182: {  	v22 =	vld [tilespmem:s29+$0xFFFFFFE0];
	_ =	sdelay $0x4  }
0x183: {  	[tilespmem:s0+$0x60] =	vst v22  }
0x184: {  	v22 =	vld [tilespmem:s29+$0xFFFFFFF0];
	_ =	sdelay $0x4  }
0x185: {  	[tilespmem:s0+$0x70] =	vst v22  }
0x186: {  	v22 =	vld [tilespmem:s29+$0x0];
	_ =	sdelay $0x4  }
0x187: {  	[tilespmem:s0+$0x400] =	vst v22  }
0x188: {  	v22 =	vld [tilespmem:s29+$0x10];
	_ =	sdelay $0x4  }
0x189: {  	[tilespmem:s0+$0x410] =	vst v22  }
0x18a: {  	v22 =	vld [tilespmem:s29+$0x20];
	_ =	sdelay $0x4  }
0x18b: {  	[tilespmem:s0+$0x420] =	vst v22  }
0x18c: {  	v22 =	vld [tilespmem:s29+$0x30];
	_ =	sdelay $0x4  }
0x18d: {  	[tilespmem:s0+$0x430] =	vst v22  }
0x18e: {  	v22 =	vld [tilespmem:s29+$0x40];
	_ =	sdelay $0x4  }
0x18f: {  	[tilespmem:s0+$0x440] =	vst v22  }
0x190: {  	v22 =	vld [tilespmem:s29+$0x50];
	_ =	sdelay $0x4  }
0x191: {  	[tilespmem:s0+$0x450] =	vst v22  }
0x192: {  	v22 =	vld [tilespmem:s29+$0x60];
	_ =	sdelay $0x4  }
0x193: {  	[tilespmem:s0+$0x460] =	vst v22  }
0x194: {  	v22 =	vld [tilespmem:s29+$0x70];
	_ =	sdelay $0x4  }
0x195: {  	s31 =	sadd.s32 $0x100, s29;
	[tilespmem:s0+$0x470] =	vst v22  }
0x196: {  	s8 =	simm.s32 $0x200;
	s1 =	simm.s32 $0x0;
	s0 =	simm.s32 $0x100;
	v22 =	vld [tilespmem:s31+$0xFFFFFF80]  }
.LBB2_19:
0x197: {  	p0 =	sne.s32 s8, $0x1F00  }
0x198: {  	s1 =	sadd.s32 $0x80, s1  }
0x199: {  	s3 =	sand.u32 $0x1800, s0;
	s0 =	smov.u32 s8;
	s12 =	sand.u32 $0x380, s1  }
0x19a: {  	s3 =	sor.u32 s12, s3  }
0x19b: {  	[tilespmem:s3+$0x18580] =	vst v22  }
0x19c: {  	v22 =	vld [tilespmem:s31+$0xFFFFFF90];
	_ =	sdelay $0x3  }
0x19d: {  	s12 =	sadd.s32 $0x18580, s3  }
0x19e: {  	[tilespmem:s12+$0x10] =	vst v22  }
0x19f: {  	v22 =	vld [tilespmem:s31+$0xFFFFFFA0];
	_ =	sdelay $0x4  }
0x1a0: {  	[tilespmem:s12+$0x20] =	vst v22  }
0x1a1: {  	v22 =	vld [tilespmem:s31+$0xFFFFFFB0];
	_ =	sdelay $0x4  }
0x1a2: {  	[tilespmem:s12+$0x30] =	vst v22  }
0x1a3: {  	v22 =	vld [tilespmem:s31+$0xFFFFFFC0];
	_ =	sdelay $0x4  }
0x1a4: {  	[tilespmem:s12+$0x40] =	vst v22  }
0x1a5: {  	v22 =	vld [tilespmem:s31+$0xFFFFFFD0];
	_ =	sdelay $0x4  }
0x1a6: {  	[tilespmem:s12+$0x50] =	vst v22  }
0x1a7: {  	v22 =	vld [tilespmem:s31+$0xFFFFFFE0];
	_ =	sdelay $0x4  }
0x1a8: {  	[tilespmem:s12+$0x60] =	vst v22  }
0x1a9: {  	v22 =	vld [tilespmem:s31+$0xFFFFFFF0];
	_ =	sdelay $0x4  }
0x1aa: {  	[tilespmem:s12+$0x70] =	vst v22  }
0x1ab: {  	v22 =	vld [tilespmem:s31+$0x0];
	_ =	sdelay $0x4  }
0x1ac: {  	[tilespmem:s12+$0x400] =	vst v22  }
0x1ad: {  	v22 =	vld [tilespmem:s31+$0x10];
	_ =	sdelay $0x4  }
0x1ae: {  	[tilespmem:s12+$0x410] =	vst v22  }
0x1af: {  	v22 =	vld [tilespmem:s31+$0x20];
	_ =	sdelay $0x4  }
0x1b0: {  	[tilespmem:s12+$0x420] =	vst v22  }
0x1b1: {  	v22 =	vld [tilespmem:s31+$0x30];
	_ =	sdelay $0x4  }
0x1b2: {  	[tilespmem:s12+$0x430] =	vst v22  }
0x1b3: {  	v22 =	vld [tilespmem:s31+$0x40];
	_ =	sdelay $0x4  }
0x1b4: {  	[tilespmem:s12+$0x440] =	vst v22  }
0x1b5: {  	v22 =	vld [tilespmem:s31+$0x50];
	_ =	sdelay $0x4  }
0x1b6: {  	[tilespmem:s12+$0x450] =	vst v22  }
0x1b7: {  	v22 =	vld [tilespmem:s31+$0x60];
	_ =	sdelay $0x4  }
0x1b8: {  	[tilespmem:s12+$0x460] =	vst v22  }
0x1b9: {  	v22 =	vld [tilespmem:s31+$0x70];
	_ =	sdelay $0x1  }
.Ltmp18:
0x1ba: {  	(pc) =	sbr.rel @p0 .LBB2_19-.Ltmp18, $3  }
0x1bb: {  	_ =	sdelay $0x1  }
0x1bc: {  	s31 =	sadd.s32 $0x100, s31;
	[tilespmem:s12+$0x470] =	vst v22  }
0x1bd: {  	s8 =	sadd.s32 $0x100, s8;
	v22 =	vld [tilespmem:s31+$0xFFFFFF80]  }
0x1be: {  	_ = 	snop  }
0x1bf: {  	s1 =	sadd.s32 $0x80, s1  }
0x1c0: {  	s0 =	sand.u32 $0x1800, s0;
	s1 =	sand.u32 $0x380, s1  }
0x1c1: {  	s0 =	sor.u32 s1, s0  }
0x1c2: {  	[tilespmem:s0+$0x18580] =	vst v22  }
0x1c3: {  	v22 =	vld [tilespmem:s31+$0xFFFFFF90];
	_ =	sdelay $0x3  }
0x1c4: {  	s0 =	sadd.s32 $0x18580, s0  }
0x1c5: {  	[tilespmem:s0+$0x10] =	vst v22  }
0x1c6: {  	v22 =	vld [tilespmem:s31+$0xFFFFFFA0];
	_ =	sdelay $0x4  }
0x1c7: {  	[tilespmem:s0+$0x20] =	vst v22  }
0x1c8: {  	v22 =	vld [tilespmem:s31+$0xFFFFFFB0];
	_ =	sdelay $0x4  }
0x1c9: {  	[tilespmem:s0+$0x30] =	vst v22  }
0x1ca: {  	v22 =	vld [tilespmem:s31+$0xFFFFFFC0];
	_ =	sdelay $0x4  }
0x1cb: {  	[tilespmem:s0+$0x40] =	vst v22  }
0x1cc: {  	v22 =	vld [tilespmem:s31+$0xFFFFFFD0];
	_ =	sdelay $0x4  }
0x1cd: {  	[tilespmem:s0+$0x50] =	vst v22  }
0x1ce: {  	v22 =	vld [tilespmem:s31+$0xFFFFFFE0];
	_ =	sdelay $0x4  }
0x1cf: {  	[tilespmem:s0+$0x60] =	vst v22  }
0x1d0: {  	v22 =	vld [tilespmem:s31+$0xFFFFFFF0];
	_ =	sdelay $0x4  }
0x1d1: {  	[tilespmem:s0+$0x70] =	vst v22  }
0x1d2: {  	v22 =	vld [tilespmem:s31+$0x0];
	_ =	sdelay $0x4  }
0x1d3: {  	[tilespmem:s0+$0x400] =	vst v22  }
0x1d4: {  	v22 =	vld [tilespmem:s31+$0x10];
	_ =	sdelay $0x4  }
0x1d5: {  	[tilespmem:s0+$0x410] =	vst v22  }
0x1d6: {  	v22 =	vld [tilespmem:s31+$0x20];
	_ =	sdelay $0x4  }
0x1d7: {  	[tilespmem:s0+$0x420] =	vst v22  }
0x1d8: {  	v22 =	vld [tilespmem:s31+$0x30];
	_ =	sdelay $0x4  }
0x1d9: {  	[tilespmem:s0+$0x430] =	vst v22  }
0x1da: {  	v22 =	vld [tilespmem:s31+$0x40];
	_ =	sdelay $0x4  }
0x1db: {  	[tilespmem:s0+$0x440] =	vst v22  }
0x1dc: {  	v22 =	vld [tilespmem:s31+$0x50];
	_ =	sdelay $0x4  }
0x1dd: {  	[tilespmem:s0+$0x450] =	vst v22  }
0x1de: {  	v22 =	vld [tilespmem:s31+$0x60];
	_ =	sdelay $0x4  }
0x1df: {  	[tilespmem:s0+$0x460] =	vst v22  }
0x1e0: {  	v22 =	vld [tilespmem:s31+$0x70];
	_ =	sdelay $0x2  }
0x1e1: {  	s24 =	sshll.u32 s30, $0xA;
	s30 =	sadd.s32 $0x1, s30  }
0x1e2: {  	p0 =	sne.s32 s30, $0x8  }
.Ltmp19:
0x1e3: {  	s31 =	sadd.s32 s24, s26;
	[tilespmem:s0+$0x470] =	vst v22;
	(pc) =	sbr.rel @p0 .LBB2_18-.Ltmp19, $4  }
0x1e4: {  	[hbm4b:s31+s4] =	stream.linear.scatter [tilespmem:s19], [sflag:$0x2], $0x2000, $0x38;
	[tilespmem:$0x1B5E0] =	vst v63  }
0x1e5: {  	_ =	swait.ge [sflag:s13], $0x2000  }
0x1e6: {  	[sflag:s13] =	ssyncset.done $0x0  }
0x1e7: {  	s29 =	sadd.s32 $0x2000, s29;
	[sflag:s13] =	ssyncadd.s32 $0xFFFFE000  }
.Ltmp20:
0x1e8: {  	(pc) =	sbr.rel .LBB2_22-.Ltmp20, $2  }
0x1e9: {  	_ =	sdelay $0x1  }
0x1ea: {  	[bflag:$0x0] =	sbarrier.arrive $0xFFFF;
	_ =	sdelay $0x1  }
.LBB2_24:
0x1eb: {  	_ =	sfence.sel $0x180000  }
0x1ec: {  	[bflag:$0x0] =	sbarrier.arrive $0xFFFF  }
0x1ed: {  	_ =	strace $0x9000004D  }
0x1ee: {  	s0 =	stileid.u32;
	[bflag:$0x2] =	sbarrier.arrive $0xFFFF  }
0x1ef: {  	p0 =	sne.s32 s0, $0x0;
	s0 =	rddreg [dreg:$0x3]  }
0x1f0: {  	s0 =	sadd.s32 @!p0 $0x100000, s0  }
0x1f1: {  	[sflag:s0] =	ssyncadd.tile.s32 @!p0 $0x1;
	_ =	shalt  }
.Lfunc_end2:
_tile_overlayer_lowered:
.L_overlay_start_2:
0x1f2: {  	(tag) =	ssettag $0x2  }
0x1f3: {  	s0 =	rddreg [dreg:$0x0];
	s2 =	stileid.u32  }
0x1f4: {  	s1 =	rddreg [dreg:$0x1];
	p0 =	sne.s32 s2, $0x0  }
0x1f5: {  	s3 =	rddreg [dreg:$0x2];
	[bflag:$0x3] =	sbarrier.arrive $0xFFFF;
	s2 =	simm.s32 @!p0 $0x1C02  }
0x1f6: {  	[timem:s3], [sflag:s2] =	dma.local @!p0 [hbm:s0], s1  }
0x1f7: {  	s0 =	simm.s32 @!p0 $0x2  }
0x1f8: {  	_ =	swait.ge @!p0 [sflag:s0], s1  }
0x1f9: {  	s1 =	ssub.s32 @!p0 $0x0, s1;
	[sflag:s0] =	ssyncset.done @!p0 $0x0  }
0x1fa: {  	[sflag:s0] =	ssyncadd.s32 @!p0 s1  }
0x1fb: {  	[bflag:$0x3] =	sbarrier.arrive $0xFFFF  }
0x1fc: {  	_ =	shalt  }

</sc_bundles>
